<compile_context>
chip_gen: v7x
topology: tpu7x:2x2x1
jax: 0.10.2.dev20260603
libtpu: 0.0.44.dev20260713+nightly
codegen_flags: <defaults>
</compile_context>

<pallas_src>
import jax
import jax.numpy as jnp
from jax import lax
from jax.experimental import pallas as pl
from jax.experimental.pallas import tpu as pltpu
from jax.experimental.pallas import tpu_sc as plsc

H = 32
S = 513
P = S * S
C = 4096
NFULL = P // C
TAIL = P - NFULL * C
NCHUNK = NFULL + 1
PPAD = (NCHUNK + 2) * C
TW = 520
HPT = 8


def _sc_body(ab_hbm, idx_hbm, tbl_hbm, out_hbm, *rest):
    tbl_v = rest[0]
    idx_v = rest[1:3]
    ab_v = rest[3:5]
    out_v = (rest[5:13], rest[13:21])
    in_sem = rest[21:23]
    out_sem = rest[23:25]
    cid = lax.axis_index("c")
    sid = lax.axis_index("s")
    wid = sid * 2 + cid
    b = wid // 4
    hbase = (wid % 4) * HPT
    hoffs = [(hbase + h8) * TW for h8 in range(HPT)]

    pltpu.sync_copy(tbl_hbm, tbl_v)

    def fire_in(blk, s):
        off = blk * C
        pltpu.async_copy(idx_hbm.at[b, pl.ds(off, C)], idx_v[s], in_sem[s])
        pltpu.async_copy(ab_hbm.at[b, pl.ds(off, C)], ab_v[s], in_sem[s])

    def wait_in(blk, s):
        off = blk * C
        pltpu.make_async_copy(idx_hbm.at[b, pl.ds(off, C)], idx_v[s],
                              in_sem[s]).wait()
        pltpu.make_async_copy(ab_hbm.at[b, pl.ds(off, C)], ab_v[s],
                              in_sem[s]).wait()

    def fire_out(blk, s, n):
        off = blk * C
        for h8 in range(HPT):
            pltpu.async_copy(out_v[s][h8].at[pl.ds(0, n)],
                             out_hbm.at[b, hbase + h8, pl.ds(off, n)],
                             out_sem[s])

    def wait_out(blk, s, n):
        off = blk * C
        for h8 in range(HPT):
            pltpu.make_async_copy(out_v[s][h8].at[pl.ds(0, n)],
                                  out_hbm.at[b, hbase + h8, pl.ds(off, n)],
                                  out_sem[s]).wait()

    def compute(s, nvec):
        @plsc.parallel_loop(0, nvec * 16, step=16, unroll=4)
        def vb(p0):
            idxv = idx_v[s][pl.ds(p0, 16)]
            abv = ab_v[s][pl.ds(p0, 16)]
            base = abv + abv
            for h8 in range(HPT):
                val = plsc.load_gather(tbl_v, [idxv + hoffs[h8]])
                out_v[s][h8][pl.ds(p0, 16)] = base + val

    fire_in(0, 0)
    fire_in(1, 1)
    wait_in(0, 0)
    compute(0, C // 16)
    fire_out(0, 0, C)
    fire_in(2, 0)
    wait_in(1, 1)
    compute(1, C // 16)
    fire_out(1, 1, C)
    fire_in(3, 1)

    def k_body(k, _):
        for s in range(2):
            blk = 2 * k + s
            wait_in(blk, s)
            wait_out(blk - 2, s, C)
            compute(s, C // 16)
            fire_out(blk, s, C)
            fire_in(blk + 2, s)
        return 0

    lax.fori_loop(1, NFULL // 2, k_body, 0)

    wait_in(NFULL, 0)
    wait_out(NFULL - 2, 0, C)
    compute(0, (TAIL + 15) // 16)
    fire_out(NFULL, 0, TAIL)
    wait_out(NFULL - 1, 1, C)
    wait_out(NFULL, 0, TAIL)


def kernel(attn_bias, spatial_pos, spatial_table, virtual_table):
    B = attn_bias.shape[0]
    sp = spatial_pos.astype(jnp.int32)
    pidx = jnp.pad(sp, ((0, 0), (1, 0), (1, 0)), constant_values=512)
    pidx = jnp.pad(pidx.reshape(B, P), ((0, 0), (0, PPAD - P)))
    ab = jnp.pad(attn_bias.reshape(B, P), ((0, 0), (0, PPAD - P)))
    tbl = jnp.concatenate([spatial_table, virtual_table], axis=0)
    tblT = jnp.pad(tbl.T, ((0, 0), (0, TW - S))).reshape(H * TW)

    mesh = plsc.VectorSubcoreMesh(core_axis_name="c", subcore_axis_name="s")
    out = pl.kernel(
        _sc_body,
        mesh=mesh,
        compiler_params=pltpu.CompilerParams(use_tc_tiling_on_sc=False,
                                             needs_layout_passes=False),
        out_type=jax.ShapeDtypeStruct((B, H, P), jnp.float32),
        scratch_types=[
            pltpu.VMEM((H * TW,), jnp.float32),
            pltpu.VMEM((C,), jnp.int32),
            pltpu.VMEM((C,), jnp.int32),
            pltpu.VMEM((C,), jnp.float32),
            pltpu.VMEM((C,), jnp.float32),
        ] + [pltpu.VMEM((C,), jnp.float32)] * (2 * HPT) + [
            pltpu.SemaphoreType.DMA,
            pltpu.SemaphoreType.DMA,
            pltpu.SemaphoreType.DMA,
            pltpu.SemaphoreType.DMA,
        ],
    )(ab, pidx, tblT)
    return out.reshape(B, H, S, S)

# --- scband reference (transcript-rebuilt; emitter-appended) ---
"""Pipeline reference for scband-graph-attn-bias-40922448396767 (READ-ONLY COPY).

The authoritative reference and input builder live on the scoring server;
editing this copy changes nothing except your own understanding.
"""

import jax, jax.numpy as jnp
import numpy as np

NUM_HEADS = 32
NUM_SPATIAL = 512
B = 8
N = 512  # nodes (attn_bias is N+1 due to graph token)


def setup_inputs(seed: int = 0) -> dict:
    key = jax.random.key(seed)
    k1, k2, k3, k4 = jax.random.split(key, 4)
    attn_bias = jax.random.normal(k1, (B, N + 1, N + 1), dtype=jnp.float32)
    spatial_pos = jax.random.randint(k2, (B, N, N), 0, NUM_SPATIAL, dtype=jnp.int64)
    # nn.Embedding(num_spatial, num_heads, padding_idx=0), init std=0.02, row 0 zeroed
    spatial_table = 0.02 * jax.random.normal(k3, (NUM_SPATIAL, NUM_HEADS), dtype=jnp.float32)
    spatial_table = spatial_table.at[0].set(0.0)
    # nn.Embedding(1, num_heads), init std=0.02
    virtual_table = 0.02 * jax.random.normal(k4, (1, NUM_HEADS), dtype=jnp.float32)
    return {
        "attn_bias": attn_bias,
        "spatial_pos": spatial_pos,
        "spatial_table": spatial_table,
        "virtual_table": virtual_table,
    }


def reference(attn_bias, spatial_pos, spatial_table, virtual_table):
    H = virtual_table.shape[1]
    # clone + unsqueeze(1) + repeat over heads
    gab = jnp.repeat(attn_bias[:, None, :, :], H, axis=1)  # [B, H, S, S]
    # embedding lookup: [B, N, N] -> [B, N, N, H] -> [B, H, N, N]
    spb = jnp.take(spatial_table, spatial_pos, axis=0)
    spb = jnp.transpose(spb, (0, 3, 1, 2))
    gab = gab.at[:, :, 1:, 1:].add(spb)
    t = virtual_table.reshape(1, H, 1)
    gab = gab.at[:, :, 1:, 0].add(t)
    gab = gab.at[:, :, 0, :].add(t)
    gab = gab + attn_bias[:, None, :, :]
    return gab


if False:  # reference __main__ guard neutralized (emitter)
    out = reference(**setup_inputs())
    print(out.shape, out.dtype)

if __name__ == "__main__":
    import jax
    _d = setup_inputs()
    print(jax.jit(kernel)(*tuple(_d.values())))

</pallas_src>

<mosaic_0001>
#map = affine_map<(d0, d1) -> (0, 0)>
#map1 = affine_map<(d0, d1) -> (0)>
#map2 = affine_map<(d0, d1) -> (0, 0, 0)>
module attributes {stable_mosaic.version = 14 : i64} {
  func.func @_sc_body(%arg0: i32, %arg1: i32, %arg2: memref<8x274432xf32, #tpu.memory_space<hbm>>, %arg3: memref<8x274432xi32, #tpu.memory_space<hbm>>, %arg4: memref<16640xf32, #tpu.memory_space<hbm>>, %arg5: memref<8x32x263169xf32, #tpu.memory_space<hbm>>, %arg6: memref<16640xf32, #tpu.memory_space<vmem>>, %arg7: memref<4096xi32, #tpu.memory_space<vmem>>, %arg8: memref<4096xi32, #tpu.memory_space<vmem>>, %arg9: memref<4096xf32, #tpu.memory_space<vmem>>, %arg10: memref<4096xf32, #tpu.memory_space<vmem>>, %arg11: memref<4096xf32, #tpu.memory_space<vmem>>, %arg12: memref<4096xf32, #tpu.memory_space<vmem>>, %arg13: memref<4096xf32, #tpu.memory_space<vmem>>, %arg14: memref<4096xf32, #tpu.memory_space<vmem>>, %arg15: memref<4096xf32, #tpu.memory_space<vmem>>, %arg16: memref<4096xf32, #tpu.memory_space<vmem>>, %arg17: memref<4096xf32, #tpu.memory_space<vmem>>, %arg18: memref<4096xf32, #tpu.memory_space<vmem>>, %arg19: memref<4096xf32, #tpu.memory_space<vmem>>, %arg20: memref<4096xf32, #tpu.memory_space<vmem>>, %arg21: memref<4096xf32, #tpu.memory_space<vmem>>, %arg22: memref<4096xf32, #tpu.memory_space<vmem>>, %arg23: memref<4096xf32, #tpu.memory_space<vmem>>, %arg24: memref<4096xf32, #tpu.memory_space<vmem>>, %arg25: memref<4096xf32, #tpu.memory_space<vmem>>, %arg26: memref<4096xf32, #tpu.memory_space<vmem>>, %arg27: memref<!tpu.dma_semaphore, #tpu.memory_space<semaphore_mem>>, %arg28: memref<!tpu.dma_semaphore, #tpu.memory_space<semaphore_mem>>, %arg29: memref<!tpu.dma_semaphore, #tpu.memory_space<semaphore_mem>>, %arg30: memref<!tpu.dma_semaphore, #tpu.memory_space<semaphore_mem>>) attributes {dimension_semantics = [#tpu.dimension_semantics<core_parallel>, #tpu.dimension_semantics<subcore_parallel>], iteration_bounds = array<i64: 2, 16>, scalar_prefetch = 0 : i64, scratch_operands = 25 : i64, tpu.core_type = #tpu.core_type<sc_vector_subcore>, window_params = [{transform_indices = #map}, {transform_indices = #map}, {transform_indices = #map1}, {transform_indices = #map2}]} {
    %mul3A = arith.constant 2 : i32
    %mul3A_0 = arith.muli %arg1, %mul3A : i32
    %add3A = arith.addi %mul3A_0, %arg0 : i32
    %jit3A = arith.constant 4 : i32
    %div3A = arith.divsi %add3A, %jit3A : i32
    %sign3A = arith.constant 0 : i32
    %sign3A_1 = arith.cmpi sgt, %add3A, %sign3A : i32
    %sign3A_2 = arith.extui %sign3A_1 : i1 to i32
    %sign3A_3 = arith.constant 0 : i32
    %sign3A_4 = arith.cmpi slt, %add3A, %sign3A_3 : i32
    %sign3A_5 = arith.extui %sign3A_4 : i1 to i32
    %sign3A_6 = arith.subi %sign3A_2, %sign3A_5 : i32
    %sign3A_7 = arith.constant 0 : i32
    %sign3A_8 = arith.cmpi sgt, %jit3A, %sign3A_7 : i32
    %sign3A_9 = arith.extui %sign3A_8 : i1 to i32
    %sign3A_10 = arith.constant 0 : i32
    %sign3A_11 = arith.cmpi slt, %jit3A, %sign3A_10 : i32
    %sign3A_12 = arith.extui %sign3A_11 : i1 to i32
    %sign3A_13 = arith.subi %sign3A_9, %sign3A_12 : i32
    %ne3A = arith.cmpi ne, %sign3A_6, %sign3A_13 : i32
    %rem3A = arith.remsi %add3A, %jit3A : i32
    %ne3A_14 = arith.constant 0 : i32
    %ne3A_15 = arith.cmpi ne, %rem3A, %ne3A_14 : i32
    %and3A = arith.andi %ne3A, %ne3A_15 : i1
    %sub3A = arith.constant 1 : i32
    %sub3A_16 = arith.subi %div3A, %sub3A : i32
    %select_n3A = arith.select %and3A, %sub3A_16, %div3A : i32
    %jit3A_17 = arith.constant 4 : i32
    %eq3A = arith.constant 0 : i32
    %eq3A_18 = arith.cmpi eq, %jit3A_17, %eq3A : i32
    %jit3A_19 = arith.constant 1 : i32
    %select_n3A_20 = arith.select %eq3A_18, %jit3A_19, %jit3A_17 : i32
    %rem3A_21 = arith.remsi %add3A, %select_n3A_20 : i32
    %ne3A_22 = arith.constant 0 : i32
    %ne3A_23 = arith.cmpi ne, %rem3A_21, %ne3A_22 : i32
    %lt3A = arith.constant 0 : i32
    %lt3A_24 = arith.cmpi slt, %rem3A_21, %lt3A : i32
    %lt3A_25 = arith.constant 0 : i32
    %lt3A_26 = arith.cmpi slt, %select_n3A_20, %lt3A_25 : i32
    %ne3A_27 = arith.xori %lt3A_24, %lt3A_26 : i1
    %and3A_28 = arith.andi %ne3A_27, %ne3A_23 : i1
    %add3A_29 = arith.addi %rem3A_21, %select_n3A_20 : i32
    %select_n3A_30 = arith.select %and3A_28, %add3A_29, %rem3A_21 : i32
    %mul3A_31 = arith.constant 8 : i32
    %mul3A_32 = arith.muli %select_n3A_30, %mul3A_31 : i32
    %add3A_33 = arith.constant 0 : i32
    %add3A_34 = arith.addi %mul3A_32, %add3A_33 : i32
    %mul3A_35 = arith.constant 520 : i32
    %mul3A_36 = arith.muli %add3A_34, %mul3A_35 : i32
    %add3A_37 = arith.constant 1 : i32
    %add3A_38 = arith.addi %mul3A_32, %add3A_37 : i32
    %mul3A_39 = arith.constant 520 : i32
    %mul3A_40 = arith.muli %add3A_38, %mul3A_39 : i32
    %add3A_41 = arith.constant 2 : i32
    %add3A_42 = arith.addi %mul3A_32, %add3A_41 : i32
    %mul3A_43 = arith.constant 520 : i32
    %mul3A_44 = arith.muli %add3A_42, %mul3A_43 : i32
    %add3A_45 = arith.constant 3 : i32
    %add3A_46 = arith.addi %mul3A_32, %add3A_45 : i32
    %mul3A_47 = arith.constant 520 : i32
    %mul3A_48 = arith.muli %add3A_46, %mul3A_47 : i32
    %add3A_49 = arith.constant 4 : i32
    %add3A_50 = arith.addi %mul3A_32, %add3A_49 : i32
    %mul3A_51 = arith.constant 520 : i32
    %mul3A_52 = arith.muli %add3A_50, %mul3A_51 : i32
    %add3A_53 = arith.constant 5 : i32
    %add3A_54 = arith.addi %mul3A_32, %add3A_53 : i32
    %mul3A_55 = arith.constant 520 : i32
    %mul3A_56 = arith.muli %add3A_54, %mul3A_55 : i32
    %add3A_57 = arith.constant 6 : i32
    %add3A_58 = arith.addi %mul3A_32, %add3A_57 : i32
    %mul3A_59 = arith.constant 520 : i32
    %mul3A_60 = arith.muli %add3A_58, %mul3A_59 : i32
    %add3A_61 = arith.constant 7 : i32
    %add3A_62 = arith.addi %mul3A_32, %add3A_61 : i32
    %mul3A_63 = arith.constant 520 : i32
    %mul3A_64 = arith.muli %add3A_62, %mul3A_63 : i32
    "tpu.region"() ({
      %run_scoped3A = tpu.sem_alloc : memref<!tpu.dma_semaphore, #tpu.memory_space<semaphore_mem>>
      tpu.enqueue_dma source(%arg4 : memref<16640xf32, #tpu.memory_space<hbm>>) target(%arg6 : memref<16640xf32, #tpu.memory_space<vmem>>) target_semaphore(%run_scoped3A : memref<!tpu.dma_semaphore, #tpu.memory_space<semaphore_mem>>)
      tpu.wait_dma2 semaphore(%run_scoped3A : memref<!tpu.dma_semaphore, #tpu.memory_space<semaphore_mem>>) src(%arg4 : memref<16640xf32, #tpu.memory_space<hbm>>) dst(%arg6 : memref<16640xf32, #tpu.memory_space<vmem>>)
      tpu.yield
    }) : () -> ()
    %dma_start3A = arith.constant 0 : i32
    %dma_start3A_65 = tpu.memref_slice %arg3[%select_n3A, %dma_start3A] : memref<8x274432xi32, #tpu.memory_space<hbm>> -> memref<1x4096xi32, #tpu.memory_space<hbm>>
    %dma_start3A_66 = tpu.memref_squeeze %dma_start3A_65 : memref<1x4096xi32, #tpu.memory_space<hbm>> -> memref<4096xi32, #tpu.memory_space<hbm>>
    %dma_start3A_67 = arith.constant 0 : i32
    %dma_start3A_68 = tpu.memref_slice %arg3[%select_n3A, %dma_start3A_67] : memref<8x274432xi32, #tpu.memory_space<hbm>> -> memref<1x4096xi32, #tpu.memory_space<hbm>>
    %dma_start3A_69 = tpu.memref_squeeze %dma_start3A_68 : memref<1x4096xi32, #tpu.memory_space<hbm>> -> memref<4096xi32, #tpu.memory_space<hbm>>
    tpu.enqueue_dma source(%dma_start3A_69 : memref<4096xi32, #tpu.memory_space<hbm>>) target(%arg7 : memref<4096xi32, #tpu.memory_space<vmem>>) target_semaphore(%arg27 : memref<!tpu.dma_semaphore, #tpu.memory_space<semaphore_mem>>)
    %dma_start3A_70 = arith.constant 0 : i32
    %dma_start3A_71 = tpu.memref_slice %arg2[%select_n3A, %dma_start3A_70] : memref<8x274432xf32, #tpu.memory_space<hbm>> -> memref<1x4096xf32, #tpu.memory_space<hbm>>
    %dma_start3A_72 = tpu.memref_squeeze %dma_start3A_71 : memref<1x4096xf32, #tpu.memory_space<hbm>> -> memref<4096xf32, #tpu.memory_space<hbm>>
    %dma_start3A_73 = arith.constant 0 : i32
    %dma_start3A_74 = tpu.memref_slice %arg2[%select_n3A, %dma_start3A_73] : memref<8x274432xf32, #tpu.memory_space<hbm>> -> memref<1x4096xf32, #tpu.memory_space<hbm>>
    %dma_start3A_75 = tpu.memref_squeeze %dma_start3A_74 : memref<1x4096xf32, #tpu.memory_space<hbm>> -> memref<4096xf32, #tpu.memory_space<hbm>>
    tpu.enqueue_dma source(%dma_start3A_75 : memref<4096xf32, #tpu.memory_space<hbm>>) target(%arg9 : memref<4096xf32, #tpu.memory_space<vmem>>) target_semaphore(%arg27 : memref<!tpu.dma_semaphore, #tpu.memory_space<semaphore_mem>>)
    %dma_start3A_76 = arith.constant 4096 : i32
    %dma_start3A_77 = tpu.memref_slice %arg3[%select_n3A, %dma_start3A_76] : memref<8x274432xi32, #tpu.memory_space<hbm>> -> memref<1x4096xi32, #tpu.memory_space<hbm>>
    %dma_start3A_78 = tpu.memref_squeeze %dma_start3A_77 : memref<1x4096xi32, #tpu.memory_space<hbm>> -> memref<4096xi32, #tpu.memory_space<hbm>>
    %dma_start3A_79 = arith.constant 4096 : i32
    %dma_start3A_80 = tpu.memref_slice %arg3[%select_n3A, %dma_start3A_79] : memref<8x274432xi32, #tpu.memory_space<hbm>> -> memref<1x4096xi32, #tpu.memory_space<hbm>>
    %dma_start3A_81 = tpu.memref_squeeze %dma_start3A_80 : memref<1x4096xi32, #tpu.memory_space<hbm>> -> memref<4096xi32, #tpu.memory_space<hbm>>
    tpu.enqueue_dma source(%dma_start3A_81 : memref<4096xi32, #tpu.memory_space<hbm>>) target(%arg8 : memref<4096xi32, #tpu.memory_space<vmem>>) target_semaphore(%arg28 : memref<!tpu.dma_semaphore, #tpu.memory_space<semaphore_mem>>)
    %dma_start3A_82 = arith.constant 4096 : i32
    %dma_start3A_83 = tpu.memref_slice %arg2[%select_n3A, %dma_start3A_82] : memref<8x274432xf32, #tpu.memory_space<hbm>> -> memref<1x4096xf32, #tpu.memory_space<hbm>>
    %dma_start3A_84 = tpu.memref_squeeze %dma_start3A_83 : memref<1x4096xf32, #tpu.memory_space<hbm>> -> memref<4096xf32, #tpu.memory_space<hbm>>
    %dma_start3A_85 = arith.constant 4096 : i32
    %dma_start3A_86 = tpu.memref_slice %arg2[%select_n3A, %dma_start3A_85] : memref<8x274432xf32, #tpu.memory_space<hbm>> -> memref<1x4096xf32, #tpu.memory_space<hbm>>
    %dma_start3A_87 = tpu.memref_squeeze %dma_start3A_86 : memref<1x4096xf32, #tpu.memory_space<hbm>> -> memref<4096xf32, #tpu.memory_space<hbm>>
    tpu.enqueue_dma source(%dma_start3A_87 : memref<4096xf32, #tpu.memory_space<hbm>>) target(%arg10 : memref<4096xf32, #tpu.memory_space<vmem>>) target_semaphore(%arg28 : memref<!tpu.dma_semaphore, #tpu.memory_space<semaphore_mem>>)
    %dma_wait3A = arith.constant 0 : i32
    %dma_wait3A_88 = tpu.memref_slice %arg3[%select_n3A, %dma_wait3A] : memref<8x274432xi32, #tpu.memory_space<hbm>> -> memref<1x4096xi32, #tpu.memory_space<hbm>>
    %dma_wait3A_89 = tpu.memref_squeeze %dma_wait3A_88 : memref<1x4096xi32, #tpu.memory_space<hbm>> -> memref<4096xi32, #tpu.memory_space<hbm>>
    %dma_wait3A_90 = arith.constant 0 : i32
    %dma_wait3A_91 = tpu.memref_slice %arg3[%select_n3A, %dma_wait3A_90] : memref<8x274432xi32, #tpu.memory_space<hbm>> -> memref<1x4096xi32, #tpu.memory_space<hbm>>
    %dma_wait3A_92 = tpu.memref_squeeze %dma_wait3A_91 : memref<1x4096xi32, #tpu.memory_space<hbm>> -> memref<4096xi32, #tpu.memory_space<hbm>>
    tpu.wait_dma2 semaphore(%arg27 : memref<!tpu.dma_semaphore, #tpu.memory_space<semaphore_mem>>) src(%dma_wait3A_92 : memref<4096xi32, #tpu.memory_space<hbm>>) dst(%arg7 : memref<4096xi32, #tpu.memory_space<vmem>>)
    %dma_wait3A_93 = arith.constant 0 : i32
    %dma_wait3A_94 = tpu.memref_slice %arg2[%select_n3A, %dma_wait3A_93] : memref<8x274432xf32, #tpu.memory_space<hbm>> -> memref<1x4096xf32, #tpu.memory_space<hbm>>
    %dma_wait3A_95 = tpu.memref_squeeze %dma_wait3A_94 : memref<1x4096xf32, #tpu.memory_space<hbm>> -> memref<4096xf32, #tpu.memory_space<hbm>>
    %dma_wait3A_96 = arith.constant 0 : i32
    %dma_wait3A_97 = tpu.memref_slice %arg2[%select_n3A, %dma_wait3A_96] : memref<8x274432xf32, #tpu.memory_space<hbm>> -> memref<1x4096xf32, #tpu.memory_space<hbm>>
    %dma_wait3A_98 = tpu.memref_squeeze %dma_wait3A_97 : memref<1x4096xf32, #tpu.memory_space<hbm>> -> memref<4096xf32, #tpu.memory_space<hbm>>
    tpu.wait_dma2 semaphore(%arg27 : memref<!tpu.dma_semaphore, #tpu.memory_space<semaphore_mem>>) src(%dma_wait3A_98 : memref<4096xf32, #tpu.memory_space<hbm>>) dst(%arg9 : memref<4096xf32, #tpu.memory_space<vmem>>)
    %parallel_loop3A = arith.constant 0 : i32
    %parallel_loop3A_99 = arith.constant 4096 : i32
    %parallel_loop3A_100 = arith.constant 16 : i32
    scf.for %parallel_loop3A_737 = %parallel_loop3A to %parallel_loop3A_99 step %parallel_loop3A_100  : i32 {
      %parallel_loop3A_738 = arith.index_cast %parallel_loop3A_737 : i32 to index
      %parallel_loop3A_739 = tpu.vector_load %arg7[%parallel_loop3A_738] {strides = array<i32>} : memref<4096xi32, #tpu.memory_space<vmem>>, vector<16xi32>,
      %parallel_loop3A_740 = arith.index_cast %parallel_loop3A_737 : i32 to index
      %parallel_loop3A_741 = tpu.vector_load %arg9[%parallel_loop3A_740] {strides = array<i32>} : memref<4096xf32, #tpu.memory_space<vmem>>, vector<16xf32>,
      %parallel_loop3A_742 = arith.addf %parallel_loop3A_741, %parallel_loop3A_741 : vector<16xf32>
      %parallel_loop3A_743 = vector.broadcast %mul3A_36 : i32 to vector<16xi32>
      %parallel_loop3A_744 = arith.addi %parallel_loop3A_739, %parallel_loop3A_743 : vector<16xi32>
      %parallel_loop3A_745 = tpu.vector_load_idx %arg6[%parallel_loop3A_744] : memref<16640xf32, #tpu.memory_space<vmem>>[vector<16xi32>], vector<16xf32>,
      %parallel_loop3A_746 = arith.addf %parallel_loop3A_742, %parallel_loop3A_745 : vector<16xf32>
      %parallel_loop3A_747 = arith.index_cast %parallel_loop3A_737 : i32 to index
      %parallel_loop3A_748 = tpu.vector_load %arg11[%parallel_loop3A_747] {strides = array<i32>} : memref<4096xf32, #tpu.memory_space<vmem>>, vector<16xf32>,
      tpu.vector_store %arg11[%parallel_loop3A_747], %parallel_loop3A_746 {strides = array<i32>} : memref<4096xf32, #tpu.memory_space<vmem>>, vector<16xf32>,
      %parallel_loop3A_749 = vector.broadcast %mul3A_40 : i32 to vector<16xi32>
      %parallel_loop3A_750 = arith.addi %parallel_loop3A_739, %parallel_loop3A_749 : vector<16xi32>
      %parallel_loop3A_751 = tpu.vector_load_idx %arg6[%parallel_loop3A_750] : memref<16640xf32, #tpu.memory_space<vmem>>[vector<16xi32>], vector<16xf32>,
      %parallel_loop3A_752 = arith.addf %parallel_loop3A_742, %parallel_loop3A_751 : vector<16xf32>
      %parallel_loop3A_753 = arith.index_cast %parallel_loop3A_737 : i32 to index
      %parallel_loop3A_754 = tpu.vector_load %arg12[%parallel_loop3A_753] {strides = array<i32>} : memref<4096xf32, #tpu.memory_space<vmem>>, vector<16xf32>,
      tpu.vector_store %arg12[%parallel_loop3A_753], %parallel_loop3A_752 {strides = array<i32>} : memref<4096xf32, #tpu.memory_space<vmem>>, vector<16xf32>,
      %parallel_loop3A_755 = vector.broadcast %mul3A_44 : i32 to vector<16xi32>
      %parallel_loop3A_756 = arith.addi %parallel_loop3A_739, %parallel_loop3A_755 : vector<16xi32>
      %parallel_loop3A_757 = tpu.vector_load_idx %arg6[%parallel_loop3A_756] : memref<16640xf32, #tpu.memory_space<vmem>>[vector<16xi32>], vector<16xf32>,
      %parallel_loop3A_758 = arith.addf %parallel_loop3A_742, %parallel_loop3A_757 : vector<16xf32>
      %parallel_loop3A_759 = arith.index_cast %parallel_loop3A_737 : i32 to index
      %parallel_loop3A_760 = tpu.vector_load %arg13[%parallel_loop3A_759] {strides = array<i32>} : memref<4096xf32, #tpu.memory_space<vmem>>, vector<16xf32>,
      tpu.vector_store %arg13[%parallel_loop3A_759], %parallel_loop3A_758 {strides = array<i32>} : memref<4096xf32, #tpu.memory_space<vmem>>, vector<16xf32>,
      %parallel_loop3A_761 = vector.broadcast %mul3A_48 : i32 to vector<16xi32>
      %parallel_loop3A_762 = arith.addi %parallel_loop3A_739, %parallel_loop3A_761 : vector<16xi32>
      %parallel_loop3A_763 = tpu.vector_load_idx %arg6[%parallel_loop3A_762] : memref<16640xf32, #tpu.memory_space<vmem>>[vector<16xi32>], vector<16xf32>,
      %parallel_loop3A_764 = arith.addf %parallel_loop3A_742, %parallel_loop3A_763 : vector<16xf32>
      %parallel_loop3A_765 = arith.index_cast %parallel_loop3A_737 : i32 to index
      %parallel_loop3A_766 = tpu.vector_load %arg14[%parallel_loop3A_765] {strides = array<i32>} : memref<4096xf32, #tpu.memory_space<vmem>>, vector<16xf32>,
      tpu.vector_store %arg14[%parallel_loop3A_765], %parallel_loop3A_764 {strides = array<i32>} : memref<4096xf32, #tpu.memory_space<vmem>>, vector<16xf32>,
      %parallel_loop3A_767 = vector.broadcast %mul3A_52 : i32 to vector<16xi32>
      %parallel_loop3A_768 = arith.addi %parallel_loop3A_739, %parallel_loop3A_767 : vector<16xi32>
      %parallel_loop3A_769 = tpu.vector_load_idx %arg6[%parallel_loop3A_768] : memref<16640xf32, #tpu.memory_space<vmem>>[vector<16xi32>], vector<16xf32>,
      %parallel_loop3A_770 = arith.addf %parallel_loop3A_742, %parallel_loop3A_769 : vector<16xf32>
      %parallel_loop3A_771 = arith.index_cast %parallel_loop3A_737 : i32 to index
      %parallel_loop3A_772 = tpu.vector_load %arg15[%parallel_loop3A_771] {strides = array<i32>} : memref<4096xf32, #tpu.memory_space<vmem>>, vector<16xf32>,
      tpu.vector_store %arg15[%parallel_loop3A_771], %parallel_loop3A_770 {strides = array<i32>} : memref<4096xf32, #tpu.memory_space<vmem>>, vector<16xf32>,
      %parallel_loop3A_773 = vector.broadcast %mul3A_56 : i32 to vector<16xi32>
      %parallel_loop3A_774 = arith.addi %parallel_loop3A_739, %parallel_loop3A_773 : vector<16xi32>
      %parallel_loop3A_775 = tpu.vector_load_idx %arg6[%parallel_loop3A_774] : memref<16640xf32, #tpu.memory_space<vmem>>[vector<16xi32>], vector<16xf32>,
      %parallel_loop3A_776 = arith.addf %parallel_loop3A_742, %parallel_loop3A_775 : vector<16xf32>
      %parallel_loop3A_777 = arith.index_cast %parallel_loop3A_737 : i32 to index
      %parallel_loop3A_778 = tpu.vector_load %arg16[%parallel_loop3A_777] {strides = array<i32>} : memref<4096xf32, #tpu.memory_space<vmem>>, vector<16xf32>,
      tpu.vector_store %arg16[%parallel_loop3A_777], %parallel_loop3A_776 {strides = array<i32>} : memref<4096xf32, #tpu.memory_space<vmem>>, vector<16xf32>,
      %parallel_loop3A_779 = vector.broadcast %mul3A_60 : i32 to vector<16xi32>
      %parallel_loop3A_780 = arith.addi %parallel_loop3A_739, %parallel_loop3A_779 : vector<16xi32>
      %parallel_loop3A_781 = tpu.vector_load_idx %arg6[%parallel_loop3A_780] : memref<16640xf32, #tpu.memory_space<vmem>>[vector<16xi32>], vector<16xf32>,
      %parallel_loop3A_782 = arith.addf %parallel_loop3A_742, %parallel_loop3A_781 : vector<16xf32>
      %parallel_loop3A_783 = arith.index_cast %parallel_loop3A_737 : i32 to index
      %parallel_loop3A_784 = tpu.vector_load %arg17[%parallel_loop3A_783] {strides = array<i32>} : memref<4096xf32, #tpu.memory_space<vmem>>, vector<16xf32>,
      tpu.vector_store %arg17[%parallel_loop3A_783], %parallel_loop3A_782 {strides = array<i32>} : memref<4096xf32, #tpu.memory_space<vmem>>, vector<16xf32>,
      %parallel_loop3A_785 = vector.broadcast %mul3A_64 : i32 to vector<16xi32>
      %parallel_loop3A_786 = arith.addi %parallel_loop3A_739, %parallel_loop3A_785 : vector<16xi32>
      %parallel_loop3A_787 = tpu.vector_load_idx %arg6[%parallel_loop3A_786] : memref<16640xf32, #tpu.memory_space<vmem>>[vector<16xi32>], vector<16xf32>,
      %parallel_loop3A_788 = arith.addf %parallel_loop3A_742, %parallel_loop3A_787 : vector<16xf32>
      %parallel_loop3A_789 = arith.index_cast %parallel_loop3A_737 : i32 to index
      %parallel_loop3A_790 = tpu.vector_load %arg18[%parallel_loop3A_789] {strides = array<i32>} : memref<4096xf32, #tpu.memory_space<vmem>>, vector<16xf32>,
      tpu.vector_store %arg18[%parallel_loop3A_789], %parallel_loop3A_788 {strides = array<i32>} : memref<4096xf32, #tpu.memory_space<vmem>>, vector<16xf32>,
    } {sc.loop_unroll_factor = 4 : i64, sc.parallel_access}
    %add3A_101 = arith.constant 0 : i32
    %add3A_102 = arith.addi %mul3A_32, %add3A_101 : i32
    %dma_start3A_103 = arith.constant 0 : i32
    %dma_start3A_104 = tpu.memref_slice %arg11[%dma_start3A_103] : memref<4096xf32, #tpu.memory_space<vmem>> -> memref<4096xf32, #tpu.memory_space<vmem>>
    %dma_start3A_105 = arith.constant 0 : i32
    %dma_start3A_106 = tpu.memref_slice %arg5[%select_n3A, %add3A_102, %dma_start3A_105] : memref<8x32x263169xf32, #tpu.memory_space<hbm>> -> memref<1x1x4096xf32, #tpu.memory_space<hbm>>
    %dma_start3A_107 = tpu.memref_squeeze %dma_start3A_106 : memref<1x1x4096xf32, #tpu.memory_space<hbm>> -> memref<4096xf32, #tpu.memory_space<hbm>>
    %dma_start3A_108 = arith.constant 0 : i32
    %dma_start3A_109 = tpu.memref_slice %arg5[%select_n3A, %add3A_102, %dma_start3A_108] : memref<8x32x263169xf32, #tpu.memory_space<hbm>> -> memref<1x1x4096xf32, #tpu.memory_space<hbm>>
    %dma_start3A_110 = tpu.memref_squeeze %dma_start3A_109 : memref<1x1x4096xf32, #tpu.memory_space<hbm>> -> memref<4096xf32, #tpu.memory_space<hbm>>
    %dma_start3A_111 = arith.constant 0 : i32
    %dma_start3A_112 = tpu.memref_slice %arg11[%dma_start3A_111] : memref<4096xf32, #tpu.memory_space<vmem>> -> memref<4096xf32, #tpu.memory_space<vmem>>
    tpu.enqueue_dma source(%dma_start3A_112 : memref<4096xf32, #tpu.memory_space<vmem>>) target(%dma_start3A_110 : memref<4096xf32, #tpu.memory_space<hbm>>) target_semaphore(%arg29 : memref<!tpu.dma_semaphore, #tpu.memory_space<semaphore_mem>>)
    %add3A_113 = arith.constant 1 : i32
    %add3A_114 = arith.addi %mul3A_32, %add3A_113 : i32
    %dma_start3A_115 = arith.constant 0 : i32
    %dma_start3A_116 = tpu.memref_slice %arg12[%dma_start3A_115] : memref<4096xf32, #tpu.memory_space<vmem>> -> memref<4096xf32, #tpu.memory_space<vmem>>
    %dma_start3A_117 = arith.constant 0 : i32
    %dma_start3A_118 = tpu.memref_slice %arg5[%select_n3A, %add3A_114, %dma_start3A_117] : memref<8x32x263169xf32, #tpu.memory_space<hbm>> -> memref<1x1x4096xf32, #tpu.memory_space<hbm>>
    %dma_start3A_119 = tpu.memref_squeeze %dma_start3A_118 : memref<1x1x4096xf32, #tpu.memory_space<hbm>> -> memref<4096xf32, #tpu.memory_space<hbm>>
    %dma_start3A_120 = arith.constant 0 : i32
    %dma_start3A_121 = tpu.memref_slice %arg5[%select_n3A, %add3A_114, %dma_start3A_120] : memref<8x32x263169xf32, #tpu.memory_space<hbm>> -> memref<1x1x4096xf32, #tpu.memory_space<hbm>>
    %dma_start3A_122 = tpu.memref_squeeze %dma_start3A_121 : memref<1x1x4096xf32, #tpu.memory_space<hbm>> -> memref<4096xf32, #tpu.memory_space<hbm>>
    %dma_start3A_123 = arith.constant 0 : i32
    %dma_start3A_124 = tpu.memref_slice %arg12[%dma_start3A_123] : memref<4096xf32, #tpu.memory_space<vmem>> -> memref<4096xf32, #tpu.memory_space<vmem>>
    tpu.enqueue_dma source(%dma_start3A_124 : memref<4096xf32, #tpu.memory_space<vmem>>) target(%dma_start3A_122 : memref<4096xf32, #tpu.memory_space<hbm>>) target_semaphore(%arg29 : memref<!tpu.dma_semaphore, #tpu.memory_space<semaphore_mem>>)
    %add3A_125 = arith.constant 2 : i32
    %add3A_126 = arith.addi %mul3A_32, %add3A_125 : i32
    %dma_start3A_127 = arith.constant 0 : i32
    %dma_start3A_128 = tpu.memref_slice %arg13[%dma_start3A_127] : memref<4096xf32, #tpu.memory_space<vmem>> -> memref<4096xf32, #tpu.memory_space<vmem>>
    %dma_start3A_129 = arith.constant 0 : i32
    %dma_start3A_130 = tpu.memref_slice %arg5[%select_n3A, %add3A_126, %dma_start3A_129] : memref<8x32x263169xf32, #tpu.memory_space<hbm>> -> memref<1x1x4096xf32, #tpu.memory_space<hbm>>
    %dma_start3A_131 = tpu.memref_squeeze %dma_start3A_130 : memref<1x1x4096xf32, #tpu.memory_space<hbm>> -> memref<4096xf32, #tpu.memory_space<hbm>>
    %dma_start3A_132 = arith.constant 0 : i32
    %dma_start3A_133 = tpu.memref_slice %arg5[%select_n3A, %add3A_126, %dma_start3A_132] : memref<8x32x263169xf32, #tpu.memory_space<hbm>> -> memref<1x1x4096xf32, #tpu.memory_space<hbm>>
    %dma_start3A_134 = tpu.memref_squeeze %dma_start3A_133 : memref<1x1x4096xf32, #tpu.memory_space<hbm>> -> memref<4096xf32, #tpu.memory_space<hbm>>
    %dma_start3A_135 = arith.constant 0 : i32
    %dma_start3A_136 = tpu.memref_slice %arg13[%dma_start3A_135] : memref<4096xf32, #tpu.memory_space<vmem>> -> memref<4096xf32, #tpu.memory_space<vmem>>
    tpu.enqueue_dma source(%dma_start3A_136 : memref<4096xf32, #tpu.memory_space<vmem>>) target(%dma_start3A_134 : memref<4096xf32, #tpu.memory_space<hbm>>) target_semaphore(%arg29 : memref<!tpu.dma_semaphore, #tpu.memory_space<semaphore_mem>>)
    %add3A_137 = arith.constant 3 : i32
    %add3A_138 = arith.addi %mul3A_32, %add3A_137 : i32
    %dma_start3A_139 = arith.constant 0 : i32
    %dma_start3A_140 = tpu.memref_slice %arg14[%dma_start3A_139] : memref<4096xf32, #tpu.memory_space<vmem>> -> memref<4096xf32, #tpu.memory_space<vmem>>
    %dma_start3A_141 = arith.constant 0 : i32
    %dma_start3A_142 = tpu.memref_slice %arg5[%select_n3A, %add3A_138, %dma_start3A_141] : memref<8x32x263169xf32, #tpu.memory_space<hbm>> -> memref<1x1x4096xf32, #tpu.memory_space<hbm>>
    %dma_start3A_143 = tpu.memref_squeeze %dma_start3A_142 : memref<1x1x4096xf32, #tpu.memory_space<hbm>> -> memref<4096xf32, #tpu.memory_space<hbm>>
    %dma_start3A_144 = arith.constant 0 : i32
    %dma_start3A_145 = tpu.memref_slice %arg5[%select_n3A, %add3A_138, %dma_start3A_144] : memref<8x32x263169xf32, #tpu.memory_space<hbm>> -> memref<1x1x4096xf32, #tpu.memory_space<hbm>>
    %dma_start3A_146 = tpu.memref_squeeze %dma_start3A_145 : memref<1x1x4096xf32, #tpu.memory_space<hbm>> -> memref<4096xf32, #tpu.memory_space<hbm>>
    %dma_start3A_147 = arith.constant 0 : i32
    %dma_start3A_148 = tpu.memref_slice %arg14[%dma_start3A_147] : memref<4096xf32, #tpu.memory_space<vmem>> -> memref<4096xf32, #tpu.memory_space<vmem>>
    tpu.enqueue_dma source(%dma_start3A_148 : memref<4096xf32, #tpu.memory_space<vmem>>) target(%dma_start3A_146 : memref<4096xf32, #tpu.memory_space<hbm>>) target_semaphore(%arg29 : memref<!tpu.dma_semaphore, #tpu.memory_space<semaphore_mem>>)
    %add3A_149 = arith.constant 4 : i32
    %add3A_150 = arith.addi %mul3A_32, %add3A_149 : i32
    %dma_start3A_151 = arith.constant 0 : i32
    %dma_start3A_152 = tpu.memref_slice %arg15[%dma_start3A_151] : memref<4096xf32, #tpu.memory_space<vmem>> -> memref<4096xf32, #tpu.memory_space<vmem>>
    %dma_start3A_153 = arith.constant 0 : i32
    %dma_start3A_154 = tpu.memref_slice %arg5[%select_n3A, %add3A_150, %dma_start3A_153] : memref<8x32x263169xf32, #tpu.memory_space<hbm>> -> memref<1x1x4096xf32, #tpu.memory_space<hbm>>
    %dma_start3A_155 = tpu.memref_squeeze %dma_start3A_154 : memref<1x1x4096xf32, #tpu.memory_space<hbm>> -> memref<4096xf32, #tpu.memory_space<hbm>>
    %dma_start3A_156 = arith.constant 0 : i32
    %dma_start3A_157 = tpu.memref_slice %arg5[%select_n3A, %add3A_150, %dma_start3A_156] : memref<8x32x263169xf32, #tpu.memory_space<hbm>> -> memref<1x1x4096xf32, #tpu.memory_space<hbm>>
    %dma_start3A_158 = tpu.memref_squeeze %dma_start3A_157 : memref<1x1x4096xf32, #tpu.memory_space<hbm>> -> memref<4096xf32, #tpu.memory_space<hbm>>
    %dma_start3A_159 = arith.constant 0 : i32
    %dma_start3A_160 = tpu.memref_slice %arg15[%dma_start3A_159] : memref<4096xf32, #tpu.memory_space<vmem>> -> memref<4096xf32, #tpu.memory_space<vmem>>
    tpu.enqueue_dma source(%dma_start3A_160 : memref<4096xf32, #tpu.memory_space<vmem>>) target(%dma_start3A_158 : memref<4096xf32, #tpu.memory_space<hbm>>) target_semaphore(%arg29 : memref<!tpu.dma_semaphore, #tpu.memory_space<semaphore_mem>>)
    %add3A_161 = arith.constant 5 : i32
    %add3A_162 = arith.addi %mul3A_32, %add3A_161 : i32
    %dma_start3A_163 = arith.constant 0 : i32
    %dma_start3A_164 = tpu.memref_slice %arg16[%dma_start3A_163] : memref<4096xf32, #tpu.memory_space<vmem>> -> memref<4096xf32, #tpu.memory_space<vmem>>
    %dma_start3A_165 = arith.constant 0 : i32
    %dma_start3A_166 = tpu.memref_slice %arg5[%select_n3A, %add3A_162, %dma_start3A_165] : memref<8x32x263169xf32, #tpu.memory_space<hbm>> -> memref<1x1x4096xf32, #tpu.memory_space<hbm>>
    %dma_start3A_167 = tpu.memref_squeeze %dma_start3A_166 : memref<1x1x4096xf32, #tpu.memory_space<hbm>> -> memref<4096xf32, #tpu.memory_space<hbm>>
    %dma_start3A_168 = arith.constant 0 : i32
    %dma_start3A_169 = tpu.memref_slice %arg5[%select_n3A, %add3A_162, %dma_start3A_168] : memref<8x32x263169xf32, #tpu.memory_space<hbm>> -> memref<1x1x4096xf32, #tpu.memory_space<hbm>>
    %dma_start3A_170 = tpu.memref_squeeze %dma_start3A_169 : memref<1x1x4096xf32, #tpu.memory_space<hbm>> -> memref<4096xf32, #tpu.memory_space<hbm>>
    %dma_start3A_171 = arith.constant 0 : i32
    %dma_start3A_172 = tpu.memref_slice %arg16[%dma_start3A_171] : memref<4096xf32, #tpu.memory_space<vmem>> -> memref<4096xf32, #tpu.memory_space<vmem>>
    tpu.enqueue_dma source(%dma_start3A_172 : memref<4096xf32, #tpu.memory_space<vmem>>) target(%dma_start3A_170 : memref<4096xf32, #tpu.memory_space<hbm>>) target_semaphore(%arg29 : memref<!tpu.dma_semaphore, #tpu.memory_space<semaphore_mem>>)
    %add3A_173 = arith.constant 6 : i32
    %add3A_174 = arith.addi %mul3A_32, %add3A_173 : i32
    %dma_start3A_175 = arith.constant 0 : i32
    %dma_start3A_176 = tpu.memref_slice %arg17[%dma_start3A_175] : memref<4096xf32, #tpu.memory_space<vmem>> -> memref<4096xf32, #tpu.memory_space<vmem>>
    %dma_start3A_177 = arith.constant 0 : i32
    %dma_start3A_178 = tpu.memref_slice %arg5[%select_n3A, %add3A_174, %dma_start3A_177] : memref<8x32x263169xf32, #tpu.memory_space<hbm>> -> memref<1x1x4096xf32, #tpu.memory_space<hbm>>
    %dma_start3A_179 = tpu.memref_squeeze %dma_start3A_178 : memref<1x1x4096xf32, #tpu.memory_space<hbm>> -> memref<4096xf32, #tpu.memory_space<hbm>>
    %dma_start3A_180 = arith.constant 0 : i32
    %dma_start3A_181 = tpu.memref_slice %arg5[%select_n3A, %add3A_174, %dma_start3A_180] : memref<8x32x263169xf32, #tpu.memory_space<hbm>> -> memref<1x1x4096xf32, #tpu.memory_space<hbm>>
    %dma_start3A_182 = tpu.memref_squeeze %dma_start3A_181 : memref<1x1x4096xf32, #tpu.memory_space<hbm>> -> memref<4096xf32, #tpu.memory_space<hbm>>
    %dma_start3A_183 = arith.constant 0 : i32
    %dma_start3A_184 = tpu.memref_slice %arg17[%dma_start3A_183] : memref<4096xf32, #tpu.memory_space<vmem>> -> memref<4096xf32, #tpu.memory_space<vmem>>
    tpu.enqueue_dma source(%dma_start3A_184 : memref<4096xf32, #tpu.memory_space<vmem>>) target(%dma_start3A_182 : memref<4096xf32, #tpu.memory_space<hbm>>) target_semaphore(%arg29 : memref<!tpu.dma_semaphore, #tpu.memory_space<semaphore_mem>>)
    %add3A_185 = arith.constant 7 : i32
    %add3A_186 = arith.addi %mul3A_32, %add3A_185 : i32
    %dma_start3A_187 = arith.constant 0 : i32
    %dma_start3A_188 = tpu.memref_slice %arg18[%dma_start3A_187] : memref<4096xf32, #tpu.memory_space<vmem>> -> memref<4096xf32, #tpu.memory_space<vmem>>
    %dma_start3A_189 = arith.constant 0 : i32
    %dma_start3A_190 = tpu.memref_slice %arg5[%select_n3A, %add3A_186, %dma_start3A_189] : memref<8x32x263169xf32, #tpu.memory_space<hbm>> -> memref<1x1x4096xf32, #tpu.memory_space<hbm>>
    %dma_start3A_191 = tpu.memref_squeeze %dma_start3A_190 : memref<1x1x4096xf32, #tpu.memory_space<hbm>> -> memref<4096xf32, #tpu.memory_space<hbm>>
    %dma_start3A_192 = arith.constant 0 : i32
    %dma_start3A_193 = tpu.memref_slice %arg5[%select_n3A, %add3A_186, %dma_start3A_192] : memref<8x32x263169xf32, #tpu.memory_space<hbm>> -> memref<1x1x4096xf32, #tpu.memory_space<hbm>>
    %dma_start3A_194 = tpu.memref_squeeze %dma_start3A_193 : memref<1x1x4096xf32, #tpu.memory_space<hbm>> -> memref<4096xf32, #tpu.memory_space<hbm>>
    %dma_start3A_195 = arith.constant 0 : i32
    %dma_start3A_196 = tpu.memref_slice %arg18[%dma_start3A_195] : memref<4096xf32, #tpu.memory_space<vmem>> -> memref<4096xf32, #tpu.memory_space<vmem>>
    tpu.enqueue_dma source(%dma_start3A_196 : memref<4096xf32, #tpu.memory_space<vmem>>) target(%dma_start3A_194 : memref<4096xf32, #tpu.memory_space<hbm>>) target_semaphore(%arg29 : memref<!tpu.dma_semaphore, #tpu.memory_space<semaphore_mem>>)
    %dma_start3A_197 = arith.constant 8192 : i32
    %dma_start3A_198 = tpu.memref_slice %arg3[%select_n3A, %dma_start3A_197] : memref<8x274432xi32, #tpu.memory_space<hbm>> -> memref<1x4096xi32, #tpu.memory_space<hbm>>
    %dma_start3A_199 = tpu.memref_squeeze %dma_start3A_198 : memref<1x4096xi32, #tpu.memory_space<hbm>> -> memref<4096xi32, #tpu.memory_space<hbm>>
    %dma_start3A_200 = arith.constant 8192 : i32
    %dma_start3A_201 = tpu.memref_slice %arg3[%select_n3A, %dma_start3A_200] : memref<8x274432xi32, #tpu.memory_space<hbm>> -> memref<1x4096xi32, #tpu.memory_space<hbm>>
    %dma_start3A_202 = tpu.memref_squeeze %dma_start3A_201 : memref<1x4096xi32, #tpu.memory_space<hbm>> -> memref<4096xi32, #tpu.memory_space<hbm>>
    tpu.enqueue_dma source(%dma_start3A_202 : memref<4096xi32, #tpu.memory_space<hbm>>) target(%arg7 : memref<4096xi32, #tpu.memory_space<vmem>>) target_semaphore(%arg27 : memref<!tpu.dma_semaphore, #tpu.memory_space<semaphore_mem>>)
    %dma_start3A_203 = arith.constant 8192 : i32
    %dma_start3A_204 = tpu.memref_slice %arg2[%select_n3A, %dma_start3A_203] : memref<8x274432xf32, #tpu.memory_space<hbm>> -> memref<1x4096xf32, #tpu.memory_space<hbm>>
    %dma_start3A_205 = tpu.memref_squeeze %dma_start3A_204 : memref<1x4096xf32, #tpu.memory_space<hbm>> -> memref<4096xf32, #tpu.memory_space<hbm>>
    %dma_start3A_206 = arith.constant 8192 : i32
    %dma_start3A_207 = tpu.memref_slice %arg2[%select_n3A, %dma_start3A_206] : memref<8x274432xf32, #tpu.memory_space<hbm>> -> memref<1x4096xf32, #tpu.memory_space<hbm>>
    %dma_start3A_208 = tpu.memref_squeeze %dma_start3A_207 : memref<1x4096xf32, #tpu.memory_space<hbm>> -> memref<4096xf32, #tpu.memory_space<hbm>>
    tpu.enqueue_dma source(%dma_start3A_208 : memref<4096xf32, #tpu.memory_space<hbm>>) target(%arg9 : memref<4096xf32, #tpu.memory_space<vmem>>) target_semaphore(%arg27 : memref<!tpu.dma_semaphore, #tpu.memory_space<semaphore_mem>>)
    %dma_wait3A_209 = arith.constant 4096 : i32
    %dma_wait3A_210 = tpu.memref_slice %arg3[%select_n3A, %dma_wait3A_209] : memref<8x274432xi32, #tpu.memory_space<hbm>> -> memref<1x4096xi32, #tpu.memory_space<hbm>>
    %dma_wait3A_211 = tpu.memref_squeeze %dma_wait3A_210 : memref<1x4096xi32, #tpu.memory_space<hbm>> -> memref<4096xi32, #tpu.memory_space<hbm>>
    %dma_wait3A_212 = arith.constant 4096 : i32
    %dma_wait3A_213 = tpu.memref_slice %arg3[%select_n3A, %dma_wait3A_212] : memref<8x274432xi32, #tpu.memory_space<hbm>> -> memref<1x4096xi32, #tpu.memory_space<hbm>>
    %dma_wait3A_214 = tpu.memref_squeeze %dma_wait3A_213 : memref<1x4096xi32, #tpu.memory_space<hbm>> -> memref<4096xi32, #tpu.memory_space<hbm>>
    tpu.wait_dma2 semaphore(%arg28 : memref<!tpu.dma_semaphore, #tpu.memory_space<semaphore_mem>>) src(%dma_wait3A_214 : memref<4096xi32, #tpu.memory_space<hbm>>) dst(%arg8 : memref<4096xi32, #tpu.memory_space<vmem>>)
    %dma_wait3A_215 = arith.constant 4096 : i32
    %dma_wait3A_216 = tpu.memref_slice %arg2[%select_n3A, %dma_wait3A_215] : memref<8x274432xf32, #tpu.memory_space<hbm>> -> memref<1x4096xf32, #tpu.memory_space<hbm>>
    %dma_wait3A_217 = tpu.memref_squeeze %dma_wait3A_216 : memref<1x4096xf32, #tpu.memory_space<hbm>> -> memref<4096xf32, #tpu.memory_space<hbm>>
    %dma_wait3A_218 = arith.constant 4096 : i32
    %dma_wait3A_219 = tpu.memref_slice %arg2[%select_n3A, %dma_wait3A_218] : memref<8x274432xf32, #tpu.memory_space<hbm>> -> memref<1x4096xf32, #tpu.memory_space<hbm>>
    %dma_wait3A_220 = tpu.memref_squeeze %dma_wait3A_219 : memref<1x4096xf32, #tpu.memory_space<hbm>> -> memref<4096xf32, #tpu.memory_space<hbm>>
    tpu.wait_dma2 semaphore(%arg28 : memref<!tpu.dma_semaphore, #tpu.memory_space<semaphore_mem>>) src(%dma_wait3A_220 : memref<4096xf32, #tpu.memory_space<hbm>>) dst(%arg10 : memref<4096xf32, #tpu.memory_space<vmem>>)
    %parallel_loop3A_221 = arith.constant 0 : i32
    %parallel_loop3A_222 = arith.constant 4096 : i32
    %parallel_loop3A_223 = arith.constant 16 : i32
    scf.for %parallel_loop3A_737 = %parallel_loop3A_221 to %parallel_loop3A_222 step %parallel_loop3A_223  : i32 {
      %parallel_loop3A_738 = arith.index_cast %parallel_loop3A_737 : i32 to index
      %parallel_loop3A_739 = tpu.vector_load %arg8[%parallel_loop3A_738] {strides = array<i32>} : memref<4096xi32, #tpu.memory_space<vmem>>, vector<16xi32>,
      %parallel_loop3A_740 = arith.index_cast %parallel_loop3A_737 : i32 to index
      %parallel_loop3A_741 = tpu.vector_load %arg10[%parallel_loop3A_740] {strides = array<i32>} : memref<4096xf32, #tpu.memory_space<vmem>>, vector<16xf32>,
      %parallel_loop3A_742 = arith.addf %parallel_loop3A_741, %parallel_loop3A_741 : vector<16xf32>
      %parallel_loop3A_743 = vector.broadcast %mul3A_36 : i32 to vector<16xi32>
      %parallel_loop3A_744 = arith.addi %parallel_loop3A_739, %parallel_loop3A_743 : vector<16xi32>
      %parallel_loop3A_745 = tpu.vector_load_idx %arg6[%parallel_loop3A_744] : memref<16640xf32, #tpu.memory_space<vmem>>[vector<16xi32>], vector<16xf32>,
      %parallel_loop3A_746 = arith.addf %parallel_loop3A_742, %parallel_loop3A_745 : vector<16xf32>
      %parallel_loop3A_747 = arith.index_cast %parallel_loop3A_737 : i32 to index
      %parallel_loop3A_748 = tpu.vector_load %arg19[%parallel_loop3A_747] {strides = array<i32>} : memref<4096xf32, #tpu.memory_space<vmem>>, vector<16xf32>,
      tpu.vector_store %arg19[%parallel_loop3A_747], %parallel_loop3A_746 {strides = array<i32>} : memref<4096xf32, #tpu.memory_space<vmem>>, vector<16xf32>,
      %parallel_loop3A_749 = vector.broadcast %mul3A_40 : i32 to vector<16xi32>
      %parallel_loop3A_750 = arith.addi %parallel_loop3A_739, %parallel_loop3A_749 : vector<16xi32>
      %parallel_loop3A_751 = tpu.vector_load_idx %arg6[%parallel_loop3A_750] : memref<16640xf32, #tpu.memory_space<vmem>>[vector<16xi32>], vector<16xf32>,
      %parallel_loop3A_752 = arith.addf %parallel_loop3A_742, %parallel_loop3A_751 : vector<16xf32>
      %parallel_loop3A_753 = arith.index_cast %parallel_loop3A_737 : i32 to index
      %parallel_loop3A_754 = tpu.vector_load %arg20[%parallel_loop3A_753] {strides = array<i32>} : memref<4096xf32, #tpu.memory_space<vmem>>, vector<16xf32>,
      tpu.vector_store %arg20[%parallel_loop3A_753], %parallel_loop3A_752 {strides = array<i32>} : memref<4096xf32, #tpu.memory_space<vmem>>, vector<16xf32>,
      %parallel_loop3A_755 = vector.broadcast %mul3A_44 : i32 to vector<16xi32>
      %parallel_loop3A_756 = arith.addi %parallel_loop3A_739, %parallel_loop3A_755 : vector<16xi32>
      %parallel_loop3A_757 = tpu.vector_load_idx %arg6[%parallel_loop3A_756] : memref<16640xf32, #tpu.memory_space<vmem>>[vector<16xi32>], vector<16xf32>,
      %parallel_loop3A_758 = arith.addf %parallel_loop3A_742, %parallel_loop3A_757 : vector<16xf32>
      %parallel_loop3A_759 = arith.index_cast %parallel_loop3A_737 : i32 to index
      %parallel_loop3A_760 = tpu.vector_load %arg21[%parallel_loop3A_759] {strides = array<i32>} : memref<4096xf32, #tpu.memory_space<vmem>>, vector<16xf32>,
      tpu.vector_store %arg21[%parallel_loop3A_759], %parallel_loop3A_758 {strides = array<i32>} : memref<4096xf32, #tpu.memory_space<vmem>>, vector<16xf32>,
      %parallel_loop3A_761 = vector.broadcast %mul3A_48 : i32 to vector<16xi32>
      %parallel_loop3A_762 = arith.addi %parallel_loop3A_739, %parallel_loop3A_761 : vector<16xi32>
      %parallel_loop3A_763 = tpu.vector_load_idx %arg6[%parallel_loop3A_762] : memref<16640xf32, #tpu.memory_space<vmem>>[vector<16xi32>], vector<16xf32>,
      %parallel_loop3A_764 = arith.addf %parallel_loop3A_742, %parallel_loop3A_763 : vector<16xf32>
      %parallel_loop3A_765 = arith.index_cast %parallel_loop3A_737 : i32 to index
      %parallel_loop3A_766 = tpu.vector_load %arg22[%parallel_loop3A_765] {strides = array<i32>} : memref<4096xf32, #tpu.memory_space<vmem>>, vector<16xf32>,
      tpu.vector_store %arg22[%parallel_loop3A_765], %parallel_loop3A_764 {strides = array<i32>} : memref<4096xf32, #tpu.memory_space<vmem>>, vector<16xf32>,
      %parallel_loop3A_767 = vector.broadcast %mul3A_52 : i32 to vector<16xi32>
      %parallel_loop3A_768 = arith.addi %parallel_loop3A_739, %parallel_loop3A_767 : vector<16xi32>
      %parallel_loop3A_769 = tpu.vector_load_idx %arg6[%parallel_loop3A_768] : memref<16640xf32, #tpu.memory_space<vmem>>[vector<16xi32>], vector<16xf32>,
      %parallel_loop3A_770 = arith.addf %parallel_loop3A_742, %parallel_loop3A_769 : vector<16xf32>
      %parallel_loop3A_771 = arith.index_cast %parallel_loop3A_737 : i32 to index
      %parallel_loop3A_772 = tpu.vector_load %arg23[%parallel_loop3A_771] {strides = array<i32>} : memref<4096xf32, #tpu.memory_space<vmem>>, vector<16xf32>,
      tpu.vector_store %arg23[%parallel_loop3A_771], %parallel_loop3A_770 {strides = array<i32>} : memref<4096xf32, #tpu.memory_space<vmem>>, vector<16xf32>,
      %parallel_loop3A_773 = vector.broadcast %mul3A_56 : i32 to vector<16xi32>
      %parallel_loop3A_774 = arith.addi %parallel_loop3A_739, %parallel_loop3A_773 : vector<16xi32>
      %parallel_loop3A_775 = tpu.vector_load_idx %arg6[%parallel_loop3A_774] : memref<16640xf32, #tpu.memory_space<vmem>>[vector<16xi32>], vector<16xf32>,
      %parallel_loop3A_776 = arith.addf %parallel_loop3A_742, %parallel_loop3A_775 : vector<16xf32>
      %parallel_loop3A_777 = arith.index_cast %parallel_loop3A_737 : i32 to index
      %parallel_loop3A_778 = tpu.vector_load %arg24[%parallel_loop3A_777] {strides = array<i32>} : memref<4096xf32, #tpu.memory_space<vmem>>, vector<16xf32>,
      tpu.vector_store %arg24[%parallel_loop3A_777], %parallel_loop3A_776 {strides = array<i32>} : memref<4096xf32, #tpu.memory_space<vmem>>, vector<16xf32>,
      %parallel_loop3A_779 = vector.broadcast %mul3A_60 : i32 to vector<16xi32>
      %parallel_loop3A_780 = arith.addi %parallel_loop3A_739, %parallel_loop3A_779 : vector<16xi32>
      %parallel_loop3A_781 = tpu.vector_load_idx %arg6[%parallel_loop3A_780] : memref<16640xf32, #tpu.memory_space<vmem>>[vector<16xi32>], vector<16xf32>,
      %parallel_loop3A_782 = arith.addf %parallel_loop3A_742, %parallel_loop3A_781 : vector<16xf32>
      %parallel_loop3A_783 = arith.index_cast %parallel_loop3A_737 : i32 to index
      %parallel_loop3A_784 = tpu.vector_load %arg25[%parallel_loop3A_783] {strides = array<i32>} : memref<4096xf32, #tpu.memory_space<vmem>>, vector<16xf32>,
      tpu.vector_store %arg25[%parallel_loop3A_783], %parallel_loop3A_782 {strides = array<i32>} : memref<4096xf32, #tpu.memory_space<vmem>>, vector<16xf32>,
      %parallel_loop3A_785 = vector.broadcast %mul3A_64 : i32 to vector<16xi32>
      %parallel_loop3A_786 = arith.addi %parallel_loop3A_739, %parallel_loop3A_785 : vector<16xi32>
      %parallel_loop3A_787 = tpu.vector_load_idx %arg6[%parallel_loop3A_786] : memref<16640xf32, #tpu.memory_space<vmem>>[vector<16xi32>], vector<16xf32>,
      %parallel_loop3A_788 = arith.addf %parallel_loop3A_742, %parallel_loop3A_787 : vector<16xf32>
      %parallel_loop3A_789 = arith.index_cast %parallel_loop3A_737 : i32 to index
      %parallel_loop3A_790 = tpu.vector_load %arg26[%parallel_loop3A_789] {strides = array<i32>} : memref<4096xf32, #tpu.memory_space<vmem>>, vector<16xf32>,
      tpu.vector_store %arg26[%parallel_loop3A_789], %parallel_loop3A_788 {strides = array<i32>} : memref<4096xf32, #tpu.memory_space<vmem>>, vector<16xf32>,
    } {sc.loop_unroll_factor = 4 : i64, sc.parallel_access}
    %add3A_224 = arith.constant 0 : i32
    %add3A_225 = arith.addi %mul3A_32, %add3A_224 : i32
    %dma_start3A_226 = arith.constant 0 : i32
    %dma_start3A_227 = tpu.memref_slice %arg19[%dma_start3A_226] : memref<4096xf32, #tpu.memory_space<vmem>> -> memref<4096xf32, #tpu.memory_space<vmem>>
    %dma_start3A_228 = arith.constant 4096 : i32
    %dma_start3A_229 = tpu.memref_slice %arg5[%select_n3A, %add3A_225, %dma_start3A_228] : memref<8x32x263169xf32, #tpu.memory_space<hbm>> -> memref<1x1x4096xf32, #tpu.memory_space<hbm>>
    %dma_start3A_230 = tpu.memref_squeeze %dma_start3A_229 : memref<1x1x4096xf32, #tpu.memory_space<hbm>> -> memref<4096xf32, #tpu.memory_space<hbm>>
    %dma_start3A_231 = arith.constant 4096 : i32
    %dma_start3A_232 = tpu.memref_slice %arg5[%select_n3A, %add3A_225, %dma_start3A_231] : memref<8x32x263169xf32, #tpu.memory_space<hbm>> -> memref<1x1x4096xf32, #tpu.memory_space<hbm>>
    %dma_start3A_233 = tpu.memref_squeeze %dma_start3A_232 : memref<1x1x4096xf32, #tpu.memory_space<hbm>> -> memref<4096xf32, #tpu.memory_space<hbm>>
    %dma_start3A_234 = arith.constant 0 : i32
    %dma_start3A_235 = tpu.memref_slice %arg19[%dma_start3A_234] : memref<4096xf32, #tpu.memory_space<vmem>> -> memref<4096xf32, #tpu.memory_space<vmem>>
    tpu.enqueue_dma source(%dma_start3A_235 : memref<4096xf32, #tpu.memory_space<vmem>>) target(%dma_start3A_233 : memref<4096xf32, #tpu.memory_space<hbm>>) target_semaphore(%arg30 : memref<!tpu.dma_semaphore, #tpu.memory_space<semaphore_mem>>)
    %add3A_236 = arith.constant 1 : i32
    %add3A_237 = arith.addi %mul3A_32, %add3A_236 : i32
    %dma_start3A_238 = arith.constant 0 : i32
    %dma_start3A_239 = tpu.memref_slice %arg20[%dma_start3A_238] : memref<4096xf32, #tpu.memory_space<vmem>> -> memref<4096xf32, #tpu.memory_space<vmem>>
    %dma_start3A_240 = arith.constant 4096 : i32
    %dma_start3A_241 = tpu.memref_slice %arg5[%select_n3A, %add3A_237, %dma_start3A_240] : memref<8x32x263169xf32, #tpu.memory_space<hbm>> -> memref<1x1x4096xf32, #tpu.memory_space<hbm>>
    %dma_start3A_242 = tpu.memref_squeeze %dma_start3A_241 : memref<1x1x4096xf32, #tpu.memory_space<hbm>> -> memref<4096xf32, #tpu.memory_space<hbm>>
    %dma_start3A_243 = arith.constant 4096 : i32
    %dma_start3A_244 = tpu.memref_slice %arg5[%select_n3A, %add3A_237, %dma_start3A_243] : memref<8x32x263169xf32, #tpu.memory_space<hbm>> -> memref<1x1x4096xf32, #tpu.memory_space<hbm>>
    %dma_start3A_245 = tpu.memref_squeeze %dma_start3A_244 : memref<1x1x4096xf32, #tpu.memory_space<hbm>> -> memref<4096xf32, #tpu.memory_space<hbm>>
    %dma_start3A_246 = arith.constant 0 : i32
    %dma_start3A_247 = tpu.memref_slice %arg20[%dma_start3A_246] : memref<4096xf32, #tpu.memory_space<vmem>> -> memref<4096xf32, #tpu.memory_space<vmem>>
    tpu.enqueue_dma source(%dma_start3A_247 : memref<4096xf32, #tpu.memory_space<vmem>>) target(%dma_start3A_245 : memref<4096xf32, #tpu.memory_space<hbm>>) target_semaphore(%arg30 : memref<!tpu.dma_semaphore, #tpu.memory_space<semaphore_mem>>)
    %add3A_248 = arith.constant 2 : i32
    %add3A_249 = arith.addi %mul3A_32, %add3A_248 : i32
    %dma_start3A_250 = arith.constant 0 : i32
    %dma_start3A_251 = tpu.memref_slice %arg21[%dma_start3A_250] : memref<4096xf32, #tpu.memory_space<vmem>> -> memref<4096xf32, #tpu.memory_space<vmem>>
    %dma_start3A_252 = arith.constant 4096 : i32
    %dma_start3A_253 = tpu.memref_slice %arg5[%select_n3A, %add3A_249, %dma_start3A_252] : memref<8x32x263169xf32, #tpu.memory_space<hbm>> -> memref<1x1x4096xf32, #tpu.memory_space<hbm>>
    %dma_start3A_254 = tpu.memref_squeeze %dma_start3A_253 : memref<1x1x4096xf32, #tpu.memory_space<hbm>> -> memref<4096xf32, #tpu.memory_space<hbm>>
    %dma_start3A_255 = arith.constant 4096 : i32
    %dma_start3A_256 = tpu.memref_slice %arg5[%select_n3A, %add3A_249, %dma_start3A_255] : memref<8x32x263169xf32, #tpu.memory_space<hbm>> -> memref<1x1x4096xf32, #tpu.memory_space<hbm>>
    %dma_start3A_257 = tpu.memref_squeeze %dma_start3A_256 : memref<1x1x4096xf32, #tpu.memory_space<hbm>> -> memref<4096xf32, #tpu.memory_space<hbm>>
    %dma_start3A_258 = arith.constant 0 : i32
    %dma_start3A_259 = tpu.memref_slice %arg21[%dma_start3A_258] : memref<4096xf32, #tpu.memory_space<vmem>> -> memref<4096xf32, #tpu.memory_space<vmem>>
    tpu.enqueue_dma source(%dma_start3A_259 : memref<4096xf32, #tpu.memory_space<vmem>>) target(%dma_start3A_257 : memref<4096xf32, #tpu.memory_space<hbm>>) target_semaphore(%arg30 : memref<!tpu.dma_semaphore, #tpu.memory_space<semaphore_mem>>)
    %add3A_260 = arith.constant 3 : i32
    %add3A_261 = arith.addi %mul3A_32, %add3A_260 : i32
    %dma_start3A_262 = arith.constant 0 : i32
    %dma_start3A_263 = tpu.memref_slice %arg22[%dma_start3A_262] : memref<4096xf32, #tpu.memory_space<vmem>> -> memref<4096xf32, #tpu.memory_space<vmem>>
    %dma_start3A_264 = arith.constant 4096 : i32
    %dma_start3A_265 = tpu.memref_slice %arg5[%select_n3A, %add3A_261, %dma_start3A_264] : memref<8x32x263169xf32, #tpu.memory_space<hbm>> -> memref<1x1x4096xf32, #tpu.memory_space<hbm>>
    %dma_start3A_266 = tpu.memref_squeeze %dma_start3A_265 : memref<1x1x4096xf32, #tpu.memory_space<hbm>> -> memref<4096xf32, #tpu.memory_space<hbm>>
    %dma_start3A_267 = arith.constant 4096 : i32
    %dma_start3A_268 = tpu.memref_slice %arg5[%select_n3A, %add3A_261, %dma_start3A_267] : memref<8x32x263169xf32, #tpu.memory_space<hbm>> -> memref<1x1x4096xf32, #tpu.memory_space<hbm>>
    %dma_start3A_269 = tpu.memref_squeeze %dma_start3A_268 : memref<1x1x4096xf32, #tpu.memory_space<hbm>> -> memref<4096xf32, #tpu.memory_space<hbm>>
    %dma_start3A_270 = arith.constant 0 : i32
    %dma_start3A_271 = tpu.memref_slice %arg22[%dma_start3A_270] : memref<4096xf32, #tpu.memory_space<vmem>> -> memref<4096xf32, #tpu.memory_space<vmem>>
    tpu.enqueue_dma source(%dma_start3A_271 : memref<4096xf32, #tpu.memory_space<vmem>>) target(%dma_start3A_269 : memref<4096xf32, #tpu.memory_space<hbm>>) target_semaphore(%arg30 : memref<!tpu.dma_semaphore, #tpu.memory_space<semaphore_mem>>)
    %add3A_272 = arith.constant 4 : i32
    %add3A_273 = arith.addi %mul3A_32, %add3A_272 : i32
    %dma_start3A_274 = arith.constant 0 : i32
    %dma_start3A_275 = tpu.memref_slice %arg23[%dma_start3A_274] : memref<4096xf32, #tpu.memory_space<vmem>> -> memref<4096xf32, #tpu.memory_space<vmem>>
    %dma_start3A_276 = arith.constant 4096 : i32
    %dma_start3A_277 = tpu.memref_slice %arg5[%select_n3A, %add3A_273, %dma_start3A_276] : memref<8x32x263169xf32, #tpu.memory_space<hbm>> -> memref<1x1x4096xf32, #tpu.memory_space<hbm>>
    %dma_start3A_278 = tpu.memref_squeeze %dma_start3A_277 : memref<1x1x4096xf32, #tpu.memory_space<hbm>> -> memref<4096xf32, #tpu.memory_space<hbm>>
    %dma_start3A_279 = arith.constant 4096 : i32
    %dma_start3A_280 = tpu.memref_slice %arg5[%select_n3A, %add3A_273, %dma_start3A_279] : memref<8x32x263169xf32, #tpu.memory_space<hbm>> -> memref<1x1x4096xf32, #tpu.memory_space<hbm>>
    %dma_start3A_281 = tpu.memref_squeeze %dma_start3A_280 : memref<1x1x4096xf32, #tpu.memory_space<hbm>> -> memref<4096xf32, #tpu.memory_space<hbm>>
    %dma_start3A_282 = arith.constant 0 : i32
    %dma_start3A_283 = tpu.memref_slice %arg23[%dma_start3A_282] : memref<4096xf32, #tpu.memory_space<vmem>> -> memref<4096xf32, #tpu.memory_space<vmem>>
    tpu.enqueue_dma source(%dma_start3A_283 : memref<4096xf32, #tpu.memory_space<vmem>>) target(%dma_start3A_281 : memref<4096xf32, #tpu.memory_space<hbm>>) target_semaphore(%arg30 : memref<!tpu.dma_semaphore, #tpu.memory_space<semaphore_mem>>)
    %add3A_284 = arith.constant 5 : i32
    %add3A_285 = arith.addi %mul3A_32, %add3A_284 : i32
    %dma_start3A_286 = arith.constant 0 : i32
    %dma_start3A_287 = tpu.memref_slice %arg24[%dma_start3A_286] : memref<4096xf32, #tpu.memory_space<vmem>> -> memref<4096xf32, #tpu.memory_space<vmem>>
    %dma_start3A_288 = arith.constant 4096 : i32
    %dma_start3A_289 = tpu.memref_slice %arg5[%select_n3A, %add3A_285, %dma_start3A_288] : memref<8x32x263169xf32, #tpu.memory_space<hbm>> -> memref<1x1x4096xf32, #tpu.memory_space<hbm>>
    %dma_start3A_290 = tpu.memref_squeeze %dma_start3A_289 : memref<1x1x4096xf32, #tpu.memory_space<hbm>> -> memref<4096xf32, #tpu.memory_space<hbm>>
    %dma_start3A_291 = arith.constant 4096 : i32
    %dma_start3A_292 = tpu.memref_slice %arg5[%select_n3A, %add3A_285, %dma_start3A_291] : memref<8x32x263169xf32, #tpu.memory_space<hbm>> -> memref<1x1x4096xf32, #tpu.memory_space<hbm>>
    %dma_start3A_293 = tpu.memref_squeeze %dma_start3A_292 : memref<1x1x4096xf32, #tpu.memory_space<hbm>> -> memref<4096xf32, #tpu.memory_space<hbm>>
    %dma_start3A_294 = arith.constant 0 : i32
    %dma_start3A_295 = tpu.memref_slice %arg24[%dma_start3A_294] : memref<4096xf32, #tpu.memory_space<vmem>> -> memref<4096xf32, #tpu.memory_space<vmem>>
    tpu.enqueue_dma source(%dma_start3A_295 : memref<4096xf32, #tpu.memory_space<vmem>>) target(%dma_start3A_293 : memref<4096xf32, #tpu.memory_space<hbm>>) target_semaphore(%arg30 : memref<!tpu.dma_semaphore, #tpu.memory_space<semaphore_mem>>)
    %add3A_296 = arith.constant 6 : i32
    %add3A_297 = arith.addi %mul3A_32, %add3A_296 : i32
    %dma_start3A_298 = arith.constant 0 : i32
    %dma_start3A_299 = tpu.memref_slice %arg25[%dma_start3A_298] : memref<4096xf32, #tpu.memory_space<vmem>> -> memref<4096xf32, #tpu.memory_space<vmem>>
    %dma_start3A_300 = arith.constant 4096 : i32
    %dma_start3A_301 = tpu.memref_slice %arg5[%select_n3A, %add3A_297, %dma_start3A_300] : memref<8x32x263169xf32, #tpu.memory_space<hbm>> -> memref<1x1x4096xf32, #tpu.memory_space<hbm>>
    %dma_start3A_302 = tpu.memref_squeeze %dma_start3A_301 : memref<1x1x4096xf32, #tpu.memory_space<hbm>> -> memref<4096xf32, #tpu.memory_space<hbm>>
    %dma_start3A_303 = arith.constant 4096 : i32
    %dma_start3A_304 = tpu.memref_slice %arg5[%select_n3A, %add3A_297, %dma_start3A_303] : memref<8x32x263169xf32, #tpu.memory_space<hbm>> -> memref<1x1x4096xf32, #tpu.memory_space<hbm>>
    %dma_start3A_305 = tpu.memref_squeeze %dma_start3A_304 : memref<1x1x4096xf32, #tpu.memory_space<hbm>> -> memref<4096xf32, #tpu.memory_space<hbm>>
    %dma_start3A_306 = arith.constant 0 : i32
    %dma_start3A_307 = tpu.memref_slice %arg25[%dma_start3A_306] : memref<4096xf32, #tpu.memory_space<vmem>> -> memref<4096xf32, #tpu.memory_space<vmem>>
    tpu.enqueue_dma source(%dma_start3A_307 : memref<4096xf32, #tpu.memory_space<vmem>>) target(%dma_start3A_305 : memref<4096xf32, #tpu.memory_space<hbm>>) target_semaphore(%arg30 : memref<!tpu.dma_semaphore, #tpu.memory_space<semaphore_mem>>)
    %add3A_308 = arith.constant 7 : i32
    %add3A_309 = arith.addi %mul3A_32, %add3A_308 : i32
    %dma_start3A_310 = arith.constant 0 : i32
    %dma_start3A_311 = tpu.memref_slice %arg26[%dma_start3A_310] : memref<4096xf32, #tpu.memory_space<vmem>> -> memref<4096xf32, #tpu.memory_space<vmem>>
    %dma_start3A_312 = arith.constant 4096 : i32
    %dma_start3A_313 = tpu.memref_slice %arg5[%select_n3A, %add3A_309, %dma_start3A_312] : memref<8x32x263169xf32, #tpu.memory_space<hbm>> -> memref<1x1x4096xf32, #tpu.memory_space<hbm>>
    %dma_start3A_314 = tpu.memref_squeeze %dma_start3A_313 : memref<1x1x4096xf32, #tpu.memory_space<hbm>> -> memref<4096xf32, #tpu.memory_space<hbm>>
    %dma_start3A_315 = arith.constant 4096 : i32
    %dma_start3A_316 = tpu.memref_slice %arg5[%select_n3A, %add3A_309, %dma_start3A_315] : memref<8x32x263169xf32, #tpu.memory_space<hbm>> -> memref<1x1x4096xf32, #tpu.memory_space<hbm>>
    %dma_start3A_317 = tpu.memref_squeeze %dma_start3A_316 : memref<1x1x4096xf32, #tpu.memory_space<hbm>> -> memref<4096xf32, #tpu.memory_space<hbm>>
    %dma_start3A_318 = arith.constant 0 : i32
    %dma_start3A_319 = tpu.memref_slice %arg26[%dma_start3A_318] : memref<4096xf32, #tpu.memory_space<vmem>> -> memref<4096xf32, #tpu.memory_space<vmem>>
    tpu.enqueue_dma source(%dma_start3A_319 : memref<4096xf32, #tpu.memory_space<vmem>>) target(%dma_start3A_317 : memref<4096xf32, #tpu.memory_space<hbm>>) target_semaphore(%arg30 : memref<!tpu.dma_semaphore, #tpu.memory_space<semaphore_mem>>)
    %dma_start3A_320 = arith.constant 12288 : i32
    %dma_start3A_321 = tpu.memref_slice %arg3[%select_n3A, %dma_start3A_320] : memref<8x274432xi32, #tpu.memory_space<hbm>> -> memref<1x4096xi32, #tpu.memory_space<hbm>>
    %dma_start3A_322 = tpu.memref_squeeze %dma_start3A_321 : memref<1x4096xi32, #tpu.memory_space<hbm>> -> memref<4096xi32, #tpu.memory_space<hbm>>
    %dma_start3A_323 = arith.constant 12288 : i32
    %dma_start3A_324 = tpu.memref_slice %arg3[%select_n3A, %dma_start3A_323] : memref<8x274432xi32, #tpu.memory_space<hbm>> -> memref<1x4096xi32, #tpu.memory_space<hbm>>
    %dma_start3A_325 = tpu.memref_squeeze %dma_start3A_324 : memref<1x4096xi32, #tpu.memory_space<hbm>> -> memref<4096xi32, #tpu.memory_space<hbm>>
    tpu.enqueue_dma source(%dma_start3A_325 : memref<4096xi32, #tpu.memory_space<hbm>>) target(%arg8 : memref<4096xi32, #tpu.memory_space<vmem>>) target_semaphore(%arg28 : memref<!tpu.dma_semaphore, #tpu.memory_space<semaphore_mem>>)
    %dma_start3A_326 = arith.constant 12288 : i32
    %dma_start3A_327 = tpu.memref_slice %arg2[%select_n3A, %dma_start3A_326] : memref<8x274432xf32, #tpu.memory_space<hbm>> -> memref<1x4096xf32, #tpu.memory_space<hbm>>
    %dma_start3A_328 = tpu.memref_squeeze %dma_start3A_327 : memref<1x4096xf32, #tpu.memory_space<hbm>> -> memref<4096xf32, #tpu.memory_space<hbm>>
    %dma_start3A_329 = arith.constant 12288 : i32
    %dma_start3A_330 = tpu.memref_slice %arg2[%select_n3A, %dma_start3A_329] : memref<8x274432xf32, #tpu.memory_space<hbm>> -> memref<1x4096xf32, #tpu.memory_space<hbm>>
    %dma_start3A_331 = tpu.memref_squeeze %dma_start3A_330 : memref<1x4096xf32, #tpu.memory_space<hbm>> -> memref<4096xf32, #tpu.memory_space<hbm>>
    tpu.enqueue_dma source(%dma_start3A_331 : memref<4096xf32, #tpu.memory_space<hbm>>) target(%arg10 : memref<4096xf32, #tpu.memory_space<vmem>>) target_semaphore(%arg28 : memref<!tpu.dma_semaphore, #tpu.memory_space<semaphore_mem>>)
    %scan3A = arith.constant 0 : i32
    %scan3A_332 = arith.constant 1 : i32
    %scan3A_333 = arith.constant 31 : i32
    %scan3A_334 = arith.addi %scan3A_332, %scan3A_333 : i32
    %scan3A_335 = arith.constant 1 : i32
    %scan3A_336 = scf.for %scan3A_737 = %scan3A_332 to %scan3A_334 step %scan3A_335 iter_args(%scan3A_738 = %scan3A) -> (i32)  : i32 {
      %mul3A_739 = arith.constant 2 : i32
      %mul3A_740 = arith.muli %mul3A_739, %scan3A_737 : i32
      %add3A_741 = arith.constant 0 : i32
      %add3A_742 = arith.addi %mul3A_740, %add3A_741 : i32
      %mul3A_743 = arith.constant 4096 : i32
      %mul3A_744 = arith.muli %add3A_742, %mul3A_743 : i32
      %dma_wait3A_745 = tpu.memref_slice %arg3[%select_n3A, %mul3A_744] : memref<8x274432xi32, #tpu.memory_space<hbm>> -> memref<1x4096xi32, #tpu.memory_space<hbm>>
      %dma_wait3A_746 = tpu.memref_squeeze %dma_wait3A_745 : memref<1x4096xi32, #tpu.memory_space<hbm>> -> memref<4096xi32, #tpu.memory_space<hbm>>
      %dma_wait3A_747 = tpu.memref_slice %arg3[%select_n3A, %mul3A_744] : memref<8x274432xi32, #tpu.memory_space<hbm>> -> memref<1x4096xi32, #tpu.memory_space<hbm>>
      %dma_wait3A_748 = tpu.memref_squeeze %dma_wait3A_747 : memref<1x4096xi32, #tpu.memory_space<hbm>> -> memref<4096xi32, #tpu.memory_space<hbm>>
      tpu.wait_dma2 semaphore(%arg27 : memref<!tpu.dma_semaphore, #tpu.memory_space<semaphore_mem>>) src(%dma_wait3A_748 : memref<4096xi32, #tpu.memory_space<hbm>>) dst(%arg7 : memref<4096xi32, #tpu.memory_space<vmem>>)
      %dma_wait3A_749 = tpu.memref_slice %arg2[%select_n3A, %mul3A_744] : memref<8x274432xf32, #tpu.memory_space<hbm>> -> memref<1x4096xf32, #tpu.memory_space<hbm>>
      %dma_wait3A_750 = tpu.memref_squeeze %dma_wait3A_749 : memref<1x4096xf32, #tpu.memory_space<hbm>> -> memref<4096xf32, #tpu.memory_space<hbm>>
      %dma_wait3A_751 = tpu.memref_slice %arg2[%select_n3A, %mul3A_744] : memref<8x274432xf32, #tpu.memory_space<hbm>> -> memref<1x4096xf32, #tpu.memory_space<hbm>>
      %dma_wait3A_752 = tpu.memref_squeeze %dma_wait3A_751 : memref<1x4096xf32, #tpu.memory_space<hbm>> -> memref<4096xf32, #tpu.memory_space<hbm>>
      tpu.wait_dma2 semaphore(%arg27 : memref<!tpu.dma_semaphore, #tpu.memory_space<semaphore_mem>>) src(%dma_wait3A_752 : memref<4096xf32, #tpu.memory_space<hbm>>) dst(%arg9 : memref<4096xf32, #tpu.memory_space<vmem>>)
      %sub3A_753 = arith.constant 2 : i32
      %sub3A_754 = arith.subi %add3A_742, %sub3A_753 : i32
      %mul3A_755 = arith.constant 4096 : i32
      %mul3A_756 = arith.muli %sub3A_754, %mul3A_755 : i32
      %add3A_757 = arith.constant 0 : i32
      %add3A_758 = arith.addi %mul3A_32, %add3A_757 : i32
      %dma_wait3A_759 = arith.constant 0 : i32
      %dma_wait3A_760 = tpu.memref_slice %arg11[%dma_wait3A_759] : memref<4096xf32, #tpu.memory_space<vmem>> -> memref<4096xf32, #tpu.memory_space<vmem>>
      %dma_wait3A_761 = tpu.memref_slice %arg5[%select_n3A, %add3A_758, %mul3A_756] : memref<8x32x263169xf32, #tpu.memory_space<hbm>> -> memref<1x1x4096xf32, #tpu.memory_space<hbm>>
      %dma_wait3A_762 = tpu.memref_squeeze %dma_wait3A_761 : memref<1x1x4096xf32, #tpu.memory_space<hbm>> -> memref<4096xf32, #tpu.memory_space<hbm>>
      %dma_wait3A_763 = tpu.memref_slice %arg5[%select_n3A, %add3A_758, %mul3A_756] : memref<8x32x263169xf32, #tpu.memory_space<hbm>> -> memref<1x1x4096xf32, #tpu.memory_space<hbm>>
      %dma_wait3A_764 = tpu.memref_squeeze %dma_wait3A_763 : memref<1x1x4096xf32, #tpu.memory_space<hbm>> -> memref<4096xf32, #tpu.memory_space<hbm>>
      %dma_wait3A_765 = arith.constant 0 : i32
      %dma_wait3A_766 = tpu.memref_slice %arg11[%dma_wait3A_765] : memref<4096xf32, #tpu.memory_space<vmem>> -> memref<4096xf32, #tpu.memory_space<vmem>>
      tpu.wait_dma2 semaphore(%arg29 : memref<!tpu.dma_semaphore, #tpu.memory_space<semaphore_mem>>) src(%dma_wait3A_766 : memref<4096xf32, #tpu.memory_space<vmem>>) dst(%dma_wait3A_764 : memref<4096xf32, #tpu.memory_space<hbm>>)
      %add3A_767 = arith.constant 1 : i32
      %add3A_768 = arith.addi %mul3A_32, %add3A_767 : i32
      %dma_wait3A_769 = arith.constant 0 : i32
      %dma_wait3A_770 = tpu.memref_slice %arg12[%dma_wait3A_769] : memref<4096xf32, #tpu.memory_space<vmem>> -> memref<4096xf32, #tpu.memory_space<vmem>>
      %dma_wait3A_771 = tpu.memref_slice %arg5[%select_n3A, %add3A_768, %mul3A_756] : memref<8x32x263169xf32, #tpu.memory_space<hbm>> -> memref<1x1x4096xf32, #tpu.memory_space<hbm>>
      %dma_wait3A_772 = tpu.memref_squeeze %dma_wait3A_771 : memref<1x1x4096xf32, #tpu.memory_space<hbm>> -> memref<4096xf32, #tpu.memory_space<hbm>>
      %dma_wait3A_773 = tpu.memref_slice %arg5[%select_n3A, %add3A_768, %mul3A_756] : memref<8x32x263169xf32, #tpu.memory_space<hbm>> -> memref<1x1x4096xf32, #tpu.memory_space<hbm>>
      %dma_wait3A_774 = tpu.memref_squeeze %dma_wait3A_773 : memref<1x1x4096xf32, #tpu.memory_space<hbm>> -> memref<4096xf32, #tpu.memory_space<hbm>>
      %dma_wait3A_775 = arith.constant 0 : i32
      %dma_wait3A_776 = tpu.memref_slice %arg12[%dma_wait3A_775] : memref<4096xf32, #tpu.memory_space<vmem>> -> memref<4096xf32, #tpu.memory_space<vmem>>
      tpu.wait_dma2 semaphore(%arg29 : memref<!tpu.dma_semaphore, #tpu.memory_space<semaphore_mem>>) src(%dma_wait3A_776 : memref<4096xf32, #tpu.memory_space<vmem>>) dst(%dma_wait3A_774 : memref<4096xf32, #tpu.memory_space<hbm>>)
      %add3A_777 = arith.constant 2 : i32
      %add3A_778 = arith.addi %mul3A_32, %add3A_777 : i32
      %dma_wait3A_779 = arith.constant 0 : i32
      %dma_wait3A_780 = tpu.memref_slice %arg13[%dma_wait3A_779] : memref<4096xf32, #tpu.memory_space<vmem>> -> memref<4096xf32, #tpu.memory_space<vmem>>
      %dma_wait3A_781 = tpu.memref_slice %arg5[%select_n3A, %add3A_778, %mul3A_756] : memref<8x32x263169xf32, #tpu.memory_space<hbm>> -> memref<1x1x4096xf32, #tpu.memory_space<hbm>>
      %dma_wait3A_782 = tpu.memref_squeeze %dma_wait3A_781 : memref<1x1x4096xf32, #tpu.memory_space<hbm>> -> memref<4096xf32, #tpu.memory_space<hbm>>
      %dma_wait3A_783 = tpu.memref_slice %arg5[%select_n3A, %add3A_778, %mul3A_756] : memref<8x32x263169xf32, #tpu.memory_space<hbm>> -> memref<1x1x4096xf32, #tpu.memory_space<hbm>>
      %dma_wait3A_784 = tpu.memref_squeeze %dma_wait3A_783 : memref<1x1x4096xf32, #tpu.memory_space<hbm>> -> memref<4096xf32, #tpu.memory_space<hbm>>
      %dma_wait3A_785 = arith.constant 0 : i32
      %dma_wait3A_786 = tpu.memref_slice %arg13[%dma_wait3A_785] : memref<4096xf32, #tpu.memory_space<vmem>> -> memref<4096xf32, #tpu.memory_space<vmem>>
      tpu.wait_dma2 semaphore(%arg29 : memref<!tpu.dma_semaphore, #tpu.memory_space<semaphore_mem>>) src(%dma_wait3A_786 : memref<4096xf32, #tpu.memory_space<vmem>>) dst(%dma_wait3A_784 : memref<4096xf32, #tpu.memory_space<hbm>>)
      %add3A_787 = arith.constant 3 : i32
      %add3A_788 = arith.addi %mul3A_32, %add3A_787 : i32
      %dma_wait3A_789 = arith.constant 0 : i32
      %dma_wait3A_790 = tpu.memref_slice %arg14[%dma_wait3A_789] : memref<4096xf32, #tpu.memory_space<vmem>> -> memref<4096xf32, #tpu.memory_space<vmem>>
      %dma_wait3A_791 = tpu.memref_slice %arg5[%select_n3A, %add3A_788, %mul3A_756] : memref<8x32x263169xf32, #tpu.memory_space<hbm>> -> memref<1x1x4096xf32, #tpu.memory_space<hbm>>
      %dma_wait3A_792 = tpu.memref_squeeze %dma_wait3A_791 : memref<1x1x4096xf32, #tpu.memory_space<hbm>> -> memref<4096xf32, #tpu.memory_space<hbm>>
      %dma_wait3A_793 = tpu.memref_slice %arg5[%select_n3A, %add3A_788, %mul3A_756] : memref<8x32x263169xf32, #tpu.memory_space<hbm>> -> memref<1x1x4096xf32, #tpu.memory_space<hbm>>
      %dma_wait3A_794 = tpu.memref_squeeze %dma_wait3A_793 : memref<1x1x4096xf32, #tpu.memory_space<hbm>> -> memref<4096xf32, #tpu.memory_space<hbm>>
      %dma_wait3A_795 = arith.constant 0 : i32
      %dma_wait3A_796 = tpu.memref_slice %arg14[%dma_wait3A_795] : memref<4096xf32, #tpu.memory_space<vmem>> -> memref<4096xf32, #tpu.memory_space<vmem>>
      tpu.wait_dma2 semaphore(%arg29 : memref<!tpu.dma_semaphore, #tpu.memory_space<semaphore_mem>>) src(%dma_wait3A_796 : memref<4096xf32, #tpu.memory_space<vmem>>) dst(%dma_wait3A_794 : memref<4096xf32, #tpu.memory_space<hbm>>)
      %add3A_797 = arith.constant 4 : i32
      %add3A_798 = arith.addi %mul3A_32, %add3A_797 : i32
      %dma_wait3A_799 = arith.constant 0 : i32
      %dma_wait3A_800 = tpu.memref_slice %arg15[%dma_wait3A_799] : memref<4096xf32, #tpu.memory_space<vmem>> -> memref<4096xf32, #tpu.memory_space<vmem>>
      %dma_wait3A_801 = tpu.memref_slice %arg5[%select_n3A, %add3A_798, %mul3A_756] : memref<8x32x263169xf32, #tpu.memory_space<hbm>> -> memref<1x1x4096xf32, #tpu.memory_space<hbm>>
      %dma_wait3A_802 = tpu.memref_squeeze %dma_wait3A_801 : memref<1x1x4096xf32, #tpu.memory_space<hbm>> -> memref<4096xf32, #tpu.memory_space<hbm>>
      %dma_wait3A_803 = tpu.memref_slice %arg5[%select_n3A, %add3A_798, %mul3A_756] : memref<8x32x263169xf32, #tpu.memory_space<hbm>> -> memref<1x1x4096xf32, #tpu.memory_space<hbm>>
      %dma_wait3A_804 = tpu.memref_squeeze %dma_wait3A_803 : memref<1x1x4096xf32, #tpu.memory_space<hbm>> -> memref<4096xf32, #tpu.memory_space<hbm>>
      %dma_wait3A_805 = arith.constant 0 : i32
      %dma_wait3A_806 = tpu.memref_slice %arg15[%dma_wait3A_805] : memref<4096xf32, #tpu.memory_space<vmem>> -> memref<4096xf32, #tpu.memory_space<vmem>>
      tpu.wait_dma2 semaphore(%arg29 : memref<!tpu.dma_semaphore, #tpu.memory_space<semaphore_mem>>) src(%dma_wait3A_806 : memref<4096xf32, #tpu.memory_space<vmem>>) dst(%dma_wait3A_804 : memref<4096xf32, #tpu.memory_space<hbm>>)
      %add3A_807 = arith.constant 5 : i32
      %add3A_808 = arith.addi %mul3A_32, %add3A_807 : i32
      %dma_wait3A_809 = arith.constant 0 : i32
      %dma_wait3A_810 = tpu.memref_slice %arg16[%dma_wait3A_809] : memref<4096xf32, #tpu.memory_space<vmem>> -> memref<4096xf32, #tpu.memory_space<vmem>>
      %dma_wait3A_811 = tpu.memref_slice %arg5[%select_n3A, %add3A_808, %mul3A_756] : memref<8x32x263169xf32, #tpu.memory_space<hbm>> -> memref<1x1x4096xf32, #tpu.memory_space<hbm>>
      %dma_wait3A_812 = tpu.memref_squeeze %dma_wait3A_811 : memref<1x1x4096xf32, #tpu.memory_space<hbm>> -> memref<4096xf32, #tpu.memory_space<hbm>>
      %dma_wait3A_813 = tpu.memref_slice %arg5[%select_n3A, %add3A_808, %mul3A_756] : memref<8x32x263169xf32, #tpu.memory_space<hbm>> -> memref<1x1x4096xf32, #tpu.memory_space<hbm>>
      %dma_wait3A_814 = tpu.memref_squeeze %dma_wait3A_813 : memref<1x1x4096xf32, #tpu.memory_space<hbm>> -> memref<4096xf32, #tpu.memory_space<hbm>>
      %dma_wait3A_815 = arith.constant 0 : i32
      %dma_wait3A_816 = tpu.memref_slice %arg16[%dma_wait3A_815] : memref<4096xf32, #tpu.memory_space<vmem>> -> memref<4096xf32, #tpu.memory_space<vmem>>
      tpu.wait_dma2 semaphore(%arg29 : memref<!tpu.dma_semaphore, #tpu.memory_space<semaphore_mem>>) src(%dma_wait3A_816 : memref<4096xf32, #tpu.memory_space<vmem>>) dst(%dma_wait3A_814 : memref<4096xf32, #tpu.memory_space<hbm>>)
      %add3A_817 = arith.constant 6 : i32
      %add3A_818 = arith.addi %mul3A_32, %add3A_817 : i32
      %dma_wait3A_819 = arith.constant 0 : i32
      %dma_wait3A_820 = tpu.memref_slice %arg17[%dma_wait3A_819] : memref<4096xf32, #tpu.memory_space<vmem>> -> memref<4096xf32, #tpu.memory_space<vmem>>
      %dma_wait3A_821 = tpu.memref_slice %arg5[%select_n3A, %add3A_818, %mul3A_756] : memref<8x32x263169xf32, #tpu.memory_space<hbm>> -> memref<1x1x4096xf32, #tpu.memory_space<hbm>>
      %dma_wait3A_822 = tpu.memref_squeeze %dma_wait3A_821 : memref<1x1x4096xf32, #tpu.memory_space<hbm>> -> memref<4096xf32, #tpu.memory_space<hbm>>
      %dma_wait3A_823 = tpu.memref_slice %arg5[%select_n3A, %add3A_818, %mul3A_756] : memref<8x32x263169xf32, #tpu.memory_space<hbm>> -> memref<1x1x4096xf32, #tpu.memory_space<hbm>>
      %dma_wait3A_824 = tpu.memref_squeeze %dma_wait3A_823 : memref<1x1x4096xf32, #tpu.memory_space<hbm>> -> memref<4096xf32, #tpu.memory_space<hbm>>
      %dma_wait3A_825 = arith.constant 0 : i32
      %dma_wait3A_826 = tpu.memref_slice %arg17[%dma_wait3A_825] : memref<4096xf32, #tpu.memory_space<vmem>> -> memref<4096xf32, #tpu.memory_space<vmem>>
      tpu.wait_dma2 semaphore(%arg29 : memref<!tpu.dma_semaphore, #tpu.memory_space<semaphore_mem>>) src(%dma_wait3A_826 : memref<4096xf32, #tpu.memory_space<vmem>>) dst(%dma_wait3A_824 : memref<4096xf32, #tpu.memory_space<hbm>>)
      %add3A_827 = arith.constant 7 : i32
      %add3A_828 = arith.addi %mul3A_32, %add3A_827 : i32
      %dma_wait3A_829 = arith.constant 0 : i32
      %dma_wait3A_830 = tpu.memref_slice %arg18[%dma_wait3A_829] : memref<4096xf32, #tpu.memory_space<vmem>> -> memref<4096xf32, #tpu.memory_space<vmem>>
      %dma_wait3A_831 = tpu.memref_slice %arg5[%select_n3A, %add3A_828, %mul3A_756] : memref<8x32x263169xf32, #tpu.memory_space<hbm>> -> memref<1x1x4096xf32, #tpu.memory_space<hbm>>
      %dma_wait3A_832 = tpu.memref_squeeze %dma_wait3A_831 : memref<1x1x4096xf32, #tpu.memory_space<hbm>> -> memref<4096xf32, #tpu.memory_space<hbm>>
      %dma_wait3A_833 = tpu.memref_slice %arg5[%select_n3A, %add3A_828, %mul3A_756] : memref<8x32x263169xf32, #tpu.memory_space<hbm>> -> memref<1x1x4096xf32, #tpu.memory_space<hbm>>
      %dma_wait3A_834 = tpu.memref_squeeze %dma_wait3A_833 : memref<1x1x4096xf32, #tpu.memory_space<hbm>> -> memref<4096xf32, #tpu.memory_space<hbm>>
      %dma_wait3A_835 = arith.constant 0 : i32
      %dma_wait3A_836 = tpu.memref_slice %arg18[%dma_wait3A_835] : memref<4096xf32, #tpu.memory_space<vmem>> -> memref<4096xf32, #tpu.memory_space<vmem>>
      tpu.wait_dma2 semaphore(%arg29 : memref<!tpu.dma_semaphore, #tpu.memory_space<semaphore_mem>>) src(%dma_wait3A_836 : memref<4096xf32, #tpu.memory_space<vmem>>) dst(%dma_wait3A_834 : memref<4096xf32, #tpu.memory_space<hbm>>)
      %parallel_loop3A_837 = arith.constant 0 : i32
      %parallel_loop3A_838 = arith.constant 4096 : i32
      %parallel_loop3A_839 = arith.constant 16 : i32
      scf.for %parallel_loop3A_1130 = %parallel_loop3A_837 to %parallel_loop3A_838 step %parallel_loop3A_839  : i32 {
        %parallel_loop3A_1131 = arith.index_cast %parallel_loop3A_1130 : i32 to index
        %parallel_loop3A_1132 = tpu.vector_load %arg7[%parallel_loop3A_1131] {strides = array<i32>} : memref<4096xi32, #tpu.memory_space<vmem>>, vector<16xi32>,
        %parallel_loop3A_1133 = arith.index_cast %parallel_loop3A_1130 : i32 to index
        %parallel_loop3A_1134 = tpu.vector_load %arg9[%parallel_loop3A_1133] {strides = array<i32>} : memref<4096xf32, #tpu.memory_space<vmem>>, vector<16xf32>,
        %parallel_loop3A_1135 = arith.addf %parallel_loop3A_1134, %parallel_loop3A_1134 : vector<16xf32>
        %parallel_loop3A_1136 = vector.broadcast %mul3A_36 : i32 to vector<16xi32>
        %parallel_loop3A_1137 = arith.addi %parallel_loop3A_1132, %parallel_loop3A_1136 : vector<16xi32>
        %parallel_loop3A_1138 = tpu.vector_load_idx %arg6[%parallel_loop3A_1137] : memref<16640xf32, #tpu.memory_space<vmem>>[vector<16xi32>], vector<16xf32>,
        %parallel_loop3A_1139 = arith.addf %parallel_loop3A_1135, %parallel_loop3A_1138 : vector<16xf32>
        %parallel_loop3A_1140 = arith.index_cast %parallel_loop3A_1130 : i32 to index
        %parallel_loop3A_1141 = tpu.vector_load %arg11[%parallel_loop3A_1140] {strides = array<i32>} : memref<4096xf32, #tpu.memory_space<vmem>>, vector<16xf32>,
        tpu.vector_store %arg11[%parallel_loop3A_1140], %parallel_loop3A_1139 {strides = array<i32>} : memref<4096xf32, #tpu.memory_space<vmem>>, vector<16xf32>,
        %parallel_loop3A_1142 = vector.broadcast %mul3A_40 : i32 to vector<16xi32>
        %parallel_loop3A_1143 = arith.addi %parallel_loop3A_1132, %parallel_loop3A_1142 : vector<16xi32>
        %parallel_loop3A_1144 = tpu.vector_load_idx %arg6[%parallel_loop3A_1143] : memref<16640xf32, #tpu.memory_space<vmem>>[vector<16xi32>], vector<16xf32>,
        %parallel_loop3A_1145 = arith.addf %parallel_loop3A_1135, %parallel_loop3A_1144 : vector<16xf32>
        %parallel_loop3A_1146 = arith.index_cast %parallel_loop3A_1130 : i32 to index
        %parallel_loop3A_1147 = tpu.vector_load %arg12[%parallel_loop3A_1146] {strides = array<i32>} : memref<4096xf32, #tpu.memory_space<vmem>>, vector<16xf32>,
        tpu.vector_store %arg12[%parallel_loop3A_1146], %parallel_loop3A_1145 {strides = array<i32>} : memref<4096xf32, #tpu.memory_space<vmem>>, vector<16xf32>,
        %parallel_loop3A_1148 = vector.broadcast %mul3A_44 : i32 to vector<16xi32>
        %parallel_loop3A_1149 = arith.addi %parallel_loop3A_1132, %parallel_loop3A_1148 : vector<16xi32>
        %parallel_loop3A_1150 = tpu.vector_load_idx %arg6[%parallel_loop3A_1149] : memref<16640xf32, #tpu.memory_space<vmem>>[vector<16xi32>], vector<16xf32>,
        %parallel_loop3A_1151 = arith.addf %parallel_loop3A_1135, %parallel_loop3A_1150 : vector<16xf32>
        %parallel_loop3A_1152 = arith.index_cast %parallel_loop3A_1130 : i32 to index
        %parallel_loop3A_1153 = tpu.vector_load %arg13[%parallel_loop3A_1152] {strides = array<i32>} : memref<4096xf32, #tpu.memory_space<vmem>>, vector<16xf32>,
        tpu.vector_store %arg13[%parallel_loop3A_1152], %parallel_loop3A_1151 {strides = array<i32>} : memref<4096xf32, #tpu.memory_space<vmem>>, vector<16xf32>,
        %parallel_loop3A_1154 = vector.broadcast %mul3A_48 : i32 to vector<16xi32>
        %parallel_loop3A_1155 = arith.addi %parallel_loop3A_1132, %parallel_loop3A_1154 : vector<16xi32>
        %parallel_loop3A_1156 = tpu.vector_load_idx %arg6[%parallel_loop3A_1155] : memref<16640xf32, #tpu.memory_space<vmem>>[vector<16xi32>], vector<16xf32>,
        %parallel_loop3A_1157 = arith.addf %parallel_loop3A_1135, %parallel_loop3A_1156 : vector<16xf32>
        %parallel_loop3A_1158 = arith.index_cast %parallel_loop3A_1130 : i32 to index
        %parallel_loop3A_1159 = tpu.vector_load %arg14[%parallel_loop3A_1158] {strides = array<i32>} : memref<4096xf32, #tpu.memory_space<vmem>>, vector<16xf32>,
        tpu.vector_store %arg14[%parallel_loop3A_1158], %parallel_loop3A_1157 {strides = array<i32>} : memref<4096xf32, #tpu.memory_space<vmem>>, vector<16xf32>,
        %parallel_loop3A_1160 = vector.broadcast %mul3A_52 : i32 to vector<16xi32>
        %parallel_loop3A_1161 = arith.addi %parallel_loop3A_1132, %parallel_loop3A_1160 : vector<16xi32>
        %parallel_loop3A_1162 = tpu.vector_load_idx %arg6[%parallel_loop3A_1161] : memref<16640xf32, #tpu.memory_space<vmem>>[vector<16xi32>], vector<16xf32>,
        %parallel_loop3A_1163 = arith.addf %parallel_loop3A_1135, %parallel_loop3A_1162 : vector<16xf32>
        %parallel_loop3A_1164 = arith.index_cast %parallel_loop3A_1130 : i32 to index
        %parallel_loop3A_1165 = tpu.vector_load %arg15[%parallel_loop3A_1164] {strides = array<i32>} : memref<4096xf32, #tpu.memory_space<vmem>>, vector<16xf32>,
        tpu.vector_store %arg15[%parallel_loop3A_1164], %parallel_loop3A_1163 {strides = array<i32>} : memref<4096xf32, #tpu.memory_space<vmem>>, vector<16xf32>,
        %parallel_loop3A_1166 = vector.broadcast %mul3A_56 : i32 to vector<16xi32>
        %parallel_loop3A_1167 = arith.addi %parallel_loop3A_1132, %parallel_loop3A_1166 : vector<16xi32>
        %parallel_loop3A_1168 = tpu.vector_load_idx %arg6[%parallel_loop3A_1167] : memref<16640xf32, #tpu.memory_space<vmem>>[vector<16xi32>], vector<16xf32>,
        %parallel_loop3A_1169 = arith.addf %parallel_loop3A_1135, %parallel_loop3A_1168 : vector<16xf32>
        %parallel_loop3A_1170 = arith.index_cast %parallel_loop3A_1130 : i32 to index
        %parallel_loop3A_1171 = tpu.vector_load %arg16[%parallel_loop3A_1170] {strides = array<i32>} : memref<4096xf32, #tpu.memory_space<vmem>>, vector<16xf32>,
        tpu.vector_store %arg16[%parallel_loop3A_1170], %parallel_loop3A_1169 {strides = array<i32>} : memref<4096xf32, #tpu.memory_space<vmem>>, vector<16xf32>,
        %parallel_loop3A_1172 = vector.broadcast %mul3A_60 : i32 to vector<16xi32>
        %parallel_loop3A_1173 = arith.addi %parallel_loop3A_1132, %parallel_loop3A_1172 : vector<16xi32>
        %parallel_loop3A_1174 = tpu.vector_load_idx %arg6[%parallel_loop3A_1173] : memref<16640xf32, #tpu.memory_space<vmem>>[vector<16xi32>], vector<16xf32>,
        %parallel_loop3A_1175 = arith.addf %parallel_loop3A_1135, %parallel_loop3A_1174 : vector<16xf32>
        %parallel_loop3A_1176 = arith.index_cast %parallel_loop3A_1130 : i32 to index
        %parallel_loop3A_1177 = tpu.vector_load %arg17[%parallel_loop3A_1176] {strides = array<i32>} : memref<4096xf32, #tpu.memory_space<vmem>>, vector<16xf32>,
        tpu.vector_store %arg17[%parallel_loop3A_1176], %parallel_loop3A_1175 {strides = array<i32>} : memref<4096xf32, #tpu.memory_space<vmem>>, vector<16xf32>,
        %parallel_loop3A_1178 = vector.broadcast %mul3A_64 : i32 to vector<16xi32>
        %parallel_loop3A_1179 = arith.addi %parallel_loop3A_1132, %parallel_loop3A_1178 : vector<16xi32>
        %parallel_loop3A_1180 = tpu.vector_load_idx %arg6[%parallel_loop3A_1179] : memref<16640xf32, #tpu.memory_space<vmem>>[vector<16xi32>], vector<16xf32>,
        %parallel_loop3A_1181 = arith.addf %parallel_loop3A_1135, %parallel_loop3A_1180 : vector<16xf32>
        %parallel_loop3A_1182 = arith.index_cast %parallel_loop3A_1130 : i32 to index
        %parallel_loop3A_1183 = tpu.vector_load %arg18[%parallel_loop3A_1182] {strides = array<i32>} : memref<4096xf32, #tpu.memory_space<vmem>>, vector<16xf32>,
        tpu.vector_store %arg18[%parallel_loop3A_1182], %parallel_loop3A_1181 {strides = array<i32>} : memref<4096xf32, #tpu.memory_space<vmem>>, vector<16xf32>,
      } {sc.loop_unroll_factor = 4 : i64, sc.parallel_access}
      %mul3A_840 = arith.constant 4096 : i32
      %mul3A_841 = arith.muli %add3A_742, %mul3A_840 : i32
      %add3A_842 = arith.constant 0 : i32
      %add3A_843 = arith.addi %mul3A_32, %add3A_842 : i32
      %dma_start3A_844 = arith.constant 0 : i32
      %dma_start3A_845 = tpu.memref_slice %arg11[%dma_start3A_844] : memref<4096xf32, #tpu.memory_space<vmem>> -> memref<4096xf32, #tpu.memory_space<vmem>>
      %dma_start3A_846 = tpu.memref_slice %arg5[%select_n3A, %add3A_843, %mul3A_841] : memref<8x32x263169xf32, #tpu.memory_space<hbm>> -> memref<1x1x4096xf32, #tpu.memory_space<hbm>>
      %dma_start3A_847 = tpu.memref_squeeze %dma_start3A_846 : memref<1x1x4096xf32, #tpu.memory_space<hbm>> -> memref<4096xf32, #tpu.memory_space<hbm>>
      %dma_start3A_848 = tpu.memref_slice %arg5[%select_n3A, %add3A_843, %mul3A_841] : memref<8x32x263169xf32, #tpu.memory_space<hbm>> -> memref<1x1x4096xf32, #tpu.memory_space<hbm>>
      %dma_start3A_849 = tpu.memref_squeeze %dma_start3A_848 : memref<1x1x4096xf32, #tpu.memory_space<hbm>> -> memref<4096xf32, #tpu.memory_space<hbm>>
      %dma_start3A_850 = arith.constant 0 : i32
      %dma_start3A_851 = tpu.memref_slice %arg11[%dma_start3A_850] : memref<4096xf32, #tpu.memory_space<vmem>> -> memref<4096xf32, #tpu.memory_space<vmem>>
      tpu.enqueue_dma source(%dma_start3A_851 : memref<4096xf32, #tpu.memory_space<vmem>>) target(%dma_start3A_849 : memref<4096xf32, #tpu.memory_space<hbm>>) target_semaphore(%arg29 : memref<!tpu.dma_semaphore, #tpu.memory_space<semaphore_mem>>)
      %add3A_852 = arith.constant 1 : i32
      %add3A_853 = arith.addi %mul3A_32, %add3A_852 : i32
      %dma_start3A_854 = arith.constant 0 : i32
      %dma_start3A_855 = tpu.memref_slice %arg12[%dma_start3A_854] : memref<4096xf32, #tpu.memory_space<vmem>> -> memref<4096xf32, #tpu.memory_space<vmem>>
      %dma_start3A_856 = tpu.memref_slice %arg5[%select_n3A, %add3A_853, %mul3A_841] : memref<8x32x263169xf32, #tpu.memory_space<hbm>> -> memref<1x1x4096xf32, #tpu.memory_space<hbm>>
      %dma_start3A_857 = tpu.memref_squeeze %dma_start3A_856 : memref<1x1x4096xf32, #tpu.memory_space<hbm>> -> memref<4096xf32, #tpu.memory_space<hbm>>
      %dma_start3A_858 = tpu.memref_slice %arg5[%select_n3A, %add3A_853, %mul3A_841] : memref<8x32x263169xf32, #tpu.memory_space<hbm>> -> memref<1x1x4096xf32, #tpu.memory_space<hbm>>
      %dma_start3A_859 = tpu.memref_squeeze %dma_start3A_858 : memref<1x1x4096xf32, #tpu.memory_space<hbm>> -> memref<4096xf32, #tpu.memory_space<hbm>>
      %dma_start3A_860 = arith.constant 0 : i32
      %dma_start3A_861 = tpu.memref_slice %arg12[%dma_start3A_860] : memref<4096xf32, #tpu.memory_space<vmem>> -> memref<4096xf32, #tpu.memory_space<vmem>>
      tpu.enqueue_dma source(%dma_start3A_861 : memref<4096xf32, #tpu.memory_space<vmem>>) target(%dma_start3A_859 : memref<4096xf32, #tpu.memory_space<hbm>>) target_semaphore(%arg29 : memref<!tpu.dma_semaphore, #tpu.memory_space<semaphore_mem>>)
      %add3A_862 = arith.constant 2 : i32
      %add3A_863 = arith.addi %mul3A_32, %add3A_862 : i32
      %dma_start3A_864 = arith.constant 0 : i32
      %dma_start3A_865 = tpu.memref_slice %arg13[%dma_start3A_864] : memref<4096xf32, #tpu.memory_space<vmem>> -> memref<4096xf32, #tpu.memory_space<vmem>>
      %dma_start3A_866 = tpu.memref_slice %arg5[%select_n3A, %add3A_863, %mul3A_841] : memref<8x32x263169xf32, #tpu.memory_space<hbm>> -> memref<1x1x4096xf32, #tpu.memory_space<hbm>>
      %dma_start3A_867 = tpu.memref_squeeze %dma_start3A_866 : memref<1x1x4096xf32, #tpu.memory_space<hbm>> -> memref<4096xf32, #tpu.memory_space<hbm>>
      %dma_start3A_868 = tpu.memref_slice %arg5[%select_n3A, %add3A_863, %mul3A_841] : memref<8x32x263169xf32, #tpu.memory_space<hbm>> -> memref<1x1x4096xf32, #tpu.memory_space<hbm>>
      %dma_start3A_869 = tpu.memref_squeeze %dma_start3A_868 : memref<1x1x4096xf32, #tpu.memory_space<hbm>> -> memref<4096xf32, #tpu.memory_space<hbm>>
      %dma_start3A_870 = arith.constant 0 : i32
      %dma_start3A_871 = tpu.memref_slice %arg13[%dma_start3A_870] : memref<4096xf32, #tpu.memory_space<vmem>> -> memref<4096xf32, #tpu.memory_space<vmem>>
      tpu.enqueue_dma source(%dma_start3A_871 : memref<4096xf32, #tpu.memory_space<vmem>>) target(%dma_start3A_869 : memref<4096xf32, #tpu.memory_space<hbm>>) target_semaphore(%arg29 : memref<!tpu.dma_semaphore, #tpu.memory_space<semaphore_mem>>)
      %add3A_872 = arith.constant 3 : i32
      %add3A_873 = arith.addi %mul3A_32, %add3A_872 : i32
      %dma_start3A_874 = arith.constant 0 : i32
      %dma_start3A_875 = tpu.memref_slice %arg14[%dma_start3A_874] : memref<4096xf32, #tpu.memory_space<vmem>> -> memref<4096xf32, #tpu.memory_space<vmem>>
      %dma_start3A_876 = tpu.memref_slice %arg5[%select_n3A, %add3A_873, %mul3A_841] : memref<8x32x263169xf32, #tpu.memory_space<hbm>> -> memref<1x1x4096xf32, #tpu.memory_space<hbm>>
      %dma_start3A_877 = tpu.memref_squeeze %dma_start3A_876 : memref<1x1x4096xf32, #tpu.memory_space<hbm>> -> memref<4096xf32, #tpu.memory_space<hbm>>
      %dma_start3A_878 = tpu.memref_slice %arg5[%select_n3A, %add3A_873, %mul3A_841] : memref<8x32x263169xf32, #tpu.memory_space<hbm>> -> memref<1x1x4096xf32, #tpu.memory_space<hbm>>
      %dma_start3A_879 = tpu.memref_squeeze %dma_start3A_878 : memref<1x1x4096xf32, #tpu.memory_space<hbm>> -> memref<4096xf32, #tpu.memory_space<hbm>>
      %dma_start3A_880 = arith.constant 0 : i32
      %dma_start3A_881 = tpu.memref_slice %arg14[%dma_start3A_880] : memref<4096xf32, #tpu.memory_space<vmem>> -> memref<4096xf32, #tpu.memory_space<vmem>>
      tpu.enqueue_dma source(%dma_start3A_881 : memref<4096xf32, #tpu.memory_space<vmem>>) target(%dma_start3A_879 : memref<4096xf32, #tpu.memory_space<hbm>>) target_semaphore(%arg29 : memref<!tpu.dma_semaphore, #tpu.memory_space<semaphore_mem>>)
      %add3A_882 = arith.constant 4 : i32
      %add3A_883 = arith.addi %mul3A_32, %add3A_882 : i32
      %dma_start3A_884 = arith.constant 0 : i32
      %dma_start3A_885 = tpu.memref_slice %arg15[%dma_start3A_884] : memref<4096xf32, #tpu.memory_space<vmem>> -> memref<4096xf32, #tpu.memory_space<vmem>>
      %dma_start3A_886 = tpu.memref_slice %arg5[%select_n3A, %add3A_883, %mul3A_841] : memref<8x32x263169xf32, #tpu.memory_space<hbm>> -> memref<1x1x4096xf32, #tpu.memory_space<hbm>>
      %dma_start3A_887 = tpu.memref_squeeze %dma_start3A_886 : memref<1x1x4096xf32, #tpu.memory_space<hbm>> -> memref<4096xf32, #tpu.memory_space<hbm>>
      %dma_start3A_888 = tpu.memref_slice %arg5[%select_n3A, %add3A_883, %mul3A_841] : memref<8x32x263169xf32, #tpu.memory_space<hbm>> -> memref<1x1x4096xf32, #tpu.memory_space<hbm>>
      %dma_start3A_889 = tpu.memref_squeeze %dma_start3A_888 : memref<1x1x4096xf32, #tpu.memory_space<hbm>> -> memref<4096xf32, #tpu.memory_space<hbm>>
      %dma_start3A_890 = arith.constant 0 : i32
      %dma_start3A_891 = tpu.memref_slice %arg15[%dma_start3A_890] : memref<4096xf32, #tpu.memory_space<vmem>> -> memref<4096xf32, #tpu.memory_space<vmem>>
      tpu.enqueue_dma source(%dma_start3A_891 : memref<4096xf32, #tpu.memory_space<vmem>>) target(%dma_start3A_889 : memref<4096xf32, #tpu.memory_space<hbm>>) target_semaphore(%arg29 : memref<!tpu.dma_semaphore, #tpu.memory_space<semaphore_mem>>)
      %add3A_892 = arith.constant 5 : i32
      %add3A_893 = arith.addi %mul3A_32, %add3A_892 : i32
      %dma_start3A_894 = arith.constant 0 : i32
      %dma_start3A_895 = tpu.memref_slice %arg16[%dma_start3A_894] : memref<4096xf32, #tpu.memory_space<vmem>> -> memref<4096xf32, #tpu.memory_space<vmem>>
      %dma_start3A_896 = tpu.memref_slice %arg5[%select_n3A, %add3A_893, %mul3A_841] : memref<8x32x263169xf32, #tpu.memory_space<hbm>> -> memref<1x1x4096xf32, #tpu.memory_space<hbm>>
      %dma_start3A_897 = tpu.memref_squeeze %dma_start3A_896 : memref<1x1x4096xf32, #tpu.memory_space<hbm>> -> memref<4096xf32, #tpu.memory_space<hbm>>
      %dma_start3A_898 = tpu.memref_slice %arg5[%select_n3A, %add3A_893, %mul3A_841] : memref<8x32x263169xf32, #tpu.memory_space<hbm>> -> memref<1x1x4096xf32, #tpu.memory_space<hbm>>
      %dma_start3A_899 = tpu.memref_squeeze %dma_start3A_898 : memref<1x1x4096xf32, #tpu.memory_space<hbm>> -> memref<4096xf32, #tpu.memory_space<hbm>>
      %dma_start3A_900 = arith.constant 0 : i32
      %dma_start3A_901 = tpu.memref_slice %arg16[%dma_start3A_900] : memref<4096xf32, #tpu.memory_space<vmem>> -> memref<4096xf32, #tpu.memory_space<vmem>>
      tpu.enqueue_dma source(%dma_start3A_901 : memref<4096xf32, #tpu.memory_space<vmem>>) target(%dma_start3A_899 : memref<4096xf32, #tpu.memory_space<hbm>>) target_semaphore(%arg29 : memref<!tpu.dma_semaphore, #tpu.memory_space<semaphore_mem>>)
      %add3A_902 = arith.constant 6 : i32
      %add3A_903 = arith.addi %mul3A_32, %add3A_902 : i32
      %dma_start3A_904 = arith.constant 0 : i32
      %dma_start3A_905 = tpu.memref_slice %arg17[%dma_start3A_904] : memref<4096xf32, #tpu.memory_space<vmem>> -> memref<4096xf32, #tpu.memory_space<vmem>>
      %dma_start3A_906 = tpu.memref_slice %arg5[%select_n3A, %add3A_903, %mul3A_841] : memref<8x32x263169xf32, #tpu.memory_space<hbm>> -> memref<1x1x4096xf32, #tpu.memory_space<hbm>>
      %dma_start3A_907 = tpu.memref_squeeze %dma_start3A_906 : memref<1x1x4096xf32, #tpu.memory_space<hbm>> -> memref<4096xf32, #tpu.memory_space<hbm>>
      %dma_start3A_908 = tpu.memref_slice %arg5[%select_n3A, %add3A_903, %mul3A_841] : memref<8x32x263169xf32, #tpu.memory_space<hbm>> -> memref<1x1x4096xf32, #tpu.memory_space<hbm>>
      %dma_start3A_909 = tpu.memref_squeeze %dma_start3A_908 : memref<1x1x4096xf32, #tpu.memory_space<hbm>> -> memref<4096xf32, #tpu.memory_space<hbm>>
      %dma_start3A_910 = arith.constant 0 : i32
      %dma_start3A_911 = tpu.memref_slice %arg17[%dma_start3A_910] : memref<4096xf32, #tpu.memory_space<vmem>> -> memref<4096xf32, #tpu.memory_space<vmem>>
      tpu.enqueue_dma source(%dma_start3A_911 : memref<4096xf32, #tpu.memory_space<vmem>>) target(%dma_start3A_909 : memref<4096xf32, #tpu.memory_space<hbm>>) target_semaphore(%arg29 : memref<!tpu.dma_semaphore, #tpu.memory_space<semaphore_mem>>)
      %add3A_912 = arith.constant 7 : i32
      %add3A_913 = arith.addi %mul3A_32, %add3A_912 : i32
      %dma_start3A_914 = arith.constant 0 : i32
      %dma_start3A_915 = tpu.memref_slice %arg18[%dma_start3A_914] : memref<4096xf32, #tpu.memory_space<vmem>> -> memref<4096xf32, #tpu.memory_space<vmem>>
      %dma_start3A_916 = tpu.memref_slice %arg5[%select_n3A, %add3A_913, %mul3A_841] : memref<8x32x263169xf32, #tpu.memory_space<hbm>> -> memref<1x1x4096xf32, #tpu.memory_space<hbm>>
      %dma_start3A_917 = tpu.memref_squeeze %dma_start3A_916 : memref<1x1x4096xf32, #tpu.memory_space<hbm>> -> memref<4096xf32, #tpu.memory_space<hbm>>
      %dma_start3A_918 = tpu.memref_slice %arg5[%select_n3A, %add3A_913, %mul3A_841] : memref<8x32x263169xf32, #tpu.memory_space<hbm>> -> memref<1x1x4096xf32, #tpu.memory_space<hbm>>
      %dma_start3A_919 = tpu.memref_squeeze %dma_start3A_918 : memref<1x1x4096xf32, #tpu.memory_space<hbm>> -> memref<4096xf32, #tpu.memory_space<hbm>>
      %dma_start3A_920 = arith.constant 0 : i32
      %dma_start3A_921 = tpu.memref_slice %arg18[%dma_start3A_920] : memref<4096xf32, #tpu.memory_space<vmem>> -> memref<4096xf32, #tpu.memory_space<vmem>>
      tpu.enqueue_dma source(%dma_start3A_921 : memref<4096xf32, #tpu.memory_space<vmem>>) target(%dma_start3A_919 : memref<4096xf32, #tpu.memory_space<hbm>>) target_semaphore(%arg29 : memref<!tpu.dma_semaphore, #tpu.memory_space<semaphore_mem>>)
      %add3A_922 = arith.constant 2 : i32
      %add3A_923 = arith.addi %add3A_742, %add3A_922 : i32
      %mul3A_924 = arith.constant 4096 : i32
      %mul3A_925 = arith.muli %add3A_923, %mul3A_924 : i32
      %dma_start3A_926 = tpu.memref_slice %arg3[%select_n3A, %mul3A_925] : memref<8x274432xi32, #tpu.memory_space<hbm>> -> memref<1x4096xi32, #tpu.memory_space<hbm>>
      %dma_start3A_927 = tpu.memref_squeeze %dma_start3A_926 : memref<1x4096xi32, #tpu.memory_space<hbm>> -> memref<4096xi32, #tpu.memory_space<hbm>>
      %dma_start3A_928 = tpu.memref_slice %arg3[%select_n3A, %mul3A_925] : memref<8x274432xi32, #tpu.memory_space<hbm>> -> memref<1x4096xi32, #tpu.memory_space<hbm>>
      %dma_start3A_929 = tpu.memref_squeeze %dma_start3A_928 : memref<1x4096xi32, #tpu.memory_space<hbm>> -> memref<4096xi32, #tpu.memory_space<hbm>>
      tpu.enqueue_dma source(%dma_start3A_929 : memref<4096xi32, #tpu.memory_space<hbm>>) target(%arg7 : memref<4096xi32, #tpu.memory_space<vmem>>) target_semaphore(%arg27 : memref<!tpu.dma_semaphore, #tpu.memory_space<semaphore_mem>>)
      %dma_start3A_930 = tpu.memref_slice %arg2[%select_n3A, %mul3A_925] : memref<8x274432xf32, #tpu.memory_space<hbm>> -> memref<1x4096xf32, #tpu.memory_space<hbm>>
      %dma_start3A_931 = tpu.memref_squeeze %dma_start3A_930 : memref<1x4096xf32, #tpu.memory_space<hbm>> -> memref<4096xf32, #tpu.memory_space<hbm>>
      %dma_start3A_932 = tpu.memref_slice %arg2[%select_n3A, %mul3A_925] : memref<8x274432xf32, #tpu.memory_space<hbm>> -> memref<1x4096xf32, #tpu.memory_space<hbm>>
      %dma_start3A_933 = tpu.memref_squeeze %dma_start3A_932 : memref<1x4096xf32, #tpu.memory_space<hbm>> -> memref<4096xf32, #tpu.memory_space<hbm>>
      tpu.enqueue_dma source(%dma_start3A_933 : memref<4096xf32, #tpu.memory_space<hbm>>) target(%arg9 : memref<4096xf32, #tpu.memory_space<vmem>>) target_semaphore(%arg27 : memref<!tpu.dma_semaphore, #tpu.memory_space<semaphore_mem>>)
      %mul3A_934 = arith.constant 2 : i32
      %mul3A_935 = arith.muli %mul3A_934, %scan3A_737 : i32
      %add3A_936 = arith.constant 1 : i32
      %add3A_937 = arith.addi %mul3A_935, %add3A_936 : i32
      %mul3A_938 = arith.constant 4096 : i32
      %mul3A_939 = arith.muli %add3A_937, %mul3A_938 : i32
      %dma_wait3A_940 = tpu.memref_slice %arg3[%select_n3A, %mul3A_939] : memref<8x274432xi32, #tpu.memory_space<hbm>> -> memref<1x4096xi32, #tpu.memory_space<hbm>>
      %dma_wait3A_941 = tpu.memref_squeeze %dma_wait3A_940 : memref<1x4096xi32, #tpu.memory_space<hbm>> -> memref<4096xi32, #tpu.memory_space<hbm>>
      %dma_wait3A_942 = tpu.memref_slice %arg3[%select_n3A, %mul3A_939] : memref<8x274432xi32, #tpu.memory_space<hbm>> -> memref<1x4096xi32, #tpu.memory_space<hbm>>
      %dma_wait3A_943 = tpu.memref_squeeze %dma_wait3A_942 : memref<1x4096xi32, #tpu.memory_space<hbm>> -> memref<4096xi32, #tpu.memory_space<hbm>>
      tpu.wait_dma2 semaphore(%arg28 : memref<!tpu.dma_semaphore, #tpu.memory_space<semaphore_mem>>) src(%dma_wait3A_943 : memref<4096xi32, #tpu.memory_space<hbm>>) dst(%arg8 : memref<4096xi32, #tpu.memory_space<vmem>>)
      %dma_wait3A_944 = tpu.memref_slice %arg2[%select_n3A, %mul3A_939] : memref<8x274432xf32, #tpu.memory_space<hbm>> -> memref<1x4096xf32, #tpu.memory_space<hbm>>
      %dma_wait3A_945 = tpu.memref_squeeze %dma_wait3A_944 : memref<1x4096xf32, #tpu.memory_space<hbm>> -> memref<4096xf32, #tpu.memory_space<hbm>>
      %dma_wait3A_946 = tpu.memref_slice %arg2[%select_n3A, %mul3A_939] : memref<8x274432xf32, #tpu.memory_space<hbm>> -> memref<1x4096xf32, #tpu.memory_space<hbm>>
      %dma_wait3A_947 = tpu.memref_squeeze %dma_wait3A_946 : memref<1x4096xf32, #tpu.memory_space<hbm>> -> memref<4096xf32, #tpu.memory_space<hbm>>
      tpu.wait_dma2 semaphore(%arg28 : memref<!tpu.dma_semaphore, #tpu.memory_space<semaphore_mem>>) src(%dma_wait3A_947 : memref<4096xf32, #tpu.memory_space<hbm>>) dst(%arg10 : memref<4096xf32, #tpu.memory_space<vmem>>)
      %sub3A_948 = arith.constant 2 : i32
      %sub3A_949 = arith.subi %add3A_937, %sub3A_948 : i32
      %mul3A_950 = arith.constant 4096 : i32
      %mul3A_951 = arith.muli %sub3A_949, %mul3A_950 : i32
      %add3A_952 = arith.constant 0 : i32
      %add3A_953 = arith.addi %mul3A_32, %add3A_952 : i32
      %dma_wait3A_954 = arith.constant 0 : i32
      %dma_wait3A_955 = tpu.memref_slice %arg19[%dma_wait3A_954] : memref<4096xf32, #tpu.memory_space<vmem>> -> memref<4096xf32, #tpu.memory_space<vmem>>
      %dma_wait3A_956 = tpu.memref_slice %arg5[%select_n3A, %add3A_953, %mul3A_951] : memref<8x32x263169xf32, #tpu.memory_space<hbm>> -> memref<1x1x4096xf32, #tpu.memory_space<hbm>>
      %dma_wait3A_957 = tpu.memref_squeeze %dma_wait3A_956 : memref<1x1x4096xf32, #tpu.memory_space<hbm>> -> memref<4096xf32, #tpu.memory_space<hbm>>
      %dma_wait3A_958 = tpu.memref_slice %arg5[%select_n3A, %add3A_953, %mul3A_951] : memref<8x32x263169xf32, #tpu.memory_space<hbm>> -> memref<1x1x4096xf32, #tpu.memory_space<hbm>>
      %dma_wait3A_959 = tpu.memref_squeeze %dma_wait3A_958 : memref<1x1x4096xf32, #tpu.memory_space<hbm>> -> memref<4096xf32, #tpu.memory_space<hbm>>
      %dma_wait3A_960 = arith.constant 0 : i32
      %dma_wait3A_961 = tpu.memref_slice %arg19[%dma_wait3A_960] : memref<4096xf32, #tpu.memory_space<vmem>> -> memref<4096xf32, #tpu.memory_space<vmem>>
      tpu.wait_dma2 semaphore(%arg30 : memref<!tpu.dma_semaphore, #tpu.memory_space<semaphore_mem>>) src(%dma_wait3A_961 : memref<4096xf32, #tpu.memory_space<vmem>>) dst(%dma_wait3A_959 : memref<4096xf32, #tpu.memory_space<hbm>>)
      %add3A_962 = arith.constant 1 : i32
      %add3A_963 = arith.addi %mul3A_32, %add3A_962 : i32
      %dma_wait3A_964 = arith.constant 0 : i32
      %dma_wait3A_965 = tpu.memref_slice %arg20[%dma_wait3A_964] : memref<4096xf32, #tpu.memory_space<vmem>> -> memref<4096xf32, #tpu.memory_space<vmem>>
      %dma_wait3A_966 = tpu.memref_slice %arg5[%select_n3A, %add3A_963, %mul3A_951] : memref<8x32x263169xf32, #tpu.memory_space<hbm>> -> memref<1x1x4096xf32, #tpu.memory_space<hbm>>
      %dma_wait3A_967 = tpu.memref_squeeze %dma_wait3A_966 : memref<1x1x4096xf32, #tpu.memory_space<hbm>> -> memref<4096xf32, #tpu.memory_space<hbm>>
      %dma_wait3A_968 = tpu.memref_slice %arg5[%select_n3A, %add3A_963, %mul3A_951] : memref<8x32x263169xf32, #tpu.memory_space<hbm>> -> memref<1x1x4096xf32, #tpu.memory_space<hbm>>
      %dma_wait3A_969 = tpu.memref_squeeze %dma_wait3A_968 : memref<1x1x4096xf32, #tpu.memory_space<hbm>> -> memref<4096xf32, #tpu.memory_space<hbm>>
      %dma_wait3A_970 = arith.constant 0 : i32
      %dma_wait3A_971 = tpu.memref_slice %arg20[%dma_wait3A_970] : memref<4096xf32, #tpu.memory_space<vmem>> -> memref<4096xf32, #tpu.memory_space<vmem>>
      tpu.wait_dma2 semaphore(%arg30 : memref<!tpu.dma_semaphore, #tpu.memory_space<semaphore_mem>>) src(%dma_wait3A_971 : memref<4096xf32, #tpu.memory_space<vmem>>) dst(%dma_wait3A_969 : memref<4096xf32, #tpu.memory_space<hbm>>)
      %add3A_972 = arith.constant 2 : i32
      %add3A_973 = arith.addi %mul3A_32, %add3A_972 : i32
      %dma_wait3A_974 = arith.constant 0 : i32
      %dma_wait3A_975 = tpu.memref_slice %arg21[%dma_wait3A_974] : memref<4096xf32, #tpu.memory_space<vmem>> -> memref<4096xf32, #tpu.memory_space<vmem>>
      %dma_wait3A_976 = tpu.memref_slice %arg5[%select_n3A, %add3A_973, %mul3A_951] : memref<8x32x263169xf32, #tpu.memory_space<hbm>> -> memref<1x1x4096xf32, #tpu.memory_space<hbm>>
      %dma_wait3A_977 = tpu.memref_squeeze %dma_wait3A_976 : memref<1x1x4096xf32, #tpu.memory_space<hbm>> -> memref<4096xf32, #tpu.memory_space<hbm>>
      %dma_wait3A_978 = tpu.memref_slice %arg5[%select_n3A, %add3A_973, %mul3A_951] : memref<8x32x263169xf32, #tpu.memory_space<hbm>> -> memref<1x1x4096xf32, #tpu.memory_space<hbm>>
      %dma_wait3A_979 = tpu.memref_squeeze %dma_wait3A_978 : memref<1x1x4096xf32, #tpu.memory_space<hbm>> -> memref<4096xf32, #tpu.memory_space<hbm>>
      %dma_wait3A_980 = arith.constant 0 : i32
      %dma_wait3A_981 = tpu.memref_slice %arg21[%dma_wait3A_980] : memref<4096xf32, #tpu.memory_space<vmem>> -> memref<4096xf32, #tpu.memory_space<vmem>>
      tpu.wait_dma2 semaphore(%arg30 : memref<!tpu.dma_semaphore, #tpu.memory_space<semaphore_mem>>) src(%dma_wait3A_981 : memref<4096xf32, #tpu.memory_space<vmem>>) dst(%dma_wait3A_979 : memref<4096xf32, #tpu.memory_space<hbm>>)
      %add3A_982 = arith.constant 3 : i32
      %add3A_983 = arith.addi %mul3A_32, %add3A_982 : i32
      %dma_wait3A_984 = arith.constant 0 : i32
      %dma_wait3A_985 = tpu.memref_slice %arg22[%dma_wait3A_984] : memref<4096xf32, #tpu.memory_space<vmem>> -> memref<4096xf32, #tpu.memory_space<vmem>>
      %dma_wait3A_986 = tpu.memref_slice %arg5[%select_n3A, %add3A_983, %mul3A_951] : memref<8x32x263169xf32, #tpu.memory_space<hbm>> -> memref<1x1x4096xf32, #tpu.memory_space<hbm>>
      %dma_wait3A_987 = tpu.memref_squeeze %dma_wait3A_986 : memref<1x1x4096xf32, #tpu.memory_space<hbm>> -> memref<4096xf32, #tpu.memory_space<hbm>>
      %dma_wait3A_988 = tpu.memref_slice %arg5[%select_n3A, %add3A_983, %mul3A_951] : memref<8x32x263169xf32, #tpu.memory_space<hbm>> -> memref<1x1x4096xf32, #tpu.memory_space<hbm>>
      %dma_wait3A_989 = tpu.memref_squeeze %dma_wait3A_988 : memref<1x1x4096xf32, #tpu.memory_space<hbm>> -> memref<4096xf32, #tpu.memory_space<hbm>>
      %dma_wait3A_990 = arith.constant 0 : i32
      %dma_wait3A_991 = tpu.memref_slice %arg22[%dma_wait3A_990] : memref<4096xf32, #tpu.memory_space<vmem>> -> memref<4096xf32, #tpu.memory_space<vmem>>
      tpu.wait_dma2 semaphore(%arg30 : memref<!tpu.dma_semaphore, #tpu.memory_space<semaphore_mem>>) src(%dma_wait3A_991 : memref<4096xf32, #tpu.memory_space<vmem>>) dst(%dma_wait3A_989 : memref<4096xf32, #tpu.memory_space<hbm>>)
      %add3A_992 = arith.constant 4 : i32
      %add3A_993 = arith.addi %mul3A_32, %add3A_992 : i32
      %dma_wait3A_994 = arith.constant 0 : i32
      %dma_wait3A_995 = tpu.memref_slice %arg23[%dma_wait3A_994] : memref<4096xf32, #tpu.memory_space<vmem>> -> memref<4096xf32, #tpu.memory_space<vmem>>
      %dma_wait3A_996 = tpu.memref_slice %arg5[%select_n3A, %add3A_993, %mul3A_951] : memref<8x32x263169xf32, #tpu.memory_space<hbm>> -> memref<1x1x4096xf32, #tpu.memory_space<hbm>>
      %dma_wait3A_997 = tpu.memref_squeeze %dma_wait3A_996 : memref<1x1x4096xf32, #tpu.memory_space<hbm>> -> memref<4096xf32, #tpu.memory_space<hbm>>
      %dma_wait3A_998 = tpu.memref_slice %arg5[%select_n3A, %add3A_993, %mul3A_951] : memref<8x32x263169xf32, #tpu.memory_space<hbm>> -> memref<1x1x4096xf32, #tpu.memory_space<hbm>>
      %dma_wait3A_999 = tpu.memref_squeeze %dma_wait3A_998 : memref<1x1x4096xf32, #tpu.memory_space<hbm>> -> memref<4096xf32, #tpu.memory_space<hbm>>
      %dma_wait3A_1000 = arith.constant 0 : i32
      %dma_wait3A_1001 = tpu.memref_slice %arg23[%dma_wait3A_1000] : memref<4096xf32, #tpu.memory_space<vmem>> -> memref<4096xf32, #tpu.memory_space<vmem>>
      tpu.wait_dma2 semaphore(%arg30 : memref<!tpu.dma_semaphore, #tpu.memory_space<semaphore_mem>>) src(%dma_wait3A_1001 : memref<4096xf32, #tpu.memory_space<vmem>>) dst(%dma_wait3A_999 : memref<4096xf32, #tpu.memory_space<hbm>>)
      %add3A_1002 = arith.constant 5 : i32
      %add3A_1003 = arith.addi %mul3A_32, %add3A_1002 : i32
      %dma_wait3A_1004 = arith.constant 0 : i32
      %dma_wait3A_1005 = tpu.memref_slice %arg24[%dma_wait3A_1004] : memref<4096xf32, #tpu.memory_space<vmem>> -> memref<4096xf32, #tpu.memory_space<vmem>>
      %dma_wait3A_1006 = tpu.memref_slice %arg5[%select_n3A, %add3A_1003, %mul3A_951] : memref<8x32x263169xf32, #tpu.memory_space<hbm>> -> memref<1x1x4096xf32, #tpu.memory_space<hbm>>
      %dma_wait3A_1007 = tpu.memref_squeeze %dma_wait3A_1006 : memref<1x1x4096xf32, #tpu.memory_space<hbm>> -> memref<4096xf32, #tpu.memory_space<hbm>>
      %dma_wait3A_1008 = tpu.memref_slice %arg5[%select_n3A, %add3A_1003, %mul3A_951] : memref<8x32x263169xf32, #tpu.memory_space<hbm>> -> memref<1x1x4096xf32, #tpu.memory_space<hbm>>
      %dma_wait3A_1009 = tpu.memref_squeeze %dma_wait3A_1008 : memref<1x1x4096xf32, #tpu.memory_space<hbm>> -> memref<4096xf32, #tpu.memory_space<hbm>>
      %dma_wait3A_1010 = arith.constant 0 : i32
      %dma_wait3A_1011 = tpu.memref_slice %arg24[%dma_wait3A_1010] : memref<4096xf32, #tpu.memory_space<vmem>> -> memref<4096xf32, #tpu.memory_space<vmem>>
      tpu.wait_dma2 semaphore(%arg30 : memref<!tpu.dma_semaphore, #tpu.memory_space<semaphore_mem>>) src(%dma_wait3A_1011 : memref<4096xf32, #tpu.memory_space<vmem>>) dst(%dma_wait3A_1009 : memref<4096xf32, #tpu.memory_space<hbm>>)
      %add3A_1012 = arith.constant 6 : i32
      %add3A_1013 = arith.addi %mul3A_32, %add3A_1012 : i32
      %dma_wait3A_1014 = arith.constant 0 : i32
      %dma_wait3A_1015 = tpu.memref_slice %arg25[%dma_wait3A_1014] : memref<4096xf32, #tpu.memory_space<vmem>> -> memref<4096xf32, #tpu.memory_space<vmem>>
      %dma_wait3A_1016 = tpu.memref_slice %arg5[%select_n3A, %add3A_1013, %mul3A_951] : memref<8x32x263169xf32, #tpu.memory_space<hbm>> -> memref<1x1x4096xf32, #tpu.memory_space<hbm>>
      %dma_wait3A_1017 = tpu.memref_squeeze %dma_wait3A_1016 : memref<1x1x4096xf32, #tpu.memory_space<hbm>> -> memref<4096xf32, #tpu.memory_space<hbm>>
      %dma_wait3A_1018 = tpu.memref_slice %arg5[%select_n3A, %add3A_1013, %mul3A_951] : memref<8x32x263169xf32, #tpu.memory_space<hbm>> -> memref<1x1x4096xf32, #tpu.memory_space<hbm>>
      %dma_wait3A_1019 = tpu.memref_squeeze %dma_wait3A_1018 : memref<1x1x4096xf32, #tpu.memory_space<hbm>> -> memref<4096xf32, #tpu.memory_space<hbm>>
      %dma_wait3A_1020 = arith.constant 0 : i32
      %dma_wait3A_1021 = tpu.memref_slice %arg25[%dma_wait3A_1020] : memref<4096xf32, #tpu.memory_space<vmem>> -> memref<4096xf32, #tpu.memory_space<vmem>>
      tpu.wait_dma2 semaphore(%arg30 : memref<!tpu.dma_semaphore, #tpu.memory_space<semaphore_mem>>) src(%dma_wait3A_1021 : memref<4096xf32, #tpu.memory_space<vmem>>) dst(%dma_wait3A_1019 : memref<4096xf32, #tpu.memory_space<hbm>>)
      %add3A_1022 = arith.constant 7 : i32
      %add3A_1023 = arith.addi %mul3A_32, %add3A_1022 : i32
      %dma_wait3A_1024 = arith.constant 0 : i32
      %dma_wait3A_1025 = tpu.memref_slice %arg26[%dma_wait3A_1024] : memref<4096xf32, #tpu.memory_space<vmem>> -> memref<4096xf32, #tpu.memory_space<vmem>>
      %dma_wait3A_1026 = tpu.memref_slice %arg5[%select_n3A, %add3A_1023, %mul3A_951] : memref<8x32x263169xf32, #tpu.memory_space<hbm>> -> memref<1x1x4096xf32, #tpu.memory_space<hbm>>
      %dma_wait3A_1027 = tpu.memref_squeeze %dma_wait3A_1026 : memref<1x1x4096xf32, #tpu.memory_space<hbm>> -> memref<4096xf32, #tpu.memory_space<hbm>>
      %dma_wait3A_1028 = tpu.memref_slice %arg5[%select_n3A, %add3A_1023, %mul3A_951] : memref<8x32x263169xf32, #tpu.memory_space<hbm>> -> memref<1x1x4096xf32, #tpu.memory_space<hbm>>
      %dma_wait3A_1029 = tpu.memref_squeeze %dma_wait3A_1028 : memref<1x1x4096xf32, #tpu.memory_space<hbm>> -> memref<4096xf32, #tpu.memory_space<hbm>>
      %dma_wait3A_1030 = arith.constant 0 : i32
      %dma_wait3A_1031 = tpu.memref_slice %arg26[%dma_wait3A_1030] : memref<4096xf32, #tpu.memory_space<vmem>> -> memref<4096xf32, #tpu.memory_space<vmem>>
      tpu.wait_dma2 semaphore(%arg30 : memref<!tpu.dma_semaphore, #tpu.memory_space<semaphore_mem>>) src(%dma_wait3A_1031 : memref<4096xf32, #tpu.memory_space<vmem>>) dst(%dma_wait3A_1029 : memref<4096xf32, #tpu.memory_space<hbm>>)
      %parallel_loop3A_1032 = arith.constant 0 : i32
      %parallel_loop3A_1033 = arith.constant 4096 : i32
      %parallel_loop3A_1034 = arith.constant 16 : i32
      scf.for %parallel_loop3A_1130 = %parallel_loop3A_1032 to %parallel_loop3A_1033 step %parallel_loop3A_1034  : i32 {
        %parallel_loop3A_1131 = arith.index_cast %parallel_loop3A_1130 : i32 to index
        %parallel_loop3A_1132 = tpu.vector_load %arg8[%parallel_loop3A_1131] {strides = array<i32>} : memref<4096xi32, #tpu.memory_space<vmem>>, vector<16xi32>,
        %parallel_loop3A_1133 = arith.index_cast %parallel_loop3A_1130 : i32 to index
        %parallel_loop3A_1134 = tpu.vector_load %arg10[%parallel_loop3A_1133] {strides = array<i32>} : memref<4096xf32, #tpu.memory_space<vmem>>, vector<16xf32>,
        %parallel_loop3A_1135 = arith.addf %parallel_loop3A_1134, %parallel_loop3A_1134 : vector<16xf32>
        %parallel_loop3A_1136 = vector.broadcast %mul3A_36 : i32 to vector<16xi32>
        %parallel_loop3A_1137 = arith.addi %parallel_loop3A_1132, %parallel_loop3A_1136 : vector<16xi32>
        %parallel_loop3A_1138 = tpu.vector_load_idx %arg6[%parallel_loop3A_1137] : memref<16640xf32, #tpu.memory_space<vmem>>[vector<16xi32>], vector<16xf32>,
        %parallel_loop3A_1139 = arith.addf %parallel_loop3A_1135, %parallel_loop3A_1138 : vector<16xf32>
        %parallel_loop3A_1140 = arith.index_cast %parallel_loop3A_1130 : i32 to index
        %parallel_loop3A_1141 = tpu.vector_load %arg19[%parallel_loop3A_1140] {strides = array<i32>} : memref<4096xf32, #tpu.memory_space<vmem>>, vector<16xf32>,
        tpu.vector_store %arg19[%parallel_loop3A_1140], %parallel_loop3A_1139 {strides = array<i32>} : memref<4096xf32, #tpu.memory_space<vmem>>, vector<16xf32>,
        %parallel_loop3A_1142 = vector.broadcast %mul3A_40 : i32 to vector<16xi32>
        %parallel_loop3A_1143 = arith.addi %parallel_loop3A_1132, %parallel_loop3A_1142 : vector<16xi32>
        %parallel_loop3A_1144 = tpu.vector_load_idx %arg6[%parallel_loop3A_1143] : memref<16640xf32, #tpu.memory_space<vmem>>[vector<16xi32>], vector<16xf32>,
        %parallel_loop3A_1145 = arith.addf %parallel_loop3A_1135, %parallel_loop3A_1144 : vector<16xf32>
        %parallel_loop3A_1146 = arith.index_cast %parallel_loop3A_1130 : i32 to index
        %parallel_loop3A_1147 = tpu.vector_load %arg20[%parallel_loop3A_1146] {strides = array<i32>} : memref<4096xf32, #tpu.memory_space<vmem>>, vector<16xf32>,
        tpu.vector_store %arg20[%parallel_loop3A_1146], %parallel_loop3A_1145 {strides = array<i32>} : memref<4096xf32, #tpu.memory_space<vmem>>, vector<16xf32>,
        %parallel_loop3A_1148 = vector.broadcast %mul3A_44 : i32 to vector<16xi32>
        %parallel_loop3A_1149 = arith.addi %parallel_loop3A_1132, %parallel_loop3A_1148 : vector<16xi32>
        %parallel_loop3A_1150 = tpu.vector_load_idx %arg6[%parallel_loop3A_1149] : memref<16640xf32, #tpu.memory_space<vmem>>[vector<16xi32>], vector<16xf32>,
        %parallel_loop3A_1151 = arith.addf %parallel_loop3A_1135, %parallel_loop3A_1150 : vector<16xf32>
        %parallel_loop3A_1152 = arith.index_cast %parallel_loop3A_1130 : i32 to index
        %parallel_loop3A_1153 = tpu.vector_load %arg21[%parallel_loop3A_1152] {strides = array<i32>} : memref<4096xf32, #tpu.memory_space<vmem>>, vector<16xf32>,
        tpu.vector_store %arg21[%parallel_loop3A_1152], %parallel_loop3A_1151 {strides = array<i32>} : memref<4096xf32, #tpu.memory_space<vmem>>, vector<16xf32>,
        %parallel_loop3A_1154 = vector.broadcast %mul3A_48 : i32 to vector<16xi32>
        %parallel_loop3A_1155 = arith.addi %parallel_loop3A_1132, %parallel_loop3A_1154 : vector<16xi32>
        %parallel_loop3A_1156 = tpu.vector_load_idx %arg6[%parallel_loop3A_1155] : memref<16640xf32, #tpu.memory_space<vmem>>[vector<16xi32>], vector<16xf32>,
        %parallel_loop3A_1157 = arith.addf %parallel_loop3A_1135, %parallel_loop3A_1156 : vector<16xf32>
        %parallel_loop3A_1158 = arith.index_cast %parallel_loop3A_1130 : i32 to index
        %parallel_loop3A_1159 = tpu.vector_load %arg22[%parallel_loop3A_1158] {strides = array<i32>} : memref<4096xf32, #tpu.memory_space<vmem>>, vector<16xf32>,
        tpu.vector_store %arg22[%parallel_loop3A_1158], %parallel_loop3A_1157 {strides = array<i32>} : memref<4096xf32, #tpu.memory_space<vmem>>, vector<16xf32>,
        %parallel_loop3A_1160 = vector.broadcast %mul3A_52 : i32 to vector<16xi32>
        %parallel_loop3A_1161 = arith.addi %parallel_loop3A_1132, %parallel_loop3A_1160 : vector<16xi32>
        %parallel_loop3A_1162 = tpu.vector_load_idx %arg6[%parallel_loop3A_1161] : memref<16640xf32, #tpu.memory_space<vmem>>[vector<16xi32>], vector<16xf32>,
        %parallel_loop3A_1163 = arith.addf %parallel_loop3A_1135, %parallel_loop3A_1162 : vector<16xf32>
        %parallel_loop3A_1164 = arith.index_cast %parallel_loop3A_1130 : i32 to index
        %parallel_loop3A_1165 = tpu.vector_load %arg23[%parallel_loop3A_1164] {strides = array<i32>} : memref<4096xf32, #tpu.memory_space<vmem>>, vector<16xf32>,
        tpu.vector_store %arg23[%parallel_loop3A_1164], %parallel_loop3A_1163 {strides = array<i32>} : memref<4096xf32, #tpu.memory_space<vmem>>, vector<16xf32>,
        %parallel_loop3A_1166 = vector.broadcast %mul3A_56 : i32 to vector<16xi32>
        %parallel_loop3A_1167 = arith.addi %parallel_loop3A_1132, %parallel_loop3A_1166 : vector<16xi32>
        %parallel_loop3A_1168 = tpu.vector_load_idx %arg6[%parallel_loop3A_1167] : memref<16640xf32, #tpu.memory_space<vmem>>[vector<16xi32>], vector<16xf32>,
        %parallel_loop3A_1169 = arith.addf %parallel_loop3A_1135, %parallel_loop3A_1168 : vector<16xf32>
        %parallel_loop3A_1170 = arith.index_cast %parallel_loop3A_1130 : i32 to index
        %parallel_loop3A_1171 = tpu.vector_load %arg24[%parallel_loop3A_1170] {strides = array<i32>} : memref<4096xf32, #tpu.memory_space<vmem>>, vector<16xf32>,
        tpu.vector_store %arg24[%parallel_loop3A_1170], %parallel_loop3A_1169 {strides = array<i32>} : memref<4096xf32, #tpu.memory_space<vmem>>, vector<16xf32>,
        %parallel_loop3A_1172 = vector.broadcast %mul3A_60 : i32 to vector<16xi32>
        %parallel_loop3A_1173 = arith.addi %parallel_loop3A_1132, %parallel_loop3A_1172 : vector<16xi32>
        %parallel_loop3A_1174 = tpu.vector_load_idx %arg6[%parallel_loop3A_1173] : memref<16640xf32, #tpu.memory_space<vmem>>[vector<16xi32>], vector<16xf32>,
        %parallel_loop3A_1175 = arith.addf %parallel_loop3A_1135, %parallel_loop3A_1174 : vector<16xf32>
        %parallel_loop3A_1176 = arith.index_cast %parallel_loop3A_1130 : i32 to index
        %parallel_loop3A_1177 = tpu.vector_load %arg25[%parallel_loop3A_1176] {strides = array<i32>} : memref<4096xf32, #tpu.memory_space<vmem>>, vector<16xf32>,
        tpu.vector_store %arg25[%parallel_loop3A_1176], %parallel_loop3A_1175 {strides = array<i32>} : memref<4096xf32, #tpu.memory_space<vmem>>, vector<16xf32>,
        %parallel_loop3A_1178 = vector.broadcast %mul3A_64 : i32 to vector<16xi32>
        %parallel_loop3A_1179 = arith.addi %parallel_loop3A_1132, %parallel_loop3A_1178 : vector<16xi32>
        %parallel_loop3A_1180 = tpu.vector_load_idx %arg6[%parallel_loop3A_1179] : memref<16640xf32, #tpu.memory_space<vmem>>[vector<16xi32>], vector<16xf32>,
        %parallel_loop3A_1181 = arith.addf %parallel_loop3A_1135, %parallel_loop3A_1180 : vector<16xf32>
        %parallel_loop3A_1182 = arith.index_cast %parallel_loop3A_1130 : i32 to index
        %parallel_loop3A_1183 = tpu.vector_load %arg26[%parallel_loop3A_1182] {strides = array<i32>} : memref<4096xf32, #tpu.memory_space<vmem>>, vector<16xf32>,
        tpu.vector_store %arg26[%parallel_loop3A_1182], %parallel_loop3A_1181 {strides = array<i32>} : memref<4096xf32, #tpu.memory_space<vmem>>, vector<16xf32>,
      } {sc.loop_unroll_factor = 4 : i64, sc.parallel_access}
      %mul3A_1035 = arith.constant 4096 : i32
      %mul3A_1036 = arith.muli %add3A_937, %mul3A_1035 : i32
      %add3A_1037 = arith.constant 0 : i32
      %add3A_1038 = arith.addi %mul3A_32, %add3A_1037 : i32
      %dma_start3A_1039 = arith.constant 0 : i32
      %dma_start3A_1040 = tpu.memref_slice %arg19[%dma_start3A_1039] : memref<4096xf32, #tpu.memory_space<vmem>> -> memref<4096xf32, #tpu.memory_space<vmem>>
      %dma_start3A_1041 = tpu.memref_slice %arg5[%select_n3A, %add3A_1038, %mul3A_1036] : memref<8x32x263169xf32, #tpu.memory_space<hbm>> -> memref<1x1x4096xf32, #tpu.memory_space<hbm>>
      %dma_start3A_1042 = tpu.memref_squeeze %dma_start3A_1041 : memref<1x1x4096xf32, #tpu.memory_space<hbm>> -> memref<4096xf32, #tpu.memory_space<hbm>>
      %dma_start3A_1043 = tpu.memref_slice %arg5[%select_n3A, %add3A_1038, %mul3A_1036] : memref<8x32x263169xf32, #tpu.memory_space<hbm>> -> memref<1x1x4096xf32, #tpu.memory_space<hbm>>
      %dma_start3A_1044 = tpu.memref_squeeze %dma_start3A_1043 : memref<1x1x4096xf32, #tpu.memory_space<hbm>> -> memref<4096xf32, #tpu.memory_space<hbm>>
      %dma_start3A_1045 = arith.constant 0 : i32
      %dma_start3A_1046 = tpu.memref_slice %arg19[%dma_start3A_1045] : memref<4096xf32, #tpu.memory_space<vmem>> -> memref<4096xf32, #tpu.memory_space<vmem>>
      tpu.enqueue_dma source(%dma_start3A_1046 : memref<4096xf32, #tpu.memory_space<vmem>>) target(%dma_start3A_1044 : memref<4096xf32, #tpu.memory_space<hbm>>) target_semaphore(%arg30 : memref<!tpu.dma_semaphore, #tpu.memory_space<semaphore_mem>>)
      %add3A_1047 = arith.constant 1 : i32
      %add3A_1048 = arith.addi %mul3A_32, %add3A_1047 : i32
      %dma_start3A_1049 = arith.constant 0 : i32
      %dma_start3A_1050 = tpu.memref_slice %arg20[%dma_start3A_1049] : memref<4096xf32, #tpu.memory_space<vmem>> -> memref<4096xf32, #tpu.memory_space<vmem>>
      %dma_start3A_1051 = tpu.memref_slice %arg5[%select_n3A, %add3A_1048, %mul3A_1036] : memref<8x32x263169xf32, #tpu.memory_space<hbm>> -> memref<1x1x4096xf32, #tpu.memory_space<hbm>>
      %dma_start3A_1052 = tpu.memref_squeeze %dma_start3A_1051 : memref<1x1x4096xf32, #tpu.memory_space<hbm>> -> memref<4096xf32, #tpu.memory_space<hbm>>
      %dma_start3A_1053 = tpu.memref_slice %arg5[%select_n3A, %add3A_1048, %mul3A_1036] : memref<8x32x263169xf32, #tpu.memory_space<hbm>> -> memref<1x1x4096xf32, #tpu.memory_space<hbm>>
      %dma_start3A_1054 = tpu.memref_squeeze %dma_start3A_1053 : memref<1x1x4096xf32, #tpu.memory_space<hbm>> -> memref<4096xf32, #tpu.memory_space<hbm>>
      %dma_start3A_1055 = arith.constant 0 : i32
      %dma_start3A_1056 = tpu.memref_slice %arg20[%dma_start3A_1055] : memref<4096xf32, #tpu.memory_space<vmem>> -> memref<4096xf32, #tpu.memory_space<vmem>>
      tpu.enqueue_dma source(%dma_start3A_1056 : memref<4096xf32, #tpu.memory_space<vmem>>) target(%dma_start3A_1054 : memref<4096xf32, #tpu.memory_space<hbm>>) target_semaphore(%arg30 : memref<!tpu.dma_semaphore, #tpu.memory_space<semaphore_mem>>)
      %add3A_1057 = arith.constant 2 : i32
      %add3A_1058 = arith.addi %mul3A_32, %add3A_1057 : i32
      %dma_start3A_1059 = arith.constant 0 : i32
      %dma_start3A_1060 = tpu.memref_slice %arg21[%dma_start3A_1059] : memref<4096xf32, #tpu.memory_space<vmem>> -> memref<4096xf32, #tpu.memory_space<vmem>>
      %dma_start3A_1061 = tpu.memref_slice %arg5[%select_n3A, %add3A_1058, %mul3A_1036] : memref<8x32x263169xf32, #tpu.memory_space<hbm>> -> memref<1x1x4096xf32, #tpu.memory_space<hbm>>
      %dma_start3A_1062 = tpu.memref_squeeze %dma_start3A_1061 : memref<1x1x4096xf32, #tpu.memory_space<hbm>> -> memref<4096xf32, #tpu.memory_space<hbm>>
      %dma_start3A_1063 = tpu.memref_slice %arg5[%select_n3A, %add3A_1058, %mul3A_1036] : memref<8x32x263169xf32, #tpu.memory_space<hbm>> -> memref<1x1x4096xf32, #tpu.memory_space<hbm>>
      %dma_start3A_1064 = tpu.memref_squeeze %dma_start3A_1063 : memref<1x1x4096xf32, #tpu.memory_space<hbm>> -> memref<4096xf32, #tpu.memory_space<hbm>>
      %dma_start3A_1065 = arith.constant 0 : i32
      %dma_start3A_1066 = tpu.memref_slice %arg21[%dma_start3A_1065] : memref<4096xf32, #tpu.memory_space<vmem>> -> memref<4096xf32, #tpu.memory_space<vmem>>
      tpu.enqueue_dma source(%dma_start3A_1066 : memref<4096xf32, #tpu.memory_space<vmem>>) target(%dma_start3A_1064 : memref<4096xf32, #tpu.memory_space<hbm>>) target_semaphore(%arg30 : memref<!tpu.dma_semaphore, #tpu.memory_space<semaphore_mem>>)
      %add3A_1067 = arith.constant 3 : i32
      %add3A_1068 = arith.addi %mul3A_32, %add3A_1067 : i32
      %dma_start3A_1069 = arith.constant 0 : i32
      %dma_start3A_1070 = tpu.memref_slice %arg22[%dma_start3A_1069] : memref<4096xf32, #tpu.memory_space<vmem>> -> memref<4096xf32, #tpu.memory_space<vmem>>
      %dma_start3A_1071 = tpu.memref_slice %arg5[%select_n3A, %add3A_1068, %mul3A_1036] : memref<8x32x263169xf32, #tpu.memory_space<hbm>> -> memref<1x1x4096xf32, #tpu.memory_space<hbm>>
      %dma_start3A_1072 = tpu.memref_squeeze %dma_start3A_1071 : memref<1x1x4096xf32, #tpu.memory_space<hbm>> -> memref<4096xf32, #tpu.memory_space<hbm>>
      %dma_start3A_1073 = tpu.memref_slice %arg5[%select_n3A, %add3A_1068, %mul3A_1036] : memref<8x32x263169xf32, #tpu.memory_space<hbm>> -> memref<1x1x4096xf32, #tpu.memory_space<hbm>>
      %dma_start3A_1074 = tpu.memref_squeeze %dma_start3A_1073 : memref<1x1x4096xf32, #tpu.memory_space<hbm>> -> memref<4096xf32, #tpu.memory_space<hbm>>
      %dma_start3A_1075 = arith.constant 0 : i32
      %dma_start3A_1076 = tpu.memref_slice %arg22[%dma_start3A_1075] : memref<4096xf32, #tpu.memory_space<vmem>> -> memref<4096xf32, #tpu.memory_space<vmem>>
      tpu.enqueue_dma source(%dma_start3A_1076 : memref<4096xf32, #tpu.memory_space<vmem>>) target(%dma_start3A_1074 : memref<4096xf32, #tpu.memory_space<hbm>>) target_semaphore(%arg30 : memref<!tpu.dma_semaphore, #tpu.memory_space<semaphore_mem>>)
      %add3A_1077 = arith.constant 4 : i32
      %add3A_1078 = arith.addi %mul3A_32, %add3A_1077 : i32
      %dma_start3A_1079 = arith.constant 0 : i32
      %dma_start3A_1080 = tpu.memref_slice %arg23[%dma_start3A_1079] : memref<4096xf32, #tpu.memory_space<vmem>> -> memref<4096xf32, #tpu.memory_space<vmem>>
      %dma_start3A_1081 = tpu.memref_slice %arg5[%select_n3A, %add3A_1078, %mul3A_1036] : memref<8x32x263169xf32, #tpu.memory_space<hbm>> -> memref<1x1x4096xf32, #tpu.memory_space<hbm>>
      %dma_start3A_1082 = tpu.memref_squeeze %dma_start3A_1081 : memref<1x1x4096xf32, #tpu.memory_space<hbm>> -> memref<4096xf32, #tpu.memory_space<hbm>>
      %dma_start3A_1083 = tpu.memref_slice %arg5[%select_n3A, %add3A_1078, %mul3A_1036] : memref<8x32x263169xf32, #tpu.memory_space<hbm>> -> memref<1x1x4096xf32, #tpu.memory_space<hbm>>
      %dma_start3A_1084 = tpu.memref_squeeze %dma_start3A_1083 : memref<1x1x4096xf32, #tpu.memory_space<hbm>> -> memref<4096xf32, #tpu.memory_space<hbm>>
      %dma_start3A_1085 = arith.constant 0 : i32
      %dma_start3A_1086 = tpu.memref_slice %arg23[%dma_start3A_1085] : memref<4096xf32, #tpu.memory_space<vmem>> -> memref<4096xf32, #tpu.memory_space<vmem>>
      tpu.enqueue_dma source(%dma_start3A_1086 : memref<4096xf32, #tpu.memory_space<vmem>>) target(%dma_start3A_1084 : memref<4096xf32, #tpu.memory_space<hbm>>) target_semaphore(%arg30 : memref<!tpu.dma_semaphore, #tpu.memory_space<semaphore_mem>>)
      %add3A_1087 = arith.constant 5 : i32
      %add3A_1088 = arith.addi %mul3A_32, %add3A_1087 : i32
      %dma_start3A_1089 = arith.constant 0 : i32
      %dma_start3A_1090 = tpu.memref_slice %arg24[%dma_start3A_1089] : memref<4096xf32, #tpu.memory_space<vmem>> -> memref<4096xf32, #tpu.memory_space<vmem>>
      %dma_start3A_1091 = tpu.memref_slice %arg5[%select_n3A, %add3A_1088, %mul3A_1036] : memref<8x32x263169xf32, #tpu.memory_space<hbm>> -> memref<1x1x4096xf32, #tpu.memory_space<hbm>>
      %dma_start3A_1092 = tpu.memref_squeeze %dma_start3A_1091 : memref<1x1x4096xf32, #tpu.memory_space<hbm>> -> memref<4096xf32, #tpu.memory_space<hbm>>
      %dma_start3A_1093 = tpu.memref_slice %arg5[%select_n3A, %add3A_1088, %mul3A_1036] : memref<8x32x263169xf32, #tpu.memory_space<hbm>> -> memref<1x1x4096xf32, #tpu.memory_space<hbm>>
      %dma_start3A_1094 = tpu.memref_squeeze %dma_start3A_1093 : memref<1x1x4096xf32, #tpu.memory_space<hbm>> -> memref<4096xf32, #tpu.memory_space<hbm>>
      %dma_start3A_1095 = arith.constant 0 : i32
      %dma_start3A_1096 = tpu.memref_slice %arg24[%dma_start3A_1095] : memref<4096xf32, #tpu.memory_space<vmem>> -> memref<4096xf32, #tpu.memory_space<vmem>>
      tpu.enqueue_dma source(%dma_start3A_1096 : memref<4096xf32, #tpu.memory_space<vmem>>) target(%dma_start3A_1094 : memref<4096xf32, #tpu.memory_space<hbm>>) target_semaphore(%arg30 : memref<!tpu.dma_semaphore, #tpu.memory_space<semaphore_mem>>)
      %add3A_1097 = arith.constant 6 : i32
      %add3A_1098 = arith.addi %mul3A_32, %add3A_1097 : i32
      %dma_start3A_1099 = arith.constant 0 : i32
      %dma_start3A_1100 = tpu.memref_slice %arg25[%dma_start3A_1099] : memref<4096xf32, #tpu.memory_space<vmem>> -> memref<4096xf32, #tpu.memory_space<vmem>>
      %dma_start3A_1101 = tpu.memref_slice %arg5[%select_n3A, %add3A_1098, %mul3A_1036] : memref<8x32x263169xf32, #tpu.memory_space<hbm>> -> memref<1x1x4096xf32, #tpu.memory_space<hbm>>
      %dma_start3A_1102 = tpu.memref_squeeze %dma_start3A_1101 : memref<1x1x4096xf32, #tpu.memory_space<hbm>> -> memref<4096xf32, #tpu.memory_space<hbm>>
      %dma_start3A_1103 = tpu.memref_slice %arg5[%select_n3A, %add3A_1098, %mul3A_1036] : memref<8x32x263169xf32, #tpu.memory_space<hbm>> -> memref<1x1x4096xf32, #tpu.memory_space<hbm>>
      %dma_start3A_1104 = tpu.memref_squeeze %dma_start3A_1103 : memref<1x1x4096xf32, #tpu.memory_space<hbm>> -> memref<4096xf32, #tpu.memory_space<hbm>>
      %dma_start3A_1105 = arith.constant 0 : i32
      %dma_start3A_1106 = tpu.memref_slice %arg25[%dma_start3A_1105] : memref<4096xf32, #tpu.memory_space<vmem>> -> memref<4096xf32, #tpu.memory_space<vmem>>
      tpu.enqueue_dma source(%dma_start3A_1106 : memref<4096xf32, #tpu.memory_space<vmem>>) target(%dma_start3A_1104 : memref<4096xf32, #tpu.memory_space<hbm>>) target_semaphore(%arg30 : memref<!tpu.dma_semaphore, #tpu.memory_space<semaphore_mem>>)
      %add3A_1107 = arith.constant 7 : i32
      %add3A_1108 = arith.addi %mul3A_32, %add3A_1107 : i32
      %dma_start3A_1109 = arith.constant 0 : i32
      %dma_start3A_1110 = tpu.memref_slice %arg26[%dma_start3A_1109] : memref<4096xf32, #tpu.memory_space<vmem>> -> memref<4096xf32, #tpu.memory_space<vmem>>
      %dma_start3A_1111 = tpu.memref_slice %arg5[%select_n3A, %add3A_1108, %mul3A_1036] : memref<8x32x263169xf32, #tpu.memory_space<hbm>> -> memref<1x1x4096xf32, #tpu.memory_space<hbm>>
      %dma_start3A_1112 = tpu.memref_squeeze %dma_start3A_1111 : memref<1x1x4096xf32, #tpu.memory_space<hbm>> -> memref<4096xf32, #tpu.memory_space<hbm>>
      %dma_start3A_1113 = tpu.memref_slice %arg5[%select_n3A, %add3A_1108, %mul3A_1036] : memref<8x32x263169xf32, #tpu.memory_space<hbm>> -> memref<1x1x4096xf32, #tpu.memory_space<hbm>>
      %dma_start3A_1114 = tpu.memref_squeeze %dma_start3A_1113 : memref<1x1x4096xf32, #tpu.memory_space<hbm>> -> memref<4096xf32, #tpu.memory_space<hbm>>
      %dma_start3A_1115 = arith.constant 0 : i32
      %dma_start3A_1116 = tpu.memref_slice %arg26[%dma_start3A_1115] : memref<4096xf32, #tpu.memory_space<vmem>> -> memref<4096xf32, #tpu.memory_space<vmem>>
      tpu.enqueue_dma source(%dma_start3A_1116 : memref<4096xf32, #tpu.memory_space<vmem>>) target(%dma_start3A_1114 : memref<4096xf32, #tpu.memory_space<hbm>>) target_semaphore(%arg30 : memref<!tpu.dma_semaphore, #tpu.memory_space<semaphore_mem>>)
      %add3A_1117 = arith.constant 2 : i32
      %add3A_1118 = arith.addi %add3A_937, %add3A_1117 : i32
      %mul3A_1119 = arith.constant 4096 : i32
      %mul3A_1120 = arith.muli %add3A_1118, %mul3A_1119 : i32
      %dma_start3A_1121 = tpu.memref_slice %arg3[%select_n3A, %mul3A_1120] : memref<8x274432xi32, #tpu.memory_space<hbm>> -> memref<1x4096xi32, #tpu.memory_space<hbm>>
      %dma_start3A_1122 = tpu.memref_squeeze %dma_start3A_1121 : memref<1x4096xi32, #tpu.memory_space<hbm>> -> memref<4096xi32, #tpu.memory_space<hbm>>
      %dma_start3A_1123 = tpu.memref_slice %arg3[%select_n3A, %mul3A_1120] : memref<8x274432xi32, #tpu.memory_space<hbm>> -> memref<1x4096xi32, #tpu.memory_space<hbm>>
      %dma_start3A_1124 = tpu.memref_squeeze %dma_start3A_1123 : memref<1x4096xi32, #tpu.memory_space<hbm>> -> memref<4096xi32, #tpu.memory_space<hbm>>
      tpu.enqueue_dma source(%dma_start3A_1124 : memref<4096xi32, #tpu.memory_space<hbm>>) target(%arg8 : memref<4096xi32, #tpu.memory_space<vmem>>) target_semaphore(%arg28 : memref<!tpu.dma_semaphore, #tpu.memory_space<semaphore_mem>>)
      %dma_start3A_1125 = tpu.memref_slice %arg2[%select_n3A, %mul3A_1120] : memref<8x274432xf32, #tpu.memory_space<hbm>> -> memref<1x4096xf32, #tpu.memory_space<hbm>>
      %dma_start3A_1126 = tpu.memref_squeeze %dma_start3A_1125 : memref<1x4096xf32, #tpu.memory_space<hbm>> -> memref<4096xf32, #tpu.memory_space<hbm>>
      %dma_start3A_1127 = tpu.memref_slice %arg2[%select_n3A, %mul3A_1120] : memref<8x274432xf32, #tpu.memory_space<hbm>> -> memref<1x4096xf32, #tpu.memory_space<hbm>>
      %dma_start3A_1128 = tpu.memref_squeeze %dma_start3A_1127 : memref<1x4096xf32, #tpu.memory_space<hbm>> -> memref<4096xf32, #tpu.memory_space<hbm>>
      tpu.enqueue_dma source(%dma_start3A_1128 : memref<4096xf32, #tpu.memory_space<hbm>>) target(%arg10 : memref<4096xf32, #tpu.memory_space<vmem>>) target_semaphore(%arg28 : memref<!tpu.dma_semaphore, #tpu.memory_space<semaphore_mem>>)
      %scan3A_1129 = arith.constant 0 : i32
      scf.yield %scan3A_1129 : i32
    }
    %scan3A_337 = arith.constant 31 : i32
    %dma_wait3A_338 = arith.constant 262144 : i32
    %dma_wait3A_339 = tpu.memref_slice %arg3[%select_n3A, %dma_wait3A_338] : memref<8x274432xi32, #tpu.memory_space<hbm>> -> memref<1x4096xi32, #tpu.memory_space<hbm>>
    %dma_wait3A_340 = tpu.memref_squeeze %dma_wait3A_339 : memref<1x4096xi32, #tpu.memory_space<hbm>> -> memref<4096xi32, #tpu.memory_space<hbm>>
    %dma_wait3A_341 = arith.constant 262144 : i32
    %dma_wait3A_342 = tpu.memref_slice %arg3[%select_n3A, %dma_wait3A_341] : memref<8x274432xi32, #tpu.memory_space<hbm>> -> memref<1x4096xi32, #tpu.memory_space<hbm>>
    %dma_wait3A_343 = tpu.memref_squeeze %dma_wait3A_342 : memref<1x4096xi32, #tpu.memory_space<hbm>> -> memref<4096xi32, #tpu.memory_space<hbm>>
    tpu.wait_dma2 semaphore(%arg27 : memref<!tpu.dma_semaphore, #tpu.memory_space<semaphore_mem>>) src(%dma_wait3A_343 : memref<4096xi32, #tpu.memory_space<hbm>>) dst(%arg7 : memref<4096xi32, #tpu.memory_space<vmem>>)
    %dma_wait3A_344 = arith.constant 262144 : i32
    %dma_wait3A_345 = tpu.memref_slice %arg2[%select_n3A, %dma_wait3A_344] : memref<8x274432xf32, #tpu.memory_space<hbm>> -> memref<1x4096xf32, #tpu.memory_space<hbm>>
    %dma_wait3A_346 = tpu.memref_squeeze %dma_wait3A_345 : memref<1x4096xf32, #tpu.memory_space<hbm>> -> memref<4096xf32, #tpu.memory_space<hbm>>
    %dma_wait3A_347 = arith.constant 262144 : i32
    %dma_wait3A_348 = tpu.memref_slice %arg2[%select_n3A, %dma_wait3A_347] : memref<8x274432xf32, #tpu.memory_space<hbm>> -> memref<1x4096xf32, #tpu.memory_space<hbm>>
    %dma_wait3A_349 = tpu.memref_squeeze %dma_wait3A_348 : memref<1x4096xf32, #tpu.memory_space<hbm>> -> memref<4096xf32, #tpu.memory_space<hbm>>
    tpu.wait_dma2 semaphore(%arg27 : memref<!tpu.dma_semaphore, #tpu.memory_space<semaphore_mem>>) src(%dma_wait3A_349 : memref<4096xf32, #tpu.memory_space<hbm>>) dst(%arg9 : memref<4096xf32, #tpu.memory_space<vmem>>)
    %add3A_350 = arith.constant 0 : i32
    %add3A_351 = arith.addi %mul3A_32, %add3A_350 : i32
    %dma_wait3A_352 = arith.constant 0 : i32
    %dma_wait3A_353 = tpu.memref_slice %arg11[%dma_wait3A_352] : memref<4096xf32, #tpu.memory_space<vmem>> -> memref<4096xf32, #tpu.memory_space<vmem>>
    %dma_wait3A_354 = arith.constant 253952 : i32
    %dma_wait3A_355 = tpu.memref_slice %arg5[%select_n3A, %add3A_351, %dma_wait3A_354] : memref<8x32x263169xf32, #tpu.memory_space<hbm>> -> memref<1x1x4096xf32, #tpu.memory_space<hbm>>
    %dma_wait3A_356 = tpu.memref_squeeze %dma_wait3A_355 : memref<1x1x4096xf32, #tpu.memory_space<hbm>> -> memref<4096xf32, #tpu.memory_space<hbm>>
    %dma_wait3A_357 = arith.constant 253952 : i32
    %dma_wait3A_358 = tpu.memref_slice %arg5[%select_n3A, %add3A_351, %dma_wait3A_357] : memref<8x32x263169xf32, #tpu.memory_space<hbm>> -> memref<1x1x4096xf32, #tpu.memory_space<hbm>>
    %dma_wait3A_359 = tpu.memref_squeeze %dma_wait3A_358 : memref<1x1x4096xf32, #tpu.memory_space<hbm>> -> memref<4096xf32, #tpu.memory_space<hbm>>
    %dma_wait3A_360 = arith.constant 0 : i32
    %dma_wait3A_361 = tpu.memref_slice %arg11[%dma_wait3A_360] : memref<4096xf32, #tpu.memory_space<vmem>> -> memref<4096xf32, #tpu.memory_space<vmem>>
    tpu.wait_dma2 semaphore(%arg29 : memref<!tpu.dma_semaphore, #tpu.memory_space<semaphore_mem>>) src(%dma_wait3A_361 : memref<4096xf32, #tpu.memory_space<vmem>>) dst(%dma_wait3A_359 : memref<4096xf32, #tpu.memory_space<hbm>>)
    %add3A_362 = arith.constant 1 : i32
    %add3A_363 = arith.addi %mul3A_32, %add3A_362 : i32
    %dma_wait3A_364 = arith.constant 0 : i32
    %dma_wait3A_365 = tpu.memref_slice %arg12[%dma_wait3A_364] : memref<4096xf32, #tpu.memory_space<vmem>> -> memref<4096xf32, #tpu.memory_space<vmem>>
    %dma_wait3A_366 = arith.constant 253952 : i32
    %dma_wait3A_367 = tpu.memref_slice %arg5[%select_n3A, %add3A_363, %dma_wait3A_366] : memref<8x32x263169xf32, #tpu.memory_space<hbm>> -> memref<1x1x4096xf32, #tpu.memory_space<hbm>>
    %dma_wait3A_368 = tpu.memref_squeeze %dma_wait3A_367 : memref<1x1x4096xf32, #tpu.memory_space<hbm>> -> memref<4096xf32, #tpu.memory_space<hbm>>
    %dma_wait3A_369 = arith.constant 253952 : i32
    %dma_wait3A_370 = tpu.memref_slice %arg5[%select_n3A, %add3A_363, %dma_wait3A_369] : memref<8x32x263169xf32, #tpu.memory_space<hbm>> -> memref<1x1x4096xf32, #tpu.memory_space<hbm>>
    %dma_wait3A_371 = tpu.memref_squeeze %dma_wait3A_370 : memref<1x1x4096xf32, #tpu.memory_space<hbm>> -> memref<4096xf32, #tpu.memory_space<hbm>>
    %dma_wait3A_372 = arith.constant 0 : i32
    %dma_wait3A_373 = tpu.memref_slice %arg12[%dma_wait3A_372] : memref<4096xf32, #tpu.memory_space<vmem>> -> memref<4096xf32, #tpu.memory_space<vmem>>
    tpu.wait_dma2 semaphore(%arg29 : memref<!tpu.dma_semaphore, #tpu.memory_space<semaphore_mem>>) src(%dma_wait3A_373 : memref<4096xf32, #tpu.memory_space<vmem>>) dst(%dma_wait3A_371 : memref<4096xf32, #tpu.memory_space<hbm>>)
    %add3A_374 = arith.constant 2 : i32
    %add3A_375 = arith.addi %mul3A_32, %add3A_374 : i32
    %dma_wait3A_376 = arith.constant 0 : i32
    %dma_wait3A_377 = tpu.memref_slice %arg13[%dma_wait3A_376] : memref<4096xf32, #tpu.memory_space<vmem>> -> memref<4096xf32, #tpu.memory_space<vmem>>
    %dma_wait3A_378 = arith.constant 253952 : i32
    %dma_wait3A_379 = tpu.memref_slice %arg5[%select_n3A, %add3A_375, %dma_wait3A_378] : memref<8x32x263169xf32, #tpu.memory_space<hbm>> -> memref<1x1x4096xf32, #tpu.memory_space<hbm>>
    %dma_wait3A_380 = tpu.memref_squeeze %dma_wait3A_379 : memref<1x1x4096xf32, #tpu.memory_space<hbm>> -> memref<4096xf32, #tpu.memory_space<hbm>>
    %dma_wait3A_381 = arith.constant 253952 : i32
    %dma_wait3A_382 = tpu.memref_slice %arg5[%select_n3A, %add3A_375, %dma_wait3A_381] : memref<8x32x263169xf32, #tpu.memory_space<hbm>> -> memref<1x1x4096xf32, #tpu.memory_space<hbm>>
    %dma_wait3A_383 = tpu.memref_squeeze %dma_wait3A_382 : memref<1x1x4096xf32, #tpu.memory_space<hbm>> -> memref<4096xf32, #tpu.memory_space<hbm>>
    %dma_wait3A_384 = arith.constant 0 : i32
    %dma_wait3A_385 = tpu.memref_slice %arg13[%dma_wait3A_384] : memref<4096xf32, #tpu.memory_space<vmem>> -> memref<4096xf32, #tpu.memory_space<vmem>>
    tpu.wait_dma2 semaphore(%arg29 : memref<!tpu.dma_semaphore, #tpu.memory_space<semaphore_mem>>) src(%dma_wait3A_385 : memref<4096xf32, #tpu.memory_space<vmem>>) dst(%dma_wait3A_383 : memref<4096xf32, #tpu.memory_space<hbm>>)
    %add3A_386 = arith.constant 3 : i32
    %add3A_387 = arith.addi %mul3A_32, %add3A_386 : i32
    %dma_wait3A_388 = arith.constant 0 : i32
    %dma_wait3A_389 = tpu.memref_slice %arg14[%dma_wait3A_388] : memref<4096xf32, #tpu.memory_space<vmem>> -> memref<4096xf32, #tpu.memory_space<vmem>>
    %dma_wait3A_390 = arith.constant 253952 : i32
    %dma_wait3A_391 = tpu.memref_slice %arg5[%select_n3A, %add3A_387, %dma_wait3A_390] : memref<8x32x263169xf32, #tpu.memory_space<hbm>> -> memref<1x1x4096xf32, #tpu.memory_space<hbm>>
    %dma_wait3A_392 = tpu.memref_squeeze %dma_wait3A_391 : memref<1x1x4096xf32, #tpu.memory_space<hbm>> -> memref<4096xf32, #tpu.memory_space<hbm>>
    %dma_wait3A_393 = arith.constant 253952 : i32
    %dma_wait3A_394 = tpu.memref_slice %arg5[%select_n3A, %add3A_387, %dma_wait3A_393] : memref<8x32x263169xf32, #tpu.memory_space<hbm>> -> memref<1x1x4096xf32, #tpu.memory_space<hbm>>
    %dma_wait3A_395 = tpu.memref_squeeze %dma_wait3A_394 : memref<1x1x4096xf32, #tpu.memory_space<hbm>> -> memref<4096xf32, #tpu.memory_space<hbm>>
    %dma_wait3A_396 = arith.constant 0 : i32
    %dma_wait3A_397 = tpu.memref_slice %arg14[%dma_wait3A_396] : memref<4096xf32, #tpu.memory_space<vmem>> -> memref<4096xf32, #tpu.memory_space<vmem>>
    tpu.wait_dma2 semaphore(%arg29 : memref<!tpu.dma_semaphore, #tpu.memory_space<semaphore_mem>>) src(%dma_wait3A_397 : memref<4096xf32, #tpu.memory_space<vmem>>) dst(%dma_wait3A_395 : memref<4096xf32, #tpu.memory_space<hbm>>)
    %add3A_398 = arith.constant 4 : i32
    %add3A_399 = arith.addi %mul3A_32, %add3A_398 : i32
    %dma_wait3A_400 = arith.constant 0 : i32
    %dma_wait3A_401 = tpu.memref_slice %arg15[%dma_wait3A_400] : memref<4096xf32, #tpu.memory_space<vmem>> -> memref<4096xf32, #tpu.memory_space<vmem>>
    %dma_wait3A_402 = arith.constant 253952 : i32
    %dma_wait3A_403 = tpu.memref_slice %arg5[%select_n3A, %add3A_399, %dma_wait3A_402] : memref<8x32x263169xf32, #tpu.memory_space<hbm>> -> memref<1x1x4096xf32, #tpu.memory_space<hbm>>
    %dma_wait3A_404 = tpu.memref_squeeze %dma_wait3A_403 : memref<1x1x4096xf32, #tpu.memory_space<hbm>> -> memref<4096xf32, #tpu.memory_space<hbm>>
    %dma_wait3A_405 = arith.constant 253952 : i32
    %dma_wait3A_406 = tpu.memref_slice %arg5[%select_n3A, %add3A_399, %dma_wait3A_405] : memref<8x32x263169xf32, #tpu.memory_space<hbm>> -> memref<1x1x4096xf32, #tpu.memory_space<hbm>>
    %dma_wait3A_407 = tpu.memref_squeeze %dma_wait3A_406 : memref<1x1x4096xf32, #tpu.memory_space<hbm>> -> memref<4096xf32, #tpu.memory_space<hbm>>
    %dma_wait3A_408 = arith.constant 0 : i32
    %dma_wait3A_409 = tpu.memref_slice %arg15[%dma_wait3A_408] : memref<4096xf32, #tpu.memory_space<vmem>> -> memref<4096xf32, #tpu.memory_space<vmem>>
    tpu.wait_dma2 semaphore(%arg29 : memref<!tpu.dma_semaphore, #tpu.memory_space<semaphore_mem>>) src(%dma_wait3A_409 : memref<4096xf32, #tpu.memory_space<vmem>>) dst(%dma_wait3A_407 : memref<4096xf32, #tpu.memory_space<hbm>>)
    %add3A_410 = arith.constant 5 : i32
    %add3A_411 = arith.addi %mul3A_32, %add3A_410 : i32
    %dma_wait3A_412 = arith.constant 0 : i32
    %dma_wait3A_413 = tpu.memref_slice %arg16[%dma_wait3A_412] : memref<4096xf32, #tpu.memory_space<vmem>> -> memref<4096xf32, #tpu.memory_space<vmem>>
    %dma_wait3A_414 = arith.constant 253952 : i32
    %dma_wait3A_415 = tpu.memref_slice %arg5[%select_n3A, %add3A_411, %dma_wait3A_414] : memref<8x32x263169xf32, #tpu.memory_space<hbm>> -> memref<1x1x4096xf32, #tpu.memory_space<hbm>>
    %dma_wait3A_416 = tpu.memref_squeeze %dma_wait3A_415 : memref<1x1x4096xf32, #tpu.memory_space<hbm>> -> memref<4096xf32, #tpu.memory_space<hbm>>
    %dma_wait3A_417 = arith.constant 253952 : i32
    %dma_wait3A_418 = tpu.memref_slice %arg5[%select_n3A, %add3A_411, %dma_wait3A_417] : memref<8x32x263169xf32, #tpu.memory_space<hbm>> -> memref<1x1x4096xf32, #tpu.memory_space<hbm>>
    %dma_wait3A_419 = tpu.memref_squeeze %dma_wait3A_418 : memref<1x1x4096xf32, #tpu.memory_space<hbm>> -> memref<4096xf32, #tpu.memory_space<hbm>>
    %dma_wait3A_420 = arith.constant 0 : i32
    %dma_wait3A_421 = tpu.memref_slice %arg16[%dma_wait3A_420] : memref<4096xf32, #tpu.memory_space<vmem>> -> memref<4096xf32, #tpu.memory_space<vmem>>
    tpu.wait_dma2 semaphore(%arg29 : memref<!tpu.dma_semaphore, #tpu.memory_space<semaphore_mem>>) src(%dma_wait3A_421 : memref<4096xf32, #tpu.memory_space<vmem>>) dst(%dma_wait3A_419 : memref<4096xf32, #tpu.memory_space<hbm>>)
    %add3A_422 = arith.constant 6 : i32
    %add3A_423 = arith.addi %mul3A_32, %add3A_422 : i32
    %dma_wait3A_424 = arith.constant 0 : i32
    %dma_wait3A_425 = tpu.memref_slice %arg17[%dma_wait3A_424] : memref<4096xf32, #tpu.memory_space<vmem>> -> memref<4096xf32, #tpu.memory_space<vmem>>
    %dma_wait3A_426 = arith.constant 253952 : i32
    %dma_wait3A_427 = tpu.memref_slice %arg5[%select_n3A, %add3A_423, %dma_wait3A_426] : memref<8x32x263169xf32, #tpu.memory_space<hbm>> -> memref<1x1x4096xf32, #tpu.memory_space<hbm>>
    %dma_wait3A_428 = tpu.memref_squeeze %dma_wait3A_427 : memref<1x1x4096xf32, #tpu.memory_space<hbm>> -> memref<4096xf32, #tpu.memory_space<hbm>>
    %dma_wait3A_429 = arith.constant 253952 : i32
    %dma_wait3A_430 = tpu.memref_slice %arg5[%select_n3A, %add3A_423, %dma_wait3A_429] : memref<8x32x263169xf32, #tpu.memory_space<hbm>> -> memref<1x1x4096xf32, #tpu.memory_space<hbm>>
    %dma_wait3A_431 = tpu.memref_squeeze %dma_wait3A_430 : memref<1x1x4096xf32, #tpu.memory_space<hbm>> -> memref<4096xf32, #tpu.memory_space<hbm>>
    %dma_wait3A_432 = arith.constant 0 : i32
    %dma_wait3A_433 = tpu.memref_slice %arg17[%dma_wait3A_432] : memref<4096xf32, #tpu.memory_space<vmem>> -> memref<4096xf32, #tpu.memory_space<vmem>>
    tpu.wait_dma2 semaphore(%arg29 : memref<!tpu.dma_semaphore, #tpu.memory_space<semaphore_mem>>) src(%dma_wait3A_433 : memref<4096xf32, #tpu.memory_space<vmem>>) dst(%dma_wait3A_431 : memref<4096xf32, #tpu.memory_space<hbm>>)
    %add3A_434 = arith.constant 7 : i32
    %add3A_435 = arith.addi %mul3A_32, %add3A_434 : i32
    %dma_wait3A_436 = arith.constant 0 : i32
    %dma_wait3A_437 = tpu.memref_slice %arg18[%dma_wait3A_436] : memref<4096xf32, #tpu.memory_space<vmem>> -> memref<4096xf32, #tpu.memory_space<vmem>>
    %dma_wait3A_438 = arith.constant 253952 : i32
    %dma_wait3A_439 = tpu.memref_slice %arg5[%select_n3A, %add3A_435, %dma_wait3A_438] : memref<8x32x263169xf32, #tpu.memory_space<hbm>> -> memref<1x1x4096xf32, #tpu.memory_space<hbm>>
    %dma_wait3A_440 = tpu.memref_squeeze %dma_wait3A_439 : memref<1x1x4096xf32, #tpu.memory_space<hbm>> -> memref<4096xf32, #tpu.memory_space<hbm>>
    %dma_wait3A_441 = arith.constant 253952 : i32
    %dma_wait3A_442 = tpu.memref_slice %arg5[%select_n3A, %add3A_435, %dma_wait3A_441] : memref<8x32x263169xf32, #tpu.memory_space<hbm>> -> memref<1x1x4096xf32, #tpu.memory_space<hbm>>
    %dma_wait3A_443 = tpu.memref_squeeze %dma_wait3A_442 : memref<1x1x4096xf32, #tpu.memory_space<hbm>> -> memref<4096xf32, #tpu.memory_space<hbm>>
    %dma_wait3A_444 = arith.constant 0 : i32
    %dma_wait3A_445 = tpu.memref_slice %arg18[%dma_wait3A_444] : memref<4096xf32, #tpu.memory_space<vmem>> -> memref<4096xf32, #tpu.memory_space<vmem>>
    tpu.wait_dma2 semaphore(%arg29 : memref<!tpu.dma_semaphore, #tpu.memory_space<semaphore_mem>>) src(%dma_wait3A_445 : memref<4096xf32, #tpu.memory_space<vmem>>) dst(%dma_wait3A_443 : memref<4096xf32, #tpu.memory_space<hbm>>)
    %parallel_loop3A_446 = arith.constant 0 : i32
    %parallel_loop3A_447 = arith.constant 1040 : i32
    %parallel_loop3A_448 = arith.constant 16 : i32
    scf.for %parallel_loop3A_737 = %parallel_loop3A_446 to %parallel_loop3A_447 step %parallel_loop3A_448  : i32 {
      %parallel_loop3A_738 = arith.index_cast %parallel_loop3A_737 : i32 to index
      %parallel_loop3A_739 = tpu.vector_load %arg7[%parallel_loop3A_738] {strides = array<i32>} : memref<4096xi32, #tpu.memory_space<vmem>>, vector<16xi32>,
      %parallel_loop3A_740 = arith.index_cast %parallel_loop3A_737 : i32 to index
      %parallel_loop3A_741 = tpu.vector_load %arg9[%parallel_loop3A_740] {strides = array<i32>} : memref<4096xf32, #tpu.memory_space<vmem>>, vector<16xf32>,
      %parallel_loop3A_742 = arith.addf %parallel_loop3A_741, %parallel_loop3A_741 : vector<16xf32>
      %parallel_loop3A_743 = vector.broadcast %mul3A_36 : i32 to vector<16xi32>
      %parallel_loop3A_744 = arith.addi %parallel_loop3A_739, %parallel_loop3A_743 : vector<16xi32>
      %parallel_loop3A_745 = tpu.vector_load_idx %arg6[%parallel_loop3A_744] : memref<16640xf32, #tpu.memory_space<vmem>>[vector<16xi32>], vector<16xf32>,
      %parallel_loop3A_746 = arith.addf %parallel_loop3A_742, %parallel_loop3A_745 : vector<16xf32>
      %parallel_loop3A_747 = arith.index_cast %parallel_loop3A_737 : i32 to index
      %parallel_loop3A_748 = tpu.vector_load %arg11[%parallel_loop3A_747] {strides = array<i32>} : memref<4096xf32, #tpu.memory_space<vmem>>, vector<16xf32>,
      tpu.vector_store %arg11[%parallel_loop3A_747], %parallel_loop3A_746 {strides = array<i32>} : memref<4096xf32, #tpu.memory_space<vmem>>, vector<16xf32>,
      %parallel_loop3A_749 = vector.broadcast %mul3A_40 : i32 to vector<16xi32>
      %parallel_loop3A_750 = arith.addi %parallel_loop3A_739, %parallel_loop3A_749 : vector<16xi32>
      %parallel_loop3A_751 = tpu.vector_load_idx %arg6[%parallel_loop3A_750] : memref<16640xf32, #tpu.memory_space<vmem>>[vector<16xi32>], vector<16xf32>,
      %parallel_loop3A_752 = arith.addf %parallel_loop3A_742, %parallel_loop3A_751 : vector<16xf32>
      %parallel_loop3A_753 = arith.index_cast %parallel_loop3A_737 : i32 to index
      %parallel_loop3A_754 = tpu.vector_load %arg12[%parallel_loop3A_753] {strides = array<i32>} : memref<4096xf32, #tpu.memory_space<vmem>>, vector<16xf32>,
      tpu.vector_store %arg12[%parallel_loop3A_753], %parallel_loop3A_752 {strides = array<i32>} : memref<4096xf32, #tpu.memory_space<vmem>>, vector<16xf32>,
      %parallel_loop3A_755 = vector.broadcast %mul3A_44 : i32 to vector<16xi32>
      %parallel_loop3A_756 = arith.addi %parallel_loop3A_739, %parallel_loop3A_755 : vector<16xi32>
      %parallel_loop3A_757 = tpu.vector_load_idx %arg6[%parallel_loop3A_756] : memref<16640xf32, #tpu.memory_space<vmem>>[vector<16xi32>], vector<16xf32>,
      %parallel_loop3A_758 = arith.addf %parallel_loop3A_742, %parallel_loop3A_757 : vector<16xf32>
      %parallel_loop3A_759 = arith.index_cast %parallel_loop3A_737 : i32 to index
      %parallel_loop3A_760 = tpu.vector_load %arg13[%parallel_loop3A_759] {strides = array<i32>} : memref<4096xf32, #tpu.memory_space<vmem>>, vector<16xf32>,
      tpu.vector_store %arg13[%parallel_loop3A_759], %parallel_loop3A_758 {strides = array<i32>} : memref<4096xf32, #tpu.memory_space<vmem>>, vector<16xf32>,
      %parallel_loop3A_761 = vector.broadcast %mul3A_48 : i32 to vector<16xi32>
      %parallel_loop3A_762 = arith.addi %parallel_loop3A_739, %parallel_loop3A_761 : vector<16xi32>
      %parallel_loop3A_763 = tpu.vector_load_idx %arg6[%parallel_loop3A_762] : memref<16640xf32, #tpu.memory_space<vmem>>[vector<16xi32>], vector<16xf32>,
      %parallel_loop3A_764 = arith.addf %parallel_loop3A_742, %parallel_loop3A_763 : vector<16xf32>
      %parallel_loop3A_765 = arith.index_cast %parallel_loop3A_737 : i32 to index
      %parallel_loop3A_766 = tpu.vector_load %arg14[%parallel_loop3A_765] {strides = array<i32>} : memref<4096xf32, #tpu.memory_space<vmem>>, vector<16xf32>,
      tpu.vector_store %arg14[%parallel_loop3A_765], %parallel_loop3A_764 {strides = array<i32>} : memref<4096xf32, #tpu.memory_space<vmem>>, vector<16xf32>,
      %parallel_loop3A_767 = vector.broadcast %mul3A_52 : i32 to vector<16xi32>
      %parallel_loop3A_768 = arith.addi %parallel_loop3A_739, %parallel_loop3A_767 : vector<16xi32>
      %parallel_loop3A_769 = tpu.vector_load_idx %arg6[%parallel_loop3A_768] : memref<16640xf32, #tpu.memory_space<vmem>>[vector<16xi32>], vector<16xf32>,
      %parallel_loop3A_770 = arith.addf %parallel_loop3A_742, %parallel_loop3A_769 : vector<16xf32>
      %parallel_loop3A_771 = arith.index_cast %parallel_loop3A_737 : i32 to index
      %parallel_loop3A_772 = tpu.vector_load %arg15[%parallel_loop3A_771] {strides = array<i32>} : memref<4096xf32, #tpu.memory_space<vmem>>, vector<16xf32>,
      tpu.vector_store %arg15[%parallel_loop3A_771], %parallel_loop3A_770 {strides = array<i32>} : memref<4096xf32, #tpu.memory_space<vmem>>, vector<16xf32>,
      %parallel_loop3A_773 = vector.broadcast %mul3A_56 : i32 to vector<16xi32>
      %parallel_loop3A_774 = arith.addi %parallel_loop3A_739, %parallel_loop3A_773 : vector<16xi32>
      %parallel_loop3A_775 = tpu.vector_load_idx %arg6[%parallel_loop3A_774] : memref<16640xf32, #tpu.memory_space<vmem>>[vector<16xi32>], vector<16xf32>,
      %parallel_loop3A_776 = arith.addf %parallel_loop3A_742, %parallel_loop3A_775 : vector<16xf32>
      %parallel_loop3A_777 = arith.index_cast %parallel_loop3A_737 : i32 to index
      %parallel_loop3A_778 = tpu.vector_load %arg16[%parallel_loop3A_777] {strides = array<i32>} : memref<4096xf32, #tpu.memory_space<vmem>>, vector<16xf32>,
      tpu.vector_store %arg16[%parallel_loop3A_777], %parallel_loop3A_776 {strides = array<i32>} : memref<4096xf32, #tpu.memory_space<vmem>>, vector<16xf32>,
      %parallel_loop3A_779 = vector.broadcast %mul3A_60 : i32 to vector<16xi32>
      %parallel_loop3A_780 = arith.addi %parallel_loop3A_739, %parallel_loop3A_779 : vector<16xi32>
      %parallel_loop3A_781 = tpu.vector_load_idx %arg6[%parallel_loop3A_780] : memref<16640xf32, #tpu.memory_space<vmem>>[vector<16xi32>], vector<16xf32>,
      %parallel_loop3A_782 = arith.addf %parallel_loop3A_742, %parallel_loop3A_781 : vector<16xf32>
      %parallel_loop3A_783 = arith.index_cast %parallel_loop3A_737 : i32 to index
      %parallel_loop3A_784 = tpu.vector_load %arg17[%parallel_loop3A_783] {strides = array<i32>} : memref<4096xf32, #tpu.memory_space<vmem>>, vector<16xf32>,
      tpu.vector_store %arg17[%parallel_loop3A_783], %parallel_loop3A_782 {strides = array<i32>} : memref<4096xf32, #tpu.memory_space<vmem>>, vector<16xf32>,
      %parallel_loop3A_785 = vector.broadcast %mul3A_64 : i32 to vector<16xi32>
      %parallel_loop3A_786 = arith.addi %parallel_loop3A_739, %parallel_loop3A_785 : vector<16xi32>
      %parallel_loop3A_787 = tpu.vector_load_idx %arg6[%parallel_loop3A_786] : memref<16640xf32, #tpu.memory_space<vmem>>[vector<16xi32>], vector<16xf32>,
      %parallel_loop3A_788 = arith.addf %parallel_loop3A_742, %parallel_loop3A_787 : vector<16xf32>
      %parallel_loop3A_789 = arith.index_cast %parallel_loop3A_737 : i32 to index
      %parallel_loop3A_790 = tpu.vector_load %arg18[%parallel_loop3A_789] {strides = array<i32>} : memref<4096xf32, #tpu.memory_space<vmem>>, vector<16xf32>,
      tpu.vector_store %arg18[%parallel_loop3A_789], %parallel_loop3A_788 {strides = array<i32>} : memref<4096xf32, #tpu.memory_space<vmem>>, vector<16xf32>,
    } {sc.loop_unroll_factor = 4 : i64, sc.parallel_access}
    %add3A_449 = arith.constant 0 : i32
    %add3A_450 = arith.addi %mul3A_32, %add3A_449 : i32
    %dma_start3A_451 = arith.constant 0 : i32
    %dma_start3A_452 = tpu.memref_slice %arg11[%dma_start3A_451] : memref<4096xf32, #tpu.memory_space<vmem>> -> memref<1025xf32, #tpu.memory_space<vmem>>
    %dma_start3A_453 = arith.constant 262144 : i32
    %dma_start3A_454 = tpu.memref_slice %arg5[%select_n3A, %add3A_450, %dma_start3A_453] : memref<8x32x263169xf32, #tpu.memory_space<hbm>> -> memref<1x1x1025xf32, #tpu.memory_space<hbm>>
    %dma_start3A_455 = tpu.memref_squeeze %dma_start3A_454 : memref<1x1x1025xf32, #tpu.memory_space<hbm>> -> memref<1025xf32, #tpu.memory_space<hbm>>
    %dma_start3A_456 = arith.constant 262144 : i32
    %dma_start3A_457 = tpu.memref_slice %arg5[%select_n3A, %add3A_450, %dma_start3A_456] : memref<8x32x263169xf32, #tpu.memory_space<hbm>> -> memref<1x1x1025xf32, #tpu.memory_space<hbm>>
    %dma_start3A_458 = tpu.memref_squeeze %dma_start3A_457 : memref<1x1x1025xf32, #tpu.memory_space<hbm>> -> memref<1025xf32, #tpu.memory_space<hbm>>
    %dma_start3A_459 = arith.constant 0 : i32
    %dma_start3A_460 = tpu.memref_slice %arg11[%dma_start3A_459] : memref<4096xf32, #tpu.memory_space<vmem>> -> memref<1025xf32, #tpu.memory_space<vmem>>
    tpu.enqueue_dma source(%dma_start3A_460 : memref<1025xf32, #tpu.memory_space<vmem>>) target(%dma_start3A_458 : memref<1025xf32, #tpu.memory_space<hbm>>) target_semaphore(%arg29 : memref<!tpu.dma_semaphore, #tpu.memory_space<semaphore_mem>>)
    %add3A_461 = arith.constant 1 : i32
    %add3A_462 = arith.addi %mul3A_32, %add3A_461 : i32
    %dma_start3A_463 = arith.constant 0 : i32
    %dma_start3A_464 = tpu.memref_slice %arg12[%dma_start3A_463] : memref<4096xf32, #tpu.memory_space<vmem>> -> memref<1025xf32, #tpu.memory_space<vmem>>
    %dma_start3A_465 = arith.constant 262144 : i32
    %dma_start3A_466 = tpu.memref_slice %arg5[%select_n3A, %add3A_462, %dma_start3A_465] : memref<8x32x263169xf32, #tpu.memory_space<hbm>> -> memref<1x1x1025xf32, #tpu.memory_space<hbm>>
    %dma_start3A_467 = tpu.memref_squeeze %dma_start3A_466 : memref<1x1x1025xf32, #tpu.memory_space<hbm>> -> memref<1025xf32, #tpu.memory_space<hbm>>
    %dma_start3A_468 = arith.constant 262144 : i32
    %dma_start3A_469 = tpu.memref_slice %arg5[%select_n3A, %add3A_462, %dma_start3A_468] : memref<8x32x263169xf32, #tpu.memory_space<hbm>> -> memref<1x1x1025xf32, #tpu.memory_space<hbm>>
    %dma_start3A_470 = tpu.memref_squeeze %dma_start3A_469 : memref<1x1x1025xf32, #tpu.memory_space<hbm>> -> memref<1025xf32, #tpu.memory_space<hbm>>
    %dma_start3A_471 = arith.constant 0 : i32
    %dma_start3A_472 = tpu.memref_slice %arg12[%dma_start3A_471] : memref<4096xf32, #tpu.memory_space<vmem>> -> memref<1025xf32, #tpu.memory_space<vmem>>
    tpu.enqueue_dma source(%dma_start3A_472 : memref<1025xf32, #tpu.memory_space<vmem>>) target(%dma_start3A_470 : memref<1025xf32, #tpu.memory_space<hbm>>) target_semaphore(%arg29 : memref<!tpu.dma_semaphore, #tpu.memory_space<semaphore_mem>>)
    %add3A_473 = arith.constant 2 : i32
    %add3A_474 = arith.addi %mul3A_32, %add3A_473 : i32
    %dma_start3A_475 = arith.constant 0 : i32
    %dma_start3A_476 = tpu.memref_slice %arg13[%dma_start3A_475] : memref<4096xf32, #tpu.memory_space<vmem>> -> memref<1025xf32, #tpu.memory_space<vmem>>
    %dma_start3A_477 = arith.constant 262144 : i32
    %dma_start3A_478 = tpu.memref_slice %arg5[%select_n3A, %add3A_474, %dma_start3A_477] : memref<8x32x263169xf32, #tpu.memory_space<hbm>> -> memref<1x1x1025xf32, #tpu.memory_space<hbm>>
    %dma_start3A_479 = tpu.memref_squeeze %dma_start3A_478 : memref<1x1x1025xf32, #tpu.memory_space<hbm>> -> memref<1025xf32, #tpu.memory_space<hbm>>
    %dma_start3A_480 = arith.constant 262144 : i32
    %dma_start3A_481 = tpu.memref_slice %arg5[%select_n3A, %add3A_474, %dma_start3A_480] : memref<8x32x263169xf32, #tpu.memory_space<hbm>> -> memref<1x1x1025xf32, #tpu.memory_space<hbm>>
    %dma_start3A_482 = tpu.memref_squeeze %dma_start3A_481 : memref<1x1x1025xf32, #tpu.memory_space<hbm>> -> memref<1025xf32, #tpu.memory_space<hbm>>
    %dma_start3A_483 = arith.constant 0 : i32
    %dma_start3A_484 = tpu.memref_slice %arg13[%dma_start3A_483] : memref<4096xf32, #tpu.memory_space<vmem>> -> memref<1025xf32, #tpu.memory_space<vmem>>
    tpu.enqueue_dma source(%dma_start3A_484 : memref<1025xf32, #tpu.memory_space<vmem>>) target(%dma_start3A_482 : memref<1025xf32, #tpu.memory_space<hbm>>) target_semaphore(%arg29 : memref<!tpu.dma_semaphore, #tpu.memory_space<semaphore_mem>>)
    %add3A_485 = arith.constant 3 : i32
    %add3A_486 = arith.addi %mul3A_32, %add3A_485 : i32
    %dma_start3A_487 = arith.constant 0 : i32
    %dma_start3A_488 = tpu.memref_slice %arg14[%dma_start3A_487] : memref<4096xf32, #tpu.memory_space<vmem>> -> memref<1025xf32, #tpu.memory_space<vmem>>
    %dma_start3A_489 = arith.constant 262144 : i32
    %dma_start3A_490 = tpu.memref_slice %arg5[%select_n3A, %add3A_486, %dma_start3A_489] : memref<8x32x263169xf32, #tpu.memory_space<hbm>> -> memref<1x1x1025xf32, #tpu.memory_space<hbm>>
    %dma_start3A_491 = tpu.memref_squeeze %dma_start3A_490 : memref<1x1x1025xf32, #tpu.memory_space<hbm>> -> memref<1025xf32, #tpu.memory_space<hbm>>
    %dma_start3A_492 = arith.constant 262144 : i32
    %dma_start3A_493 = tpu.memref_slice %arg5[%select_n3A, %add3A_486, %dma_start3A_492] : memref<8x32x263169xf32, #tpu.memory_space<hbm>> -> memref<1x1x1025xf32, #tpu.memory_space<hbm>>
    %dma_start3A_494 = tpu.memref_squeeze %dma_start3A_493 : memref<1x1x1025xf32, #tpu.memory_space<hbm>> -> memref<1025xf32, #tpu.memory_space<hbm>>
    %dma_start3A_495 = arith.constant 0 : i32
    %dma_start3A_496 = tpu.memref_slice %arg14[%dma_start3A_495] : memref<4096xf32, #tpu.memory_space<vmem>> -> memref<1025xf32, #tpu.memory_space<vmem>>
    tpu.enqueue_dma source(%dma_start3A_496 : memref<1025xf32, #tpu.memory_space<vmem>>) target(%dma_start3A_494 : memref<1025xf32, #tpu.memory_space<hbm>>) target_semaphore(%arg29 : memref<!tpu.dma_semaphore, #tpu.memory_space<semaphore_mem>>)
    %add3A_497 = arith.constant 4 : i32
    %add3A_498 = arith.addi %mul3A_32, %add3A_497 : i32
    %dma_start3A_499 = arith.constant 0 : i32
    %dma_start3A_500 = tpu.memref_slice %arg15[%dma_start3A_499] : memref<4096xf32, #tpu.memory_space<vmem>> -> memref<1025xf32, #tpu.memory_space<vmem>>
    %dma_start3A_501 = arith.constant 262144 : i32
    %dma_start3A_502 = tpu.memref_slice %arg5[%select_n3A, %add3A_498, %dma_start3A_501] : memref<8x32x263169xf32, #tpu.memory_space<hbm>> -> memref<1x1x1025xf32, #tpu.memory_space<hbm>>
    %dma_start3A_503 = tpu.memref_squeeze %dma_start3A_502 : memref<1x1x1025xf32, #tpu.memory_space<hbm>> -> memref<1025xf32, #tpu.memory_space<hbm>>
    %dma_start3A_504 = arith.constant 262144 : i32
    %dma_start3A_505 = tpu.memref_slice %arg5[%select_n3A, %add3A_498, %dma_start3A_504] : memref<8x32x263169xf32, #tpu.memory_space<hbm>> -> memref<1x1x1025xf32, #tpu.memory_space<hbm>>
    %dma_start3A_506 = tpu.memref_squeeze %dma_start3A_505 : memref<1x1x1025xf32, #tpu.memory_space<hbm>> -> memref<1025xf32, #tpu.memory_space<hbm>>
    %dma_start3A_507 = arith.constant 0 : i32
    %dma_start3A_508 = tpu.memref_slice %arg15[%dma_start3A_507] : memref<4096xf32, #tpu.memory_space<vmem>> -> memref<1025xf32, #tpu.memory_space<vmem>>
    tpu.enqueue_dma source(%dma_start3A_508 : memref<1025xf32, #tpu.memory_space<vmem>>) target(%dma_start3A_506 : memref<1025xf32, #tpu.memory_space<hbm>>) target_semaphore(%arg29 : memref<!tpu.dma_semaphore, #tpu.memory_space<semaphore_mem>>)
    %add3A_509 = arith.constant 5 : i32
    %add3A_510 = arith.addi %mul3A_32, %add3A_509 : i32
    %dma_start3A_511 = arith.constant 0 : i32
    %dma_start3A_512 = tpu.memref_slice %arg16[%dma_start3A_511] : memref<4096xf32, #tpu.memory_space<vmem>> -> memref<1025xf32, #tpu.memory_space<vmem>>
    %dma_start3A_513 = arith.constant 262144 : i32
    %dma_start3A_514 = tpu.memref_slice %arg5[%select_n3A, %add3A_510, %dma_start3A_513] : memref<8x32x263169xf32, #tpu.memory_space<hbm>> -> memref<1x1x1025xf32, #tpu.memory_space<hbm>>
    %dma_start3A_515 = tpu.memref_squeeze %dma_start3A_514 : memref<1x1x1025xf32, #tpu.memory_space<hbm>> -> memref<1025xf32, #tpu.memory_space<hbm>>
    %dma_start3A_516 = arith.constant 262144 : i32
    %dma_start3A_517 = tpu.memref_slice %arg5[%select_n3A, %add3A_510, %dma_start3A_516] : memref<8x32x263169xf32, #tpu.memory_space<hbm>> -> memref<1x1x1025xf32, #tpu.memory_space<hbm>>
    %dma_start3A_518 = tpu.memref_squeeze %dma_start3A_517 : memref<1x1x1025xf32, #tpu.memory_space<hbm>> -> memref<1025xf32, #tpu.memory_space<hbm>>
    %dma_start3A_519 = arith.constant 0 : i32
    %dma_start3A_520 = tpu.memref_slice %arg16[%dma_start3A_519] : memref<4096xf32, #tpu.memory_space<vmem>> -> memref<1025xf32, #tpu.memory_space<vmem>>
    tpu.enqueue_dma source(%dma_start3A_520 : memref<1025xf32, #tpu.memory_space<vmem>>) target(%dma_start3A_518 : memref<1025xf32, #tpu.memory_space<hbm>>) target_semaphore(%arg29 : memref<!tpu.dma_semaphore, #tpu.memory_space<semaphore_mem>>)
    %add3A_521 = arith.constant 6 : i32
    %add3A_522 = arith.addi %mul3A_32, %add3A_521 : i32
    %dma_start3A_523 = arith.constant 0 : i32
    %dma_start3A_524 = tpu.memref_slice %arg17[%dma_start3A_523] : memref<4096xf32, #tpu.memory_space<vmem>> -> memref<1025xf32, #tpu.memory_space<vmem>>
    %dma_start3A_525 = arith.constant 262144 : i32
    %dma_start3A_526 = tpu.memref_slice %arg5[%select_n3A, %add3A_522, %dma_start3A_525] : memref<8x32x263169xf32, #tpu.memory_space<hbm>> -> memref<1x1x1025xf32, #tpu.memory_space<hbm>>
    %dma_start3A_527 = tpu.memref_squeeze %dma_start3A_526 : memref<1x1x1025xf32, #tpu.memory_space<hbm>> -> memref<1025xf32, #tpu.memory_space<hbm>>
    %dma_start3A_528 = arith.constant 262144 : i32
    %dma_start3A_529 = tpu.memref_slice %arg5[%select_n3A, %add3A_522, %dma_start3A_528] : memref<8x32x263169xf32, #tpu.memory_space<hbm>> -> memref<1x1x1025xf32, #tpu.memory_space<hbm>>
    %dma_start3A_530 = tpu.memref_squeeze %dma_start3A_529 : memref<1x1x1025xf32, #tpu.memory_space<hbm>> -> memref<1025xf32, #tpu.memory_space<hbm>>
    %dma_start3A_531 = arith.constant 0 : i32
    %dma_start3A_532 = tpu.memref_slice %arg17[%dma_start3A_531] : memref<4096xf32, #tpu.memory_space<vmem>> -> memref<1025xf32, #tpu.memory_space<vmem>>
    tpu.enqueue_dma source(%dma_start3A_532 : memref<1025xf32, #tpu.memory_space<vmem>>) target(%dma_start3A_530 : memref<1025xf32, #tpu.memory_space<hbm>>) target_semaphore(%arg29 : memref<!tpu.dma_semaphore, #tpu.memory_space<semaphore_mem>>)
    %add3A_533 = arith.constant 7 : i32
    %add3A_534 = arith.addi %mul3A_32, %add3A_533 : i32
    %dma_start3A_535 = arith.constant 0 : i32
    %dma_start3A_536 = tpu.memref_slice %arg18[%dma_start3A_535] : memref<4096xf32, #tpu.memory_space<vmem>> -> memref<1025xf32, #tpu.memory_space<vmem>>
    %dma_start3A_537 = arith.constant 262144 : i32
    %dma_start3A_538 = tpu.memref_slice %arg5[%select_n3A, %add3A_534, %dma_start3A_537] : memref<8x32x263169xf32, #tpu.memory_space<hbm>> -> memref<1x1x1025xf32, #tpu.memory_space<hbm>>
    %dma_start3A_539 = tpu.memref_squeeze %dma_start3A_538 : memref<1x1x1025xf32, #tpu.memory_space<hbm>> -> memref<1025xf32, #tpu.memory_space<hbm>>
    %dma_start3A_540 = arith.constant 262144 : i32
    %dma_start3A_541 = tpu.memref_slice %arg5[%select_n3A, %add3A_534, %dma_start3A_540] : memref<8x32x263169xf32, #tpu.memory_space<hbm>> -> memref<1x1x1025xf32, #tpu.memory_space<hbm>>
    %dma_start3A_542 = tpu.memref_squeeze %dma_start3A_541 : memref<1x1x1025xf32, #tpu.memory_space<hbm>> -> memref<1025xf32, #tpu.memory_space<hbm>>
    %dma_start3A_543 = arith.constant 0 : i32
    %dma_start3A_544 = tpu.memref_slice %arg18[%dma_start3A_543] : memref<4096xf32, #tpu.memory_space<vmem>> -> memref<1025xf32, #tpu.memory_space<vmem>>
    tpu.enqueue_dma source(%dma_start3A_544 : memref<1025xf32, #tpu.memory_space<vmem>>) target(%dma_start3A_542 : memref<1025xf32, #tpu.memory_space<hbm>>) target_semaphore(%arg29 : memref<!tpu.dma_semaphore, #tpu.memory_space<semaphore_mem>>)
    %add3A_545 = arith.constant 0 : i32
    %add3A_546 = arith.addi %mul3A_32, %add3A_545 : i32
    %dma_wait3A_547 = arith.constant 0 : i32
    %dma_wait3A_548 = tpu.memref_slice %arg19[%dma_wait3A_547] : memref<4096xf32, #tpu.memory_space<vmem>> -> memref<4096xf32, #tpu.memory_space<vmem>>
    %dma_wait3A_549 = arith.constant 258048 : i32
    %dma_wait3A_550 = tpu.memref_slice %arg5[%select_n3A, %add3A_546, %dma_wait3A_549] : memref<8x32x263169xf32, #tpu.memory_space<hbm>> -> memref<1x1x4096xf32, #tpu.memory_space<hbm>>
    %dma_wait3A_551 = tpu.memref_squeeze %dma_wait3A_550 : memref<1x1x4096xf32, #tpu.memory_space<hbm>> -> memref<4096xf32, #tpu.memory_space<hbm>>
    %dma_wait3A_552 = arith.constant 258048 : i32
    %dma_wait3A_553 = tpu.memref_slice %arg5[%select_n3A, %add3A_546, %dma_wait3A_552] : memref<8x32x263169xf32, #tpu.memory_space<hbm>> -> memref<1x1x4096xf32, #tpu.memory_space<hbm>>
    %dma_wait3A_554 = tpu.memref_squeeze %dma_wait3A_553 : memref<1x1x4096xf32, #tpu.memory_space<hbm>> -> memref<4096xf32, #tpu.memory_space<hbm>>
    %dma_wait3A_555 = arith.constant 0 : i32
    %dma_wait3A_556 = tpu.memref_slice %arg19[%dma_wait3A_555] : memref<4096xf32, #tpu.memory_space<vmem>> -> memref<4096xf32, #tpu.memory_space<vmem>>
    tpu.wait_dma2 semaphore(%arg30 : memref<!tpu.dma_semaphore, #tpu.memory_space<semaphore_mem>>) src(%dma_wait3A_556 : memref<4096xf32, #tpu.memory_space<vmem>>) dst(%dma_wait3A_554 : memref<4096xf32, #tpu.memory_space<hbm>>)
    %add3A_557 = arith.constant 1 : i32
    %add3A_558 = arith.addi %mul3A_32, %add3A_557 : i32
    %dma_wait3A_559 = arith.constant 0 : i32
    %dma_wait3A_560 = tpu.memref_slice %arg20[%dma_wait3A_559] : memref<4096xf32, #tpu.memory_space<vmem>> -> memref<4096xf32, #tpu.memory_space<vmem>>
    %dma_wait3A_561 = arith.constant 258048 : i32
    %dma_wait3A_562 = tpu.memref_slice %arg5[%select_n3A, %add3A_558, %dma_wait3A_561] : memref<8x32x263169xf32, #tpu.memory_space<hbm>> -> memref<1x1x4096xf32, #tpu.memory_space<hbm>>
    %dma_wait3A_563 = tpu.memref_squeeze %dma_wait3A_562 : memref<1x1x4096xf32, #tpu.memory_space<hbm>> -> memref<4096xf32, #tpu.memory_space<hbm>>
    %dma_wait3A_564 = arith.constant 258048 : i32
    %dma_wait3A_565 = tpu.memref_slice %arg5[%select_n3A, %add3A_558, %dma_wait3A_564] : memref<8x32x263169xf32, #tpu.memory_space<hbm>> -> memref<1x1x4096xf32, #tpu.memory_space<hbm>>
    %dma_wait3A_566 = tpu.memref_squeeze %dma_wait3A_565 : memref<1x1x4096xf32, #tpu.memory_space<hbm>> -> memref<4096xf32, #tpu.memory_space<hbm>>
    %dma_wait3A_567 = arith.constant 0 : i32
    %dma_wait3A_568 = tpu.memref_slice %arg20[%dma_wait3A_567] : memref<4096xf32, #tpu.memory_space<vmem>> -> memref<4096xf32, #tpu.memory_space<vmem>>
    tpu.wait_dma2 semaphore(%arg30 : memref<!tpu.dma_semaphore, #tpu.memory_space<semaphore_mem>>) src(%dma_wait3A_568 : memref<4096xf32, #tpu.memory_space<vmem>>) dst(%dma_wait3A_566 : memref<4096xf32, #tpu.memory_space<hbm>>)
    %add3A_569 = arith.constant 2 : i32
    %add3A_570 = arith.addi %mul3A_32, %add3A_569 : i32
    %dma_wait3A_571 = arith.constant 0 : i32
    %dma_wait3A_572 = tpu.memref_slice %arg21[%dma_wait3A_571] : memref<4096xf32, #tpu.memory_space<vmem>> -> memref<4096xf32, #tpu.memory_space<vmem>>
    %dma_wait3A_573 = arith.constant 258048 : i32
    %dma_wait3A_574 = tpu.memref_slice %arg5[%select_n3A, %add3A_570, %dma_wait3A_573] : memref<8x32x263169xf32, #tpu.memory_space<hbm>> -> memref<1x1x4096xf32, #tpu.memory_space<hbm>>
    %dma_wait3A_575 = tpu.memref_squeeze %dma_wait3A_574 : memref<1x1x4096xf32, #tpu.memory_space<hbm>> -> memref<4096xf32, #tpu.memory_space<hbm>>
    %dma_wait3A_576 = arith.constant 258048 : i32
    %dma_wait3A_577 = tpu.memref_slice %arg5[%select_n3A, %add3A_570, %dma_wait3A_576] : memref<8x32x263169xf32, #tpu.memory_space<hbm>> -> memref<1x1x4096xf32, #tpu.memory_space<hbm>>
    %dma_wait3A_578 = tpu.memref_squeeze %dma_wait3A_577 : memref<1x1x4096xf32, #tpu.memory_space<hbm>> -> memref<4096xf32, #tpu.memory_space<hbm>>
    %dma_wait3A_579 = arith.constant 0 : i32
    %dma_wait3A_580 = tpu.memref_slice %arg21[%dma_wait3A_579] : memref<4096xf32, #tpu.memory_space<vmem>> -> memref<4096xf32, #tpu.memory_space<vmem>>
    tpu.wait_dma2 semaphore(%arg30 : memref<!tpu.dma_semaphore, #tpu.memory_space<semaphore_mem>>) src(%dma_wait3A_580 : memref<4096xf32, #tpu.memory_space<vmem>>) dst(%dma_wait3A_578 : memref<4096xf32, #tpu.memory_space<hbm>>)
    %add3A_581 = arith.constant 3 : i32
    %add3A_582 = arith.addi %mul3A_32, %add3A_581 : i32
    %dma_wait3A_583 = arith.constant 0 : i32
    %dma_wait3A_584 = tpu.memref_slice %arg22[%dma_wait3A_583] : memref<4096xf32, #tpu.memory_space<vmem>> -> memref<4096xf32, #tpu.memory_space<vmem>>
    %dma_wait3A_585 = arith.constant 258048 : i32
    %dma_wait3A_586 = tpu.memref_slice %arg5[%select_n3A, %add3A_582, %dma_wait3A_585] : memref<8x32x263169xf32, #tpu.memory_space<hbm>> -> memref<1x1x4096xf32, #tpu.memory_space<hbm>>
    %dma_wait3A_587 = tpu.memref_squeeze %dma_wait3A_586 : memref<1x1x4096xf32, #tpu.memory_space<hbm>> -> memref<4096xf32, #tpu.memory_space<hbm>>
    %dma_wait3A_588 = arith.constant 258048 : i32
    %dma_wait3A_589 = tpu.memref_slice %arg5[%select_n3A, %add3A_582, %dma_wait3A_588] : memref<8x32x263169xf32, #tpu.memory_space<hbm>> -> memref<1x1x4096xf32, #tpu.memory_space<hbm>>
    %dma_wait3A_590 = tpu.memref_squeeze %dma_wait3A_589 : memref<1x1x4096xf32, #tpu.memory_space<hbm>> -> memref<4096xf32, #tpu.memory_space<hbm>>
    %dma_wait3A_591 = arith.constant 0 : i32
    %dma_wait3A_592 = tpu.memref_slice %arg22[%dma_wait3A_591] : memref<4096xf32, #tpu.memory_space<vmem>> -> memref<4096xf32, #tpu.memory_space<vmem>>
    tpu.wait_dma2 semaphore(%arg30 : memref<!tpu.dma_semaphore, #tpu.memory_space<semaphore_mem>>) src(%dma_wait3A_592 : memref<4096xf32, #tpu.memory_space<vmem>>) dst(%dma_wait3A_590 : memref<4096xf32, #tpu.memory_space<hbm>>)
    %add3A_593 = arith.constant 4 : i32
    %add3A_594 = arith.addi %mul3A_32, %add3A_593 : i32
    %dma_wait3A_595 = arith.constant 0 : i32
    %dma_wait3A_596 = tpu.memref_slice %arg23[%dma_wait3A_595] : memref<4096xf32, #tpu.memory_space<vmem>> -> memref<4096xf32, #tpu.memory_space<vmem>>
    %dma_wait3A_597 = arith.constant 258048 : i32
    %dma_wait3A_598 = tpu.memref_slice %arg5[%select_n3A, %add3A_594, %dma_wait3A_597] : memref<8x32x263169xf32, #tpu.memory_space<hbm>> -> memref<1x1x4096xf32, #tpu.memory_space<hbm>>
    %dma_wait3A_599 = tpu.memref_squeeze %dma_wait3A_598 : memref<1x1x4096xf32, #tpu.memory_space<hbm>> -> memref<4096xf32, #tpu.memory_space<hbm>>
    %dma_wait3A_600 = arith.constant 258048 : i32
    %dma_wait3A_601 = tpu.memref_slice %arg5[%select_n3A, %add3A_594, %dma_wait3A_600] : memref<8x32x263169xf32, #tpu.memory_space<hbm>> -> memref<1x1x4096xf32, #tpu.memory_space<hbm>>
    %dma_wait3A_602 = tpu.memref_squeeze %dma_wait3A_601 : memref<1x1x4096xf32, #tpu.memory_space<hbm>> -> memref<4096xf32, #tpu.memory_space<hbm>>
    %dma_wait3A_603 = arith.constant 0 : i32
    %dma_wait3A_604 = tpu.memref_slice %arg23[%dma_wait3A_603] : memref<4096xf32, #tpu.memory_space<vmem>> -> memref<4096xf32, #tpu.memory_space<vmem>>
    tpu.wait_dma2 semaphore(%arg30 : memref<!tpu.dma_semaphore, #tpu.memory_space<semaphore_mem>>) src(%dma_wait3A_604 : memref<4096xf32, #tpu.memory_space<vmem>>) dst(%dma_wait3A_602 : memref<4096xf32, #tpu.memory_space<hbm>>)
    %add3A_605 = arith.constant 5 : i32
    %add3A_606 = arith.addi %mul3A_32, %add3A_605 : i32
    %dma_wait3A_607 = arith.constant 0 : i32
    %dma_wait3A_608 = tpu.memref_slice %arg24[%dma_wait3A_607] : memref<4096xf32, #tpu.memory_space<vmem>> -> memref<4096xf32, #tpu.memory_space<vmem>>
    %dma_wait3A_609 = arith.constant 258048 : i32
    %dma_wait3A_610 = tpu.memref_slice %arg5[%select_n3A, %add3A_606, %dma_wait3A_609] : memref<8x32x263169xf32, #tpu.memory_space<hbm>> -> memref<1x1x4096xf32, #tpu.memory_space<hbm>>
    %dma_wait3A_611 = tpu.memref_squeeze %dma_wait3A_610 : memref<1x1x4096xf32, #tpu.memory_space<hbm>> -> memref<4096xf32, #tpu.memory_space<hbm>>
    %dma_wait3A_612 = arith.constant 258048 : i32
    %dma_wait3A_613 = tpu.memref_slice %arg5[%select_n3A, %add3A_606, %dma_wait3A_612] : memref<8x32x263169xf32, #tpu.memory_space<hbm>> -> memref<1x1x4096xf32, #tpu.memory_space<hbm>>
    %dma_wait3A_614 = tpu.memref_squeeze %dma_wait3A_613 : memref<1x1x4096xf32, #tpu.memory_space<hbm>> -> memref<4096xf32, #tpu.memory_space<hbm>>
    %dma_wait3A_615 = arith.constant 0 : i32
    %dma_wait3A_616 = tpu.memref_slice %arg24[%dma_wait3A_615] : memref<4096xf32, #tpu.memory_space<vmem>> -> memref<4096xf32, #tpu.memory_space<vmem>>
    tpu.wait_dma2 semaphore(%arg30 : memref<!tpu.dma_semaphore, #tpu.memory_space<semaphore_mem>>) src(%dma_wait3A_616 : memref<4096xf32, #tpu.memory_space<vmem>>) dst(%dma_wait3A_614 : memref<4096xf32, #tpu.memory_space<hbm>>)
    %add3A_617 = arith.constant 6 : i32
    %add3A_618 = arith.addi %mul3A_32, %add3A_617 : i32
    %dma_wait3A_619 = arith.constant 0 : i32
    %dma_wait3A_620 = tpu.memref_slice %arg25[%dma_wait3A_619] : memref<4096xf32, #tpu.memory_space<vmem>> -> memref<4096xf32, #tpu.memory_space<vmem>>
    %dma_wait3A_621 = arith.constant 258048 : i32
    %dma_wait3A_622 = tpu.memref_slice %arg5[%select_n3A, %add3A_618, %dma_wait3A_621] : memref<8x32x263169xf32, #tpu.memory_space<hbm>> -> memref<1x1x4096xf32, #tpu.memory_space<hbm>>
    %dma_wait3A_623 = tpu.memref_squeeze %dma_wait3A_622 : memref<1x1x4096xf32, #tpu.memory_space<hbm>> -> memref<4096xf32, #tpu.memory_space<hbm>>
    %dma_wait3A_624 = arith.constant 258048 : i32
    %dma_wait3A_625 = tpu.memref_slice %arg5[%select_n3A, %add3A_618, %dma_wait3A_624] : memref<8x32x263169xf32, #tpu.memory_space<hbm>> -> memref<1x1x4096xf32, #tpu.memory_space<hbm>>
    %dma_wait3A_626 = tpu.memref_squeeze %dma_wait3A_625 : memref<1x1x4096xf32, #tpu.memory_space<hbm>> -> memref<4096xf32, #tpu.memory_space<hbm>>
    %dma_wait3A_627 = arith.constant 0 : i32
    %dma_wait3A_628 = tpu.memref_slice %arg25[%dma_wait3A_627] : memref<4096xf32, #tpu.memory_space<vmem>> -> memref<4096xf32, #tpu.memory_space<vmem>>
    tpu.wait_dma2 semaphore(%arg30 : memref<!tpu.dma_semaphore, #tpu.memory_space<semaphore_mem>>) src(%dma_wait3A_628 : memref<4096xf32, #tpu.memory_space<vmem>>) dst(%dma_wait3A_626 : memref<4096xf32, #tpu.memory_space<hbm>>)
    %add3A_629 = arith.constant 7 : i32
    %add3A_630 = arith.addi %mul3A_32, %add3A_629 : i32
    %dma_wait3A_631 = arith.constant 0 : i32
    %dma_wait3A_632 = tpu.memref_slice %arg26[%dma_wait3A_631] : memref<4096xf32, #tpu.memory_space<vmem>> -> memref<4096xf32, #tpu.memory_space<vmem>>
    %dma_wait3A_633 = arith.constant 258048 : i32
    %dma_wait3A_634 = tpu.memref_slice %arg5[%select_n3A, %add3A_630, %dma_wait3A_633] : memref<8x32x263169xf32, #tpu.memory_space<hbm>> -> memref<1x1x4096xf32, #tpu.memory_space<hbm>>
    %dma_wait3A_635 = tpu.memref_squeeze %dma_wait3A_634 : memref<1x1x4096xf32, #tpu.memory_space<hbm>> -> memref<4096xf32, #tpu.memory_space<hbm>>
    %dma_wait3A_636 = arith.constant 258048 : i32
    %dma_wait3A_637 = tpu.memref_slice %arg5[%select_n3A, %add3A_630, %dma_wait3A_636] : memref<8x32x263169xf32, #tpu.memory_space<hbm>> -> memref<1x1x4096xf32, #tpu.memory_space<hbm>>
    %dma_wait3A_638 = tpu.memref_squeeze %dma_wait3A_637 : memref<1x1x4096xf32, #tpu.memory_space<hbm>> -> memref<4096xf32, #tpu.memory_space<hbm>>
    %dma_wait3A_639 = arith.constant 0 : i32
    %dma_wait3A_640 = tpu.memref_slice %arg26[%dma_wait3A_639] : memref<4096xf32, #tpu.memory_space<vmem>> -> memref<4096xf32, #tpu.memory_space<vmem>>
    tpu.wait_dma2 semaphore(%arg30 : memref<!tpu.dma_semaphore, #tpu.memory_space<semaphore_mem>>) src(%dma_wait3A_640 : memref<4096xf32, #tpu.memory_space<vmem>>) dst(%dma_wait3A_638 : memref<4096xf32, #tpu.memory_space<hbm>>)
    %add3A_641 = arith.constant 0 : i32
    %add3A_642 = arith.addi %mul3A_32, %add3A_641 : i32
    %dma_wait3A_643 = arith.constant 0 : i32
    %dma_wait3A_644 = tpu.memref_slice %arg11[%dma_wait3A_643] : memref<4096xf32, #tpu.memory_space<vmem>> -> memref<1025xf32, #tpu.memory_space<vmem>>
    %dma_wait3A_645 = arith.constant 262144 : i32
    %dma_wait3A_646 = tpu.memref_slice %arg5[%select_n3A, %add3A_642, %dma_wait3A_645] : memref<8x32x263169xf32, #tpu.memory_space<hbm>> -> memref<1x1x1025xf32, #tpu.memory_space<hbm>>
    %dma_wait3A_647 = tpu.memref_squeeze %dma_wait3A_646 : memref<1x1x1025xf32, #tpu.memory_space<hbm>> -> memref<1025xf32, #tpu.memory_space<hbm>>
    %dma_wait3A_648 = arith.constant 262144 : i32
    %dma_wait3A_649 = tpu.memref_slice %arg5[%select_n3A, %add3A_642, %dma_wait3A_648] : memref<8x32x263169xf32, #tpu.memory_space<hbm>> -> memref<1x1x1025xf32, #tpu.memory_space<hbm>>
    %dma_wait3A_650 = tpu.memref_squeeze %dma_wait3A_649 : memref<1x1x1025xf32, #tpu.memory_space<hbm>> -> memref<1025xf32, #tpu.memory_space<hbm>>
    %dma_wait3A_651 = arith.constant 0 : i32
    %dma_wait3A_652 = tpu.memref_slice %arg11[%dma_wait3A_651] : memref<4096xf32, #tpu.memory_space<vmem>> -> memref<1025xf32, #tpu.memory_space<vmem>>
    tpu.wait_dma2 semaphore(%arg29 : memref<!tpu.dma_semaphore, #tpu.memory_space<semaphore_mem>>) src(%dma_wait3A_652 : memref<1025xf32, #tpu.memory_space<vmem>>) dst(%dma_wait3A_650 : memref<1025xf32, #tpu.memory_space<hbm>>)
    %add3A_653 = arith.constant 1 : i32
    %add3A_654 = arith.addi %mul3A_32, %add3A_653 : i32
    %dma_wait3A_655 = arith.constant 0 : i32
    %dma_wait3A_656 = tpu.memref_slice %arg12[%dma_wait3A_655] : memref<4096xf32, #tpu.memory_space<vmem>> -> memref<1025xf32, #tpu.memory_space<vmem>>
    %dma_wait3A_657 = arith.constant 262144 : i32
    %dma_wait3A_658 = tpu.memref_slice %arg5[%select_n3A, %add3A_654, %dma_wait3A_657] : memref<8x32x263169xf32, #tpu.memory_space<hbm>> -> memref<1x1x1025xf32, #tpu.memory_space<hbm>>
    %dma_wait3A_659 = tpu.memref_squeeze %dma_wait3A_658 : memref<1x1x1025xf32, #tpu.memory_space<hbm>> -> memref<1025xf32, #tpu.memory_space<hbm>>
    %dma_wait3A_660 = arith.constant 262144 : i32
    %dma_wait3A_661 = tpu.memref_slice %arg5[%select_n3A, %add3A_654, %dma_wait3A_660] : memref<8x32x263169xf32, #tpu.memory_space<hbm>> -> memref<1x1x1025xf32, #tpu.memory_space<hbm>>
    %dma_wait3A_662 = tpu.memref_squeeze %dma_wait3A_661 : memref<1x1x1025xf32, #tpu.memory_space<hbm>> -> memref<1025xf32, #tpu.memory_space<hbm>>
    %dma_wait3A_663 = arith.constant 0 : i32
    %dma_wait3A_664 = tpu.memref_slice %arg12[%dma_wait3A_663] : memref<4096xf32, #tpu.memory_space<vmem>> -> memref<1025xf32, #tpu.memory_space<vmem>>
    tpu.wait_dma2 semaphore(%arg29 : memref<!tpu.dma_semaphore, #tpu.memory_space<semaphore_mem>>) src(%dma_wait3A_664 : memref<1025xf32, #tpu.memory_space<vmem>>) dst(%dma_wait3A_662 : memref<1025xf32, #tpu.memory_space<hbm>>)
    %add3A_665 = arith.constant 2 : i32
    %add3A_666 = arith.addi %mul3A_32, %add3A_665 : i32
    %dma_wait3A_667 = arith.constant 0 : i32
    %dma_wait3A_668 = tpu.memref_slice %arg13[%dma_wait3A_667] : memref<4096xf32, #tpu.memory_space<vmem>> -> memref<1025xf32, #tpu.memory_space<vmem>>
    %dma_wait3A_669 = arith.constant 262144 : i32
    %dma_wait3A_670 = tpu.memref_slice %arg5[%select_n3A, %add3A_666, %dma_wait3A_669] : memref<8x32x263169xf32, #tpu.memory_space<hbm>> -> memref<1x1x1025xf32, #tpu.memory_space<hbm>>
    %dma_wait3A_671 = tpu.memref_squeeze %dma_wait3A_670 : memref<1x1x1025xf32, #tpu.memory_space<hbm>> -> memref<1025xf32, #tpu.memory_space<hbm>>
    %dma_wait3A_672 = arith.constant 262144 : i32
    %dma_wait3A_673 = tpu.memref_slice %arg5[%select_n3A, %add3A_666, %dma_wait3A_672] : memref<8x32x263169xf32, #tpu.memory_space<hbm>> -> memref<1x1x1025xf32, #tpu.memory_space<hbm>>
    %dma_wait3A_674 = tpu.memref_squeeze %dma_wait3A_673 : memref<1x1x1025xf32, #tpu.memory_space<hbm>> -> memref<1025xf32, #tpu.memory_space<hbm>>
    %dma_wait3A_675 = arith.constant 0 : i32
    %dma_wait3A_676 = tpu.memref_slice %arg13[%dma_wait3A_675] : memref<4096xf32, #tpu.memory_space<vmem>> -> memref<1025xf32, #tpu.memory_space<vmem>>
    tpu.wait_dma2 semaphore(%arg29 : memref<!tpu.dma_semaphore, #tpu.memory_space<semaphore_mem>>) src(%dma_wait3A_676 : memref<1025xf32, #tpu.memory_space<vmem>>) dst(%dma_wait3A_674 : memref<1025xf32, #tpu.memory_space<hbm>>)
    %add3A_677 = arith.constant 3 : i32
    %add3A_678 = arith.addi %mul3A_32, %add3A_677 : i32
    %dma_wait3A_679 = arith.constant 0 : i32
    %dma_wait3A_680 = tpu.memref_slice %arg14[%dma_wait3A_679] : memref<4096xf32, #tpu.memory_space<vmem>> -> memref<1025xf32, #tpu.memory_space<vmem>>
    %dma_wait3A_681 = arith.constant 262144 : i32
    %dma_wait3A_682 = tpu.memref_slice %arg5[%select_n3A, %add3A_678, %dma_wait3A_681] : memref<8x32x263169xf32, #tpu.memory_space<hbm>> -> memref<1x1x1025xf32, #tpu.memory_space<hbm>>
    %dma_wait3A_683 = tpu.memref_squeeze %dma_wait3A_682 : memref<1x1x1025xf32, #tpu.memory_space<hbm>> -> memref<1025xf32, #tpu.memory_space<hbm>>
    %dma_wait3A_684 = arith.constant 262144 : i32
    %dma_wait3A_685 = tpu.memref_slice %arg5[%select_n3A, %add3A_678, %dma_wait3A_684] : memref<8x32x263169xf32, #tpu.memory_space<hbm>> -> memref<1x1x1025xf32, #tpu.memory_space<hbm>>
    %dma_wait3A_686 = tpu.memref_squeeze %dma_wait3A_685 : memref<1x1x1025xf32, #tpu.memory_space<hbm>> -> memref<1025xf32, #tpu.memory_space<hbm>>
    %dma_wait3A_687 = arith.constant 0 : i32
    %dma_wait3A_688 = tpu.memref_slice %arg14[%dma_wait3A_687] : memref<4096xf32, #tpu.memory_space<vmem>> -> memref<1025xf32, #tpu.memory_space<vmem>>
    tpu.wait_dma2 semaphore(%arg29 : memref<!tpu.dma_semaphore, #tpu.memory_space<semaphore_mem>>) src(%dma_wait3A_688 : memref<1025xf32, #tpu.memory_space<vmem>>) dst(%dma_wait3A_686 : memref<1025xf32, #tpu.memory_space<hbm>>)
    %add3A_689 = arith.constant 4 : i32
    %add3A_690 = arith.addi %mul3A_32, %add3A_689 : i32
    %dma_wait3A_691 = arith.constant 0 : i32
    %dma_wait3A_692 = tpu.memref_slice %arg15[%dma_wait3A_691] : memref<4096xf32, #tpu.memory_space<vmem>> -> memref<1025xf32, #tpu.memory_space<vmem>>
    %dma_wait3A_693 = arith.constant 262144 : i32
    %dma_wait3A_694 = tpu.memref_slice %arg5[%select_n3A, %add3A_690, %dma_wait3A_693] : memref<8x32x263169xf32, #tpu.memory_space<hbm>> -> memref<1x1x1025xf32, #tpu.memory_space<hbm>>
    %dma_wait3A_695 = tpu.memref_squeeze %dma_wait3A_694 : memref<1x1x1025xf32, #tpu.memory_space<hbm>> -> memref<1025xf32, #tpu.memory_space<hbm>>
    %dma_wait3A_696 = arith.constant 262144 : i32
    %dma_wait3A_697 = tpu.memref_slice %arg5[%select_n3A, %add3A_690, %dma_wait3A_696] : memref<8x32x263169xf32, #tpu.memory_space<hbm>> -> memref<1x1x1025xf32, #tpu.memory_space<hbm>>
    %dma_wait3A_698 = tpu.memref_squeeze %dma_wait3A_697 : memref<1x1x1025xf32, #tpu.memory_space<hbm>> -> memref<1025xf32, #tpu.memory_space<hbm>>
    %dma_wait3A_699 = arith.constant 0 : i32
    %dma_wait3A_700 = tpu.memref_slice %arg15[%dma_wait3A_699] : memref<4096xf32, #tpu.memory_space<vmem>> -> memref<1025xf32, #tpu.memory_space<vmem>>
    tpu.wait_dma2 semaphore(%arg29 : memref<!tpu.dma_semaphore, #tpu.memory_space<semaphore_mem>>) src(%dma_wait3A_700 : memref<1025xf32, #tpu.memory_space<vmem>>) dst(%dma_wait3A_698 : memref<1025xf32, #tpu.memory_space<hbm>>)
    %add3A_701 = arith.constant 5 : i32
    %add3A_702 = arith.addi %mul3A_32, %add3A_701 : i32
    %dma_wait3A_703 = arith.constant 0 : i32
    %dma_wait3A_704 = tpu.memref_slice %arg16[%dma_wait3A_703] : memref<4096xf32, #tpu.memory_space<vmem>> -> memref<1025xf32, #tpu.memory_space<vmem>>
    %dma_wait3A_705 = arith.constant 262144 : i32
    %dma_wait3A_706 = tpu.memref_slice %arg5[%select_n3A, %add3A_702, %dma_wait3A_705] : memref<8x32x263169xf32, #tpu.memory_space<hbm>> -> memref<1x1x1025xf32, #tpu.memory_space<hbm>>
    %dma_wait3A_707 = tpu.memref_squeeze %dma_wait3A_706 : memref<1x1x1025xf32, #tpu.memory_space<hbm>> -> memref<1025xf32, #tpu.memory_space<hbm>>
    %dma_wait3A_708 = arith.constant 262144 : i32
    %dma_wait3A_709 = tpu.memref_slice %arg5[%select_n3A, %add3A_702, %dma_wait3A_708] : memref<8x32x263169xf32, #tpu.memory_space<hbm>> -> memref<1x1x1025xf32, #tpu.memory_space<hbm>>
    %dma_wait3A_710 = tpu.memref_squeeze %dma_wait3A_709 : memref<1x1x1025xf32, #tpu.memory_space<hbm>> -> memref<1025xf32, #tpu.memory_space<hbm>>
    %dma_wait3A_711 = arith.constant 0 : i32
    %dma_wait3A_712 = tpu.memref_slice %arg16[%dma_wait3A_711] : memref<4096xf32, #tpu.memory_space<vmem>> -> memref<1025xf32, #tpu.memory_space<vmem>>
    tpu.wait_dma2 semaphore(%arg29 : memref<!tpu.dma_semaphore, #tpu.memory_space<semaphore_mem>>) src(%dma_wait3A_712 : memref<1025xf32, #tpu.memory_space<vmem>>) dst(%dma_wait3A_710 : memref<1025xf32, #tpu.memory_space<hbm>>)
    %add3A_713 = arith.constant 6 : i32
    %add3A_714 = arith.addi %mul3A_32, %add3A_713 : i32
    %dma_wait3A_715 = arith.constant 0 : i32
    %dma_wait3A_716 = tpu.memref_slice %arg17[%dma_wait3A_715] : memref<4096xf32, #tpu.memory_space<vmem>> -> memref<1025xf32, #tpu.memory_space<vmem>>
    %dma_wait3A_717 = arith.constant 262144 : i32
    %dma_wait3A_718 = tpu.memref_slice %arg5[%select_n3A, %add3A_714, %dma_wait3A_717] : memref<8x32x263169xf32, #tpu.memory_space<hbm>> -> memref<1x1x1025xf32, #tpu.memory_space<hbm>>
    %dma_wait3A_719 = tpu.memref_squeeze %dma_wait3A_718 : memref<1x1x1025xf32, #tpu.memory_space<hbm>> -> memref<1025xf32, #tpu.memory_space<hbm>>
    %dma_wait3A_720 = arith.constant 262144 : i32
    %dma_wait3A_721 = tpu.memref_slice %arg5[%select_n3A, %add3A_714, %dma_wait3A_720] : memref<8x32x263169xf32, #tpu.memory_space<hbm>> -> memref<1x1x1025xf32, #tpu.memory_space<hbm>>
    %dma_wait3A_722 = tpu.memref_squeeze %dma_wait3A_721 : memref<1x1x1025xf32, #tpu.memory_space<hbm>> -> memref<1025xf32, #tpu.memory_space<hbm>>
    %dma_wait3A_723 = arith.constant 0 : i32
    %dma_wait3A_724 = tpu.memref_slice %arg17[%dma_wait3A_723] : memref<4096xf32, #tpu.memory_space<vmem>> -> memref<1025xf32, #tpu.memory_space<vmem>>
    tpu.wait_dma2 semaphore(%arg29 : memref<!tpu.dma_semaphore, #tpu.memory_space<semaphore_mem>>) src(%dma_wait3A_724 : memref<1025xf32, #tpu.memory_space<vmem>>) dst(%dma_wait3A_722 : memref<1025xf32, #tpu.memory_space<hbm>>)
    %add3A_725 = arith.constant 7 : i32
    %add3A_726 = arith.addi %mul3A_32, %add3A_725 : i32
    %dma_wait3A_727 = arith.constant 0 : i32
    %dma_wait3A_728 = tpu.memref_slice %arg18[%dma_wait3A_727] : memref<4096xf32, #tpu.memory_space<vmem>> -> memref<1025xf32, #tpu.memory_space<vmem>>
    %dma_wait3A_729 = arith.constant 262144 : i32
    %dma_wait3A_730 = tpu.memref_slice %arg5[%select_n3A, %add3A_726, %dma_wait3A_729] : memref<8x32x263169xf32, #tpu.memory_space<hbm>> -> memref<1x1x1025xf32, #tpu.memory_space<hbm>>
    %dma_wait3A_731 = tpu.memref_squeeze %dma_wait3A_730 : memref<1x1x1025xf32, #tpu.memory_space<hbm>> -> memref<1025xf32, #tpu.memory_space<hbm>>
    %dma_wait3A_732 = arith.constant 262144 : i32
    %dma_wait3A_733 = tpu.memref_slice %arg5[%select_n3A, %add3A_726, %dma_wait3A_732] : memref<8x32x263169xf32, #tpu.memory_space<hbm>> -> memref<1x1x1025xf32, #tpu.memory_space<hbm>>
    %dma_wait3A_734 = tpu.memref_squeeze %dma_wait3A_733 : memref<1x1x1025xf32, #tpu.memory_space<hbm>> -> memref<1025xf32, #tpu.memory_space<hbm>>
    %dma_wait3A_735 = arith.constant 0 : i32
    %dma_wait3A_736 = tpu.memref_slice %arg18[%dma_wait3A_735] : memref<4096xf32, #tpu.memory_space<vmem>> -> memref<1025xf32, #tpu.memory_space<vmem>>
    tpu.wait_dma2 semaphore(%arg29 : memref<!tpu.dma_semaphore, #tpu.memory_space<semaphore_mem>>) src(%dma_wait3A_736 : memref<1025xf32, #tpu.memory_space<vmem>>) dst(%dma_wait3A_734 : memref<1025xf32, #tpu.memory_space<hbm>>)
    return
  }
}

</mosaic_0001>

<sc_bundles>
// kernel: kernel.3.cloned.1.call-start
scs
__scs_entry_jumppad:
0x0: {  	(pc) =	sbr.rel $0x88, $3  }
0x1: {  	(tag) =	ssettag $0x0;
	lr =	simm.s32 $0x1  }
0x2: {  	[smem:$0x3F9D] =	sst lr;
	_ =	strace $0xD0000000  }
0x3: {  	_ = 	snop  }
0x4: {  	_ = 	snop  }
0x5: {  	_ = 	snop  }
0x6: {  	_ = 	snop  }
0x7: {  	_ = 	snop  }
__scs_overlays_trampoline_lowered:
0x8: {  	[smem:$0x3FAC] =	sst s0  }
0x9: {  	[smem:$0x3FAD] =	sst s1  }
0xa: {  	[smem:$0x3FAE] =	sst s2  }
0xb: {  	[smem:$0x3FAF] =	sst s3  }
0xc: {  	[smem:$0x3FB0] =	sst s4  }
0xd: {  	[smem:$0x3FB1] =	sst s5  }
0xe: {  	[smem:$0x3FB2] =	sst s6  }
0xf: {  	[smem:$0x3FB3] =	sst s7  }
0x10: {  	[smem:$0x3FB4] =	sst s8  }
0x11: {  	[smem:$0x3FB5] =	sst s9;
	s0 =	simm.s32 @!p0 $0x0  }
0x12: {  	s1 =	sld [smem:$0x3F9B];
	s0 =	simm.s32 @p0 $0x1  }
0x13: {  	[smem:$0x3FB6] =	sst s0;
	s0 =	simm.s32 @!p1 $0x0  }
0x14: {  	s2 =	sld [smem:$0x3F9A];
	s0 =	simm.s32 @p1 $0x1  }
0x15: {  	[smem:$0x3FB7] =	sst s0;
	s0 =	simm.s32 @!p2 $0x0  }
0x16: {  	s3 =	sld [smem:$0x3FDB];
	s0 =	simm.s32 @p2 $0x1  }
0x17: {  	s4 =	simm.s32 $0x1BF5;
	[smem:$0x3FB9] =	sst s0  }
0x18: {  	s0 =	sld [smem:$0x3F9C];
	_ =	swait.ge [sflag:s4], $0x0  }
0x19: {  	s7 =	sld [smem:$0x3F9D]  }
0x1a: {  	s8 =	sadd.s32 $0xFFFFE003, lr  }
0x1b: {  	s9 =	sadd.s32 $0xFFFFFEF7, lr;
	s5 =	simm.s32 $0xFFFFFFFF;
	p2 =	slt.u32 s8, $0xFFFFF086  }
0x1c: {  	p1 =	slt.u32 s9, $0xF7A;
	s5 =	simm.s32 @!p2 $0x0  }
0x1d: {  	s5 =	simm.s32 @p1 $0x1;
	p0 =	seq.s32 s7, s2  }
0x1e: {  	s7 =	smul.u32 @!p0 $0xF7A, s2;
	p2 =	seq.s32 @!p0 s5, $0x0  }
0x1f: {  	s9 =	smul.u32 $0xF7A, s1;
	s8 =	simm.s32 @!p0 $0x1BF5;
	p2 =	por !p2, p0  }
0x20: {  	[sflag:s8] =	ssyncset.s32 @!p0 $0xFFFFF086;
	s6 =	sadd.s32 @!p0 s3, s7;
	s7 =	simm.s32 @!p0 $0x108  }
0x21: {  	s3 =	sadd.s32 s3, s9;
	s6 =	sadd.s32 @!p0 $0x88, s6;
	s7 =	simm.s32 @p2 $0x1082  }
0x22: {  	[simem:s7], [sflag:s8] =	dma.local @!p0 [hbm:s6], $0xF7A  }
0x23: {  	s9 =	sor.u32 $0xD0000000, s2;
	s6 =	simm.s32 $0x108;
	_ =	swait.ge @!p0 [sflag:s8], $0x0  }
0x24: {  	s3 =	sadd.s32 $0x88, s3;
	s6 =	simm.s32 @!p1 $0x1082;
	[sflag:s4] =	ssyncset.s32 $0xFFFFF086  }
0x25: {  	[simem:s6], [sflag:s4] =	dma.local [hbm:s3], $0xF7A  }
0x26: {  	[smem:$0x3F9D] =	sst s1;
	(tag) =	ssettag s2;
	_ =	strace s9  }
0x27: {  	s1 =	sld [smem:$0x3FAD]  }
0x28: {  	s2 =	sld [smem:$0x3FAE]  }
0x29: {  	s4 =	sld [smem:$0x3FB0]  }
0x2a: {  	p0 =	seq.s32 s5, $0x0;
	s5 =	sld [smem:$0x3FB1]  }
0x2b: {  	s6 =	sld [smem:$0x3FB2]  }
0x2c: {  	s7 =	sld [smem:$0x3FB3]  }
0x2d: {  	s3 =	simm.s32 $0x108;
	s8 =	sld [smem:$0x3FB4]  }
0x2e: {  	s3 =	simm.s32 @!p0 $0x1082;
	s9 =	sld [smem:$0x3FB5]  }
0x2f: {  	lr =	sadd.s32 s0, s3;
	s0 =	sld [smem:$0x3FAC]  }
0x30: {  	s3 =	sld [smem:$0x3FAF]  }
0x31: {  	[smem:$0x3FB8] =	sst s10  }
0x32: {  	s10 =	sld [smem:$0x3FB6];
	_ =	sdelay $0x3  }
0x33: {  	p0 =	seq.s32 s10, $0x1;
	s10 =	sld [smem:$0x3FB8];
	_ =	sdelay $0x3  }
0x34: {  	[smem:$0x3FB8] =	sst s10  }
0x35: {  	s10 =	sld [smem:$0x3FB7];
	_ =	sdelay $0x3  }
0x36: {  	p1 =	seq.s32 s10, $0x1;
	s10 =	sld [smem:$0x3FB8];
	_ =	sdelay $0x3  }
0x37: {  	[smem:$0x3FB8] =	sst s10  }
0x38: {  	s10 =	sld [smem:$0x3FB9]  }
0x39: {  	_ = 	snop;
	(pc) =	sbr.ind lr, $3  }
0x3a: {  	_ = 	snop  }
0x3b: {  	_ = 	snop  }
0x3c: {  	p2 =	seq.s32 s10, $0x1;
	s10 =	sld [smem:$0x3FB8]  }
0x3d: {  	_ =	shalt  }
0x3e: {  	_ =	shalt  }
0x3f: {  	_ =	shalt  }
0x40: {  	_ =	shalt  }
0x41: {  	_ =	shalt  }
0x42: {  	_ =	shalt  }
0x43: {  	_ =	shalt  }
0x44: {  	_ =	shalt  }
0x45: {  	_ =	shalt  }
0x46: {  	_ =	shalt  }
0x47: {  	_ =	shalt  }
0x48: {  	_ =	shalt  }
0x49: {  	_ =	shalt  }
0x4a: {  	_ =	shalt  }
0x4b: {  	_ =	shalt  }
0x4c: {  	_ =	shalt  }
0x4d: {  	_ =	shalt  }
0x4e: {  	_ =	shalt  }
0x4f: {  	_ =	shalt  }
0x50: {  	_ =	shalt  }
0x51: {  	_ =	shalt  }
0x52: {  	_ =	shalt  }
0x53: {  	_ =	shalt  }
0x54: {  	_ =	shalt  }
0x55: {  	_ =	shalt  }
0x56: {  	_ =	shalt  }
0x57: {  	_ =	shalt  }
0x58: {  	_ =	shalt  }
0x59: {  	_ =	shalt  }
0x5a: {  	_ =	shalt  }
0x5b: {  	_ =	shalt  }
0x5c: {  	_ =	shalt  }
0x5d: {  	_ =	shalt  }
0x5e: {  	_ =	shalt  }
0x5f: {  	_ =	shalt  }
0x60: {  	_ =	shalt  }
0x61: {  	_ =	shalt  }
0x62: {  	_ =	shalt  }
0x63: {  	_ =	shalt  }
0x64: {  	_ =	shalt  }
0x65: {  	_ =	shalt  }
0x66: {  	_ =	shalt  }
0x67: {  	_ =	shalt  }
0x68: {  	_ =	shalt  }
0x69: {  	_ =	shalt  }
0x6a: {  	_ =	shalt  }
0x6b: {  	_ =	shalt  }
0x6c: {  	_ =	shalt  }
0x6d: {  	_ =	shalt  }
0x6e: {  	_ =	shalt  }
0x6f: {  	_ =	shalt  }
0x70: {  	_ =	shalt  }
0x71: {  	_ =	shalt  }
0x72: {  	_ =	shalt  }
0x73: {  	_ =	shalt  }
0x74: {  	_ =	shalt  }
0x75: {  	_ =	shalt  }
0x76: {  	_ =	shalt  }
0x77: {  	_ =	shalt  }
0x78: {  	_ =	shalt  }
0x79: {  	_ =	shalt  }
0x7a: {  	_ =	shalt  }
0x7b: {  	_ =	shalt  }
0x7c: {  	_ =	shalt  }
0x7d: {  	_ =	shalt  }
0x7e: {  	_ =	shalt  }
0x7f: {  	_ =	shalt  }
0x80: {  	_ =	shalt  }
0x81: {  	_ =	shalt  }
0x82: {  	_ =	shalt  }
0x83: {  	_ =	shalt  }
0x84: {  	_ =	shalt  }
0x85: {  	_ =	shalt  }
0x86: {  	_ =	shalt  }
0x87: {  	_ =	shalt  }
.Lfunc_end0:
.L_simem_size_0:
called_computation.1_lowered:
.L_overlay_start_0:
0x88: {  	s2 =	sld [smem:$0x3FD9]  }
0x89: {  	s3 =	sld [smem:$0x3FFE];
	_ =	sdelay $0x1  }
0x8a: {  	s1 =	srdreg.scid  }
0x8b: {  	s0 =	sand.u32 $0x1, s1  }
0x8c: {  	s17 =	sshll.u32 s0, $0xA;
	s2 =	sadd.s32 s3, s2  }
0x8d: {  	s2 =	sadd.s32 s2, s17  }
0x8e: {  	[smem:$0x3FC4] =	sst s2  }
0x8f: {  	_ = 	snop  }
0x90: {  	s2 =	sld [smem:$0x3FD0];
	(tm) =	ssettm $0x1  }
0x91: {  	s18 =	sld [smem:$0x3FFB];
	_ =	sdelay $0x3  }
0x92: {  	_ =	strace s18  }
0x93: {  	s3 =	sld [smem:$0x3FFC];
	_ =	sdelay $0x3  }
0x94: {  	_ =	strace s3  }
0x95: {  	s3 =	sld [smem:$0x3FFD];
	_ =	sdelay $0x3  }
0x96: {  	_ =	strace s3  }
0x97: {  	_ =	strace $0x8FFFFFFF  }
0x98: {  	s19 =	sld [smem:$0x3FDB];
	_ =	sdelay $0x1  }
0x99: {  	s4 =	simm.s32 $_scs_section_size  }
0x9a: {  	s5 =	simm.s32 $_size__tile_overlayer_lowered;
	s6 =	simm.s32 $_tile_overlayer_lowered  }
0x9b: {  	s22 =	simm.s32 $0x1BFF;
	s21 =	sshll.u32 s6, $0x1;
	s3 =	sadd.s32 s4, s19  }
0x9c: {  	s7 =	simm.s32 $0x0;
	s20 =	sshll.u32 s5, $0x1;
	s5 =	sadd.s32 s21, s3  }
0x9d: {  	[timem:s7], [sflag:s22] =	dma.local [hbm:s5], s20  }
0x9e: {  	_ =	swait.ge [sflag:s22], s20  }
0x9f: {  	s4 =	ssub.s32 $0x0, s20;
	[sflag:s22] =	ssyncset.done $0x0  }
0xa0: {  	[sflag:s22] =	ssyncadd.s32 s4;
	_ =	sdelay $0x1  }
0xa1: {  	s23 =	simm.s32 $0x1B8B  }
0xa2: {  	_ =	swait.ge [sflag:s23], $0x1  }
0xa3: {  	[sflag:s23] =	ssyncset.done $0x0  }
0xa4: {  	s25 =	simm.s32 $0x1B8E;
	s24 =	sld [smem:$0x3FFE];
	[sflag:s23] =	ssyncadd.s32 $0xFFFFFFFF  }
0xa5: {  	s26 =	simm.s32 $execute0_lowered;
	[smem:$0x3FD2] =	sst s25  }
0xa6: {  	s5 =	sshll.u32 s26, $0x1;
	_ =	strace $0x80000046;
	[dreg:$0x1] =	wrdreg $0xFFFFFFFF  }
0xa7: {  	s28 =	simm.s32 $_size_execute0_lowered;
	s3 =	sadd.s32 s3, s5;
	[dreg:$0x0] =	wrdreg $0x0  }
0xa8: {  	s5 =	sshll.u32 s28, $0x1;
	[dreg:$0x2] =	wrdreg s3  }
0xa9: {  	[dreg:$0x3] =	wrdreg s5  }
0xaa: {  	[dreg:$0x4] =	wrdreg $0xC0  }
0xab: {  	_ =	task [dreg:s7], $0x5FFFF  }
0xac: {  	[dreg:$0x1] =	wrdreg $0xFFFFFFFF  }
0xad: {  	[dreg:$0x0] =	wrdreg $0x60  }
0xae: {  	[dreg:$0x2] =	wrdreg s2  }
0xaf: {  	[dreg:$0x3] =	wrdreg s24  }
0xb0: {  	[dreg:$0x4] =	wrdreg $0x9  }
0xb1: {  	_ =	task.clear_ibuf [dreg:s7], $0x5FFFF;
	_ =	strace $0x90000046  }
0xb2: {  	s29 =	simm.s32 $0x9;
	_ =	strace $0x80000048  }
0xb3: {  	_ =	swait.ge [sflag:s29], $0x1  }
0xb4: {  	[sflag:s29] =	ssyncadd.s32 $0xFFFFFFFF  }
0xb5: {  	_ =	strace $0x90000048  }
0xb6: {  	_ =	sfence  }
0xb7: {  	s30 =	sld [smem:$0x0];
	_ =	sdelay $0x2  }
0xb8: {  	s31 =	sshll.u32 s1, $0xD;
	s1 =	sshrl.u32 s1, $0x2  }
0xb9: {  	s3 =	sand.u32 $0x4000, s31;
	s1 =	sadd.s32 s1, s30  }
0xba: {  	s0 =	sor.u32 s3, s0;
	s1 =	sshll.u32 s1, $0x11  }
0xbb: {  	s0 =	sor.u32 s1, s0  }
0xbc: {  	s0 =	sadd.s32 $0x8F2B, s0  }
0xbd: {  	[sflag:s0] =	ssyncadd.remote.s32 $0x1  }
0xbe: {  	_ =	sfence.sel $0xFFFF  }
0xbf: {  	[dreg:$0x0] =	wrdreg $0xFFFFFFFF;
	(pc) =	sbr.abs _section_cstart, $3  }
0xc0: {  	[dreg:$0x1] =	wrdreg $0xFFFFFFFF  }
0xc1: {  	_ =	task.clear_ibuf [dreg:s7], $0x2FFFF;
	_ =	strace $0x9FFFFFFF  }
0xc2: {  	(tm) =	ssettm $0x7FFFFFFF  }
0xc3: {  	_ =	shalt  }
tec
execute0_lowered:
.L_overlay_start_1:
0x0: {  	(tag) =	ssettag $0x1  }
0x1: {  	s14 =	stileid.u32;
	s0 =	srdreg.scid  }
0x2: {  	s1 =	sshll.u32 s14, $0x1;
	s4 =	sand.u32 $0x1, s0;
	s0 =	sshrl.u32 s14, $0x1  }
0x3: {  	s28 =	sand.u32 $0x2, s1;
	s18 =	smul.u32 $0x43000, s0  }
0x4: {  	s14 =	smul.u32 $0x808100, s0;
	s3 =	sor.u32 s4, s28  }
0x5: {  	s2 =	smul.u32 $0x1040, s3  }
0x6: {  	s6 =	sshll.u32 s3, $0x3;
	s13 =	sshllo.u32 s3, $0x3;
	s20 =	smul.u32 $0x202040, s3  }
0x7: {  	s7 =	sor.u32 $0x1, s6;
	s19 =	smul.u32 $0x208, s13  }
0x8: {  	s8 =	sor.u32 $0x2, s6;
	s16 =	smul.u32 $0x208, s7  }
0x9: {  	s9 =	sor.u32 $0x3, s6;
	s30 =	smul.u32 $0x208, s8  }
0xa: {  	s10 =	sor.u32 $0x4, s6;
	s5 =	smul.u32 $0x208, s9  }
0xb: {  	s11 =	sor.u32 $0x5, s6;
	s17 =	smul.u32 $0x208, s10  }
0xc: {  	s1 =	rddreg [dreg:$0x1];
	s12 =	sor.u32 $0x6, s6;
	s31 =	smul.u32 $0x208, s11  }
0xd: {  	s28 =	rddreg [dreg:$0x0];
	s26 =	sadd.s32 $0x1400, s1;
	s15 =	smul.u32 $0x208, s12  }
0xe: {  	s3 =	simm.s32 $0x0;
	s0 =	sshrl.u32 s18, $0x3;
	s21 =	smul.u32 $0x40408, s7  }
0xf: {  	[smem:$0x7FF] =	sst s3;
	s6 =	sadd.s32 $0x44E00, s1;
	s22 =	smul.u32 $0x40408, s8  }
0x10: {  	s8 =	ssub.s32 $0x2, s4;
	s23 =	smul.u32 $0x40408, s9;
	s4 =	sadd.s32 $0x1E00, s1  }
0x11: {  	s24 =	smul.u32 $0x40408, s10;
	s7 =	sadd.s32 s14, s20;
	s20 =	sadd.s32 $0x200, s0  }
0x12: {  	s25 =	sshrl.u32 s8, $0x1;
	s1 =	sadd.s32 s4, s0;
	[smem:$0x7FC] =	sst s30  }
0x13: {  	[smem:$0x7FD] =	sst s31;
	s25 =	ssub.s32 s8, s25;
	s30 =	smul.u32 $0x40408, s12  }
0x14: {  	s8 =	sadd.s32 s14, s21;
	_ =	strace $0x80000047;
	[dreg:$0x3] =	wrdreg s26  }
0x15: {  	s9 =	sadd.s32 s14, s22;
	s22 =	sadd.s32 s28, s0;
	[dreg:$0x4] =	wrdreg s1  }
0x16: {  	s10 =	sadd.s32 s14, s23;
	s23 =	sadd.s32 s4, s20;
	[dreg:$0x5] =	wrdreg s22  }
0x17: {  	s31 =	smul.u32 $0x40408, s13;
	s20 =	sadd.s32 s28, s20;
	[dreg:$0x6] =	wrdreg s23  }
0x18: {  	s26 =	smul.u32 $0x40408, s11;
	s11 =	sadd.s32 s14, s24;
	[dreg:$0x7] =	wrdreg s20  }
0x19: {  	s24 =	sshrl.u32 s7, $0x3;
	s25 =	smax.u32 s25, $0x1;
	s13 =	sadd.s32 s14, s30  }
0x1a: {  	s22 =	sadd.s32 s6, s24;
	s30 =	sshrl.u32 s9, $0x3;
	s0 =	sshrl.u32 s11, $0x3  }
0x1b: {  	[dreg:$0x15] =	wrdreg s25;
	s12 =	sadd.s32 s14, s26;
	s14 =	sadd.s32 s14, s31  }
0x1c: {  	s26 =	sshrl.u32 s8, $0x3;
	s24 =	sadd.s32 s6, s30;
	[dreg:$0x8] =	wrdreg s22  }
0x1d: {  	s31 =	sshrl.u32 s10, $0x3;
	s25 =	sadd.s32 $0x200, s24;
	[dreg:$0xa] =	wrdreg s24  }
0x1e: {  	s23 =	sadd.s32 s6, s26;
	s30 =	sadd.s32 s6, s31;
	[dreg:$0x18] =	wrdreg s25  }
0x1f: {  	s1 =	sshrl.u32 s12, $0x3;
	s31 =	sadd.s32 s6, s0;
	[dreg:$0x9] =	wrdreg s23  }
0x20: {  	s26 =	sshrl.u32 s13, $0x3;
	s21 =	sadd.s32 s6, s1;
	[dreg:$0xb] =	wrdreg s30  }
0x21: {  	s1 =	sadd.s32 s6, s26;
	s26 =	sadd.s32 $0x2000, s18;
	[dreg:$0xc] =	wrdreg s31  }
0x22: {  	[dreg:$0x10] =	wrdreg s26  }
0x23: {  	s0 =	sshrl.u32 s14, $0x3;
	[dreg:$0xd] =	wrdreg s21  }
0x24: {  	s20 =	sadd.s32 s6, s0;
	s0 =	sadd.s32 $0x3000, s18;
	[dreg:$0xe] =	wrdreg s1  }
0x25: {  	s18 =	sshrl.u32 s26, $0x3;
	s25 =	sadd.s32 $0x200, s21;
	[dreg:$0xf] =	wrdreg s20  }
0x26: {  	s26 =	sadd.s32 s4, s18;
	[dreg:$0x1b] =	wrdreg s25  }
0x27: {  	s18 =	sadd.s32 s28, s18;
	[dreg:$0x11] =	wrdreg s26  }
0x28: {  	s25 =	sadd.s32 $0x8000, s22;
	[dreg:$0x12] =	wrdreg s18  }
0x29: {  	s18 =	sshrl.u32 s0, $0x3;
	[dreg:$0x1e] =	wrdreg s25;
	s25 =	sadd.s32 $0x8000, s1  }
0x2a: {  	s29 =	smov.u32 s0;
	s0 =	sadd.s32 s4, s18;
	[smem:$0x7FA] =	sst s25  }
0x2b: {  	s18 =	sadd.s32 s28, s18;
	[dreg:$0x13] =	wrdreg s0  }
0x2c: {  	s26 =	smov.u32 s28;
	s28 =	sadd.s32 $0x200, s22;
	[dreg:$0x14] =	wrdreg s18  }
0x2d: {  	s22 =	sadd.s32 $0x8000, s30;
	[dreg:$0x16] =	wrdreg s28  }
0x2e: {  	[smem:$0x7F7] =	sst s22  }
0x2f: {  	s18 =	sadd.s32 $0x200, s23;
	s28 =	sadd.s32 $0x200, s30;
	s30 =	sld [smem:$0x7FC]  }
0x30: {  	[dreg:$0x17] =	wrdreg s18  }
0x31: {  	[dreg:$0x19] =	wrdreg s28;
	s18 =	sadd.s32 $0x200, s31  }
0x32: {  	s28 =	sadd.s32 $0x200, s1;
	[dreg:$0x1a] =	wrdreg s18  }
0x33: {  	[dreg:$0x1c] =	wrdreg s28;
	s18 =	sadd.s32 $0x200, s20  }
0x34: {  	s28 =	sadd.s32 $0x8000, s23;
	s23 =	sadd.s32 $0x8000, s31;
	s31 =	sld [smem:$0x7FD]  }
0x35: {  	[dreg:$0x1d] =	wrdreg s18  }
0x36: {  	[dreg:$0x1f] =	wrdreg s28  }
0x37: {  	v0 =	vmov s2;
	s2 =	simm.s32 $0x0;
	s18 =	sadd.s32 $0x8000, s24;
	[smem:$0x7F8] =	sst s23  }
0x38: {  	v7 =	vmov s19;
	s25 =	simm.s32 $0x4;
	s24 =	sadd.s32 $0x8000, s21;
	[smem:$0x7F6] =	sst s18  }
0x39: {  	v1 =	vmov s16;
	v3 =	vmov s5;
	v4 =	vmov s17;
	s0 =	simm.s32 $0x3;
	s28 =	sadd.s32 $0x8000, s20;
	[smem:$0x7F9] =	sst s24  }
0x3a: {  	v6 =	vmov s15;
	v2 =	vmov s30;
	[smem:$0x7FB] =	sst s28;
	s18 =	simm.s32 $0x1;
	s24 =	simm.s32 $0x2;
	v5 =	vmov s31  }
.LBB2_1:
0x3b: {  	[smem:$0x7F5] =	sst s2  }
0x3c: {  	s1 =	rddreg [dreg:$0x3];
	s17 =	simm.s32 $0x5  }
0x3d: {  	[tilespmem:s3], [sflag:$0x5] =	stream.linear.gather [hbm4b:s1+s3], $0x4100, $0x38;
	[tilespmem:$0x18100] =	vst v63  }
0x3e: {  	_ =	swait.ge [sflag:s17], $0x4100  }
0x3f: {  	[sflag:s17] =	ssyncset.done $0x0  }
0x40: {  	s20 =	simm.s32 $0x4100;
	s19 =	rddreg [dreg:$0x4];
	[sflag:s17] =	ssyncadd.s32 $0xFFFFBF00  }
0x41: {  	[tilespmem:s20], [sflag:$0x1] =	stream.linear.gather [hbm4b:s19+s3], $0x1000, $0x38;
	[tilespmem:$0x18100] =	vst v63  }
0x42: {  	s22 =	simm.s32 $0x6100;
	s21 =	rddreg [dreg:$0x5]  }
0x43: {  	[tilespmem:s22], [sflag:$0x1] =	stream.linear.gather [hbm4b:s21+s3], $0x1000, $0x38;
	[tilespmem:$0x18100] =	vst v63  }
0x44: {  	s31 =	simm.s32 $0x5100;
	s23 =	rddreg [dreg:$0x6]  }
0x45: {  	[tilespmem:s31], [sflag:$0x2] =	stream.linear.gather [hbm4b:s23+s3], $0x1000, $0x38;
	[tilespmem:$0x18100] =	vst v63  }
0x46: {  	s15 =	simm.s32 $0x7100;
	s5 =	rddreg [dreg:$0x7]  }
0x47: {  	[tilespmem:s15], [sflag:$0x2] =	stream.linear.gather [hbm4b:s5+s3], $0x1000, $0x38;
	[tilespmem:$0x18100] =	vst v63  }
0x48: {  	_ =	swait.ge [sflag:s18], $0x1000  }
0x49: {  	[sflag:s18] =	ssyncset.done $0x0  }
0x4a: {  	[sflag:s18] =	ssyncadd.s32 $0xFFFFF000  }
0x4b: {  	_ =	swait.ge [sflag:s18], $0x1000  }
0x4c: {  	[sflag:s18] =	ssyncset.done $0x0  }
0x4d: {  	s16 =	simm.s32 $0x4120;
	[sflag:s18] =	ssyncadd.s32 $0xFFFFF000  }
0x4e: {  	v25 =	vld [tilespmem:s16+$0xFFFFFFE0];
	_ =	sdelay $0x1  }
0x4f: {  	v24 =	vld [tilespmem:s16+$0x10]  }
0x50: {  	v23 =	vld [tilespmem:s16+$0x0];
	_ =	sdelay $0x1  }
0x51: {  	v16 =	vld [tilespmem:s16+$0xFFFFFFF0];
	v8 =	vadd.s32 v0, v25  }
0x52: {  	s17 =	simm.s32 $0x6120  }
0x53: {  	v9 =	vld [tilespmem:s17+$0xFFFFFFF0];
	v10 =	vadd.s32 v0, v24  }
0x54: {  	v13 =	vld [tilespmem:s17+$0xFFFFFFE0];
	v12 =	vadd.s32 v0, v23  }
0x55: {  	v15 =	vld [tilespmem:s17+$0x10]  }
0x56: {  	v14 =	vadd.s32 v0, v16;
	v8 =	vld.idx.msk [tilespmem:v8+s3+$0x0], $0xffff  }
0x57: {  	v11 =	vld [tilespmem:s17+$0x0]  }
0x58: {  	v10 =	vld.idx.msk [tilespmem:v10+s3+$0x0], $0xffff  }
0x59: {  	v21 =	vadd.f32 v13, v13;
	v13 =	vadd.s32 v1, v25;
	v12 =	vld.idx.msk [tilespmem:v12+s3+$0x0], $0xffff;
	_ =	sdelay $0x1  }
0x5a: {  	v17 =	vadd.f32 v15, v15;
	v15 =	vadd.s32 v1, v24;
	v14 =	vld.idx.msk [tilespmem:v14+s3+$0x0], $0xffff;
	v8 =	vadd.f32 v8, v21  }
0x5b: {  	s19 =	simm.s32 $0x8120;
	v18 =	vadd.f32 v11, v11;
	v11 =	vadd.s32 v1, v23  }
0x5c: {  	v10 =	vadd.f32 v10, v17;
	[tilespmem:s19+$0xFFFFFFE0] =	vst v8  }
0x5d: {  	v19 =	vadd.f32 v9, v9;
	v9 =	vadd.s32 v1, v16;
	v8 =	vadd.f32 v12, v18;
	v12 =	vld.idx.msk [tilespmem:v13+s3+$0x0], $0xffff  }
0x5e: {  	[tilespmem:s19+$0x10] =	vst v10  }
0x5f: {  	v13 =	vadd.f32 v14, v19;
	[tilespmem:s19+$0x0] =	vst v8;
	v8 =	vld.idx.msk [tilespmem:v15+s3+$0x0], $0xffff  }
0x60: {  	v10 =	vld.idx.msk [tilespmem:v11+s3+$0x0], $0xffff;
	v11 =	vadd.s32 v2, v25  }
0x61: {  	[tilespmem:s19+$0xFFFFFFF0] =	vst v13  }
0x62: {  	v13 =	vadd.s32 v2, v24;
	v9 =	vld.idx.msk [tilespmem:v9+s3+$0x0], $0xffff;
	v12 =	vadd.f32 v12, v21  }
0x63: {  	s20 =	simm.s32 $0x9120  }
0x64: {  	v14 =	vadd.s32 v2, v23;
	v8 =	vadd.f32 v8, v17;
	[tilespmem:s20+$0xFFFFFFE0] =	vst v12  }
0x65: {  	v15 =	vadd.s32 v2, v16;
	v11 =	vld.idx.msk [tilespmem:v11+s3+$0x0], $0xffff  }
0x66: {  	v10 =	vadd.f32 v10, v18;
	[tilespmem:s20+$0x10] =	vst v8  }
0x67: {  	s21 =	simm.s32 $0x6160;
	v9 =	vadd.f32 v9, v19;
	v8 =	vld.idx.msk [tilespmem:v13+s3+$0x0], $0xffff  }
0x68: {  	v22 =	vld [tilespmem:s21+$0x0];
	[tilespmem:s20+$0x0] =	vst v10;
	v13 =	vadd.s32 v3, v25  }
0x69: {  	[tilespmem:s20+$0xFFFFFFF0] =	vst v9;
	v10 =	vld.idx.msk [tilespmem:v14+s3+$0x0], $0xffff  }
0x6a: {  	v14 =	vadd.s32 v3, v24;
	v12 =	vld.idx.msk [tilespmem:v15+s3+$0x0], $0xffff;
	v11 =	vadd.f32 v11, v21  }
0x6b: {  	s22 =	simm.s32 $0xA120;
	s5 =	simm.s32 $0x4160;
	v30 =	vld [tilespmem:s21+$0x10]  }
0x6c: {  	v20 =	vadd.s32 v3, v23;
	v9 =	vld [tilespmem:s5+$0xFFFFFFE0];
	v8 =	vadd.f32 v8, v17;
	[tilespmem:s22+$0xFFFFFFE0] =	vst v11  }
0x6d: {  	v26 =	vadd.s32 v3, v16;
	v11 =	vld.idx.msk [tilespmem:v13+s3+$0x0], $0xffff  }
0x6e: {  	v10 =	vadd.f32 v10, v18;
	[tilespmem:s22+$0x10] =	vst v8;
	v13 =	vld [tilespmem:s5+$0xFFFFFFF0]  }
0x6f: {  	v12 =	vadd.f32 v12, v19;
	v8 =	vld.idx.msk [tilespmem:v14+s3+$0x0], $0xffff  }
0x70: {  	[tilespmem:s22+$0x0] =	vst v10;
	v14 =	vld [tilespmem:s5+$0x10]  }
0x71: {  	v32 =	vadd.s32 v0, v9;
	[tilespmem:s22+$0xFFFFFFF0] =	vst v12;
	v10 =	vld.idx.msk [tilespmem:v20+s3+$0x0], $0xffff  }
0x72: {  	v20 =	vld.idx.msk [tilespmem:v26+s3+$0x0], $0xffff;
	v26 =	vadd.s32 v4, v25  }
0x73: {  	v27 =	vadd.s32 v4, v24;
	v12 =	vld [tilespmem:s5+$0x0]  }
0x74: {  	v31 =	vld [tilespmem:s21+$0xFFFFFFE0];
	v28 =	vadd.s32 v4, v23;
	v11 =	vadd.f32 v11, v21  }
0x75: {  	s15 =	simm.s32 $0xB120;
	v29 =	vadd.s32 v4, v16;
	v15 =	vld [tilespmem:s21+$0xFFFFFFF0];
	v8 =	vadd.f32 v8, v17  }
0x76: {  	v32 =	vld.idx.msk [tilespmem:v32+s3+$0x0], $0xffff;
	v34 =	vadd.s32 v0, v13;
	[tilespmem:s15+$0xFFFFFFE0] =	vst v11;
	v10 =	vadd.f32 v10, v18  }
0x77: {  	v11 =	vadd.s32 v0, v14;
	v26 =	vld.idx.msk [tilespmem:v26+s3+$0x0], $0xffff;
	v20 =	vadd.f32 v20, v19;
	[tilespmem:s15+$0x10] =	vst v8  }
0x78: {  	v33 =	vadd.s32 v0, v12;
	[tilespmem:s15+$0x0] =	vst v10;
	v27 =	vld.idx.msk [tilespmem:v27+s3+$0x0], $0xffff  }
0x79: {  	[tilespmem:s15+$0xFFFFFFF0] =	vst v20;
	v28 =	vld.idx.msk [tilespmem:v28+s3+$0x0], $0xffff  }
0x7a: {  	v35 =	vadd.s32 v5, v25;
	v29 =	vld.idx.msk [tilespmem:v29+s3+$0x0], $0xffff  }
0x7b: {  	v37 =	vadd.s32 v5, v24;
	v8 =	vadd.f32 v15, v15;
	v34 =	vld.idx.msk [tilespmem:v34+s3+$0x0], $0xffff  }
0x7c: {  	v10 =	vadd.f32 v30, v30;
	v30 =	vadd.s32 v5, v23;
	v36 =	vld.idx.msk [tilespmem:v11+s3+$0x0], $0xffff;
	v26 =	vadd.f32 v26, v21  }
0x7d: {  	s30 =	simm.s32 $0x61A0;
	s5 =	simm.s32 $0xC120;
	v33 =	vld.idx.msk [tilespmem:v33+s3+$0x0], $0xffff;
	v11 =	vadd.f32 v22, v22;
	v22 =	vadd.s32 v5, v16;
	v27 =	vadd.f32 v27, v17  }
0x7e: {  	v15 =	vadd.f32 v31, v31;
	v31 =	vadd.s32 v1, v9;
	v20 =	vld [tilespmem:s30+$0xFFFFFFF0];
	[tilespmem:s5+$0xFFFFFFE0] =	vst v26;
	v26 =	vadd.f32 v28, v18  }
0x7f: {  	v28 =	vadd.s32 v1, v14;
	v35 =	vld.idx.msk [tilespmem:v35+s3+$0x0], $0xffff;
	v29 =	vadd.f32 v29, v19;
	[tilespmem:s5+$0x10] =	vst v27  }
0x80: {  	v27 =	vadd.f32 v32, v15;
	[tilespmem:s5+$0x0] =	vst v26;
	v26 =	vld.idx.msk [tilespmem:v37+s3+$0x0], $0xffff  }
0x81: {  	s1 =	simm.s32 $0x8160;
	v50 =	vadd.s32 v1, v12;
	v36 =	vadd.f32 v36, v10;
	[tilespmem:s5+$0xFFFFFFF0] =	vst v29;
	v29 =	vld.idx.msk [tilespmem:v30+s3+$0x0], $0xffff  }
0x82: {  	v51 =	vadd.s32 v1, v13;
	[tilespmem:s1+$0xFFFFFFE0] =	vst v27;
	v27 =	vadd.f32 v33, v11;
	v30 =	vld.idx.msk [tilespmem:v22+s3+$0x0], $0xffff  }
0x83: {  	v52 =	vadd.s32 v6, v25;
	v54 =	vadd.s32 v6, v23;
	v31 =	vld.idx.msk [tilespmem:v31+s3+$0x0], $0xffff;
	[tilespmem:s1+$0x10] =	vst v36  }
0x84: {  	s22 =	simm.s32 $0x41A0;
	v22 =	vadd.f32 v34, v8;
	[tilespmem:s1+$0x0] =	vst v27;
	v27 =	vld.idx.msk [tilespmem:v28+s3+$0x0], $0xffff;
	v28 =	vadd.s32 v6, v24  }
0x85: {  	v56 =	vadd.s32 v6, v16;
	v60 =	vadd.s32 v7, v16;
	v16 =	vld [tilespmem:s22+$0xFFFFFFE0];
	v53 =	vadd.f32 v35, v21  }
0x86: {  	s23 =	simm.s32 $0xD120;
	[tilespmem:s1+$0xFFFFFFF0] =	vst v22;
	v32 =	vld.idx.msk [tilespmem:v50+s3+$0x0], $0xffff;
	v26 =	vadd.f32 v26, v17  }
0x87: {  	v38 =	vadd.s32 v2, v9;
	v55 =	vld.idx.msk [tilespmem:v51+s3+$0x0], $0xffff;
	[tilespmem:s23+$0xFFFFFFE0] =	vst v53;
	v29 =	vadd.f32 v29, v18  }
0x88: {  	v57 =	vadd.s32 v2, v14;
	v33 =	vld.idx.msk [tilespmem:v52+s3+$0x0], $0xffff;
	v30 =	vadd.f32 v30, v19;
	[tilespmem:s23+$0x10] =	vst v26  }
0x89: {  	v26 =	vadd.f32 v31, v15;
	v31 =	vadd.s32 v2, v12;
	[tilespmem:s23+$0x0] =	vst v29;
	v28 =	vld.idx.msk [tilespmem:v28+s3+$0x0], $0xffff  }
0x8a: {  	s19 =	simm.s32 $0x9160;
	v27 =	vadd.f32 v27, v10;
	[tilespmem:s23+$0xFFFFFFF0] =	vst v30;
	v30 =	vld.idx.msk [tilespmem:v54+s3+$0x0], $0xffff  }
0x8b: {  	v29 =	vadd.s32 v2, v13;
	[tilespmem:s19+$0xFFFFFFE0] =	vst v26;
	v26 =	vadd.f32 v32, v11;
	v58 =	vld.idx.msk [tilespmem:v56+s3+$0x0], $0xffff  }
0x8c: {  	v25 =	vadd.s32 v7, v25;
	v59 =	vld.idx.msk [tilespmem:v38+s3+$0x0], $0xffff;
	[tilespmem:s19+$0x10] =	vst v27  }
0x8d: {  	v24 =	vadd.s32 v7, v24;
	v36 =	vadd.f32 v55, v8;
	[tilespmem:s19+$0x0] =	vst v26;
	v26 =	vld.idx.msk [tilespmem:v57+s3+$0x0], $0xffff  }
0x8e: {  	v23 =	vadd.s32 v7, v23;
	v27 =	vld.idx.msk [tilespmem:v31+s3+$0x0], $0xffff;
	v31 =	vadd.f32 v33, v21  }
0x8f: {  	s31 =	simm.s32 $0xE120;
	v22 =	vld [tilespmem:s30+$0x0];
	[tilespmem:s19+$0xFFFFFFF0] =	vst v36;
	v28 =	vadd.f32 v28, v17  }
0x90: {  	v61 =	vadd.s32 v3, v9;
	v29 =	vld.idx.msk [tilespmem:v29+s3+$0x0], $0xffff;
	[tilespmem:s31+$0xFFFFFFE0] =	vst v31;
	v30 =	vadd.f32 v30, v18  }
0x91: {  	v31 =	vadd.s32 v3, v14;
	v25 =	vld.idx.msk [tilespmem:v25+s3+$0x0], $0xffff;
	v32 =	vadd.f32 v58, v19;
	[tilespmem:s31+$0x10] =	vst v28  }
0x92: {  	v62 =	vadd.s32 v3, v12;
	v28 =	vadd.f32 v59, v15;
	[tilespmem:s31+$0x0] =	vst v30;
	v24 =	vld.idx.msk [tilespmem:v24+s3+$0x0], $0xffff  }
0x93: {  	s20 =	simm.s32 $0xA160;
	v30 =	vadd.s32 v3, v13;
	v26 =	vadd.f32 v26, v10;
	[tilespmem:s31+$0xFFFFFFF0] =	vst v32;
	v23 =	vld.idx.msk [tilespmem:v23+s3+$0x0], $0xffff  }
0x94: {  	[tilespmem:s20+$0xFFFFFFE0] =	vst v28;
	v27 =	vadd.f32 v27, v11;
	v32 =	vld.idx.msk [tilespmem:v60+s3+$0x0], $0xffff  }
0x95: {  	v63 =	vld.idx.msk [tilespmem:v61+s3+$0x0], $0xffff;
	v29 =	vadd.f32 v29, v8;
	[tilespmem:s20+$0x10] =	vst v26  }
0x96: {  	[tilespmem:s20+$0x0] =	vst v27;
	v28 =	vld.idx.msk [tilespmem:v31+s3+$0x0], $0xffff  }
0x97: {  	[tilespmem:s20+$0xFFFFFFF0] =	vst v29;
	v27 =	vld.idx.msk [tilespmem:v62+s3+$0x0], $0xffff;
	v21 =	vadd.f32 v25, v21  }
0x98: {  	s21 =	simm.s32 $0xF120;
	v26 =	vld.idx.msk [tilespmem:v30+s3+$0x0], $0xffff;
	v24 =	vadd.f32 v24, v17  }
0x99: {  	v29 =	vadd.s32 v4, v9;
	v17 =	vld [tilespmem:s22+$0x10];
	[tilespmem:s21+$0xFFFFFFE0] =	vst v21;
	v23 =	vadd.f32 v23, v18  }
0x9a: {  	s28 =	simm.s32 $0xD160;
	v25 =	vadd.s32 v4, v14;
	v18 =	vld [tilespmem:s22+$0x0];
	[tilespmem:s21+$0x10] =	vst v24;
	v32 =	vadd.f32 v32, v19  }
0x9b: {  	s17 =	simm.s32 $0xE160;
	s16 =	simm.s32 $0xF160;
	s23 =	simm.s32 $0x80;
	v30 =	vadd.s32 v4, v12;
	v21 =	vadd.s32 v4, v13;
	v19 =	vld [tilespmem:s22+$0xFFFFFFF0];
	v31 =	vadd.f32 v63, v15;
	[tilespmem:s21+$0x0] =	vst v23  }
.LBB2_2:
0x9c: {  	s23 =	sadd.s32 $0x40, s23;
	v24 =	vld [tilespmem:s30+$0x10];
	v23 =	vadd.f32 v28, v10;
	[tilespmem:s21+$0xFFFFFFF0] =	vst v32;
	s15 =	sadd.s32 $0x40, s15;
	s5 =	sadd.s32 $0x40, s5  }
0x9d: {  	v32 =	vadd.s32 v0, v16;
	v27 =	vadd.f32 v27, v11;
	s21 =	smov.u32 s16;
	p0 =	slt.u32 s23, $0xFC0;
	v28 =	vld [tilespmem:s30+$0xFFFFFFE0];
	[tilespmem:s15+$0xFFFFFFE0] =	vst v31  }
0x9e: {  	v26 =	vadd.f32 v26, v8;
	v31 =	vadd.s32 v0, v17;
	v29 =	vld.idx.msk [tilespmem:v29+s3+$0x0], $0xffff;
	[tilespmem:s15+$0x10] =	vst v23  }
0x9f: {  	v33 =	vadd.s32 v0, v18;
	[tilespmem:s15+$0x0] =	vst v27;
	v27 =	vld.idx.msk [tilespmem:v25+s3+$0x0], $0xffff  }
0xa0: {  	v34 =	vadd.s32 v0, v19;
	v35 =	vadd.s32 v2, v19;
	[tilespmem:s15+$0xFFFFFFF0] =	vst v26;
	v26 =	vld.idx.msk [tilespmem:v30+s3+$0x0], $0xffff  }
0xa1: {  	v30 =	vld.idx.msk [tilespmem:v21+s3+$0x0], $0xffff;
	v21 =	vadd.s32 v4, v19  }
0xa2: {  	v36 =	vadd.s32 v5, v9;
	v32 =	vld.idx.msk [tilespmem:v32+s3+$0x0], $0xffff  }
0xa3: {  	v37 =	vadd.s32 v5, v14;
	v23 =	vadd.f32 v20, v20;
	v31 =	vld.idx.msk [tilespmem:v31+s3+$0x0], $0xffff  }
0xa4: {  	v38 =	vadd.s32 v5, v12;
	v25 =	vadd.f32 v24, v24;
	v29 =	vadd.f32 v29, v15;
	v33 =	vld.idx.msk [tilespmem:v33+s3+$0x0], $0xffff  }
0xa5: {  	s30 =	sadd.s32 $0x40, s30;
	v24 =	vadd.f32 v22, v22;
	v22 =	vadd.s32 v5, v13;
	v27 =	vadd.f32 v27, v10;
	v34 =	vld.idx.msk [tilespmem:v34+s3+$0x0], $0xffff  }
0xa6: {  	v39 =	vadd.f32 v28, v28;
	v28 =	vadd.s32 v1, v16;
	v26 =	vadd.f32 v26, v11;
	v20 =	vld [tilespmem:s30+$0xFFFFFFF0];
	[tilespmem:s5+$0xFFFFFFE0] =	vst v29  }
0xa7: {  	v29 =	vadd.s32 v1, v17;
	v30 =	vadd.f32 v30, v8;
	v36 =	vld.idx.msk [tilespmem:v36+s3+$0x0], $0xffff;
	[tilespmem:s5+$0x10] =	vst v27  }
0xa8: {  	v27 =	vadd.f32 v32, v39;
	v32 =	vadd.s32 v1, v18;
	[tilespmem:s5+$0x0] =	vst v26;
	v26 =	vld.idx.msk [tilespmem:v37+s3+$0x0], $0xffff  }
0xa9: {  	s1 =	sadd.s32 $0x40, s1;
	v37 =	vadd.s32 v1, v19;
	v31 =	vadd.f32 v31, v25;
	[tilespmem:s5+$0xFFFFFFF0] =	vst v30;
	v30 =	vld.idx.msk [tilespmem:v38+s3+$0x0], $0xffff  }
0xaa: {  	[tilespmem:s1+$0xFFFFFFE0] =	vst v27;
	v27 =	vadd.f32 v33, v24;
	v33 =	vld.idx.msk [tilespmem:v22+s3+$0x0], $0xffff  }
0xab: {  	v22 =	vadd.f32 v34, v23;
	v28 =	vld.idx.msk [tilespmem:v28+s3+$0x0], $0xffff;
	[tilespmem:s1+$0x10] =	vst v31;
	v31 =	vadd.s32 v6, v9  }
0xac: {  	[tilespmem:s1+$0x0] =	vst v27;
	v27 =	vld.idx.msk [tilespmem:v29+s3+$0x0], $0xffff;
	v29 =	vadd.s32 v6, v14  }
0xad: {  	v34 =	vadd.f32 v36, v15;
	v36 =	vadd.s32 v6, v12;
	[tilespmem:s1+$0xFFFFFFF0] =	vst v22;
	v32 =	vld.idx.msk [tilespmem:v32+s3+$0x0], $0xffff  }
0xae: {  	v38 =	vadd.s32 v6, v13;
	v26 =	vadd.f32 v26, v10;
	v37 =	vld.idx.msk [tilespmem:v37+s3+$0x0], $0xffff  }
0xaf: {  	v40 =	vadd.s32 v2, v16;
	v30 =	vadd.f32 v30, v11;
	v22 =	vld [tilespmem:s30+$0x0];
	[tilespmem:s28+$0xFFFFFFE0] =	vst v34  }
0xb0: {  	v34 =	vadd.s32 v2, v17;
	v33 =	vadd.f32 v33, v8;
	v31 =	vld.idx.msk [tilespmem:v31+s3+$0x0], $0xffff;
	[tilespmem:s28+$0x10] =	vst v26  }
0xb1: {  	v26 =	vadd.f32 v28, v39;
	v28 =	vadd.s32 v2, v18;
	[tilespmem:s28+$0x0] =	vst v30;
	v29 =	vld.idx.msk [tilespmem:v29+s3+$0x0], $0xffff  }
0xb2: {  	s19 =	sadd.s32 $0x40, s19;
	v27 =	vadd.f32 v27, v25;
	[tilespmem:s28+$0xFFFFFFF0] =	vst v33;
	v30 =	vld.idx.msk [tilespmem:v36+s3+$0x0], $0xffff  }
0xb3: {  	[tilespmem:s19+$0xFFFFFFE0] =	vst v26;
	v26 =	vadd.f32 v32, v24;
	v32 =	vld.idx.msk [tilespmem:v38+s3+$0x0], $0xffff  }
0xb4: {  	v36 =	vadd.f32 v37, v23;
	v33 =	vld.idx.msk [tilespmem:v40+s3+$0x0], $0xffff;
	[tilespmem:s19+$0x10] =	vst v27;
	v27 =	vadd.s32 v7, v9;
	v9 =	vmov v16  }
0xb5: {  	[tilespmem:s19+$0x0] =	vst v26;
	v26 =	vld.idx.msk [tilespmem:v34+s3+$0x0], $0xffff;
	v34 =	vadd.s32 v7, v14;
	v14 =	vmov v17  }
0xb6: {  	[tilespmem:s19+$0xFFFFFFF0] =	vst v36;
	v17 =	vld.idx.msk [tilespmem:v28+s3+$0x0], $0xffff;
	v28 =	vadd.f32 v31, v15;
	v31 =	vadd.s32 v7, v12;
	v12 =	vmov v18  }
0xb7: {  	s22 =	sadd.s32 $0x40, s22;
	v29 =	vadd.f32 v29, v10;
	v18 =	vld.idx.msk [tilespmem:v35+s3+$0x0], $0xffff;
	v35 =	vadd.s32 v7, v13;
	v13 =	vmov v19  }
0xb8: {  	v19 =	vadd.s32 v3, v9;
	v16 =	vld [tilespmem:s22+$0xFFFFFFE0];
	[tilespmem:s17+$0xFFFFFFE0] =	vst v28;
	v28 =	vadd.f32 v30, v11  }
0xb9: {  	v30 =	vadd.s32 v3, v14;
	v36 =	vld.idx.msk [tilespmem:v27+s3+$0x0], $0xffff;
	v27 =	vadd.f32 v32, v8;
	[tilespmem:s17+$0x10] =	vst v29  }
0xba: {  	v29 =	vadd.f32 v33, v39;
	v32 =	vadd.s32 v3, v12;
	[tilespmem:s17+$0x0] =	vst v28;
	v33 =	vld.idx.msk [tilespmem:v34+s3+$0x0], $0xffff  }
0xbb: {  	s20 =	sadd.s32 $0x40, s20;
	v34 =	vadd.s32 v3, v13;
	v26 =	vadd.f32 v26, v25;
	[tilespmem:s17+$0xFFFFFFF0] =	vst v27;
	v31 =	vld.idx.msk [tilespmem:v31+s3+$0x0], $0xffff  }
0xbc: {  	v17 =	vadd.f32 v17, v24;
	[tilespmem:s20+$0xFFFFFFE0] =	vst v29;
	v35 =	vld.idx.msk [tilespmem:v35+s3+$0x0], $0xffff  }
0xbd: {  	v18 =	vadd.f32 v18, v23;
	v37 =	vld.idx.msk [tilespmem:v19+s3+$0x0], $0xffff;
	[tilespmem:s20+$0x10] =	vst v26  }
0xbe: {  	[tilespmem:s20+$0x0] =	vst v17;
	v28 =	vld.idx.msk [tilespmem:v30+s3+$0x0], $0xffff  }
.Ltmp0:
0xbf: {  	[tilespmem:s20+$0xFFFFFFF0] =	vst v18;
	v27 =	vld.idx.msk [tilespmem:v32+s3+$0x0], $0xffff;
	v18 =	vadd.f32 v36, v15;
	v15 =	vmov v39;
	(pc) =	sbr.rel @p0 .LBB2_2-.Ltmp0, $4  }
0xc0: {  	v19 =	vadd.f32 v33, v10;
	v10 =	vmov v25;
	v26 =	vld.idx.msk [tilespmem:v34+s3+$0x0], $0xffff  }
0xc1: {  	v29 =	vadd.s32 v4, v9;
	v33 =	vadd.f32 v31, v11;
	v11 =	vmov v24;
	v17 =	vld [tilespmem:s22+$0x10];
	[tilespmem:s16+$0xFFFFFFE0] =	vst v18  }
0xc2: {  	v25 =	vadd.s32 v4, v14;
	v32 =	vadd.f32 v35, v8;
	v8 =	vmov v23;
	v18 =	vld [tilespmem:s22+$0x0];
	[tilespmem:s16+$0x10] =	vst v19  }
0xc3: {  	s28 =	sadd.s32 $0x40, s28;
	s17 =	sadd.s32 $0x40, s17;
	v30 =	vadd.s32 v4, v12;
	v31 =	vadd.f32 v37, v15;
	s16 =	sadd.s32 $0x40, s16;
	v19 =	vld [tilespmem:s22+$0xFFFFFFF0];
	[tilespmem:s21+$0x0] =	vst v33  }
0xc4: {  	_ = 	snop  }
0xc5: {  	v23 =	vadd.s32 v0, v16  }
0xc6: {  	v24 =	vadd.s32 v0, v17  }
0xc7: {  	v33 =	vadd.s32 v0, v18  }
0xc8: {  	v34 =	vld [tilespmem:s30+$0xFFFFFFE0];
	v35 =	vadd.s32 v0, v19  }
0xc9: {  	v36 =	vld [tilespmem:s30+$0x10]  }
0xca: {  	v37 =	vld.idx.msk [tilespmem:v23+s3+$0x0], $0xffff  }
0xcb: {  	v38 =	vld.idx.msk [tilespmem:v24+s3+$0x0], $0xffff  }
0xcc: {  	v33 =	vld.idx.msk [tilespmem:v33+s3+$0x0], $0xffff  }
0xcd: {  	v60 =	vadd.s32 v1, v16;
	v24 =	vadd.f32 v34, v34;
	v35 =	vld.idx.msk [tilespmem:v35+s3+$0x0], $0xffff  }
0xce: {  	v61 =	vadd.s32 v1, v17;
	v23 =	vadd.f32 v36, v36  }
0xcf: {  	v22 =	vadd.f32 v22, v22;
	v39 =	vadd.s32 v1, v18;
	v37 =	vadd.f32 v37, v24  }
0xd0: {  	v20 =	vadd.f32 v20, v20;
	s1 =	sadd.s32 $0x40, s1;
	v40 =	vadd.s32 v1, v19;
	v38 =	vadd.f32 v38, v23  }
0xd1: {  	[tilespmem:s1+$0xFFFFFFE0] =	vst v37;
	v33 =	vadd.f32 v33, v22  }
0xd2: {  	v34 =	vld.idx.msk [tilespmem:v60+s3+$0x0], $0xffff;
	v35 =	vadd.f32 v35, v20;
	[tilespmem:s1+$0x10] =	vst v38  }
0xd3: {  	[tilespmem:s1+$0x0] =	vst v33;
	v62 =	vld.idx.msk [tilespmem:v61+s3+$0x0], $0xffff  }
0xd4: {  	[tilespmem:s1+$0xFFFFFFF0] =	vst v35;
	v63 =	vld.idx.msk [tilespmem:v39+s3+$0x0], $0xffff  }
0xd5: {  	v45 =	vadd.s32 v2, v16;
	v44 =	vld.idx.msk [tilespmem:v40+s3+$0x0], $0xffff  }
0xd6: {  	v46 =	vadd.s32 v2, v17  }
0xd7: {  	v47 =	vadd.s32 v2, v18;
	v34 =	vadd.f32 v34, v24  }
0xd8: {  	s19 =	sadd.s32 $0x40, s19;
	v48 =	vadd.s32 v2, v19;
	v33 =	vadd.f32 v62, v23  }
0xd9: {  	[tilespmem:s19+$0xFFFFFFE0] =	vst v34;
	v49 =	vadd.f32 v63, v22  }
0xda: {  	v50 =	vld.idx.msk [tilespmem:v45+s3+$0x0], $0xffff;
	v36 =	vadd.f32 v44, v20;
	[tilespmem:s19+$0x10] =	vst v33  }
0xdb: {  	[tilespmem:s19+$0x0] =	vst v49;
	v33 =	vld.idx.msk [tilespmem:v46+s3+$0x0], $0xffff  }
0xdc: {  	[tilespmem:s19+$0xFFFFFFF0] =	vst v36;
	v34 =	vld.idx.msk [tilespmem:v47+s3+$0x0], $0xffff  }
0xdd: {  	v51 =	vadd.s32 v3, v16;
	v36 =	vld.idx.msk [tilespmem:v48+s3+$0x0], $0xffff  }
0xde: {  	v52 =	vadd.s32 v3, v17  }
0xdf: {  	v53 =	vadd.s32 v3, v18;
	v35 =	vadd.f32 v50, v24  }
0xe0: {  	[tilespmem:s21+$0xFFFFFFF0] =	vst v32;
	s21 =	sadd.s32 $0x40, s20;
	v54 =	vadd.s32 v3, v19;
	v33 =	vadd.f32 v33, v23  }
0xe1: {  	[tilespmem:s21+$0xFFFFFFE0] =	vst v35;
	v34 =	vadd.f32 v34, v22  }
0xe2: {  	v35 =	vld.idx.msk [tilespmem:v51+s3+$0x0], $0xffff;
	v36 =	vadd.f32 v36, v20;
	[tilespmem:s21+$0x10] =	vst v33  }
0xe3: {  	[tilespmem:s21+$0x0] =	vst v34;
	v33 =	vld.idx.msk [tilespmem:v52+s3+$0x0], $0xffff  }
0xe4: {  	v28 =	vadd.f32 v28, v10;
	s2 =	sadd.s32 $0x40, s15;
	[tilespmem:s21+$0xFFFFFFF0] =	vst v36;
	v34 =	vld.idx.msk [tilespmem:v53+s3+$0x0], $0xffff  }
0xe5: {  	v27 =	vadd.f32 v27, v11;
	v55 =	vadd.s32 v4, v16;
	[tilespmem:s2+$0xFFFFFFE0] =	vst v31;
	v31 =	vld.idx.msk [tilespmem:v54+s3+$0x0], $0xffff  }
0xe6: {  	v26 =	vadd.f32 v26, v8;
	v29 =	vld.idx.msk [tilespmem:v29+s3+$0x0], $0xffff;
	[tilespmem:s2+$0x10] =	vst v28;
	v28 =	vadd.s32 v4, v17  }
0xe7: {  	[tilespmem:s2+$0x0] =	vst v27;
	v25 =	vld.idx.msk [tilespmem:v25+s3+$0x0], $0xffff;
	v56 =	vadd.s32 v4, v18;
	v27 =	vadd.f32 v35, v24  }
0xe8: {  	s22 =	sadd.s32 $0x40, s2;
	[tilespmem:s2+$0xFFFFFFF0] =	vst v26;
	v26 =	vld.idx.msk [tilespmem:v30+s3+$0x0], $0xffff;
	v30 =	vadd.s32 v4, v19;
	v33 =	vadd.f32 v33, v23  }
0xe9: {  	v57 =	vadd.s32 v5, v9;
	v21 =	vld.idx.msk [tilespmem:v21+s3+$0x0], $0xffff;
	[tilespmem:s22+$0xFFFFFFE0] =	vst v27;
	v27 =	vadd.f32 v34, v22  }
0xea: {  	v58 =	vadd.s32 v5, v14;
	v32 =	vld.idx.msk [tilespmem:v55+s3+$0x0], $0xffff;
	v31 =	vadd.f32 v31, v20;
	[tilespmem:s22+$0x10] =	vst v33  }
0xeb: {  	v59 =	vadd.s32 v5, v12;
	v29 =	vadd.f32 v29, v15;
	[tilespmem:s22+$0x0] =	vst v27;
	v27 =	vld.idx.msk [tilespmem:v28+s3+$0x0], $0xffff  }
0xec: {  	s23 =	sadd.s32 $0x40, s5;
	v25 =	vadd.f32 v25, v10;
	v28 =	vadd.s32 v5, v13;
	[tilespmem:s22+$0xFFFFFFF0] =	vst v31;
	v31 =	vld.idx.msk [tilespmem:v56+s3+$0x0], $0xffff  }
0xed: {  	v26 =	vadd.f32 v26, v11;
	[tilespmem:s23+$0xFFFFFFE0] =	vst v29;
	v29 =	vld.idx.msk [tilespmem:v30+s3+$0x0], $0xffff;
	v30 =	vadd.s32 v5, v16  }
0xee: {  	v21 =	vadd.f32 v21, v8;
	[tilespmem:s23+$0x10] =	vst v25;
	v25 =	vadd.s32 v5, v17;
	v60 =	vld.idx.msk [tilespmem:v57+s3+$0x0], $0xffff  }
0xef: {  	[tilespmem:s23+$0x0] =	vst v26;
	v26 =	vld.idx.msk [tilespmem:v58+s3+$0x0], $0xffff;
	v61 =	vadd.s32 v5, v18;
	v32 =	vadd.f32 v32, v24  }
0xf0: {  	s31 =	sadd.s32 $0x40, s23;
	[tilespmem:s23+$0xFFFFFFF0] =	vst v21;
	v21 =	vld.idx.msk [tilespmem:v59+s3+$0x0], $0xffff;
	v62 =	vadd.s32 v5, v19;
	v27 =	vadd.f32 v27, v23  }
0xf1: {  	v63 =	vadd.s32 v6, v9;
	v28 =	vld.idx.msk [tilespmem:v28+s3+$0x0], $0xffff;
	[tilespmem:s31+$0xFFFFFFE0] =	vst v32;
	v31 =	vadd.f32 v31, v22  }
0xf2: {  	v37 =	vadd.s32 v6, v14;
	v30 =	vld.idx.msk [tilespmem:v30+s3+$0x0], $0xffff;
	v29 =	vadd.f32 v29, v20;
	[tilespmem:s31+$0x10] =	vst v27  }
0xf3: {  	v38 =	vadd.s32 v6, v12;
	v27 =	vadd.f32 v60, v15;
	[tilespmem:s31+$0x0] =	vst v31;
	v25 =	vld.idx.msk [tilespmem:v25+s3+$0x0], $0xffff  }
0xf4: {  	v26 =	vadd.f32 v26, v10;
	v31 =	vadd.s32 v6, v13;
	[tilespmem:s31+$0xFFFFFFF0] =	vst v29;
	v29 =	vld.idx.msk [tilespmem:v61+s3+$0x0], $0xffff  }
0xf5: {  	v21 =	vadd.f32 v21, v11;
	v39 =	vadd.s32 v6, v16;
	[tilespmem:s28+$0xFFFFFFE0] =	vst v27;
	v27 =	vld.idx.msk [tilespmem:v62+s3+$0x0], $0xffff  }
0xf6: {  	[tilespmem:s28+$0x10] =	vst v26;
	v26 =	vadd.s32 v6, v17;
	v40 =	vld.idx.msk [tilespmem:v63+s3+$0x0], $0xffff;
	v28 =	vadd.f32 v28, v8  }
0xf7: {  	v41 =	vadd.s32 v6, v18;
	[tilespmem:s28+$0x0] =	vst v21;
	v21 =	vld.idx.msk [tilespmem:v37+s3+$0x0], $0xffff;
	v30 =	vadd.f32 v30, v24  }
0xf8: {  	s2 =	sadd.s32 $0x40, s28;
	v42 =	vadd.s32 v6, v19;
	[tilespmem:s28+$0xFFFFFFF0] =	vst v28;
	v28 =	vld.idx.msk [tilespmem:v38+s3+$0x0], $0xffff;
	v25 =	vadd.f32 v25, v23  }
0xf9: {  	v9 =	vadd.s32 v7, v9;
	v31 =	vld.idx.msk [tilespmem:v31+s3+$0x0], $0xffff;
	[tilespmem:s2+$0xFFFFFFE0] =	vst v30;
	v29 =	vadd.f32 v29, v22  }
0xfa: {  	v14 =	vadd.s32 v7, v14;
	v30 =	vld.idx.msk [tilespmem:v39+s3+$0x0], $0xffff;
	v27 =	vadd.f32 v27, v20;
	[tilespmem:s2+$0x10] =	vst v25  }
0xfb: {  	v12 =	vadd.s32 v7, v12;
	v25 =	vadd.f32 v40, v15;
	[tilespmem:s2+$0x0] =	vst v29;
	v26 =	vld.idx.msk [tilespmem:v26+s3+$0x0], $0xffff  }
0xfc: {  	v21 =	vadd.f32 v21, v10;
	v13 =	vadd.s32 v7, v13;
	[tilespmem:s2+$0xFFFFFFF0] =	vst v27;
	v27 =	vld.idx.msk [tilespmem:v41+s3+$0x0], $0xffff  }
0xfd: {  	v16 =	vadd.s32 v7, v16;
	[tilespmem:s17+$0xFFFFFFE0] =	vst v25;
	v25 =	vadd.f32 v28, v11;
	v28 =	vld.idx.msk [tilespmem:v42+s3+$0x0], $0xffff  }
0xfe: {  	v17 =	vadd.s32 v7, v17;
	[tilespmem:s17+$0x10] =	vst v21;
	v9 =	vld.idx.msk [tilespmem:v9+s3+$0x0], $0xffff;
	v29 =	vadd.f32 v31, v8  }
0xff: {  	v18 =	vadd.s32 v7, v18;
	v14 =	vld.idx.msk [tilespmem:v14+s3+$0x0], $0xffff;
	[tilespmem:s17+$0x0] =	vst v25;
	v21 =	vadd.f32 v30, v24  }
0x100: {  	s5 =	sadd.s32 $0x40, s17;
	v19 =	vadd.s32 v7, v19;
	[tilespmem:s17+$0xFFFFFFF0] =	vst v29;
	v12 =	vld.idx.msk [tilespmem:v12+s3+$0x0], $0xffff;
	v25 =	vadd.f32 v26, v23  }
0x101: {  	v13 =	vld.idx.msk [tilespmem:v13+s3+$0x0], $0xffff;
	[tilespmem:s5+$0xFFFFFFE0] =	vst v21;
	v21 =	vadd.f32 v27, v22  }
0x102: {  	v16 =	vld.idx.msk [tilespmem:v16+s3+$0x0], $0xffff;
	v26 =	vadd.f32 v28, v20;
	[tilespmem:s5+$0x10] =	vst v25  }
0x103: {  	v9 =	vadd.f32 v9, v15;
	[tilespmem:s5+$0x0] =	vst v21;
	v15 =	vld.idx.msk [tilespmem:v17+s3+$0x0], $0xffff  }
0x104: {  	v10 =	vadd.f32 v14, v10;
	[tilespmem:s5+$0xFFFFFFF0] =	vst v26;
	v14 =	vld.idx.msk [tilespmem:v18+s3+$0x0], $0xffff  }
0x105: {  	[tilespmem:s16+$0xFFFFFFE0] =	vst v9;
	v9 =	vadd.f32 v12, v11;
	v11 =	vld.idx.msk [tilespmem:v19+s3+$0x0], $0xffff  }
0x106: {  	[tilespmem:s16+$0x10] =	vst v10;
	v8 =	vadd.f32 v13, v8  }
0x107: {  	[tilespmem:s16+$0x0] =	vst v9;
	v9 =	vadd.f32 v16, v24  }
0x108: {  	s15 =	sadd.s32 $0x40, s16;
	[tilespmem:s16+$0xFFFFFFF0] =	vst v8;
	v8 =	vadd.f32 v15, v23  }
0x109: {  	[tilespmem:s15+$0xFFFFFFE0] =	vst v9;
	v9 =	vadd.f32 v14, v22  }
0x10a: {  	v10 =	vadd.f32 v11, v20;
	[tilespmem:s15+$0x10] =	vst v8  }
0x10b: {  	[tilespmem:s15+$0x0] =	vst v9  }
0x10c: {  	[tilespmem:s15+$0xFFFFFFF0] =	vst v10  }
0x10d: {  	s17 =	simm.s32 $0x8100;
	s1 =	rddreg [dreg:$0x8]  }
0x10e: {  	[hbm4b:s1+s3] =	stream.linear.scatter [tilespmem:s17], [sflag:$0x3], $0x1000, $0x38;
	[tilespmem:$0x18100] =	vst v63  }
0x10f: {  	s20 =	simm.s32 $0x9100;
	s19 =	rddreg [dreg:$0x9]  }
0x110: {  	[hbm4b:s19+s3] =	stream.linear.scatter [tilespmem:s20], [sflag:$0x3], $0x1000, $0x38;
	[tilespmem:$0x18100] =	vst v63  }
0x111: {  	s22 =	simm.s32 $0xA100;
	s21 =	rddreg [dreg:$0xa]  }
0x112: {  	[hbm4b:s21+s3] =	stream.linear.scatter [tilespmem:s22], [sflag:$0x3], $0x1000, $0x38;
	[tilespmem:$0x18100] =	vst v63  }
0x113: {  	s31 =	simm.s32 $0xB100;
	s23 =	rddreg [dreg:$0xb]  }
0x114: {  	[hbm4b:s23+s3] =	stream.linear.scatter [tilespmem:s31], [sflag:$0x3], $0x1000, $0x38;
	[tilespmem:$0x18100] =	vst v63  }
0x115: {  	s15 =	simm.s32 $0xC100;
	s5 =	rddreg [dreg:$0xc]  }
0x116: {  	[hbm4b:s5+s3] =	stream.linear.scatter [tilespmem:s15], [sflag:$0x3], $0x1000, $0x38;
	[tilespmem:$0x18100] =	vst v63  }
0x117: {  	s16 =	rddreg [dreg:$0xd];
	s17 =	simm.s32 $0xD100  }
0x118: {  	[hbm4b:s16+s3] =	stream.linear.scatter [tilespmem:s17], [sflag:$0x3], $0x1000, $0x38;
	[tilespmem:$0x18100] =	vst v63  }
0x119: {  	s19 =	rddreg [dreg:$0xe];
	s20 =	simm.s32 $0xE100  }
0x11a: {  	[hbm4b:s19+s3] =	stream.linear.scatter [tilespmem:s20], [sflag:$0x3], $0x1000, $0x38;
	[tilespmem:$0x18100] =	vst v63  }
0x11b: {  	s21 =	rddreg [dreg:$0xf];
	s22 =	simm.s32 $0xF100  }
0x11c: {  	[hbm4b:s21+s3] =	stream.linear.scatter [tilespmem:s22], [sflag:$0x3], $0x1000, $0x38;
	[tilespmem:$0x18100] =	vst v63  }
0x11d: {  	s23 =	rddreg [dreg:$0x11];
	s31 =	simm.s32 $0x4100  }
0x11e: {  	[tilespmem:s31], [sflag:$0x1] =	stream.linear.gather [hbm4b:s23+s3], $0x1000, $0x38;
	[tilespmem:$0x18100] =	vst v63  }
0x11f: {  	s2 =	rddreg [dreg:$0x12];
	s5 =	simm.s32 $0x6100  }
0x120: {  	[tilespmem:s5], [sflag:$0x1] =	stream.linear.gather [hbm4b:s2+s3], $0x1000, $0x38;
	[tilespmem:$0x18100] =	vst v63  }
0x121: {  	_ =	swait.ge [sflag:s24], $0x1000  }
0x122: {  	[sflag:s24] =	ssyncset.done $0x0  }
0x123: {  	[sflag:s24] =	ssyncadd.s32 $0xFFFFF000  }
0x124: {  	_ =	swait.ge [sflag:s24], $0x1000  }
0x125: {  	[sflag:s24] =	ssyncset.done $0x0  }
0x126: {  	s15 =	simm.s32 $0x5120;
	[sflag:s24] =	ssyncadd.s32 $0xFFFFF000  }
0x127: {  	v25 =	vld [tilespmem:s15+$0xFFFFFFE0];
	_ =	sdelay $0x1  }
0x128: {  	v24 =	vld [tilespmem:s15+$0x10]  }
0x129: {  	v23 =	vld [tilespmem:s15+$0x0];
	_ =	sdelay $0x1  }
0x12a: {  	v16 =	vld [tilespmem:s15+$0xFFFFFFF0];
	v8 =	vadd.s32 v0, v25  }
0x12b: {  	s16 =	simm.s32 $0x7120  }
0x12c: {  	v9 =	vld [tilespmem:s16+$0xFFFFFFF0];
	v10 =	vadd.s32 v0, v24  }
0x12d: {  	v13 =	vld [tilespmem:s16+$0xFFFFFFE0];
	v12 =	vadd.s32 v0, v23  }
0x12e: {  	v15 =	vld [tilespmem:s16+$0x10]  }
0x12f: {  	v14 =	vadd.s32 v0, v16;
	v8 =	vld.idx.msk [tilespmem:v8+s3+$0x0], $0xffff  }
0x130: {  	v11 =	vld [tilespmem:s16+$0x0]  }
0x131: {  	v10 =	vld.idx.msk [tilespmem:v10+s3+$0x0], $0xffff  }
0x132: {  	v21 =	vadd.f32 v13, v13;
	v13 =	vadd.s32 v1, v25;
	v12 =	vld.idx.msk [tilespmem:v12+s3+$0x0], $0xffff;
	_ =	sdelay $0x1  }
0x133: {  	v17 =	vadd.f32 v15, v15;
	v15 =	vadd.s32 v1, v24;
	v14 =	vld.idx.msk [tilespmem:v14+s3+$0x0], $0xffff;
	v8 =	vadd.f32 v8, v21  }
0x134: {  	s17 =	simm.s32 $0x10120;
	v18 =	vadd.f32 v11, v11;
	v11 =	vadd.s32 v1, v23  }
0x135: {  	v10 =	vadd.f32 v10, v17;
	[tilespmem:s17+$0xFFFFFFE0] =	vst v8  }
0x136: {  	v19 =	vadd.f32 v9, v9;
	v9 =	vadd.s32 v1, v16;
	v8 =	vadd.f32 v12, v18;
	v12 =	vld.idx.msk [tilespmem:v13+s3+$0x0], $0xffff  }
0x137: {  	[tilespmem:s17+$0x10] =	vst v10  }
0x138: {  	v13 =	vadd.f32 v14, v19;
	[tilespmem:s17+$0x0] =	vst v8;
	v8 =	vld.idx.msk [tilespmem:v15+s3+$0x0], $0xffff  }
0x139: {  	v10 =	vld.idx.msk [tilespmem:v11+s3+$0x0], $0xffff;
	v11 =	vadd.s32 v2, v25  }
0x13a: {  	[tilespmem:s17+$0xFFFFFFF0] =	vst v13  }
0x13b: {  	v13 =	vadd.s32 v2, v24;
	v9 =	vld.idx.msk [tilespmem:v9+s3+$0x0], $0xffff;
	v12 =	vadd.f32 v12, v21  }
0x13c: {  	s19 =	simm.s32 $0x11120  }
0x13d: {  	v14 =	vadd.s32 v2, v23;
	v8 =	vadd.f32 v8, v17;
	[tilespmem:s19+$0xFFFFFFE0] =	vst v12  }
0x13e: {  	v15 =	vadd.s32 v2, v16;
	v11 =	vld.idx.msk [tilespmem:v11+s3+$0x0], $0xffff  }
0x13f: {  	v10 =	vadd.f32 v10, v18;
	[tilespmem:s19+$0x10] =	vst v8  }
0x140: {  	s20 =	simm.s32 $0x7160;
	v9 =	vadd.f32 v9, v19;
	v8 =	vld.idx.msk [tilespmem:v13+s3+$0x0], $0xffff  }
0x141: {  	v22 =	vld [tilespmem:s20+$0x0];
	[tilespmem:s19+$0x0] =	vst v10;
	v13 =	vadd.s32 v3, v25  }
0x142: {  	[tilespmem:s19+$0xFFFFFFF0] =	vst v9;
	v10 =	vld.idx.msk [tilespmem:v14+s3+$0x0], $0xffff  }
0x143: {  	v14 =	vadd.s32 v3, v24;
	v12 =	vld.idx.msk [tilespmem:v15+s3+$0x0], $0xffff;
	v11 =	vadd.f32 v11, v21  }
0x144: {  	s21 =	simm.s32 $0x12120;
	s22 =	simm.s32 $0x5160;
	v30 =	vld [tilespmem:s20+$0x10]  }
0x145: {  	v20 =	vadd.s32 v3, v23;
	v9 =	vld [tilespmem:s22+$0xFFFFFFE0];
	v8 =	vadd.f32 v8, v17;
	[tilespmem:s21+$0xFFFFFFE0] =	vst v11  }
0x146: {  	v26 =	vadd.s32 v3, v16;
	v11 =	vld.idx.msk [tilespmem:v13+s3+$0x0], $0xffff  }
0x147: {  	v10 =	vadd.f32 v10, v18;
	[tilespmem:s21+$0x10] =	vst v8;
	v13 =	vld [tilespmem:s22+$0x0]  }
0x148: {  	v12 =	vadd.f32 v12, v19;
	v8 =	vld.idx.msk [tilespmem:v14+s3+$0x0], $0xffff  }
0x149: {  	[tilespmem:s21+$0x0] =	vst v10;
	v14 =	vld [tilespmem:s22+$0x10]  }
0x14a: {  	v43 =	vadd.s32 v0, v9;
	[tilespmem:s21+$0xFFFFFFF0] =	vst v12;
	v10 =	vld.idx.msk [tilespmem:v20+s3+$0x0], $0xffff  }
0x14b: {  	v20 =	vld.idx.msk [tilespmem:v26+s3+$0x0], $0xffff;
	v26 =	vadd.s32 v4, v25  }
0x14c: {  	v31 =	vld [tilespmem:s20+$0xFFFFFFE0];
	v27 =	vadd.s32 v4, v24  }
0x14d: {  	v28 =	vadd.s32 v4, v23;
	v12 =	vld [tilespmem:s22+$0xFFFFFFF0];
	v11 =	vadd.f32 v11, v21  }
0x14e: {  	s15 =	simm.s32 $0x13120;
	v29 =	vadd.s32 v4, v16;
	v15 =	vld [tilespmem:s20+$0xFFFFFFF0];
	v8 =	vadd.f32 v8, v17  }
0x14f: {  	v32 =	vld.idx.msk [tilespmem:v43+s3+$0x0], $0xffff;
	v44 =	vadd.s32 v0, v13;
	[tilespmem:s15+$0xFFFFFFE0] =	vst v11;
	v10 =	vadd.f32 v10, v18  }
0x150: {  	v11 =	vadd.s32 v0, v14;
	v26 =	vld.idx.msk [tilespmem:v26+s3+$0x0], $0xffff;
	v20 =	vadd.f32 v20, v19;
	[tilespmem:s15+$0x10] =	vst v8  }
0x151: {  	[tilespmem:s15+$0x0] =	vst v10;
	v27 =	vld.idx.msk [tilespmem:v27+s3+$0x0], $0xffff  }
0x152: {  	v45 =	vadd.s32 v0, v12;
	[tilespmem:s15+$0xFFFFFFF0] =	vst v20;
	v28 =	vld.idx.msk [tilespmem:v28+s3+$0x0], $0xffff  }
0x153: {  	v46 =	vadd.s32 v5, v25;
	v29 =	vld.idx.msk [tilespmem:v29+s3+$0x0], $0xffff  }
0x154: {  	v48 =	vadd.s32 v5, v24;
	v8 =	vadd.f32 v15, v15;
	v15 =	vadd.f32 v31, v31;
	v33 =	vld.idx.msk [tilespmem:v44+s3+$0x0], $0xffff  }
0x155: {  	s30 =	simm.s32 $0x71A0;
	v10 =	vadd.f32 v30, v30;
	v30 =	vadd.s32 v5, v23;
	v47 =	vld.idx.msk [tilespmem:v11+s3+$0x0], $0xffff;
	v26 =	vadd.f32 v26, v21  }
0x156: {  	s5 =	simm.s32 $0x14120;
	v20 =	vld [tilespmem:s30+$0xFFFFFFF0];
	v11 =	vadd.f32 v22, v22;
	v22 =	vadd.s32 v5, v16;
	v27 =	vadd.f32 v27, v17  }
0x157: {  	v31 =	vadd.s32 v1, v9;
	v34 =	vld.idx.msk [tilespmem:v45+s3+$0x0], $0xffff;
	[tilespmem:s5+$0xFFFFFFE0] =	vst v26;
	v26 =	vadd.f32 v28, v18  }
0x158: {  	v28 =	vadd.s32 v1, v14;
	v35 =	vld.idx.msk [tilespmem:v46+s3+$0x0], $0xffff;
	v29 =	vadd.f32 v29, v19;
	[tilespmem:s5+$0x10] =	vst v27  }
0x159: {  	v27 =	vadd.f32 v32, v15;
	[tilespmem:s5+$0x0] =	vst v26;
	v26 =	vld.idx.msk [tilespmem:v48+s3+$0x0], $0xffff  }
0x15a: {  	s1 =	simm.s32 $0x10160;
	v49 =	vadd.s32 v1, v13;
	v36 =	vadd.f32 v47, v10;
	[tilespmem:s5+$0xFFFFFFF0] =	vst v29;
	v29 =	vld.idx.msk [tilespmem:v30+s3+$0x0], $0xffff  }
0x15b: {  	v50 =	vadd.s32 v1, v12;
	[tilespmem:s1+$0xFFFFFFE0] =	vst v27;
	v27 =	vadd.f32 v33, v11;
	v30 =	vld.idx.msk [tilespmem:v22+s3+$0x0], $0xffff  }
0x15c: {  	v51 =	vadd.s32 v6, v25;
	v53 =	vadd.s32 v6, v23;
	v31 =	vld.idx.msk [tilespmem:v31+s3+$0x0], $0xffff;
	[tilespmem:s1+$0x10] =	vst v36  }
0x15d: {  	s22 =	simm.s32 $0x51A0;
	v22 =	vadd.f32 v34, v8;
	[tilespmem:s1+$0x0] =	vst v27;
	v27 =	vld.idx.msk [tilespmem:v28+s3+$0x0], $0xffff;
	v28 =	vadd.s32 v6, v24  }
0x15e: {  	v55 =	vadd.s32 v6, v16;
	v60 =	vadd.s32 v7, v16;
	v16 =	vld [tilespmem:s22+$0xFFFFFFE0];
	v52 =	vadd.f32 v35, v21  }
0x15f: {  	s23 =	simm.s32 $0x15120;
	[tilespmem:s1+$0xFFFFFFF0] =	vst v22;
	v32 =	vld.idx.msk [tilespmem:v49+s3+$0x0], $0xffff;
	v26 =	vadd.f32 v26, v17  }
0x160: {  	v56 =	vadd.s32 v2, v9;
	v54 =	vld.idx.msk [tilespmem:v50+s3+$0x0], $0xffff;
	[tilespmem:s23+$0xFFFFFFE0] =	vst v52;
	v29 =	vadd.f32 v29, v18  }
0x161: {  	v57 =	vadd.s32 v2, v14;
	v33 =	vld.idx.msk [tilespmem:v51+s3+$0x0], $0xffff;
	v30 =	vadd.f32 v30, v19;
	[tilespmem:s23+$0x10] =	vst v26  }
0x162: {  	v26 =	vadd.f32 v31, v15;
	v31 =	vadd.s32 v2, v13;
	[tilespmem:s23+$0x0] =	vst v29;
	v28 =	vld.idx.msk [tilespmem:v28+s3+$0x0], $0xffff  }
0x163: {  	s19 =	simm.s32 $0x11160;
	v27 =	vadd.f32 v27, v10;
	[tilespmem:s23+$0xFFFFFFF0] =	vst v30;
	v30 =	vld.idx.msk [tilespmem:v53+s3+$0x0], $0xffff  }
0x164: {  	v29 =	vadd.s32 v2, v12;
	[tilespmem:s19+$0xFFFFFFE0] =	vst v26;
	v26 =	vadd.f32 v32, v11;
	v58 =	vld.idx.msk [tilespmem:v55+s3+$0x0], $0xffff  }
0x165: {  	v25 =	vadd.s32 v7, v25;
	v59 =	vld.idx.msk [tilespmem:v56+s3+$0x0], $0xffff;
	[tilespmem:s19+$0x10] =	vst v27  }
0x166: {  	v24 =	vadd.s32 v7, v24;
	v36 =	vadd.f32 v54, v8;
	[tilespmem:s19+$0x0] =	vst v26;
	v26 =	vld.idx.msk [tilespmem:v57+s3+$0x0], $0xffff  }
0x167: {  	v23 =	vadd.s32 v7, v23;
	v27 =	vld.idx.msk [tilespmem:v31+s3+$0x0], $0xffff;
	v31 =	vadd.f32 v33, v21  }
0x168: {  	s31 =	simm.s32 $0x16120;
	v22 =	vld [tilespmem:s30+$0x0];
	[tilespmem:s19+$0xFFFFFFF0] =	vst v36;
	v28 =	vadd.f32 v28, v17  }
0x169: {  	v61 =	vadd.s32 v3, v9;
	v29 =	vld.idx.msk [tilespmem:v29+s3+$0x0], $0xffff;
	[tilespmem:s31+$0xFFFFFFE0] =	vst v31;
	v30 =	vadd.f32 v30, v18  }
0x16a: {  	v31 =	vadd.s32 v3, v14;
	v25 =	vld.idx.msk [tilespmem:v25+s3+$0x0], $0xffff;
	v32 =	vadd.f32 v58, v19;
	[tilespmem:s31+$0x10] =	vst v28  }
0x16b: {  	v62 =	vadd.s32 v3, v13;
	v28 =	vadd.f32 v59, v15;
	[tilespmem:s31+$0x0] =	vst v30;
	v24 =	vld.idx.msk [tilespmem:v24+s3+$0x0], $0xffff  }
0x16c: {  	s20 =	simm.s32 $0x12160;
	v30 =	vadd.s32 v3, v12;
	v26 =	vadd.f32 v26, v10;
	[tilespmem:s31+$0xFFFFFFF0] =	vst v32;
	v23 =	vld.idx.msk [tilespmem:v23+s3+$0x0], $0xffff  }
0x16d: {  	[tilespmem:s20+$0xFFFFFFE0] =	vst v28;
	v27 =	vadd.f32 v27, v11;
	v32 =	vld.idx.msk [tilespmem:v60+s3+$0x0], $0xffff  }
0x16e: {  	v63 =	vld.idx.msk [tilespmem:v61+s3+$0x0], $0xffff;
	v29 =	vadd.f32 v29, v8;
	[tilespmem:s20+$0x10] =	vst v26  }
0x16f: {  	[tilespmem:s20+$0x0] =	vst v27;
	v28 =	vld.idx.msk [tilespmem:v31+s3+$0x0], $0xffff  }
0x170: {  	[tilespmem:s20+$0xFFFFFFF0] =	vst v29;
	v27 =	vld.idx.msk [tilespmem:v62+s3+$0x0], $0xffff;
	v21 =	vadd.f32 v25, v21  }
0x171: {  	s21 =	simm.s32 $0x17120;
	v26 =	vld.idx.msk [tilespmem:v30+s3+$0x0], $0xffff;
	v24 =	vadd.f32 v24, v17  }
0x172: {  	v29 =	vadd.s32 v4, v9;
	v17 =	vld [tilespmem:s22+$0x10];
	[tilespmem:s21+$0xFFFFFFE0] =	vst v21;
	v23 =	vadd.f32 v23, v18  }
0x173: {  	s28 =	simm.s32 $0x15160;
	v25 =	vadd.s32 v4, v14;
	v18 =	vld [tilespmem:s22+$0x0];
	[tilespmem:s21+$0x10] =	vst v24;
	v32 =	vadd.f32 v32, v19  }
0x174: {  	s16 =	simm.s32 $0x17160;
	s17 =	simm.s32 $0x16160;
	s23 =	simm.s32 $0x80;
	v30 =	vadd.s32 v4, v13;
	v21 =	vadd.s32 v4, v12;
	v19 =	vld [tilespmem:s22+$0xFFFFFFF0];
	v31 =	vadd.f32 v63, v15;
	[tilespmem:s21+$0x0] =	vst v23  }
.LBB2_4:
0x175: {  	s23 =	sadd.s32 $0x40, s23;
	v24 =	vld [tilespmem:s30+$0x10];
	v23 =	vadd.f32 v28, v10;
	[tilespmem:s21+$0xFFFFFFF0] =	vst v32;
	s15 =	sadd.s32 $0x40, s15;
	s5 =	sadd.s32 $0x40, s5  }
0x176: {  	v32 =	vadd.s32 v0, v16;
	v27 =	vadd.f32 v27, v11;
	s21 =	smov.u32 s16;
	p0 =	slt.u32 s23, $0xFC0;
	v28 =	vld [tilespmem:s30+$0xFFFFFFE0];
	[tilespmem:s15+$0xFFFFFFE0] =	vst v31  }
0x177: {  	v26 =	vadd.f32 v26, v8;
	v31 =	vadd.s32 v0, v17;
	v29 =	vld.idx.msk [tilespmem:v29+s3+$0x0], $0xffff;
	[tilespmem:s15+$0x10] =	vst v23  }
0x178: {  	v33 =	vadd.s32 v0, v18;
	[tilespmem:s15+$0x0] =	vst v27;
	v27 =	vld.idx.msk [tilespmem:v25+s3+$0x0], $0xffff  }
0x179: {  	v34 =	vadd.s32 v0, v19;
	v35 =	vadd.s32 v2, v19;
	[tilespmem:s15+$0xFFFFFFF0] =	vst v26;
	v26 =	vld.idx.msk [tilespmem:v30+s3+$0x0], $0xffff  }
0x17a: {  	v30 =	vld.idx.msk [tilespmem:v21+s3+$0x0], $0xffff;
	v21 =	vadd.s32 v4, v19  }
0x17b: {  	v36 =	vadd.s32 v5, v9;
	v32 =	vld.idx.msk [tilespmem:v32+s3+$0x0], $0xffff  }
0x17c: {  	v37 =	vadd.s32 v5, v14;
	v23 =	vadd.f32 v20, v20;
	v31 =	vld.idx.msk [tilespmem:v31+s3+$0x0], $0xffff  }
0x17d: {  	v38 =	vadd.s32 v5, v13;
	v25 =	vadd.f32 v24, v24;
	v29 =	vadd.f32 v29, v15;
	v33 =	vld.idx.msk [tilespmem:v33+s3+$0x0], $0xffff  }
0x17e: {  	s30 =	sadd.s32 $0x40, s30;
	v24 =	vadd.f32 v22, v22;
	v22 =	vadd.s32 v5, v12;
	v27 =	vadd.f32 v27, v10;
	v34 =	vld.idx.msk [tilespmem:v34+s3+$0x0], $0xffff  }
0x17f: {  	v39 =	vadd.f32 v28, v28;
	v28 =	vadd.s32 v1, v16;
	v26 =	vadd.f32 v26, v11;
	v20 =	vld [tilespmem:s30+$0xFFFFFFF0];
	[tilespmem:s5+$0xFFFFFFE0] =	vst v29  }
0x180: {  	v29 =	vadd.s32 v1, v17;
	v30 =	vadd.f32 v30, v8;
	v36 =	vld.idx.msk [tilespmem:v36+s3+$0x0], $0xffff;
	[tilespmem:s5+$0x10] =	vst v27  }
0x181: {  	v27 =	vadd.f32 v32, v39;
	v32 =	vadd.s32 v1, v18;
	[tilespmem:s5+$0x0] =	vst v26;
	v26 =	vld.idx.msk [tilespmem:v37+s3+$0x0], $0xffff  }
0x182: {  	s1 =	sadd.s32 $0x40, s1;
	v37 =	vadd.s32 v1, v19;
	v31 =	vadd.f32 v31, v25;
	[tilespmem:s5+$0xFFFFFFF0] =	vst v30;
	v30 =	vld.idx.msk [tilespmem:v38+s3+$0x0], $0xffff  }
0x183: {  	[tilespmem:s1+$0xFFFFFFE0] =	vst v27;
	v27 =	vadd.f32 v33, v24;
	v33 =	vld.idx.msk [tilespmem:v22+s3+$0x0], $0xffff  }
0x184: {  	v22 =	vadd.f32 v34, v23;
	v28 =	vld.idx.msk [tilespmem:v28+s3+$0x0], $0xffff;
	[tilespmem:s1+$0x10] =	vst v31;
	v31 =	vadd.s32 v6, v9  }
0x185: {  	[tilespmem:s1+$0x0] =	vst v27;
	v27 =	vld.idx.msk [tilespmem:v29+s3+$0x0], $0xffff;
	v29 =	vadd.s32 v6, v14  }
0x186: {  	v34 =	vadd.f32 v36, v15;
	v36 =	vadd.s32 v6, v13;
	[tilespmem:s1+$0xFFFFFFF0] =	vst v22;
	v32 =	vld.idx.msk [tilespmem:v32+s3+$0x0], $0xffff  }
0x187: {  	v38 =	vadd.s32 v6, v12;
	v26 =	vadd.f32 v26, v10;
	v37 =	vld.idx.msk [tilespmem:v37+s3+$0x0], $0xffff  }
0x188: {  	v40 =	vadd.s32 v2, v16;
	v30 =	vadd.f32 v30, v11;
	v22 =	vld [tilespmem:s30+$0x0];
	[tilespmem:s28+$0xFFFFFFE0] =	vst v34  }
0x189: {  	v34 =	vadd.s32 v2, v17;
	v33 =	vadd.f32 v33, v8;
	v31 =	vld.idx.msk [tilespmem:v31+s3+$0x0], $0xffff;
	[tilespmem:s28+$0x10] =	vst v26  }
0x18a: {  	v26 =	vadd.f32 v28, v39;
	v28 =	vadd.s32 v2, v18;
	[tilespmem:s28+$0x0] =	vst v30;
	v29 =	vld.idx.msk [tilespmem:v29+s3+$0x0], $0xffff  }
0x18b: {  	s19 =	sadd.s32 $0x40, s19;
	v27 =	vadd.f32 v27, v25;
	[tilespmem:s28+$0xFFFFFFF0] =	vst v33;
	v30 =	vld.idx.msk [tilespmem:v36+s3+$0x0], $0xffff  }
0x18c: {  	[tilespmem:s19+$0xFFFFFFE0] =	vst v26;
	v26 =	vadd.f32 v32, v24;
	v32 =	vld.idx.msk [tilespmem:v38+s3+$0x0], $0xffff  }
0x18d: {  	v36 =	vadd.f32 v37, v23;
	v33 =	vld.idx.msk [tilespmem:v40+s3+$0x0], $0xffff;
	[tilespmem:s19+$0x10] =	vst v27;
	v27 =	vadd.s32 v7, v9;
	v9 =	vmov v16  }
0x18e: {  	[tilespmem:s19+$0x0] =	vst v26;
	v26 =	vld.idx.msk [tilespmem:v34+s3+$0x0], $0xffff;
	v34 =	vadd.s32 v7, v14;
	v14 =	vmov v17  }
0x18f: {  	[tilespmem:s19+$0xFFFFFFF0] =	vst v36;
	v17 =	vld.idx.msk [tilespmem:v28+s3+$0x0], $0xffff;
	v28 =	vadd.f32 v31, v15;
	v31 =	vadd.s32 v7, v13;
	v13 =	vmov v18  }
0x190: {  	s22 =	sadd.s32 $0x40, s22;
	v29 =	vadd.f32 v29, v10;
	v18 =	vld.idx.msk [tilespmem:v35+s3+$0x0], $0xffff;
	v35 =	vadd.s32 v7, v12;
	v12 =	vmov v19  }
0x191: {  	v19 =	vadd.s32 v3, v9;
	v16 =	vld [tilespmem:s22+$0xFFFFFFE0];
	[tilespmem:s17+$0xFFFFFFE0] =	vst v28;
	v28 =	vadd.f32 v30, v11  }
0x192: {  	v30 =	vadd.s32 v3, v14;
	v36 =	vld.idx.msk [tilespmem:v27+s3+$0x0], $0xffff;
	v27 =	vadd.f32 v32, v8;
	[tilespmem:s17+$0x10] =	vst v29  }
0x193: {  	v29 =	vadd.f32 v33, v39;
	v32 =	vadd.s32 v3, v13;
	[tilespmem:s17+$0x0] =	vst v28;
	v33 =	vld.idx.msk [tilespmem:v34+s3+$0x0], $0xffff  }
0x194: {  	s20 =	sadd.s32 $0x40, s20;
	v34 =	vadd.s32 v3, v12;
	v26 =	vadd.f32 v26, v25;
	[tilespmem:s17+$0xFFFFFFF0] =	vst v27;
	v31 =	vld.idx.msk [tilespmem:v31+s3+$0x0], $0xffff  }
0x195: {  	v17 =	vadd.f32 v17, v24;
	[tilespmem:s20+$0xFFFFFFE0] =	vst v29;
	v35 =	vld.idx.msk [tilespmem:v35+s3+$0x0], $0xffff  }
0x196: {  	v18 =	vadd.f32 v18, v23;
	v37 =	vld.idx.msk [tilespmem:v19+s3+$0x0], $0xffff;
	[tilespmem:s20+$0x10] =	vst v26  }
0x197: {  	[tilespmem:s20+$0x0] =	vst v17;
	v28 =	vld.idx.msk [tilespmem:v30+s3+$0x0], $0xffff  }
.Ltmp1:
0x198: {  	[tilespmem:s20+$0xFFFFFFF0] =	vst v18;
	v27 =	vld.idx.msk [tilespmem:v32+s3+$0x0], $0xffff;
	v18 =	vadd.f32 v36, v15;
	v15 =	vmov v39;
	(pc) =	sbr.rel @p0 .LBB2_4-.Ltmp1, $4  }
0x199: {  	v19 =	vadd.f32 v33, v10;
	v10 =	vmov v25;
	v26 =	vld.idx.msk [tilespmem:v34+s3+$0x0], $0xffff  }
0x19a: {  	v29 =	vadd.s32 v4, v9;
	v33 =	vadd.f32 v31, v11;
	v11 =	vmov v24;
	v17 =	vld [tilespmem:s22+$0x10];
	[tilespmem:s16+$0xFFFFFFE0] =	vst v18  }
0x19b: {  	v25 =	vadd.s32 v4, v14;
	v32 =	vadd.f32 v35, v8;
	v8 =	vmov v23;
	v18 =	vld [tilespmem:s22+$0x0];
	[tilespmem:s16+$0x10] =	vst v19  }
0x19c: {  	s28 =	sadd.s32 $0x40, s28;
	s17 =	sadd.s32 $0x40, s17;
	v30 =	vadd.s32 v4, v13;
	v31 =	vadd.f32 v37, v15;
	s16 =	sadd.s32 $0x40, s16;
	v19 =	vld [tilespmem:s22+$0xFFFFFFF0];
	[tilespmem:s21+$0x0] =	vst v33  }
0x19d: {  	_ = 	snop  }
0x19e: {  	v23 =	vadd.s32 v0, v16  }
0x19f: {  	v24 =	vadd.s32 v0, v17  }
0x1a0: {  	v33 =	vadd.s32 v0, v18  }
0x1a1: {  	v34 =	vld [tilespmem:s30+$0xFFFFFFE0];
	v35 =	vadd.s32 v0, v19  }
0x1a2: {  	v36 =	vld [tilespmem:s30+$0x10]  }
0x1a3: {  	v37 =	vld.idx.msk [tilespmem:v23+s3+$0x0], $0xffff  }
0x1a4: {  	v38 =	vld.idx.msk [tilespmem:v24+s3+$0x0], $0xffff  }
0x1a5: {  	v33 =	vld.idx.msk [tilespmem:v33+s3+$0x0], $0xffff  }
0x1a6: {  	v61 =	vadd.s32 v1, v16;
	v24 =	vadd.f32 v34, v34;
	v35 =	vld.idx.msk [tilespmem:v35+s3+$0x0], $0xffff  }
0x1a7: {  	v62 =	vadd.s32 v1, v17;
	v23 =	vadd.f32 v36, v36  }
0x1a8: {  	v22 =	vadd.f32 v22, v22;
	v39 =	vadd.s32 v1, v18;
	v37 =	vadd.f32 v37, v24  }
0x1a9: {  	v20 =	vadd.f32 v20, v20;
	s1 =	sadd.s32 $0x40, s1;
	v40 =	vadd.s32 v1, v19;
	v38 =	vadd.f32 v38, v23  }
0x1aa: {  	[tilespmem:s1+$0xFFFFFFE0] =	vst v37;
	v33 =	vadd.f32 v33, v22  }
0x1ab: {  	v34 =	vld.idx.msk [tilespmem:v61+s3+$0x0], $0xffff;
	v35 =	vadd.f32 v35, v20;
	[tilespmem:s1+$0x10] =	vst v38  }
0x1ac: {  	[tilespmem:s1+$0x0] =	vst v33;
	v63 =	vld.idx.msk [tilespmem:v62+s3+$0x0], $0xffff  }
0x1ad: {  	[tilespmem:s1+$0xFFFFFFF0] =	vst v35;
	v44 =	vld.idx.msk [tilespmem:v39+s3+$0x0], $0xffff  }
0x1ae: {  	v46 =	vadd.s32 v2, v16;
	v45 =	vld.idx.msk [tilespmem:v40+s3+$0x0], $0xffff  }
0x1af: {  	v47 =	vadd.s32 v2, v17  }
0x1b0: {  	v48 =	vadd.s32 v2, v18;
	v34 =	vadd.f32 v34, v24  }
0x1b1: {  	s30 =	sadd.s32 $0x40, s19;
	v49 =	vadd.s32 v2, v19;
	v33 =	vadd.f32 v63, v23  }
0x1b2: {  	[tilespmem:s30+$0xFFFFFFE0] =	vst v34;
	v50 =	vadd.f32 v44, v22  }
0x1b3: {  	v51 =	vld.idx.msk [tilespmem:v46+s3+$0x0], $0xffff;
	v36 =	vadd.f32 v45, v20;
	[tilespmem:s30+$0x10] =	vst v33  }
0x1b4: {  	[tilespmem:s30+$0x0] =	vst v50;
	v33 =	vld.idx.msk [tilespmem:v47+s3+$0x0], $0xffff  }
0x1b5: {  	[tilespmem:s30+$0xFFFFFFF0] =	vst v36;
	v34 =	vld.idx.msk [tilespmem:v48+s3+$0x0], $0xffff  }
0x1b6: {  	v52 =	vadd.s32 v3, v16;
	v36 =	vld.idx.msk [tilespmem:v49+s3+$0x0], $0xffff  }
0x1b7: {  	v53 =	vadd.s32 v3, v17  }
0x1b8: {  	v54 =	vadd.s32 v3, v18;
	v35 =	vadd.f32 v51, v24  }
0x1b9: {  	[tilespmem:s21+$0xFFFFFFF0] =	vst v32;
	s31 =	sadd.s32 $0x40, s20;
	v55 =	vadd.s32 v3, v19;
	v33 =	vadd.f32 v33, v23  }
0x1ba: {  	[tilespmem:s31+$0xFFFFFFE0] =	vst v35;
	v34 =	vadd.f32 v34, v22  }
0x1bb: {  	v35 =	vld.idx.msk [tilespmem:v52+s3+$0x0], $0xffff;
	v36 =	vadd.f32 v36, v20;
	[tilespmem:s31+$0x10] =	vst v33  }
0x1bc: {  	[tilespmem:s31+$0x0] =	vst v34;
	v33 =	vld.idx.msk [tilespmem:v53+s3+$0x0], $0xffff  }
0x1bd: {  	v28 =	vadd.f32 v28, v10;
	s2 =	sadd.s32 $0x40, s15;
	[tilespmem:s31+$0xFFFFFFF0] =	vst v36;
	v34 =	vld.idx.msk [tilespmem:v54+s3+$0x0], $0xffff  }
0x1be: {  	v27 =	vadd.f32 v27, v11;
	v57 =	vadd.s32 v4, v16;
	[tilespmem:s2+$0xFFFFFFE0] =	vst v31;
	v56 =	vld.idx.msk [tilespmem:v55+s3+$0x0], $0xffff  }
0x1bf: {  	v26 =	vadd.f32 v26, v8;
	v29 =	vld.idx.msk [tilespmem:v29+s3+$0x0], $0xffff;
	[tilespmem:s2+$0x10] =	vst v28;
	v58 =	vadd.s32 v4, v17  }
0x1c0: {  	[tilespmem:s2+$0x0] =	vst v27;
	v25 =	vld.idx.msk [tilespmem:v25+s3+$0x0], $0xffff;
	v60 =	vadd.s32 v4, v18;
	v59 =	vadd.f32 v35, v24  }
0x1c1: {  	[tilespmem:s2+$0xFFFFFFF0] =	vst v26;
	v61 =	vld.idx.msk [tilespmem:v30+s3+$0x0], $0xffff;
	v62 =	vadd.s32 v4, v19;
	s1 =	sadd.s32 $0x40, s2;
	v33 =	vadd.f32 v33, v23  }
0x1c2: {  	v21 =	vld.idx.msk [tilespmem:v21+s3+$0x0], $0xffff;
	v63 =	vadd.s32 v5, v9;
	[tilespmem:s1+$0xFFFFFFE0] =	vst v59;
	v39 =	vadd.f32 v34, v22  }
0x1c3: {  	v40 =	vadd.s32 v5, v14;
	v32 =	vld.idx.msk [tilespmem:v57+s3+$0x0], $0xffff;
	v31 =	vadd.f32 v56, v20;
	[tilespmem:s1+$0x10] =	vst v33  }
0x1c4: {  	v41 =	vadd.s32 v5, v13;
	v29 =	vadd.f32 v29, v15;
	[tilespmem:s1+$0x0] =	vst v39;
	v42 =	vld.idx.msk [tilespmem:v58+s3+$0x0], $0xffff  }
0x1c5: {  	s5 =	sadd.s32 $0x40, s5;
	v43 =	vadd.s32 v5, v12;
	v25 =	vadd.f32 v25, v10;
	[tilespmem:s1+$0xFFFFFFF0] =	vst v31;
	v44 =	vld.idx.msk [tilespmem:v60+s3+$0x0], $0xffff  }
0x1c6: {  	[tilespmem:s5+$0xFFFFFFE0] =	vst v29;
	v26 =	vadd.f32 v61, v11;
	v46 =	vadd.s32 v5, v16;
	v45 =	vld.idx.msk [tilespmem:v62+s3+$0x0], $0xffff  }
0x1c7: {  	v21 =	vadd.f32 v21, v8;
	[tilespmem:s5+$0x10] =	vst v25;
	v48 =	vadd.s32 v5, v17;
	v47 =	vld.idx.msk [tilespmem:v63+s3+$0x0], $0xffff  }
0x1c8: {  	[tilespmem:s5+$0x0] =	vst v26;
	v50 =	vadd.s32 v5, v18;
	v49 =	vld.idx.msk [tilespmem:v40+s3+$0x0], $0xffff;
	v32 =	vadd.f32 v32, v24  }
0x1c9: {  	[tilespmem:s5+$0xFFFFFFF0] =	vst v21;
	v51 =	vld.idx.msk [tilespmem:v41+s3+$0x0], $0xffff;
	v52 =	vadd.s32 v5, v19;
	s1 =	sadd.s32 $0x40, s5;
	v27 =	vadd.f32 v42, v23  }
0x1ca: {  	v28 =	vld.idx.msk [tilespmem:v43+s3+$0x0], $0xffff;
	v53 =	vadd.s32 v6, v9;
	[tilespmem:s1+$0xFFFFFFE0] =	vst v32;
	v31 =	vadd.f32 v44, v22  }
0x1cb: {  	v54 =	vadd.s32 v6, v14;
	v30 =	vld.idx.msk [tilespmem:v46+s3+$0x0], $0xffff;
	v29 =	vadd.f32 v45, v20;
	[tilespmem:s1+$0x10] =	vst v27  }
0x1cc: {  	v55 =	vadd.f32 v47, v15;
	v56 =	vadd.s32 v6, v13;
	[tilespmem:s1+$0x0] =	vst v31;
	v25 =	vld.idx.msk [tilespmem:v48+s3+$0x0], $0xffff  }
0x1cd: {  	v26 =	vadd.f32 v49, v10;
	v57 =	vadd.s32 v6, v12;
	[tilespmem:s1+$0xFFFFFFF0] =	vst v29;
	v31 =	vld.idx.msk [tilespmem:v50+s3+$0x0], $0xffff  }
0x1ce: {  	v21 =	vadd.f32 v51, v11;
	[tilespmem:s28+$0xFFFFFFE0] =	vst v55;
	v59 =	vadd.s32 v6, v16;
	v58 =	vld.idx.msk [tilespmem:v52+s3+$0x0], $0xffff  }
0x1cf: {  	v28 =	vadd.f32 v28, v8;
	v61 =	vadd.s32 v6, v17;
	[tilespmem:s28+$0x10] =	vst v26;
	v60 =	vld.idx.msk [tilespmem:v53+s3+$0x0], $0xffff  }
0x1d0: {  	v63 =	vadd.s32 v6, v18;
	[tilespmem:s28+$0x0] =	vst v21;
	v62 =	vld.idx.msk [tilespmem:v54+s3+$0x0], $0xffff;
	v30 =	vadd.f32 v30, v24  }
0x1d1: {  	s15 =	sadd.s32 $0x40, s28;
	v37 =	vadd.s32 v6, v19;
	[tilespmem:s28+$0xFFFFFFF0] =	vst v28;
	v36 =	vld.idx.msk [tilespmem:v56+s3+$0x0], $0xffff;
	v25 =	vadd.f32 v25, v23  }
0x1d2: {  	v38 =	vadd.s32 v7, v9;
	v29 =	vld.idx.msk [tilespmem:v57+s3+$0x0], $0xffff;
	[tilespmem:s15+$0xFFFFFFE0] =	vst v30;
	v39 =	vadd.f32 v31, v22  }
0x1d3: {  	v40 =	vadd.s32 v7, v14;
	v41 =	vld.idx.msk [tilespmem:v59+s3+$0x0], $0xffff;
	v27 =	vadd.f32 v58, v20;
	[tilespmem:s15+$0x10] =	vst v25  }
0x1d4: {  	v43 =	vadd.s32 v7, v13;
	v42 =	vadd.f32 v60, v15;
	[tilespmem:s15+$0x0] =	vst v39;
	v26 =	vld.idx.msk [tilespmem:v61+s3+$0x0], $0xffff  }
0x1d5: {  	v44 =	vadd.s32 v7, v12;
	v21 =	vadd.f32 v62, v10;
	[tilespmem:s15+$0xFFFFFFF0] =	vst v27;
	v45 =	vld.idx.msk [tilespmem:v63+s3+$0x0], $0xffff  }
0x1d6: {  	[tilespmem:s17+$0xFFFFFFE0] =	vst v42;
	v48 =	vadd.s32 v7, v16;
	v46 =	vadd.f32 v36, v11;
	v47 =	vld.idx.msk [tilespmem:v37+s3+$0x0], $0xffff  }
0x1d7: {  	v49 =	vadd.s32 v7, v17;
	v9 =	vld.idx.msk [tilespmem:v38+s3+$0x0], $0xffff;
	[tilespmem:s17+$0x10] =	vst v21;
	v29 =	vadd.f32 v29, v8  }
0x1d8: {  	v51 =	vadd.s32 v7, v18;
	v14 =	vld.idx.msk [tilespmem:v40+s3+$0x0], $0xffff;
	[tilespmem:s17+$0x0] =	vst v46;
	v50 =	vadd.f32 v41, v24  }
0x1d9: {  	v52 =	vadd.s32 v7, v19;
	v13 =	vld.idx.msk [tilespmem:v43+s3+$0x0], $0xffff;
	[tilespmem:s17+$0xFFFFFFF0] =	vst v29;
	s17 =	sadd.s32 $0x40, s17;
	v53 =	vadd.f32 v26, v23  }
0x1da: {  	v12 =	vld.idx.msk [tilespmem:v44+s3+$0x0], $0xffff;
	[tilespmem:s17+$0xFFFFFFE0] =	vst v50;
	v54 =	vadd.f32 v45, v22  }
0x1db: {  	v16 =	vld.idx.msk [tilespmem:v48+s3+$0x0], $0xffff;
	v55 =	vadd.f32 v47, v20;
	[tilespmem:s17+$0x10] =	vst v53  }
0x1dc: {  	v9 =	vadd.f32 v9, v15;
	[tilespmem:s17+$0x0] =	vst v54;
	v56 =	vld.idx.msk [tilespmem:v49+s3+$0x0], $0xffff  }
0x1dd: {  	v57 =	vadd.f32 v14, v10;
	[tilespmem:s17+$0xFFFFFFF0] =	vst v55;
	v58 =	vld.idx.msk [tilespmem:v51+s3+$0x0], $0xffff  }
0x1de: {  	[tilespmem:s16+$0xFFFFFFE0] =	vst v9;
	v59 =	vadd.f32 v13, v11;
	v60 =	vld.idx.msk [tilespmem:v52+s3+$0x0], $0xffff  }
0x1df: {  	[tilespmem:s16+$0x10] =	vst v57;
	v8 =	vadd.f32 v12, v8  }
0x1e0: {  	[tilespmem:s16+$0x0] =	vst v59;
	v61 =	vadd.f32 v16, v24  }
0x1e1: {  	s19 =	sadd.s32 $0x40, s16;
	[tilespmem:s16+$0xFFFFFFF0] =	vst v8;
	v8 =	vadd.f32 v56, v23  }
0x1e2: {  	[tilespmem:s19+$0xFFFFFFE0] =	vst v61;
	v62 =	vadd.f32 v58, v22  }
0x1e3: {  	v63 =	vadd.f32 v60, v20;
	[tilespmem:s19+$0x10] =	vst v8  }
0x1e4: {  	[tilespmem:s19+$0x0] =	vst v62  }
0x1e5: {  	[tilespmem:s19+$0xFFFFFFF0] =	vst v63  }
0x1e6: {  	s2 =	simm.s32 $0x10100;
	s1 =	rddreg [dreg:$0x16]  }
0x1e7: {  	[hbm4b:s1+s3] =	stream.linear.scatter [tilespmem:s2], [sflag:$0x4], $0x1000, $0x38;
	[tilespmem:$0x18100] =	vst v63  }
0x1e8: {  	s21 =	simm.s32 $0x11100;
	s20 =	rddreg [dreg:$0x17]  }
0x1e9: {  	[hbm4b:s20+s3] =	stream.linear.scatter [tilespmem:s21], [sflag:$0x4], $0x1000, $0x38;
	[tilespmem:$0x18100] =	vst v63  }
0x1ea: {  	s23 =	simm.s32 $0x12100;
	s22 =	rddreg [dreg:$0x18]  }
0x1eb: {  	[hbm4b:s22+s3] =	stream.linear.scatter [tilespmem:s23], [sflag:$0x4], $0x1000, $0x38;
	[tilespmem:$0x18100] =	vst v63  }
0x1ec: {  	s31 =	simm.s32 $0x13100;
	s30 =	rddreg [dreg:$0x19]  }
0x1ed: {  	[hbm4b:s30+s3] =	stream.linear.scatter [tilespmem:s31], [sflag:$0x4], $0x1000, $0x38;
	[tilespmem:$0x18100] =	vst v63  }
0x1ee: {  	s5 =	simm.s32 $0x14100;
	s2 =	rddreg [dreg:$0x1a]  }
0x1ef: {  	[hbm4b:s2+s3] =	stream.linear.scatter [tilespmem:s5], [sflag:$0x4], $0x1000, $0x38;
	[tilespmem:$0x18100] =	vst v63  }
0x1f0: {  	s16 =	simm.s32 $0x15100;
	s15 =	rddreg [dreg:$0x1b]  }
0x1f1: {  	[hbm4b:s15+s3] =	stream.linear.scatter [tilespmem:s16], [sflag:$0x4], $0x1000, $0x38;
	[tilespmem:$0x18100] =	vst v63  }
0x1f2: {  	s19 =	simm.s32 $0x16100;
	s17 =	rddreg [dreg:$0x1c]  }
0x1f3: {  	[hbm4b:s17+s3] =	stream.linear.scatter [tilespmem:s19], [sflag:$0x4], $0x1000, $0x38;
	[tilespmem:$0x18100] =	vst v63  }
0x1f4: {  	s20 =	rddreg [dreg:$0x1d];
	s21 =	simm.s32 $0x17100  }
0x1f5: {  	[hbm4b:s20+s3] =	stream.linear.scatter [tilespmem:s21], [sflag:$0x4], $0x1000, $0x38;
	[tilespmem:$0x18100] =	vst v63  }
0x1f6: {  	s22 =	rddreg [dreg:$0x13];
	s23 =	simm.s32 $0x5100  }
0x1f7: {  	[tilespmem:s23], [sflag:$0x2] =	stream.linear.gather [hbm4b:s22+s3], $0x1000, $0x38;
	[tilespmem:$0x18100] =	vst v63  }
0x1f8: {  	s28 =	simm.s32 $0x1;
	s30 =	rddreg [dreg:$0x14];
	s31 =	simm.s32 $0x7100  }
0x1f9: {  	[tilespmem:s31], [sflag:$0x2] =	stream.linear.gather [hbm4b:s30+s3], $0x1000, $0x38;
	[tilespmem:$0x18100] =	vst v63  }
.LBB2_6:
0x1fa: {  	_ =	swait.ge [sflag:s18], $0x1000  }
0x1fb: {  	[sflag:s18] =	ssyncset.done $0x0  }
0x1fc: {  	[sflag:s18] =	ssyncadd.s32 $0xFFFFF000  }
0x1fd: {  	_ =	swait.ge [sflag:s18], $0x1000  }
0x1fe: {  	[sflag:s18] =	ssyncset.done $0x0  }
0x1ff: {  	[sflag:s18] =	ssyncadd.s32 $0xFFFFF000  }
0x200: {  	_ =	swait.ge [sflag:s0], $0x1000  }
0x201: {  	[sflag:s0] =	ssyncset.done $0x0  }
0x202: {  	[sflag:s0] =	ssyncadd.s32 $0xFFFFF000  }
0x203: {  	_ =	swait.ge [sflag:s0], $0x1000  }
0x204: {  	[sflag:s0] =	ssyncset.done $0x0  }
0x205: {  	[sflag:s0] =	ssyncadd.s32 $0xFFFFF000  }
0x206: {  	_ =	swait.ge [sflag:s0], $0x1000  }
0x207: {  	[sflag:s0] =	ssyncset.done $0x0  }
0x208: {  	[sflag:s0] =	ssyncadd.s32 $0xFFFFF000  }
0x209: {  	_ =	swait.ge [sflag:s0], $0x1000  }
0x20a: {  	[sflag:s0] =	ssyncset.done $0x0  }
0x20b: {  	[sflag:s0] =	ssyncadd.s32 $0xFFFFF000  }
0x20c: {  	_ =	swait.ge [sflag:s0], $0x1000  }
0x20d: {  	[sflag:s0] =	ssyncset.done $0x0  }
0x20e: {  	[sflag:s0] =	ssyncadd.s32 $0xFFFFF000  }
0x20f: {  	_ =	swait.ge [sflag:s0], $0x1000  }
0x210: {  	[sflag:s0] =	ssyncset.done $0x0  }
0x211: {  	[sflag:s0] =	ssyncadd.s32 $0xFFFFF000  }
0x212: {  	_ =	swait.ge [sflag:s0], $0x1000  }
0x213: {  	[sflag:s0] =	ssyncset.done $0x0  }
0x214: {  	[sflag:s0] =	ssyncadd.s32 $0xFFFFF000  }
0x215: {  	_ =	swait.ge [sflag:s0], $0x1000  }
0x216: {  	[sflag:s0] =	ssyncset.done $0x0  }
0x217: {  	s1 =	simm.s32 $0x4120;
	[sflag:s0] =	ssyncadd.s32 $0xFFFFF000  }
0x218: {  	v25 =	vld [tilespmem:s1+$0xFFFFFFE0];
	_ =	sdelay $0x1  }
0x219: {  	v24 =	vld [tilespmem:s1+$0x10]  }
0x21a: {  	v23 =	vld [tilespmem:s1+$0x0];
	_ =	sdelay $0x1  }
0x21b: {  	v16 =	vld [tilespmem:s1+$0xFFFFFFF0];
	v8 =	vadd.s32 v0, v25  }
0x21c: {  	s17 =	simm.s32 $0x6120  }
0x21d: {  	v9 =	vld [tilespmem:s17+$0xFFFFFFF0];
	v10 =	vadd.s32 v0, v24  }
0x21e: {  	v13 =	vld [tilespmem:s17+$0xFFFFFFE0];
	v12 =	vadd.s32 v0, v23  }
0x21f: {  	v15 =	vld [tilespmem:s17+$0x10]  }
0x220: {  	v14 =	vadd.s32 v0, v16;
	v8 =	vld.idx.msk [tilespmem:v8+s3+$0x0], $0xffff  }
0x221: {  	v11 =	vld [tilespmem:s17+$0x0]  }
0x222: {  	v10 =	vld.idx.msk [tilespmem:v10+s3+$0x0], $0xffff  }
0x223: {  	v21 =	vadd.f32 v13, v13;
	v13 =	vadd.s32 v1, v25;
	v12 =	vld.idx.msk [tilespmem:v12+s3+$0x0], $0xffff;
	_ =	sdelay $0x1  }
0x224: {  	v17 =	vadd.f32 v15, v15;
	v15 =	vadd.s32 v1, v24;
	v14 =	vld.idx.msk [tilespmem:v14+s3+$0x0], $0xffff;
	v8 =	vadd.f32 v8, v21  }
0x225: {  	s19 =	simm.s32 $0x8120;
	v18 =	vadd.f32 v11, v11;
	v11 =	vadd.s32 v1, v23  }
0x226: {  	v10 =	vadd.f32 v10, v17;
	[tilespmem:s19+$0xFFFFFFE0] =	vst v8  }
0x227: {  	v19 =	vadd.f32 v9, v9;
	v9 =	vadd.s32 v1, v16;
	v8 =	vadd.f32 v12, v18;
	v12 =	vld.idx.msk [tilespmem:v13+s3+$0x0], $0xffff  }
0x228: {  	[tilespmem:s19+$0x10] =	vst v10  }
0x229: {  	v13 =	vadd.f32 v14, v19;
	[tilespmem:s19+$0x0] =	vst v8;
	v8 =	vld.idx.msk [tilespmem:v15+s3+$0x0], $0xffff  }
0x22a: {  	v10 =	vld.idx.msk [tilespmem:v11+s3+$0x0], $0xffff;
	v11 =	vadd.s32 v2, v25  }
0x22b: {  	[tilespmem:s19+$0xFFFFFFF0] =	vst v13  }
0x22c: {  	v13 =	vadd.s32 v2, v24;
	v9 =	vld.idx.msk [tilespmem:v9+s3+$0x0], $0xffff;
	v12 =	vadd.f32 v12, v21  }
0x22d: {  	s20 =	simm.s32 $0x9120  }
0x22e: {  	v14 =	vadd.s32 v2, v23;
	v8 =	vadd.f32 v8, v17;
	[tilespmem:s20+$0xFFFFFFE0] =	vst v12  }
0x22f: {  	v15 =	vadd.s32 v2, v16;
	v11 =	vld.idx.msk [tilespmem:v11+s3+$0x0], $0xffff  }
0x230: {  	v10 =	vadd.f32 v10, v18;
	[tilespmem:s20+$0x10] =	vst v8  }
0x231: {  	s21 =	simm.s32 $0x6160;
	v9 =	vadd.f32 v9, v19;
	v8 =	vld.idx.msk [tilespmem:v13+s3+$0x0], $0xffff  }
0x232: {  	v22 =	vld [tilespmem:s21+$0x0];
	[tilespmem:s20+$0x0] =	vst v10;
	v13 =	vadd.s32 v3, v25  }
0x233: {  	[tilespmem:s20+$0xFFFFFFF0] =	vst v9;
	v10 =	vld.idx.msk [tilespmem:v14+s3+$0x0], $0xffff  }
0x234: {  	v14 =	vadd.s32 v3, v24;
	v12 =	vld.idx.msk [tilespmem:v15+s3+$0x0], $0xffff;
	v11 =	vadd.f32 v11, v21  }
0x235: {  	s2 =	simm.s32 $0xA120;
	s5 =	simm.s32 $0x4160;
	v30 =	vld [tilespmem:s21+$0x10]  }
0x236: {  	v20 =	vadd.s32 v3, v23;
	v9 =	vld [tilespmem:s5+$0xFFFFFFE0];
	v8 =	vadd.f32 v8, v17;
	[tilespmem:s2+$0xFFFFFFE0] =	vst v11  }
0x237: {  	v26 =	vadd.s32 v3, v16;
	v11 =	vld.idx.msk [tilespmem:v13+s3+$0x0], $0xffff  }
0x238: {  	v10 =	vadd.f32 v10, v18;
	[tilespmem:s2+$0x10] =	vst v8;
	v13 =	vld [tilespmem:s5+$0xFFFFFFF0]  }
0x239: {  	v12 =	vadd.f32 v12, v19;
	v8 =	vld.idx.msk [tilespmem:v14+s3+$0x0], $0xffff  }
0x23a: {  	[tilespmem:s2+$0x0] =	vst v10;
	v14 =	vld [tilespmem:s5+$0x10]  }
0x23b: {  	v32 =	vadd.s32 v0, v9;
	[tilespmem:s2+$0xFFFFFFF0] =	vst v12;
	v10 =	vld.idx.msk [tilespmem:v20+s3+$0x0], $0xffff  }
0x23c: {  	v20 =	vld.idx.msk [tilespmem:v26+s3+$0x0], $0xffff;
	v26 =	vadd.s32 v4, v25  }
0x23d: {  	v27 =	vadd.s32 v4, v24;
	v12 =	vld [tilespmem:s5+$0x0]  }
0x23e: {  	v31 =	vld [tilespmem:s21+$0xFFFFFFE0];
	v28 =	vadd.s32 v4, v23;
	v11 =	vadd.f32 v11, v21  }
0x23f: {  	s15 =	simm.s32 $0xB120;
	v29 =	vadd.s32 v4, v16;
	v15 =	vld [tilespmem:s21+$0xFFFFFFF0];
	v8 =	vadd.f32 v8, v17  }
0x240: {  	v32 =	vld.idx.msk [tilespmem:v32+s3+$0x0], $0xffff;
	v34 =	vadd.s32 v0, v13;
	[tilespmem:s15+$0xFFFFFFE0] =	vst v11;
	v10 =	vadd.f32 v10, v18  }
0x241: {  	v11 =	vadd.s32 v0, v14;
	v26 =	vld.idx.msk [tilespmem:v26+s3+$0x0], $0xffff;
	v20 =	vadd.f32 v20, v19;
	[tilespmem:s15+$0x10] =	vst v8  }
0x242: {  	v33 =	vadd.s32 v0, v12;
	[tilespmem:s15+$0x0] =	vst v10;
	v27 =	vld.idx.msk [tilespmem:v27+s3+$0x0], $0xffff  }
0x243: {  	[tilespmem:s15+$0xFFFFFFF0] =	vst v20;
	v28 =	vld.idx.msk [tilespmem:v28+s3+$0x0], $0xffff  }
0x244: {  	v35 =	vadd.s32 v5, v25;
	v29 =	vld.idx.msk [tilespmem:v29+s3+$0x0], $0xffff  }
0x245: {  	v37 =	vadd.s32 v5, v24;
	v8 =	vadd.f32 v15, v15;
	v34 =	vld.idx.msk [tilespmem:v34+s3+$0x0], $0xffff  }
0x246: {  	v10 =	vadd.f32 v30, v30;
	v30 =	vadd.s32 v5, v23;
	v36 =	vld.idx.msk [tilespmem:v11+s3+$0x0], $0xffff;
	v26 =	vadd.f32 v26, v21  }
0x247: {  	s31 =	simm.s32 $0x61A0;
	s5 =	simm.s32 $0xC120;
	v33 =	vld.idx.msk [tilespmem:v33+s3+$0x0], $0xffff;
	v11 =	vadd.f32 v22, v22;
	v22 =	vadd.s32 v5, v16;
	v27 =	vadd.f32 v27, v17  }
0x248: {  	v15 =	vadd.f32 v31, v31;
	v31 =	vadd.s32 v1, v9;
	v20 =	vld [tilespmem:s31+$0xFFFFFFF0];
	[tilespmem:s5+$0xFFFFFFE0] =	vst v26;
	v26 =	vadd.f32 v28, v18  }
0x249: {  	v28 =	vadd.s32 v1, v14;
	v35 =	vld.idx.msk [tilespmem:v35+s3+$0x0], $0xffff;
	v29 =	vadd.f32 v29, v19;
	[tilespmem:s5+$0x10] =	vst v27  }
0x24a: {  	v50 =	vadd.s32 v1, v12;
	v27 =	vadd.f32 v32, v15;
	[tilespmem:s5+$0x0] =	vst v26;
	v26 =	vld.idx.msk [tilespmem:v37+s3+$0x0], $0xffff  }
0x24b: {  	s1 =	simm.s32 $0x8160;
	v36 =	vadd.f32 v36, v10;
	[tilespmem:s5+$0xFFFFFFF0] =	vst v29;
	v29 =	vld.idx.msk [tilespmem:v30+s3+$0x0], $0xffff  }
0x24c: {  	v51 =	vadd.s32 v1, v13;
	[tilespmem:s1+$0xFFFFFFE0] =	vst v27;
	v27 =	vadd.f32 v33, v11;
	v30 =	vld.idx.msk [tilespmem:v22+s3+$0x0], $0xffff  }
0x24d: {  	v52 =	vadd.s32 v6, v25;
	v31 =	vld.idx.msk [tilespmem:v31+s3+$0x0], $0xffff;
	[tilespmem:s1+$0x10] =	vst v36  }
0x24e: {  	v22 =	vadd.f32 v34, v8;
	[tilespmem:s1+$0x0] =	vst v27;
	v27 =	vld.idx.msk [tilespmem:v28+s3+$0x0], $0xffff;
	v28 =	vadd.s32 v6, v24  }
0x24f: {  	v54 =	vadd.s32 v6, v23;
	v32 =	vld.idx.msk [tilespmem:v50+s3+$0x0], $0xffff;
	v53 =	vadd.f32 v35, v21  }
0x250: {  	s22 =	simm.s32 $0xD120;
	v56 =	vadd.s32 v6, v16;
	[tilespmem:s1+$0xFFFFFFF0] =	vst v22;
	v22 =	vld [tilespmem:s31+$0x0];
	v26 =	vadd.f32 v26, v17  }
0x251: {  	v38 =	vadd.s32 v2, v9;
	v55 =	vld.idx.msk [tilespmem:v51+s3+$0x0], $0xffff;
	[tilespmem:s22+$0xFFFFFFE0] =	vst v53;
	v29 =	vadd.f32 v29, v18  }
0x252: {  	v57 =	vadd.s32 v2, v14;
	v33 =	vld.idx.msk [tilespmem:v52+s3+$0x0], $0xffff;
	v30 =	vadd.f32 v30, v19;
	[tilespmem:s22+$0x10] =	vst v26  }
0x253: {  	v26 =	vadd.f32 v31, v15;
	v31 =	vadd.s32 v2, v12;
	[tilespmem:s22+$0x0] =	vst v29;
	v28 =	vld.idx.msk [tilespmem:v28+s3+$0x0], $0xffff  }
0x254: {  	s19 =	simm.s32 $0x9160;
	v27 =	vadd.f32 v27, v10;
	[tilespmem:s22+$0xFFFFFFF0] =	vst v30;
	v30 =	vld.idx.msk [tilespmem:v54+s3+$0x0], $0xffff  }
0x255: {  	v29 =	vadd.s32 v2, v13;
	[tilespmem:s19+$0xFFFFFFE0] =	vst v26;
	v26 =	vadd.f32 v32, v11;
	v58 =	vld.idx.msk [tilespmem:v56+s3+$0x0], $0xffff  }
0x256: {  	v25 =	vadd.s32 v7, v25;
	v59 =	vld.idx.msk [tilespmem:v38+s3+$0x0], $0xffff;
	[tilespmem:s19+$0x10] =	vst v27  }
0x257: {  	v24 =	vadd.s32 v7, v24;
	v36 =	vadd.f32 v55, v8;
	[tilespmem:s19+$0x0] =	vst v26;
	v26 =	vld.idx.msk [tilespmem:v57+s3+$0x0], $0xffff  }
0x258: {  	v23 =	vadd.s32 v7, v23;
	s22 =	simm.s32 $0x41A0;
	v27 =	vld.idx.msk [tilespmem:v31+s3+$0x0], $0xffff;
	v31 =	vadd.f32 v33, v21  }
0x259: {  	s23 =	simm.s32 $0xE120;
	v60 =	vadd.s32 v7, v16;
	v16 =	vld [tilespmem:s22+$0xFFFFFFE0];
	[tilespmem:s19+$0xFFFFFFF0] =	vst v36;
	v28 =	vadd.f32 v28, v17  }
0x25a: {  	v61 =	vadd.s32 v3, v9;
	v29 =	vld.idx.msk [tilespmem:v29+s3+$0x0], $0xffff;
	[tilespmem:s23+$0xFFFFFFE0] =	vst v31;
	v30 =	vadd.f32 v30, v18  }
0x25b: {  	v31 =	vadd.s32 v3, v14;
	v25 =	vld.idx.msk [tilespmem:v25+s3+$0x0], $0xffff;
	v32 =	vadd.f32 v58, v19;
	[tilespmem:s23+$0x10] =	vst v28  }
0x25c: {  	v62 =	vadd.s32 v3, v12;
	v28 =	vadd.f32 v59, v15;
	[tilespmem:s23+$0x0] =	vst v30;
	v24 =	vld.idx.msk [tilespmem:v24+s3+$0x0], $0xffff  }
0x25d: {  	s20 =	simm.s32 $0xA160;
	v30 =	vadd.s32 v3, v13;
	v26 =	vadd.f32 v26, v10;
	[tilespmem:s23+$0xFFFFFFF0] =	vst v32;
	v23 =	vld.idx.msk [tilespmem:v23+s3+$0x0], $0xffff  }
0x25e: {  	[tilespmem:s20+$0xFFFFFFE0] =	vst v28;
	v27 =	vadd.f32 v27, v11;
	v32 =	vld.idx.msk [tilespmem:v60+s3+$0x0], $0xffff  }
0x25f: {  	v63 =	vld.idx.msk [tilespmem:v61+s3+$0x0], $0xffff;
	v29 =	vadd.f32 v29, v8;
	[tilespmem:s20+$0x10] =	vst v26  }
0x260: {  	[tilespmem:s20+$0x0] =	vst v27;
	v28 =	vld.idx.msk [tilespmem:v31+s3+$0x0], $0xffff  }
0x261: {  	[tilespmem:s20+$0xFFFFFFF0] =	vst v29;
	v27 =	vld.idx.msk [tilespmem:v62+s3+$0x0], $0xffff;
	v21 =	vadd.f32 v25, v21  }
0x262: {  	s21 =	simm.s32 $0xF120;
	v26 =	vld.idx.msk [tilespmem:v30+s3+$0x0], $0xffff;
	v24 =	vadd.f32 v24, v17  }
0x263: {  	v29 =	vadd.s32 v4, v9;
	v17 =	vld [tilespmem:s22+$0x10];
	[tilespmem:s21+$0xFFFFFFE0] =	vst v21;
	v23 =	vadd.f32 v23, v18  }
0x264: {  	s30 =	simm.s32 $0xD160;
	v25 =	vadd.s32 v4, v14;
	v18 =	vld [tilespmem:s22+$0x0];
	[tilespmem:s21+$0x10] =	vst v24;
	v32 =	vadd.f32 v32, v19  }
0x265: {  	s16 =	simm.s32 $0xF160;
	s17 =	simm.s32 $0xE160;
	s23 =	simm.s32 $0x80;
	v30 =	vadd.s32 v4, v12;
	v21 =	vadd.s32 v4, v13;
	v19 =	vld [tilespmem:s22+$0xFFFFFFF0];
	v31 =	vadd.f32 v63, v15;
	[tilespmem:s21+$0x0] =	vst v23  }
.LBB2_7:
0x266: {  	s23 =	sadd.s32 $0x40, s23;
	v24 =	vld [tilespmem:s31+$0x10];
	v23 =	vadd.f32 v28, v10;
	[tilespmem:s21+$0xFFFFFFF0] =	vst v32;
	s15 =	sadd.s32 $0x40, s15;
	s5 =	sadd.s32 $0x40, s5  }
0x267: {  	v32 =	vadd.s32 v0, v16;
	v27 =	vadd.f32 v27, v11;
	s21 =	smov.u32 s16;
	p0 =	slt.u32 s23, $0xFC0;
	v28 =	vld [tilespmem:s31+$0xFFFFFFE0];
	[tilespmem:s15+$0xFFFFFFE0] =	vst v31  }
0x268: {  	v26 =	vadd.f32 v26, v8;
	v31 =	vadd.s32 v0, v17;
	v29 =	vld.idx.msk [tilespmem:v29+s3+$0x0], $0xffff;
	[tilespmem:s15+$0x10] =	vst v23  }
0x269: {  	v33 =	vadd.s32 v0, v18;
	[tilespmem:s15+$0x0] =	vst v27;
	v27 =	vld.idx.msk [tilespmem:v25+s3+$0x0], $0xffff  }
0x26a: {  	v34 =	vadd.s32 v0, v19;
	v35 =	vadd.s32 v2, v19;
	[tilespmem:s15+$0xFFFFFFF0] =	vst v26;
	v26 =	vld.idx.msk [tilespmem:v30+s3+$0x0], $0xffff  }
0x26b: {  	v30 =	vld.idx.msk [tilespmem:v21+s3+$0x0], $0xffff;
	v21 =	vadd.s32 v4, v19  }
0x26c: {  	v36 =	vadd.s32 v5, v9;
	v32 =	vld.idx.msk [tilespmem:v32+s3+$0x0], $0xffff  }
0x26d: {  	v37 =	vadd.s32 v5, v14;
	v23 =	vadd.f32 v20, v20;
	v31 =	vld.idx.msk [tilespmem:v31+s3+$0x0], $0xffff  }
0x26e: {  	v38 =	vadd.s32 v5, v12;
	v25 =	vadd.f32 v24, v24;
	v29 =	vadd.f32 v29, v15;
	v33 =	vld.idx.msk [tilespmem:v33+s3+$0x0], $0xffff  }
0x26f: {  	s31 =	sadd.s32 $0x40, s31;
	v24 =	vadd.f32 v22, v22;
	v22 =	vadd.s32 v5, v13;
	v27 =	vadd.f32 v27, v10;
	v34 =	vld.idx.msk [tilespmem:v34+s3+$0x0], $0xffff  }
0x270: {  	v39 =	vadd.f32 v28, v28;
	v28 =	vadd.s32 v1, v16;
	v26 =	vadd.f32 v26, v11;
	v20 =	vld [tilespmem:s31+$0xFFFFFFF0];
	[tilespmem:s5+$0xFFFFFFE0] =	vst v29  }
0x271: {  	v29 =	vadd.s32 v1, v17;
	v30 =	vadd.f32 v30, v8;
	v36 =	vld.idx.msk [tilespmem:v36+s3+$0x0], $0xffff;
	[tilespmem:s5+$0x10] =	vst v27  }
0x272: {  	v27 =	vadd.f32 v32, v39;
	v32 =	vadd.s32 v1, v18;
	[tilespmem:s5+$0x0] =	vst v26;
	v26 =	vld.idx.msk [tilespmem:v37+s3+$0x0], $0xffff  }
0x273: {  	s1 =	sadd.s32 $0x40, s1;
	v37 =	vadd.s32 v1, v19;
	v31 =	vadd.f32 v31, v25;
	[tilespmem:s5+$0xFFFFFFF0] =	vst v30;
	v30 =	vld.idx.msk [tilespmem:v38+s3+$0x0], $0xffff  }
0x274: {  	[tilespmem:s1+$0xFFFFFFE0] =	vst v27;
	v27 =	vadd.f32 v33, v24;
	v33 =	vld.idx.msk [tilespmem:v22+s3+$0x0], $0xffff  }
0x275: {  	v22 =	vadd.f32 v34, v23;
	v28 =	vld.idx.msk [tilespmem:v28+s3+$0x0], $0xffff;
	[tilespmem:s1+$0x10] =	vst v31;
	v31 =	vadd.s32 v6, v9  }
0x276: {  	[tilespmem:s1+$0x0] =	vst v27;
	v27 =	vld.idx.msk [tilespmem:v29+s3+$0x0], $0xffff;
	v29 =	vadd.s32 v6, v14  }
0x277: {  	v34 =	vadd.f32 v36, v15;
	v36 =	vadd.s32 v6, v12;
	[tilespmem:s1+$0xFFFFFFF0] =	vst v22;
	v32 =	vld.idx.msk [tilespmem:v32+s3+$0x0], $0xffff  }
0x278: {  	v38 =	vadd.s32 v6, v13;
	v26 =	vadd.f32 v26, v10;
	v37 =	vld.idx.msk [tilespmem:v37+s3+$0x0], $0xffff  }
0x279: {  	v40 =	vadd.s32 v2, v16;
	v30 =	vadd.f32 v30, v11;
	v22 =	vld [tilespmem:s31+$0x0];
	[tilespmem:s30+$0xFFFFFFE0] =	vst v34  }
0x27a: {  	v34 =	vadd.s32 v2, v17;
	v33 =	vadd.f32 v33, v8;
	v31 =	vld.idx.msk [tilespmem:v31+s3+$0x0], $0xffff;
	[tilespmem:s30+$0x10] =	vst v26  }
0x27b: {  	v26 =	vadd.f32 v28, v39;
	v28 =	vadd.s32 v2, v18;
	[tilespmem:s30+$0x0] =	vst v30;
	v29 =	vld.idx.msk [tilespmem:v29+s3+$0x0], $0xffff  }
0x27c: {  	s19 =	sadd.s32 $0x40, s19;
	v27 =	vadd.f32 v27, v25;
	[tilespmem:s30+$0xFFFFFFF0] =	vst v33;
	v30 =	vld.idx.msk [tilespmem:v36+s3+$0x0], $0xffff  }
0x27d: {  	[tilespmem:s19+$0xFFFFFFE0] =	vst v26;
	v26 =	vadd.f32 v32, v24;
	v32 =	vld.idx.msk [tilespmem:v38+s3+$0x0], $0xffff  }
0x27e: {  	v36 =	vadd.f32 v37, v23;
	v33 =	vld.idx.msk [tilespmem:v40+s3+$0x0], $0xffff;
	[tilespmem:s19+$0x10] =	vst v27;
	v27 =	vadd.s32 v7, v9;
	v9 =	vmov v16  }
0x27f: {  	[tilespmem:s19+$0x0] =	vst v26;
	v26 =	vld.idx.msk [tilespmem:v34+s3+$0x0], $0xffff;
	v34 =	vadd.s32 v7, v14;
	v14 =	vmov v17  }
0x280: {  	[tilespmem:s19+$0xFFFFFFF0] =	vst v36;
	v17 =	vld.idx.msk [tilespmem:v28+s3+$0x0], $0xffff;
	v28 =	vadd.f32 v31, v15;
	v31 =	vadd.s32 v7, v12;
	v12 =	vmov v18  }
0x281: {  	s22 =	sadd.s32 $0x40, s22;
	v29 =	vadd.f32 v29, v10;
	v18 =	vld.idx.msk [tilespmem:v35+s3+$0x0], $0xffff;
	v35 =	vadd.s32 v7, v13;
	v13 =	vmov v19  }
0x282: {  	v19 =	vadd.s32 v3, v9;
	v16 =	vld [tilespmem:s22+$0xFFFFFFE0];
	[tilespmem:s17+$0xFFFFFFE0] =	vst v28;
	v28 =	vadd.f32 v30, v11  }
0x283: {  	v30 =	vadd.s32 v3, v14;
	v36 =	vld.idx.msk [tilespmem:v27+s3+$0x0], $0xffff;
	v27 =	vadd.f32 v32, v8;
	[tilespmem:s17+$0x10] =	vst v29  }
0x284: {  	v29 =	vadd.f32 v33, v39;
	v32 =	vadd.s32 v3, v12;
	[tilespmem:s17+$0x0] =	vst v28;
	v33 =	vld.idx.msk [tilespmem:v34+s3+$0x0], $0xffff  }
0x285: {  	s20 =	sadd.s32 $0x40, s20;
	v34 =	vadd.s32 v3, v13;
	v26 =	vadd.f32 v26, v25;
	[tilespmem:s17+$0xFFFFFFF0] =	vst v27;
	v31 =	vld.idx.msk [tilespmem:v31+s3+$0x0], $0xffff  }
0x286: {  	v17 =	vadd.f32 v17, v24;
	[tilespmem:s20+$0xFFFFFFE0] =	vst v29;
	v35 =	vld.idx.msk [tilespmem:v35+s3+$0x0], $0xffff  }
0x287: {  	v18 =	vadd.f32 v18, v23;
	v37 =	vld.idx.msk [tilespmem:v19+s3+$0x0], $0xffff;
	[tilespmem:s20+$0x10] =	vst v26  }
0x288: {  	[tilespmem:s20+$0x0] =	vst v17;
	v28 =	vld.idx.msk [tilespmem:v30+s3+$0x0], $0xffff  }
.Ltmp2:
0x289: {  	[tilespmem:s20+$0xFFFFFFF0] =	vst v18;
	v27 =	vld.idx.msk [tilespmem:v32+s3+$0x0], $0xffff;
	v18 =	vadd.f32 v36, v15;
	v15 =	vmov v39;
	(pc) =	sbr.rel @p0 .LBB2_7-.Ltmp2, $4  }
0x28a: {  	v19 =	vadd.f32 v33, v10;
	v10 =	vmov v25;
	v26 =	vld.idx.msk [tilespmem:v34+s3+$0x0], $0xffff  }
0x28b: {  	v29 =	vadd.s32 v4, v9;
	v33 =	vadd.f32 v31, v11;
	v11 =	vmov v24;
	v17 =	vld [tilespmem:s22+$0x10];
	[tilespmem:s16+$0xFFFFFFE0] =	vst v18  }
0x28c: {  	v25 =	vadd.s32 v4, v14;
	v32 =	vadd.f32 v35, v8;
	v8 =	vmov v23;
	v18 =	vld [tilespmem:s22+$0x0];
	[tilespmem:s16+$0x10] =	vst v19  }
0x28d: {  	s30 =	sadd.s32 $0x40, s30;
	s17 =	sadd.s32 $0x40, s17;
	v30 =	vadd.s32 v4, v12;
	v31 =	vadd.f32 v37, v15;
	s16 =	sadd.s32 $0x40, s16;
	v19 =	vld [tilespmem:s22+$0xFFFFFFF0];
	[tilespmem:s21+$0x0] =	vst v33  }
0x28e: {  	_ = 	snop  }
0x28f: {  	v23 =	vadd.s32 v0, v16  }
0x290: {  	v24 =	vadd.s32 v0, v17  }
0x291: {  	v33 =	vadd.s32 v0, v18  }
0x292: {  	v34 =	vld [tilespmem:s31+$0xFFFFFFE0];
	v35 =	vadd.s32 v0, v19  }
0x293: {  	v36 =	vld [tilespmem:s31+$0x10]  }
0x294: {  	v37 =	vld.idx.msk [tilespmem:v23+s3+$0x0], $0xffff  }
0x295: {  	v38 =	vld.idx.msk [tilespmem:v24+s3+$0x0], $0xffff  }
0x296: {  	v33 =	vld.idx.msk [tilespmem:v33+s3+$0x0], $0xffff  }
0x297: {  	v60 =	vadd.s32 v1, v16;
	v24 =	vadd.f32 v34, v34;
	v35 =	vld.idx.msk [tilespmem:v35+s3+$0x0], $0xffff  }
0x298: {  	v61 =	vadd.s32 v1, v17;
	v23 =	vadd.f32 v36, v36  }
0x299: {  	v22 =	vadd.f32 v22, v22;
	v39 =	vadd.s32 v1, v18;
	v37 =	vadd.f32 v37, v24  }
0x29a: {  	v20 =	vadd.f32 v20, v20;
	s1 =	sadd.s32 $0x40, s1;
	v40 =	vadd.s32 v1, v19;
	v38 =	vadd.f32 v38, v23  }
0x29b: {  	[tilespmem:s1+$0xFFFFFFE0] =	vst v37;
	v33 =	vadd.f32 v33, v22  }
0x29c: {  	v34 =	vld.idx.msk [tilespmem:v60+s3+$0x0], $0xffff;
	v35 =	vadd.f32 v35, v20;
	[tilespmem:s1+$0x10] =	vst v38  }
0x29d: {  	[tilespmem:s1+$0x0] =	vst v33;
	v62 =	vld.idx.msk [tilespmem:v61+s3+$0x0], $0xffff  }
0x29e: {  	[tilespmem:s1+$0xFFFFFFF0] =	vst v35;
	v63 =	vld.idx.msk [tilespmem:v39+s3+$0x0], $0xffff  }
0x29f: {  	v45 =	vadd.s32 v2, v16;
	v44 =	vld.idx.msk [tilespmem:v40+s3+$0x0], $0xffff  }
0x2a0: {  	v46 =	vadd.s32 v2, v17  }
0x2a1: {  	v47 =	vadd.s32 v2, v18;
	v34 =	vadd.f32 v34, v24  }
0x2a2: {  	s19 =	sadd.s32 $0x40, s19;
	v48 =	vadd.s32 v2, v19;
	v33 =	vadd.f32 v62, v23  }
0x2a3: {  	[tilespmem:s19+$0xFFFFFFE0] =	vst v34;
	v49 =	vadd.f32 v63, v22  }
0x2a4: {  	v50 =	vld.idx.msk [tilespmem:v45+s3+$0x0], $0xffff;
	v36 =	vadd.f32 v44, v20;
	[tilespmem:s19+$0x10] =	vst v33  }
0x2a5: {  	[tilespmem:s19+$0x0] =	vst v49;
	v33 =	vld.idx.msk [tilespmem:v46+s3+$0x0], $0xffff  }
0x2a6: {  	[tilespmem:s19+$0xFFFFFFF0] =	vst v36;
	v34 =	vld.idx.msk [tilespmem:v47+s3+$0x0], $0xffff  }
0x2a7: {  	v51 =	vadd.s32 v3, v16;
	v36 =	vld.idx.msk [tilespmem:v48+s3+$0x0], $0xffff  }
0x2a8: {  	v52 =	vadd.s32 v3, v17  }
0x2a9: {  	v53 =	vadd.s32 v3, v18;
	v35 =	vadd.f32 v50, v24  }
0x2aa: {  	[tilespmem:s21+$0xFFFFFFF0] =	vst v32;
	s21 =	sadd.s32 $0x40, s20;
	v54 =	vadd.s32 v3, v19;
	v33 =	vadd.f32 v33, v23  }
0x2ab: {  	[tilespmem:s21+$0xFFFFFFE0] =	vst v35;
	v34 =	vadd.f32 v34, v22  }
0x2ac: {  	v35 =	vld.idx.msk [tilespmem:v51+s3+$0x0], $0xffff;
	v36 =	vadd.f32 v36, v20;
	[tilespmem:s21+$0x10] =	vst v33  }
0x2ad: {  	[tilespmem:s21+$0x0] =	vst v34;
	v33 =	vld.idx.msk [tilespmem:v52+s3+$0x0], $0xffff  }
0x2ae: {  	v28 =	vadd.f32 v28, v10;
	s2 =	sadd.s32 $0x40, s15;
	[tilespmem:s21+$0xFFFFFFF0] =	vst v36;
	v34 =	vld.idx.msk [tilespmem:v53+s3+$0x0], $0xffff  }
0x2af: {  	v27 =	vadd.f32 v27, v11;
	v55 =	vadd.s32 v4, v16;
	[tilespmem:s2+$0xFFFFFFE0] =	vst v31;
	v31 =	vld.idx.msk [tilespmem:v54+s3+$0x0], $0xffff  }
0x2b0: {  	v26 =	vadd.f32 v26, v8;
	v29 =	vld.idx.msk [tilespmem:v29+s3+$0x0], $0xffff;
	[tilespmem:s2+$0x10] =	vst v28;
	v28 =	vadd.s32 v4, v17  }
0x2b1: {  	[tilespmem:s2+$0x0] =	vst v27;
	v25 =	vld.idx.msk [tilespmem:v25+s3+$0x0], $0xffff;
	v56 =	vadd.s32 v4, v18;
	v27 =	vadd.f32 v35, v24  }
0x2b2: {  	s22 =	sadd.s32 $0x40, s2;
	[tilespmem:s2+$0xFFFFFFF0] =	vst v26;
	v26 =	vld.idx.msk [tilespmem:v30+s3+$0x0], $0xffff;
	v30 =	vadd.s32 v4, v19;
	v33 =	vadd.f32 v33, v23  }
0x2b3: {  	v57 =	vadd.s32 v5, v9;
	v21 =	vld.idx.msk [tilespmem:v21+s3+$0x0], $0xffff;
	[tilespmem:s22+$0xFFFFFFE0] =	vst v27;
	v27 =	vadd.f32 v34, v22  }
0x2b4: {  	v58 =	vadd.s32 v5, v14;
	v32 =	vld.idx.msk [tilespmem:v55+s3+$0x0], $0xffff;
	v31 =	vadd.f32 v31, v20;
	[tilespmem:s22+$0x10] =	vst v33  }
0x2b5: {  	v59 =	vadd.s32 v5, v12;
	v29 =	vadd.f32 v29, v15;
	[tilespmem:s22+$0x0] =	vst v27;
	v27 =	vld.idx.msk [tilespmem:v28+s3+$0x0], $0xffff  }
0x2b6: {  	s23 =	sadd.s32 $0x40, s5;
	v25 =	vadd.f32 v25, v10;
	v28 =	vadd.s32 v5, v13;
	[tilespmem:s22+$0xFFFFFFF0] =	vst v31;
	v31 =	vld.idx.msk [tilespmem:v56+s3+$0x0], $0xffff  }
0x2b7: {  	v26 =	vadd.f32 v26, v11;
	[tilespmem:s23+$0xFFFFFFE0] =	vst v29;
	v29 =	vld.idx.msk [tilespmem:v30+s3+$0x0], $0xffff;
	v30 =	vadd.s32 v5, v16  }
0x2b8: {  	v21 =	vadd.f32 v21, v8;
	[tilespmem:s23+$0x10] =	vst v25;
	v25 =	vadd.s32 v5, v17;
	v60 =	vld.idx.msk [tilespmem:v57+s3+$0x0], $0xffff  }
0x2b9: {  	[tilespmem:s23+$0x0] =	vst v26;
	v26 =	vld.idx.msk [tilespmem:v58+s3+$0x0], $0xffff;
	v61 =	vadd.s32 v5, v18;
	v32 =	vadd.f32 v32, v24  }
0x2ba: {  	s2 =	sadd.s32 $0x40, s23;
	[tilespmem:s23+$0xFFFFFFF0] =	vst v21;
	v21 =	vld.idx.msk [tilespmem:v59+s3+$0x0], $0xffff;
	v62 =	vadd.s32 v5, v19;
	v27 =	vadd.f32 v27, v23  }
0x2bb: {  	v63 =	vadd.s32 v6, v9;
	v28 =	vld.idx.msk [tilespmem:v28+s3+$0x0], $0xffff;
	[tilespmem:s2+$0xFFFFFFE0] =	vst v32;
	v31 =	vadd.f32 v31, v22  }
0x2bc: {  	v37 =	vadd.s32 v6, v14;
	v30 =	vld.idx.msk [tilespmem:v30+s3+$0x0], $0xffff;
	v29 =	vadd.f32 v29, v20;
	[tilespmem:s2+$0x10] =	vst v27  }
0x2bd: {  	v38 =	vadd.s32 v6, v12;
	v27 =	vadd.f32 v60, v15;
	[tilespmem:s2+$0x0] =	vst v31;
	v25 =	vld.idx.msk [tilespmem:v25+s3+$0x0], $0xffff  }
0x2be: {  	v26 =	vadd.f32 v26, v10;
	v31 =	vadd.s32 v6, v13;
	[tilespmem:s2+$0xFFFFFFF0] =	vst v29;
	v29 =	vld.idx.msk [tilespmem:v61+s3+$0x0], $0xffff  }
0x2bf: {  	v21 =	vadd.f32 v21, v11;
	v39 =	vadd.s32 v6, v16;
	[tilespmem:s30+$0xFFFFFFE0] =	vst v27;
	v27 =	vld.idx.msk [tilespmem:v62+s3+$0x0], $0xffff  }
0x2c0: {  	[tilespmem:s30+$0x10] =	vst v26;
	v26 =	vadd.s32 v6, v17;
	v40 =	vld.idx.msk [tilespmem:v63+s3+$0x0], $0xffff;
	v28 =	vadd.f32 v28, v8  }
0x2c1: {  	v41 =	vadd.s32 v6, v18;
	[tilespmem:s30+$0x0] =	vst v21;
	v21 =	vld.idx.msk [tilespmem:v37+s3+$0x0], $0xffff;
	v30 =	vadd.f32 v30, v24  }
0x2c2: {  	s5 =	sadd.s32 $0x40, s30;
	v42 =	vadd.s32 v6, v19;
	[tilespmem:s30+$0xFFFFFFF0] =	vst v28;
	v28 =	vld.idx.msk [tilespmem:v38+s3+$0x0], $0xffff;
	v25 =	vadd.f32 v25, v23  }
0x2c3: {  	v9 =	vadd.s32 v7, v9;
	v31 =	vld.idx.msk [tilespmem:v31+s3+$0x0], $0xffff;
	[tilespmem:s5+$0xFFFFFFE0] =	vst v30;
	v29 =	vadd.f32 v29, v22  }
0x2c4: {  	v14 =	vadd.s32 v7, v14;
	v30 =	vld.idx.msk [tilespmem:v39+s3+$0x0], $0xffff;
	v27 =	vadd.f32 v27, v20;
	[tilespmem:s5+$0x10] =	vst v25  }
0x2c5: {  	v12 =	vadd.s32 v7, v12;
	v25 =	vadd.f32 v40, v15;
	[tilespmem:s5+$0x0] =	vst v29;
	v26 =	vld.idx.msk [tilespmem:v26+s3+$0x0], $0xffff  }
0x2c6: {  	v21 =	vadd.f32 v21, v10;
	v13 =	vadd.s32 v7, v13;
	[tilespmem:s5+$0xFFFFFFF0] =	vst v27;
	v27 =	vld.idx.msk [tilespmem:v41+s3+$0x0], $0xffff  }
0x2c7: {  	v16 =	vadd.s32 v7, v16;
	[tilespmem:s17+$0xFFFFFFE0] =	vst v25;
	v25 =	vadd.f32 v28, v11;
	v28 =	vld.idx.msk [tilespmem:v42+s3+$0x0], $0xffff  }
0x2c8: {  	v17 =	vadd.s32 v7, v17;
	[tilespmem:s17+$0x10] =	vst v21;
	v9 =	vld.idx.msk [tilespmem:v9+s3+$0x0], $0xffff;
	v29 =	vadd.f32 v31, v8  }
0x2c9: {  	v18 =	vadd.s32 v7, v18;
	v14 =	vld.idx.msk [tilespmem:v14+s3+$0x0], $0xffff;
	[tilespmem:s17+$0x0] =	vst v25;
	v21 =	vadd.f32 v30, v24  }
0x2ca: {  	s15 =	sadd.s32 $0x40, s17;
	v19 =	vadd.s32 v7, v19;
	[tilespmem:s17+$0xFFFFFFF0] =	vst v29;
	v12 =	vld.idx.msk [tilespmem:v12+s3+$0x0], $0xffff;
	v25 =	vadd.f32 v26, v23  }
0x2cb: {  	v13 =	vld.idx.msk [tilespmem:v13+s3+$0x0], $0xffff;
	[tilespmem:s15+$0xFFFFFFE0] =	vst v21;
	v21 =	vadd.f32 v27, v22  }
0x2cc: {  	v16 =	vld.idx.msk [tilespmem:v16+s3+$0x0], $0xffff;
	v26 =	vadd.f32 v28, v20;
	[tilespmem:s15+$0x10] =	vst v25  }
0x2cd: {  	v9 =	vadd.f32 v9, v15;
	[tilespmem:s15+$0x0] =	vst v21;
	v15 =	vld.idx.msk [tilespmem:v17+s3+$0x0], $0xffff  }
0x2ce: {  	v10 =	vadd.f32 v14, v10;
	[tilespmem:s15+$0xFFFFFFF0] =	vst v26;
	v14 =	vld.idx.msk [tilespmem:v18+s3+$0x0], $0xffff  }
0x2cf: {  	[tilespmem:s16+$0xFFFFFFE0] =	vst v9;
	v9 =	vadd.f32 v12, v11;
	v11 =	vld.idx.msk [tilespmem:v19+s3+$0x0], $0xffff  }
0x2d0: {  	[tilespmem:s16+$0x10] =	vst v10;
	v8 =	vadd.f32 v13, v8  }
0x2d1: {  	[tilespmem:s16+$0x0] =	vst v9;
	v9 =	vadd.f32 v16, v24  }
0x2d2: {  	s17 =	sadd.s32 $0x40, s16;
	[tilespmem:s16+$0xFFFFFFF0] =	vst v8;
	v8 =	vadd.f32 v15, v23  }
0x2d3: {  	s5 =	sshll.u32 s28, $0xD;
	[tilespmem:s17+$0xFFFFFFE0] =	vst v9;
	v9 =	vadd.f32 v14, v22  }
0x2d4: {  	s19 =	sadd.s32 s7, s5;
	v10 =	vadd.f32 v11, v20;
	[tilespmem:s17+$0x10] =	vst v8  }
0x2d5: {  	s22 =	sadd.s32 s8, s5;
	s2 =	sshrl.u32 s19, $0x3;
	[tilespmem:s17+$0x0] =	vst v9  }
0x2d6: {  	s21 =	simm.s32 $0x8100;
	s1 =	sshrl.u32 s22, $0x3;
	s20 =	sadd.s32 s6, s2;
	[tilespmem:s17+$0xFFFFFFF0] =	vst v10  }
0x2d7: {  	[hbm4b:s20+s3] =	stream.linear.scatter [tilespmem:s21], [sflag:$0x3], $0x1000, $0x38;
	[tilespmem:$0x18100] =	vst v63  }
0x2d8: {  	s23 =	simm.s32 $0x9100;
	s1 =	sadd.s32 s6, s1;
	s15 =	sadd.s32 s9, s5  }
0x2d9: {  	[hbm4b:s1+s3] =	stream.linear.scatter [tilespmem:s23], [sflag:$0x3], $0x1000, $0x38;
	[tilespmem:$0x18100] =	vst v63  }
0x2da: {  	s1 =	sshrl.u32 s15, $0x3  }
0x2db: {  	s16 =	simm.s32 $0xA100;
	s17 =	sadd.s32 s10, s5;
	s1 =	sadd.s32 s6, s1  }
0x2dc: {  	[hbm4b:s1+s3] =	stream.linear.scatter [tilespmem:s16], [sflag:$0x3], $0x1000, $0x38;
	[tilespmem:$0x18100] =	vst v63  }
0x2dd: {  	s1 =	sshrl.u32 s17, $0x3  }
0x2de: {  	s19 =	simm.s32 $0xB100;
	s20 =	sadd.s32 s11, s5;
	s1 =	sadd.s32 s6, s1  }
0x2df: {  	[hbm4b:s1+s3] =	stream.linear.scatter [tilespmem:s19], [sflag:$0x3], $0x1000, $0x38;
	[tilespmem:$0x18100] =	vst v63  }
0x2e0: {  	s1 =	sshrl.u32 s20, $0x3  }
0x2e1: {  	s22 =	sadd.s32 s12, s5;
	s21 =	simm.s32 $0xC100;
	s1 =	sadd.s32 s6, s1  }
0x2e2: {  	[hbm4b:s1+s3] =	stream.linear.scatter [tilespmem:s21], [sflag:$0x3], $0x1000, $0x38;
	[tilespmem:$0x18100] =	vst v63  }
0x2e3: {  	s1 =	sshrl.u32 s22, $0x3  }
0x2e4: {  	s2 =	sadd.s32 s13, s5;
	s23 =	simm.s32 $0xD100;
	s1 =	sadd.s32 s6, s1  }
0x2e5: {  	[hbm4b:s1+s3] =	stream.linear.scatter [tilespmem:s23], [sflag:$0x3], $0x1000, $0x38;
	[tilespmem:$0x18100] =	vst v63  }
0x2e6: {  	s1 =	sshrl.u32 s2, $0x3  }
0x2e7: {  	s15 =	simm.s32 $0xE100;
	s16 =	sadd.s32 s14, s5;
	s1 =	sadd.s32 s6, s1  }
0x2e8: {  	[hbm4b:s1+s3] =	stream.linear.scatter [tilespmem:s15], [sflag:$0x3], $0x1000, $0x38;
	[tilespmem:$0x18100] =	vst v63  }
0x2e9: {  	s1 =	sshrl.u32 s16, $0x3  }
0x2ea: {  	s17 =	simm.s32 $0xF100;
	s19 =	rddreg [dreg:$0x10];
	s1 =	sadd.s32 s6, s1  }
0x2eb: {  	[hbm4b:s1+s3] =	stream.linear.scatter [tilespmem:s17], [sflag:$0x3], $0x1000, $0x38;
	[tilespmem:$0x18100] =	vst v63  }
0x2ec: {  	s1 =	sadd.s32 s5, s19  }
0x2ed: {  	s1 =	sshrl.u32 s1, $0x3  }
0x2ee: {  	s21 =	simm.s32 $0x4100;
	s20 =	sadd.s32 s4, s1  }
0x2ef: {  	[tilespmem:s21], [sflag:$0x1] =	stream.linear.gather [hbm4b:s20+s3], $0x1000, $0x38;
	[tilespmem:$0x18100] =	vst v63  }
0x2f0: {  	s22 =	simm.s32 $0x6100;
	s1 =	sadd.s32 s26, s1  }
0x2f1: {  	[tilespmem:s22], [sflag:$0x1] =	stream.linear.gather [hbm4b:s1+s3], $0x1000, $0x38;
	[tilespmem:$0x18100] =	vst v63  }
0x2f2: {  	_ =	swait.ge [sflag:s24], $0x1000  }
0x2f3: {  	[sflag:s24] =	ssyncset.done $0x0  }
0x2f4: {  	[sflag:s24] =	ssyncadd.s32 $0xFFFFF000  }
0x2f5: {  	_ =	swait.ge [sflag:s24], $0x1000  }
0x2f6: {  	[sflag:s24] =	ssyncset.done $0x0  }
0x2f7: {  	[sflag:s24] =	ssyncadd.s32 $0xFFFFF000  }
0x2f8: {  	_ =	swait.ge [sflag:s25], $0x1000  }
0x2f9: {  	[sflag:s25] =	ssyncset.done $0x0  }
0x2fa: {  	[sflag:s25] =	ssyncadd.s32 $0xFFFFF000  }
0x2fb: {  	_ =	swait.ge [sflag:s25], $0x1000  }
0x2fc: {  	[sflag:s25] =	ssyncset.done $0x0  }
0x2fd: {  	[sflag:s25] =	ssyncadd.s32 $0xFFFFF000  }
0x2fe: {  	_ =	swait.ge [sflag:s25], $0x1000  }
0x2ff: {  	[sflag:s25] =	ssyncset.done $0x0  }
0x300: {  	[sflag:s25] =	ssyncadd.s32 $0xFFFFF000  }
0x301: {  	_ =	swait.ge [sflag:s25], $0x1000  }
0x302: {  	[sflag:s25] =	ssyncset.done $0x0  }
0x303: {  	[sflag:s25] =	ssyncadd.s32 $0xFFFFF000  }
0x304: {  	_ =	swait.ge [sflag:s25], $0x1000  }
0x305: {  	[sflag:s25] =	ssyncset.done $0x0  }
0x306: {  	[sflag:s25] =	ssyncadd.s32 $0xFFFFF000  }
0x307: {  	_ =	swait.ge [sflag:s25], $0x1000  }
0x308: {  	[sflag:s25] =	ssyncset.done $0x0  }
0x309: {  	[sflag:s25] =	ssyncadd.s32 $0xFFFFF000  }
0x30a: {  	_ =	swait.ge [sflag:s25], $0x1000  }
0x30b: {  	[sflag:s25] =	ssyncset.done $0x0  }
0x30c: {  	[sflag:s25] =	ssyncadd.s32 $0xFFFFF000  }
0x30d: {  	_ =	swait.ge [sflag:s25], $0x1000  }
0x30e: {  	[sflag:s25] =	ssyncset.done $0x0  }
0x30f: {  	s23 =	simm.s32 $0x5120;
	[sflag:s25] =	ssyncadd.s32 $0xFFFFF000  }
0x310: {  	v25 =	vld [tilespmem:s23+$0xFFFFFFE0];
	_ =	sdelay $0x1  }
0x311: {  	v24 =	vld [tilespmem:s23+$0x10]  }
0x312: {  	v23 =	vld [tilespmem:s23+$0x0];
	_ =	sdelay $0x1  }
0x313: {  	v16 =	vld [tilespmem:s23+$0xFFFFFFF0];
	v8 =	vadd.s32 v0, v25  }
0x314: {  	s2 =	simm.s32 $0x7120  }
0x315: {  	v9 =	vld [tilespmem:s2+$0xFFFFFFF0];
	v10 =	vadd.s32 v0, v24  }
0x316: {  	v13 =	vld [tilespmem:s2+$0xFFFFFFE0];
	v12 =	vadd.s32 v0, v23  }
0x317: {  	v15 =	vld [tilespmem:s2+$0x10]  }
0x318: {  	v14 =	vadd.s32 v0, v16;
	v8 =	vld.idx.msk [tilespmem:v8+s3+$0x0], $0xffff  }
0x319: {  	v11 =	vld [tilespmem:s2+$0x0]  }
0x31a: {  	v10 =	vld.idx.msk [tilespmem:v10+s3+$0x0], $0xffff  }
0x31b: {  	v21 =	vadd.f32 v13, v13;
	v13 =	vadd.s32 v1, v25;
	v12 =	vld.idx.msk [tilespmem:v12+s3+$0x0], $0xffff;
	_ =	sdelay $0x1  }
0x31c: {  	v17 =	vadd.f32 v15, v15;
	v15 =	vadd.s32 v1, v24;
	v14 =	vld.idx.msk [tilespmem:v14+s3+$0x0], $0xffff;
	v8 =	vadd.f32 v8, v21  }
0x31d: {  	s15 =	simm.s32 $0x10120;
	v18 =	vadd.f32 v11, v11;
	v11 =	vadd.s32 v1, v23  }
0x31e: {  	v10 =	vadd.f32 v10, v17;
	[tilespmem:s15+$0xFFFFFFE0] =	vst v8  }
0x31f: {  	v19 =	vadd.f32 v9, v9;
	v9 =	vadd.s32 v1, v16;
	v8 =	vadd.f32 v12, v18;
	v12 =	vld.idx.msk [tilespmem:v13+s3+$0x0], $0xffff  }
0x320: {  	[tilespmem:s15+$0x10] =	vst v10  }
0x321: {  	v13 =	vadd.f32 v14, v19;
	[tilespmem:s15+$0x0] =	vst v8;
	v8 =	vld.idx.msk [tilespmem:v15+s3+$0x0], $0xffff  }
0x322: {  	v10 =	vld.idx.msk [tilespmem:v11+s3+$0x0], $0xffff;
	v11 =	vadd.s32 v2, v25  }
0x323: {  	[tilespmem:s15+$0xFFFFFFF0] =	vst v13  }
0x324: {  	v13 =	vadd.s32 v2, v24;
	v9 =	vld.idx.msk [tilespmem:v9+s3+$0x0], $0xffff;
	v12 =	vadd.f32 v12, v21  }
0x325: {  	s16 =	simm.s32 $0x11120  }
0x326: {  	v14 =	vadd.s32 v2, v23;
	v8 =	vadd.f32 v8, v17;
	[tilespmem:s16+$0xFFFFFFE0] =	vst v12  }
0x327: {  	v15 =	vadd.s32 v2, v16;
	v11 =	vld.idx.msk [tilespmem:v11+s3+$0x0], $0xffff  }
0x328: {  	v10 =	vadd.f32 v10, v18;
	[tilespmem:s16+$0x10] =	vst v8  }
0x329: {  	s17 =	simm.s32 $0x7160;
	v9 =	vadd.f32 v9, v19;
	v8 =	vld.idx.msk [tilespmem:v13+s3+$0x0], $0xffff  }
0x32a: {  	v22 =	vld [tilespmem:s17+$0x0];
	[tilespmem:s16+$0x0] =	vst v10;
	v13 =	vadd.s32 v3, v25  }
0x32b: {  	[tilespmem:s16+$0xFFFFFFF0] =	vst v9;
	v10 =	vld.idx.msk [tilespmem:v14+s3+$0x0], $0xffff  }
0x32c: {  	v14 =	vadd.s32 v3, v24;
	v12 =	vld.idx.msk [tilespmem:v15+s3+$0x0], $0xffff;
	v11 =	vadd.f32 v11, v21  }
0x32d: {  	s19 =	simm.s32 $0x12120;
	s20 =	simm.s32 $0x5160;
	v30 =	vld [tilespmem:s17+$0x10]  }
0x32e: {  	v20 =	vadd.s32 v3, v23;
	v9 =	vld [tilespmem:s20+$0xFFFFFFE0];
	v8 =	vadd.f32 v8, v17;
	[tilespmem:s19+$0xFFFFFFE0] =	vst v11  }
0x32f: {  	v26 =	vadd.s32 v3, v16;
	v11 =	vld.idx.msk [tilespmem:v13+s3+$0x0], $0xffff  }
0x330: {  	v10 =	vadd.f32 v10, v18;
	[tilespmem:s19+$0x10] =	vst v8;
	v13 =	vld [tilespmem:s20+$0xFFFFFFF0]  }
0x331: {  	v12 =	vadd.f32 v12, v19;
	v8 =	vld.idx.msk [tilespmem:v14+s3+$0x0], $0xffff  }
0x332: {  	[tilespmem:s19+$0x0] =	vst v10;
	v14 =	vld [tilespmem:s20+$0x10]  }
0x333: {  	v43 =	vadd.s32 v0, v9;
	[tilespmem:s19+$0xFFFFFFF0] =	vst v12;
	v10 =	vld.idx.msk [tilespmem:v20+s3+$0x0], $0xffff  }
0x334: {  	v20 =	vld.idx.msk [tilespmem:v26+s3+$0x0], $0xffff;
	v26 =	vadd.s32 v4, v25  }
0x335: {  	v27 =	vadd.s32 v4, v24;
	v12 =	vld [tilespmem:s20+$0x0]  }
0x336: {  	v31 =	vld [tilespmem:s17+$0xFFFFFFE0];
	v28 =	vadd.s32 v4, v23;
	v11 =	vadd.f32 v11, v21  }
0x337: {  	v29 =	vadd.s32 v4, v16;
	s16 =	simm.s32 $0x13120;
	v15 =	vld [tilespmem:s17+$0xFFFFFFF0];
	v8 =	vadd.f32 v8, v17  }
0x338: {  	v32 =	vld.idx.msk [tilespmem:v43+s3+$0x0], $0xffff;
	v45 =	vadd.s32 v0, v13;
	[tilespmem:s16+$0xFFFFFFE0] =	vst v11;
	v10 =	vadd.f32 v10, v18  }
0x339: {  	v11 =	vadd.s32 v0, v14;
	v26 =	vld.idx.msk [tilespmem:v26+s3+$0x0], $0xffff;
	v20 =	vadd.f32 v20, v19;
	[tilespmem:s16+$0x10] =	vst v8  }
0x33a: {  	v44 =	vadd.s32 v0, v12;
	[tilespmem:s16+$0x0] =	vst v10;
	v27 =	vld.idx.msk [tilespmem:v27+s3+$0x0], $0xffff  }
0x33b: {  	[tilespmem:s16+$0xFFFFFFF0] =	vst v20;
	v28 =	vld.idx.msk [tilespmem:v28+s3+$0x0], $0xffff  }
0x33c: {  	v46 =	vadd.s32 v5, v25;
	v29 =	vld.idx.msk [tilespmem:v29+s3+$0x0], $0xffff  }
0x33d: {  	v48 =	vadd.s32 v5, v24;
	v8 =	vadd.f32 v15, v15;
	v34 =	vld.idx.msk [tilespmem:v45+s3+$0x0], $0xffff  }
0x33e: {  	v10 =	vadd.f32 v30, v30;
	v30 =	vadd.s32 v5, v23;
	v47 =	vld.idx.msk [tilespmem:v11+s3+$0x0], $0xffff;
	v26 =	vadd.f32 v26, v21  }
0x33f: {  	s1 =	simm.s32 $0x71A0;
	s15 =	simm.s32 $0x14120;
	v33 =	vld.idx.msk [tilespmem:v44+s3+$0x0], $0xffff;
	v11 =	vadd.f32 v22, v22;
	v22 =	vadd.s32 v5, v16;
	v27 =	vadd.f32 v27, v17  }
0x340: {  	v15 =	vadd.f32 v31, v31;
	v31 =	vadd.s32 v1, v9;
	v20 =	vld [tilespmem:s1+$0xFFFFFFF0];
	[tilespmem:s15+$0xFFFFFFE0] =	vst v26;
	v26 =	vadd.f32 v28, v18  }
0x341: {  	v28 =	vadd.s32 v1, v14;
	v35 =	vld.idx.msk [tilespmem:v46+s3+$0x0], $0xffff;
	v29 =	vadd.f32 v29, v19;
	[tilespmem:s15+$0x10] =	vst v27  }
0x342: {  	v27 =	vadd.f32 v32, v15;
	[tilespmem:s15+$0x0] =	vst v26;
	v26 =	vld.idx.msk [tilespmem:v48+s3+$0x0], $0xffff  }
0x343: {  	s19 =	simm.s32 $0x10160;
	v49 =	vadd.s32 v1, v12;
	v36 =	vadd.f32 v47, v10;
	[tilespmem:s15+$0xFFFFFFF0] =	vst v29;
	v29 =	vld.idx.msk [tilespmem:v30+s3+$0x0], $0xffff  }
0x344: {  	v50 =	vadd.s32 v1, v13;
	[tilespmem:s19+$0xFFFFFFE0] =	vst v27;
	v27 =	vadd.f32 v33, v11;
	v30 =	vld.idx.msk [tilespmem:v22+s3+$0x0], $0xffff  }
0x345: {  	v51 =	vadd.s32 v6, v25;
	v53 =	vadd.s32 v6, v23;
	v31 =	vld.idx.msk [tilespmem:v31+s3+$0x0], $0xffff;
	[tilespmem:s19+$0x10] =	vst v36  }
0x346: {  	s23 =	simm.s32 $0x51A0;
	v22 =	vadd.f32 v34, v8;
	[tilespmem:s19+$0x0] =	vst v27;
	v27 =	vld.idx.msk [tilespmem:v28+s3+$0x0], $0xffff;
	v28 =	vadd.s32 v6, v24  }
0x347: {  	v55 =	vadd.s32 v6, v16;
	v60 =	vadd.s32 v7, v16;
	v16 =	vld [tilespmem:s23+$0xFFFFFFE0];
	v52 =	vadd.f32 v35, v21  }
0x348: {  	s21 =	simm.s32 $0x15120;
	[tilespmem:s19+$0xFFFFFFF0] =	vst v22;
	v32 =	vld.idx.msk [tilespmem:v49+s3+$0x0], $0xffff;
	v26 =	vadd.f32 v26, v17  }
0x349: {  	v56 =	vadd.s32 v2, v9;
	v54 =	vld.idx.msk [tilespmem:v50+s3+$0x0], $0xffff;
	[tilespmem:s21+$0xFFFFFFE0] =	vst v52;
	v29 =	vadd.f32 v29, v18  }
0x34a: {  	v57 =	vadd.s32 v2, v14;
	v33 =	vld.idx.msk [tilespmem:v51+s3+$0x0], $0xffff;
	v30 =	vadd.f32 v30, v19;
	[tilespmem:s21+$0x10] =	vst v26  }
0x34b: {  	v26 =	vadd.f32 v31, v15;
	v31 =	vadd.s32 v2, v12;
	[tilespmem:s21+$0x0] =	vst v29;
	v28 =	vld.idx.msk [tilespmem:v28+s3+$0x0], $0xffff  }
0x34c: {  	s20 =	simm.s32 $0x11160;
	v27 =	vadd.f32 v27, v10;
	[tilespmem:s21+$0xFFFFFFF0] =	vst v30;
	v30 =	vld.idx.msk [tilespmem:v53+s3+$0x0], $0xffff  }
0x34d: {  	v29 =	vadd.s32 v2, v13;
	[tilespmem:s20+$0xFFFFFFE0] =	vst v26;
	v26 =	vadd.f32 v32, v11;
	v58 =	vld.idx.msk [tilespmem:v55+s3+$0x0], $0xffff  }
0x34e: {  	v25 =	vadd.s32 v7, v25;
	v59 =	vld.idx.msk [tilespmem:v56+s3+$0x0], $0xffff;
	[tilespmem:s20+$0x10] =	vst v27  }
0x34f: {  	v24 =	vadd.s32 v7, v24;
	v36 =	vadd.f32 v54, v8;
	[tilespmem:s20+$0x0] =	vst v26;
	v26 =	vld.idx.msk [tilespmem:v57+s3+$0x0], $0xffff  }
0x350: {  	v23 =	vadd.s32 v7, v23;
	v27 =	vld.idx.msk [tilespmem:v31+s3+$0x0], $0xffff;
	v31 =	vadd.f32 v33, v21  }
0x351: {  	s22 =	simm.s32 $0x16120;
	v22 =	vld [tilespmem:s1+$0x0];
	[tilespmem:s20+$0xFFFFFFF0] =	vst v36;
	v28 =	vadd.f32 v28, v17  }
0x352: {  	v61 =	vadd.s32 v3, v9;
	v29 =	vld.idx.msk [tilespmem:v29+s3+$0x0], $0xffff;
	[tilespmem:s22+$0xFFFFFFE0] =	vst v31;
	v30 =	vadd.f32 v30, v18  }
0x353: {  	v31 =	vadd.s32 v3, v14;
	v25 =	vld.idx.msk [tilespmem:v25+s3+$0x0], $0xffff;
	v32 =	vadd.f32 v58, v19;
	[tilespmem:s22+$0x10] =	vst v28  }
0x354: {  	v62 =	vadd.s32 v3, v12;
	v28 =	vadd.f32 v59, v15;
	[tilespmem:s22+$0x0] =	vst v30;
	v24 =	vld.idx.msk [tilespmem:v24+s3+$0x0], $0xffff  }
0x355: {  	s21 =	simm.s32 $0x12160;
	v30 =	vadd.s32 v3, v13;
	v26 =	vadd.f32 v26, v10;
	[tilespmem:s22+$0xFFFFFFF0] =	vst v32;
	v23 =	vld.idx.msk [tilespmem:v23+s3+$0x0], $0xffff  }
0x356: {  	[tilespmem:s21+$0xFFFFFFE0] =	vst v28;
	v27 =	vadd.f32 v27, v11;
	v32 =	vld.idx.msk [tilespmem:v60+s3+$0x0], $0xffff  }
0x357: {  	v63 =	vld.idx.msk [tilespmem:v61+s3+$0x0], $0xffff;
	v29 =	vadd.f32 v29, v8;
	[tilespmem:s21+$0x10] =	vst v26  }
0x358: {  	[tilespmem:s21+$0x0] =	vst v27;
	v28 =	vld.idx.msk [tilespmem:v31+s3+$0x0], $0xffff  }
0x359: {  	[tilespmem:s21+$0xFFFFFFF0] =	vst v29;
	v27 =	vld.idx.msk [tilespmem:v62+s3+$0x0], $0xffff;
	v21 =	vadd.f32 v25, v21  }
0x35a: {  	s22 =	simm.s32 $0x17120;
	v26 =	vld.idx.msk [tilespmem:v30+s3+$0x0], $0xffff;
	v24 =	vadd.f32 v24, v17  }
0x35b: {  	v29 =	vadd.s32 v4, v9;
	v17 =	vld [tilespmem:s23+$0x10];
	[tilespmem:s22+$0xFFFFFFE0] =	vst v21;
	v23 =	vadd.f32 v23, v18  }
0x35c: {  	s31 =	simm.s32 $0x15160;
	v25 =	vadd.s32 v4, v14;
	v18 =	vld [tilespmem:s23+$0x0];
	[tilespmem:s22+$0x10] =	vst v24;
	v32 =	vadd.f32 v32, v19  }
0x35d: {  	s30 =	simm.s32 $0x16160;
	s2 =	simm.s32 $0x80;
	s17 =	simm.s32 $0x17160;
	v30 =	vadd.s32 v4, v12;
	v21 =	vadd.s32 v4, v13;
	v19 =	vld [tilespmem:s23+$0xFFFFFFF0];
	v31 =	vadd.f32 v63, v15;
	[tilespmem:s22+$0x0] =	vst v23  }
.LBB2_9:
0x35e: {  	s2 =	sadd.s32 $0x40, s2;
	v24 =	vld [tilespmem:s1+$0x10];
	v23 =	vadd.f32 v28, v10;
	[tilespmem:s22+$0xFFFFFFF0] =	vst v32;
	s16 =	sadd.s32 $0x40, s16;
	s15 =	sadd.s32 $0x40, s15  }
0x35f: {  	v32 =	vadd.s32 v0, v16;
	v27 =	vadd.f32 v27, v11;
	s22 =	smov.u32 s17;
	p0 =	slt.u32 s2, $0xFC0;
	v28 =	vld [tilespmem:s1+$0xFFFFFFE0];
	[tilespmem:s16+$0xFFFFFFE0] =	vst v31  }
0x360: {  	v26 =	vadd.f32 v26, v8;
	v31 =	vadd.s32 v0, v17;
	v29 =	vld.idx.msk [tilespmem:v29+s3+$0x0], $0xffff;
	[tilespmem:s16+$0x10] =	vst v23  }
0x361: {  	v33 =	vadd.s32 v0, v18;
	[tilespmem:s16+$0x0] =	vst v27;
	v27 =	vld.idx.msk [tilespmem:v25+s3+$0x0], $0xffff  }
0x362: {  	v34 =	vadd.s32 v0, v19;
	v35 =	vadd.s32 v2, v19;
	[tilespmem:s16+$0xFFFFFFF0] =	vst v26;
	v26 =	vld.idx.msk [tilespmem:v30+s3+$0x0], $0xffff  }
0x363: {  	v30 =	vld.idx.msk [tilespmem:v21+s3+$0x0], $0xffff;
	v21 =	vadd.s32 v4, v19  }
0x364: {  	v36 =	vadd.s32 v5, v9;
	v32 =	vld.idx.msk [tilespmem:v32+s3+$0x0], $0xffff  }
0x365: {  	v37 =	vadd.s32 v5, v14;
	v23 =	vadd.f32 v20, v20;
	v31 =	vld.idx.msk [tilespmem:v31+s3+$0x0], $0xffff  }
0x366: {  	v38 =	vadd.s32 v5, v12;
	v25 =	vadd.f32 v24, v24;
	v29 =	vadd.f32 v29, v15;
	v33 =	vld.idx.msk [tilespmem:v33+s3+$0x0], $0xffff  }
0x367: {  	s1 =	sadd.s32 $0x40, s1;
	v24 =	vadd.f32 v22, v22;
	v22 =	vadd.s32 v5, v13;
	v27 =	vadd.f32 v27, v10;
	v34 =	vld.idx.msk [tilespmem:v34+s3+$0x0], $0xffff  }
0x368: {  	v39 =	vadd.f32 v28, v28;
	v28 =	vadd.s32 v1, v16;
	v26 =	vadd.f32 v26, v11;
	v20 =	vld [tilespmem:s1+$0xFFFFFFF0];
	[tilespmem:s15+$0xFFFFFFE0] =	vst v29  }
0x369: {  	v29 =	vadd.s32 v1, v17;
	v30 =	vadd.f32 v30, v8;
	v36 =	vld.idx.msk [tilespmem:v36+s3+$0x0], $0xffff;
	[tilespmem:s15+$0x10] =	vst v27  }
0x36a: {  	v27 =	vadd.f32 v32, v39;
	v32 =	vadd.s32 v1, v18;
	[tilespmem:s15+$0x0] =	vst v26;
	v26 =	vld.idx.msk [tilespmem:v37+s3+$0x0], $0xffff  }
0x36b: {  	s19 =	sadd.s32 $0x40, s19;
	v37 =	vadd.s32 v1, v19;
	v31 =	vadd.f32 v31, v25;
	[tilespmem:s15+$0xFFFFFFF0] =	vst v30;
	v30 =	vld.idx.msk [tilespmem:v38+s3+$0x0], $0xffff  }
0x36c: {  	[tilespmem:s19+$0xFFFFFFE0] =	vst v27;
	v27 =	vadd.f32 v33, v24;
	v33 =	vld.idx.msk [tilespmem:v22+s3+$0x0], $0xffff  }
0x36d: {  	v22 =	vadd.f32 v34, v23;
	v28 =	vld.idx.msk [tilespmem:v28+s3+$0x0], $0xffff;
	[tilespmem:s19+$0x10] =	vst v31;
	v31 =	vadd.s32 v6, v9  }
0x36e: {  	[tilespmem:s19+$0x0] =	vst v27;
	v27 =	vld.idx.msk [tilespmem:v29+s3+$0x0], $0xffff;
	v29 =	vadd.s32 v6, v14  }
0x36f: {  	v34 =	vadd.f32 v36, v15;
	v36 =	vadd.s32 v6, v12;
	[tilespmem:s19+$0xFFFFFFF0] =	vst v22;
	v32 =	vld.idx.msk [tilespmem:v32+s3+$0x0], $0xffff  }
0x370: {  	v38 =	vadd.s32 v6, v13;
	v26 =	vadd.f32 v26, v10;
	v37 =	vld.idx.msk [tilespmem:v37+s3+$0x0], $0xffff  }
0x371: {  	v40 =	vadd.s32 v2, v16;
	v30 =	vadd.f32 v30, v11;
	v22 =	vld [tilespmem:s1+$0x0];
	[tilespmem:s31+$0xFFFFFFE0] =	vst v34  }
0x372: {  	v34 =	vadd.s32 v2, v17;
	v33 =	vadd.f32 v33, v8;
	v31 =	vld.idx.msk [tilespmem:v31+s3+$0x0], $0xffff;
	[tilespmem:s31+$0x10] =	vst v26  }
0x373: {  	v26 =	vadd.f32 v28, v39;
	v28 =	vadd.s32 v2, v18;
	[tilespmem:s31+$0x0] =	vst v30;
	v29 =	vld.idx.msk [tilespmem:v29+s3+$0x0], $0xffff  }
0x374: {  	s20 =	sadd.s32 $0x40, s20;
	v27 =	vadd.f32 v27, v25;
	[tilespmem:s31+$0xFFFFFFF0] =	vst v33;
	v30 =	vld.idx.msk [tilespmem:v36+s3+$0x0], $0xffff  }
0x375: {  	[tilespmem:s20+$0xFFFFFFE0] =	vst v26;
	v26 =	vadd.f32 v32, v24;
	v32 =	vld.idx.msk [tilespmem:v38+s3+$0x0], $0xffff  }
0x376: {  	v36 =	vadd.f32 v37, v23;
	v33 =	vld.idx.msk [tilespmem:v40+s3+$0x0], $0xffff;
	[tilespmem:s20+$0x10] =	vst v27;
	v27 =	vadd.s32 v7, v9;
	v9 =	vmov v16  }
0x377: {  	[tilespmem:s20+$0x0] =	vst v26;
	v26 =	vld.idx.msk [tilespmem:v34+s3+$0x0], $0xffff;
	v34 =	vadd.s32 v7, v14;
	v14 =	vmov v17  }
0x378: {  	[tilespmem:s20+$0xFFFFFFF0] =	vst v36;
	v17 =	vld.idx.msk [tilespmem:v28+s3+$0x0], $0xffff;
	v28 =	vadd.f32 v31, v15;
	v31 =	vadd.s32 v7, v12;
	v12 =	vmov v18  }
0x379: {  	s23 =	sadd.s32 $0x40, s23;
	v29 =	vadd.f32 v29, v10;
	v18 =	vld.idx.msk [tilespmem:v35+s3+$0x0], $0xffff;
	v35 =	vadd.s32 v7, v13;
	v13 =	vmov v19  }
0x37a: {  	v19 =	vadd.s32 v3, v9;
	v16 =	vld [tilespmem:s23+$0xFFFFFFE0];
	[tilespmem:s30+$0xFFFFFFE0] =	vst v28;
	v28 =	vadd.f32 v30, v11  }
0x37b: {  	v30 =	vadd.s32 v3, v14;
	v36 =	vld.idx.msk [tilespmem:v27+s3+$0x0], $0xffff;
	v27 =	vadd.f32 v32, v8;
	[tilespmem:s30+$0x10] =	vst v29  }
0x37c: {  	v29 =	vadd.f32 v33, v39;
	v32 =	vadd.s32 v3, v12;
	[tilespmem:s30+$0x0] =	vst v28;
	v33 =	vld.idx.msk [tilespmem:v34+s3+$0x0], $0xffff  }
0x37d: {  	s21 =	sadd.s32 $0x40, s21;
	v34 =	vadd.s32 v3, v13;
	v26 =	vadd.f32 v26, v25;
	[tilespmem:s30+$0xFFFFFFF0] =	vst v27;
	v31 =	vld.idx.msk [tilespmem:v31+s3+$0x0], $0xffff  }
0x37e: {  	v17 =	vadd.f32 v17, v24;
	[tilespmem:s21+$0xFFFFFFE0] =	vst v29;
	v35 =	vld.idx.msk [tilespmem:v35+s3+$0x0], $0xffff  }
0x37f: {  	v18 =	vadd.f32 v18, v23;
	v37 =	vld.idx.msk [tilespmem:v19+s3+$0x0], $0xffff;
	[tilespmem:s21+$0x10] =	vst v26  }
0x380: {  	[tilespmem:s21+$0x0] =	vst v17;
	v28 =	vld.idx.msk [tilespmem:v30+s3+$0x0], $0xffff  }
.Ltmp3:
0x381: {  	[tilespmem:s21+$0xFFFFFFF0] =	vst v18;
	v27 =	vld.idx.msk [tilespmem:v32+s3+$0x0], $0xffff;
	v18 =	vadd.f32 v36, v15;
	v15 =	vmov v39;
	(pc) =	sbr.rel @p0 .LBB2_9-.Ltmp3, $4  }
0x382: {  	v19 =	vadd.f32 v33, v10;
	v10 =	vmov v25;
	v26 =	vld.idx.msk [tilespmem:v34+s3+$0x0], $0xffff  }
0x383: {  	v29 =	vadd.s32 v4, v9;
	v33 =	vadd.f32 v31, v11;
	v11 =	vmov v24;
	v17 =	vld [tilespmem:s23+$0x10];
	[tilespmem:s17+$0xFFFFFFE0] =	vst v18  }
0x384: {  	v25 =	vadd.s32 v4, v14;
	v32 =	vadd.f32 v35, v8;
	v8 =	vmov v23;
	v18 =	vld [tilespmem:s23+$0x0];
	[tilespmem:s17+$0x10] =	vst v19  }
0x385: {  	s31 =	sadd.s32 $0x40, s31;
	s30 =	sadd.s32 $0x40, s30;
	v30 =	vadd.s32 v4, v12;
	v31 =	vadd.f32 v37, v15;
	s17 =	sadd.s32 $0x40, s17;
	v19 =	vld [tilespmem:s23+$0xFFFFFFF0];
	[tilespmem:s22+$0x0] =	vst v33  }
0x386: {  	_ = 	snop  }
0x387: {  	v23 =	vadd.s32 v0, v16  }
0x388: {  	v24 =	vadd.s32 v0, v17  }
0x389: {  	v33 =	vadd.s32 v0, v18  }
0x38a: {  	v34 =	vld [tilespmem:s1+$0xFFFFFFE0];
	v35 =	vadd.s32 v0, v19  }
0x38b: {  	v36 =	vld [tilespmem:s1+$0x10]  }
0x38c: {  	v37 =	vld.idx.msk [tilespmem:v23+s3+$0x0], $0xffff  }
0x38d: {  	v38 =	vld.idx.msk [tilespmem:v24+s3+$0x0], $0xffff  }
0x38e: {  	v33 =	vld.idx.msk [tilespmem:v33+s3+$0x0], $0xffff  }
0x38f: {  	v61 =	vadd.s32 v1, v16;
	v24 =	vadd.f32 v34, v34;
	v35 =	vld.idx.msk [tilespmem:v35+s3+$0x0], $0xffff  }
0x390: {  	v62 =	vadd.s32 v1, v17;
	v23 =	vadd.f32 v36, v36  }
0x391: {  	v22 =	vadd.f32 v22, v22;
	v39 =	vadd.s32 v1, v18;
	v37 =	vadd.f32 v37, v24  }
0x392: {  	v20 =	vadd.f32 v20, v20;
	s23 =	sadd.s32 $0x40, s19;
	v40 =	vadd.s32 v1, v19;
	v38 =	vadd.f32 v38, v23  }
0x393: {  	[tilespmem:s23+$0xFFFFFFE0] =	vst v37;
	v33 =	vadd.f32 v33, v22  }
0x394: {  	v34 =	vld.idx.msk [tilespmem:v61+s3+$0x0], $0xffff;
	v35 =	vadd.f32 v35, v20;
	[tilespmem:s23+$0x10] =	vst v38  }
0x395: {  	[tilespmem:s23+$0x0] =	vst v33;
	v63 =	vld.idx.msk [tilespmem:v62+s3+$0x0], $0xffff  }
0x396: {  	[tilespmem:s23+$0xFFFFFFF0] =	vst v35;
	v44 =	vld.idx.msk [tilespmem:v39+s3+$0x0], $0xffff  }
0x397: {  	v46 =	vadd.s32 v2, v16;
	v45 =	vld.idx.msk [tilespmem:v40+s3+$0x0], $0xffff  }
0x398: {  	v47 =	vadd.s32 v2, v17  }
0x399: {  	v48 =	vadd.s32 v2, v18;
	v34 =	vadd.f32 v34, v24  }
0x39a: {  	s2 =	sadd.s32 $0x40, s20;
	v49 =	vadd.s32 v2, v19;
	v33 =	vadd.f32 v63, v23  }
0x39b: {  	[tilespmem:s2+$0xFFFFFFE0] =	vst v34;
	v50 =	vadd.f32 v44, v22  }
0x39c: {  	v51 =	vld.idx.msk [tilespmem:v46+s3+$0x0], $0xffff;
	v36 =	vadd.f32 v45, v20;
	[tilespmem:s2+$0x10] =	vst v33  }
0x39d: {  	[tilespmem:s2+$0x0] =	vst v50;
	v33 =	vld.idx.msk [tilespmem:v47+s3+$0x0], $0xffff  }
0x39e: {  	[tilespmem:s2+$0xFFFFFFF0] =	vst v36;
	v34 =	vld.idx.msk [tilespmem:v48+s3+$0x0], $0xffff  }
0x39f: {  	v52 =	vadd.s32 v3, v16;
	v36 =	vld.idx.msk [tilespmem:v49+s3+$0x0], $0xffff  }
0x3a0: {  	v53 =	vadd.s32 v3, v17  }
0x3a1: {  	v54 =	vadd.s32 v3, v18;
	v35 =	vadd.f32 v51, v24  }
0x3a2: {  	[tilespmem:s22+$0xFFFFFFF0] =	vst v32;
	s19 =	sadd.s32 $0x40, s21;
	v55 =	vadd.s32 v3, v19;
	v33 =	vadd.f32 v33, v23  }
0x3a3: {  	[tilespmem:s19+$0xFFFFFFE0] =	vst v35;
	v34 =	vadd.f32 v34, v22  }
0x3a4: {  	v35 =	vld.idx.msk [tilespmem:v52+s3+$0x0], $0xffff;
	v36 =	vadd.f32 v36, v20;
	[tilespmem:s19+$0x10] =	vst v33  }
0x3a5: {  	[tilespmem:s19+$0x0] =	vst v34;
	v33 =	vld.idx.msk [tilespmem:v53+s3+$0x0], $0xffff  }
0x3a6: {  	v28 =	vadd.f32 v28, v10;
	s20 =	sadd.s32 $0x40, s16;
	[tilespmem:s19+$0xFFFFFFF0] =	vst v36;
	v34 =	vld.idx.msk [tilespmem:v54+s3+$0x0], $0xffff  }
0x3a7: {  	v27 =	vadd.f32 v27, v11;
	v57 =	vadd.s32 v4, v16;
	[tilespmem:s20+$0xFFFFFFE0] =	vst v31;
	v56 =	vld.idx.msk [tilespmem:v55+s3+$0x0], $0xffff  }
0x3a8: {  	v26 =	vadd.f32 v26, v8;
	v29 =	vld.idx.msk [tilespmem:v29+s3+$0x0], $0xffff;
	[tilespmem:s20+$0x10] =	vst v28;
	v58 =	vadd.s32 v4, v17  }
0x3a9: {  	[tilespmem:s20+$0x0] =	vst v27;
	v25 =	vld.idx.msk [tilespmem:v25+s3+$0x0], $0xffff;
	v60 =	vadd.s32 v4, v18;
	v59 =	vadd.f32 v35, v24  }
0x3aa: {  	s1 =	sadd.s32 $0x40, s20;
	[tilespmem:s20+$0xFFFFFFF0] =	vst v26;
	v61 =	vld.idx.msk [tilespmem:v30+s3+$0x0], $0xffff;
	v62 =	vadd.s32 v4, v19;
	v33 =	vadd.f32 v33, v23  }
0x3ab: {  	v21 =	vld.idx.msk [tilespmem:v21+s3+$0x0], $0xffff;
	v63 =	vadd.s32 v5, v9;
	[tilespmem:s1+$0xFFFFFFE0] =	vst v59;
	v39 =	vadd.f32 v34, v22  }
0x3ac: {  	v40 =	vadd.s32 v5, v14;
	v32 =	vld.idx.msk [tilespmem:v57+s3+$0x0], $0xffff;
	v31 =	vadd.f32 v56, v20;
	[tilespmem:s1+$0x10] =	vst v33  }
0x3ad: {  	v41 =	vadd.s32 v5, v12;
	v29 =	vadd.f32 v29, v15;
	[tilespmem:s1+$0x0] =	vst v39;
	v42 =	vld.idx.msk [tilespmem:v58+s3+$0x0], $0xffff  }
0x3ae: {  	s21 =	sadd.s32 $0x40, s15;
	v43 =	vadd.s32 v5, v13;
	v25 =	vadd.f32 v25, v10;
	[tilespmem:s1+$0xFFFFFFF0] =	vst v31;
	v44 =	vld.idx.msk [tilespmem:v60+s3+$0x0], $0xffff  }
0x3af: {  	[tilespmem:s21+$0xFFFFFFE0] =	vst v29;
	v26 =	vadd.f32 v61, v11;
	v46 =	vadd.s32 v5, v16;
	v45 =	vld.idx.msk [tilespmem:v62+s3+$0x0], $0xffff  }
0x3b0: {  	v21 =	vadd.f32 v21, v8;
	[tilespmem:s21+$0x10] =	vst v25;
	v48 =	vadd.s32 v5, v17;
	v47 =	vld.idx.msk [tilespmem:v63+s3+$0x0], $0xffff  }
0x3b1: {  	[tilespmem:s21+$0x0] =	vst v26;
	v50 =	vadd.s32 v5, v18;
	v49 =	vld.idx.msk [tilespmem:v40+s3+$0x0], $0xffff;
	v32 =	vadd.f32 v32, v24  }
0x3b2: {  	[tilespmem:s21+$0xFFFFFFF0] =	vst v21;
	v51 =	vld.idx.msk [tilespmem:v41+s3+$0x0], $0xffff;
	v52 =	vadd.s32 v5, v19;
	s1 =	sadd.s32 $0x40, s21;
	v27 =	vadd.f32 v42, v23  }
0x3b3: {  	v28 =	vld.idx.msk [tilespmem:v43+s3+$0x0], $0xffff;
	v53 =	vadd.s32 v6, v9;
	[tilespmem:s1+$0xFFFFFFE0] =	vst v32;
	v31 =	vadd.f32 v44, v22  }
0x3b4: {  	v54 =	vadd.s32 v6, v14;
	v30 =	vld.idx.msk [tilespmem:v46+s3+$0x0], $0xffff;
	v29 =	vadd.f32 v45, v20;
	[tilespmem:s1+$0x10] =	vst v27  }
0x3b5: {  	v55 =	vadd.f32 v47, v15;
	v56 =	vadd.s32 v6, v12;
	[tilespmem:s1+$0x0] =	vst v31;
	v25 =	vld.idx.msk [tilespmem:v48+s3+$0x0], $0xffff  }
0x3b6: {  	v26 =	vadd.f32 v49, v10;
	v57 =	vadd.s32 v6, v13;
	[tilespmem:s1+$0xFFFFFFF0] =	vst v29;
	v31 =	vld.idx.msk [tilespmem:v50+s3+$0x0], $0xffff  }
0x3b7: {  	v21 =	vadd.f32 v51, v11;
	[tilespmem:s31+$0xFFFFFFE0] =	vst v55;
	v59 =	vadd.s32 v6, v16;
	v58 =	vld.idx.msk [tilespmem:v52+s3+$0x0], $0xffff  }
0x3b8: {  	v28 =	vadd.f32 v28, v8;
	v61 =	vadd.s32 v6, v17;
	[tilespmem:s31+$0x10] =	vst v26;
	v60 =	vld.idx.msk [tilespmem:v53+s3+$0x0], $0xffff  }
0x3b9: {  	v63 =	vadd.s32 v6, v18;
	[tilespmem:s31+$0x0] =	vst v21;
	v62 =	vld.idx.msk [tilespmem:v54+s3+$0x0], $0xffff;
	v30 =	vadd.f32 v30, v24  }
0x3ba: {  	s22 =	sadd.s32 $0x40, s31;
	v37 =	vadd.s32 v6, v19;
	[tilespmem:s31+$0xFFFFFFF0] =	vst v28;
	v36 =	vld.idx.msk [tilespmem:v56+s3+$0x0], $0xffff;
	v25 =	vadd.f32 v25, v23  }
0x3bb: {  	v38 =	vadd.s32 v7, v9;
	v29 =	vld.idx.msk [tilespmem:v57+s3+$0x0], $0xffff;
	[tilespmem:s22+$0xFFFFFFE0] =	vst v30;
	v39 =	vadd.f32 v31, v22  }
0x3bc: {  	v40 =	vadd.s32 v7, v14;
	v41 =	vld.idx.msk [tilespmem:v59+s3+$0x0], $0xffff;
	v27 =	vadd.f32 v58, v20;
	[tilespmem:s22+$0x10] =	vst v25  }
0x3bd: {  	v43 =	vadd.s32 v7, v12;
	v42 =	vadd.f32 v60, v15;
	[tilespmem:s22+$0x0] =	vst v39;
	v26 =	vld.idx.msk [tilespmem:v61+s3+$0x0], $0xffff  }
0x3be: {  	v44 =	vadd.s32 v7, v13;
	v21 =	vadd.f32 v62, v10;
	[tilespmem:s22+$0xFFFFFFF0] =	vst v27;
	v45 =	vld.idx.msk [tilespmem:v63+s3+$0x0], $0xffff  }
0x3bf: {  	[tilespmem:s30+$0xFFFFFFE0] =	vst v42;
	v48 =	vadd.s32 v7, v16;
	v46 =	vadd.f32 v36, v11;
	v47 =	vld.idx.msk [tilespmem:v37+s3+$0x0], $0xffff  }
0x3c0: {  	v49 =	vadd.s32 v7, v17;
	v9 =	vld.idx.msk [tilespmem:v38+s3+$0x0], $0xffff;
	[tilespmem:s30+$0x10] =	vst v21;
	v29 =	vadd.f32 v29, v8  }
0x3c1: {  	v51 =	vadd.s32 v7, v18;
	v14 =	vld.idx.msk [tilespmem:v40+s3+$0x0], $0xffff;
	[tilespmem:s30+$0x0] =	vst v46;
	v50 =	vadd.f32 v41, v24  }
0x3c2: {  	s23 =	sadd.s32 $0x40, s30;
	v52 =	vadd.s32 v7, v19;
	v12 =	vld.idx.msk [tilespmem:v43+s3+$0x0], $0xffff;
	[tilespmem:s30+$0xFFFFFFF0] =	vst v29;
	v53 =	vadd.f32 v26, v23  }
0x3c3: {  	v13 =	vld.idx.msk [tilespmem:v44+s3+$0x0], $0xffff;
	[tilespmem:s23+$0xFFFFFFE0] =	vst v50;
	v54 =	vadd.f32 v45, v22  }
0x3c4: {  	v16 =	vld.idx.msk [tilespmem:v48+s3+$0x0], $0xffff;
	v55 =	vadd.f32 v47, v20;
	[tilespmem:s23+$0x10] =	vst v53  }
0x3c5: {  	v9 =	vadd.f32 v9, v15;
	[tilespmem:s23+$0x0] =	vst v54;
	v56 =	vld.idx.msk [tilespmem:v49+s3+$0x0], $0xffff  }
0x3c6: {  	v57 =	vadd.f32 v14, v10;
	[tilespmem:s23+$0xFFFFFFF0] =	vst v55;
	v58 =	vld.idx.msk [tilespmem:v51+s3+$0x0], $0xffff  }
0x3c7: {  	[tilespmem:s17+$0xFFFFFFE0] =	vst v9;
	v59 =	vadd.f32 v12, v11;
	v60 =	vld.idx.msk [tilespmem:v52+s3+$0x0], $0xffff  }
0x3c8: {  	[tilespmem:s17+$0x10] =	vst v57;
	v8 =	vadd.f32 v13, v8  }
0x3c9: {  	[tilespmem:s17+$0x0] =	vst v59;
	v61 =	vadd.f32 v16, v24  }
0x3ca: {  	s30 =	sadd.s32 $0x40, s17;
	[tilespmem:s17+$0xFFFFFFF0] =	vst v8;
	v8 =	vadd.f32 v56, v23  }
0x3cb: {  	s2 =	sor.u32 $0x1000, s5;
	[tilespmem:s30+$0xFFFFFFE0] =	vst v61;
	v62 =	vadd.f32 v58, v22  }
0x3cc: {  	s31 =	sadd.s32 s7, s2;
	v63 =	vadd.f32 v60, v20;
	[tilespmem:s30+$0x10] =	vst v8  }
0x3cd: {  	s15 =	sshrl.u32 s31, $0x3;
	s17 =	sadd.s32 s8, s2;
	[tilespmem:s30+$0x0] =	vst v62  }
0x3ce: {  	s16 =	simm.s32 $0x10100;
	s15 =	sadd.s32 s6, s15;
	s1 =	sshrl.u32 s17, $0x3;
	[tilespmem:s30+$0xFFFFFFF0] =	vst v63  }
0x3cf: {  	[hbm4b:s15+s3] =	stream.linear.scatter [tilespmem:s16], [sflag:$0x4], $0x1000, $0x38;
	[tilespmem:$0x18100] =	vst v63  }
0x3d0: {  	s20 =	sadd.s32 s9, s2;
	s19 =	simm.s32 $0x11100;
	s1 =	sadd.s32 s6, s1  }
0x3d1: {  	[hbm4b:s1+s3] =	stream.linear.scatter [tilespmem:s19], [sflag:$0x4], $0x1000, $0x38;
	[tilespmem:$0x18100] =	vst v63  }
0x3d2: {  	s1 =	sshrl.u32 s20, $0x3  }
0x3d3: {  	s21 =	simm.s32 $0x12100;
	s22 =	sadd.s32 s10, s2;
	s1 =	sadd.s32 s6, s1  }
0x3d4: {  	[hbm4b:s1+s3] =	stream.linear.scatter [tilespmem:s21], [sflag:$0x4], $0x1000, $0x38;
	[tilespmem:$0x18100] =	vst v63  }
0x3d5: {  	s1 =	sshrl.u32 s22, $0x3  }
0x3d6: {  	s23 =	simm.s32 $0x13100;
	s30 =	sadd.s32 s11, s2;
	s1 =	sadd.s32 s6, s1  }
0x3d7: {  	[hbm4b:s1+s3] =	stream.linear.scatter [tilespmem:s23], [sflag:$0x4], $0x1000, $0x38;
	[tilespmem:$0x18100] =	vst v63  }
0x3d8: {  	s1 =	sshrl.u32 s30, $0x3  }
0x3d9: {  	s31 =	simm.s32 $0x14100;
	s15 =	sadd.s32 s12, s2;
	s1 =	sadd.s32 s6, s1  }
0x3da: {  	[hbm4b:s1+s3] =	stream.linear.scatter [tilespmem:s31], [sflag:$0x4], $0x1000, $0x38;
	[tilespmem:$0x18100] =	vst v63  }
0x3db: {  	s1 =	sshrl.u32 s15, $0x3  }
0x3dc: {  	s17 =	sadd.s32 s13, s2;
	s16 =	simm.s32 $0x15100;
	s1 =	sadd.s32 s6, s1  }
0x3dd: {  	[hbm4b:s1+s3] =	stream.linear.scatter [tilespmem:s16], [sflag:$0x4], $0x1000, $0x38;
	[tilespmem:$0x18100] =	vst v63  }
0x3de: {  	s28 =	sadd.s32 $0x1, s28;
	s1 =	sshrl.u32 s17, $0x3  }
0x3df: {  	s19 =	simm.s32 $0x16100;
	s20 =	sadd.s32 s14, s2;
	s1 =	sadd.s32 s6, s1  }
0x3e0: {  	[hbm4b:s1+s3] =	stream.linear.scatter [tilespmem:s19], [sflag:$0x4], $0x1000, $0x38;
	[tilespmem:$0x18100] =	vst v63  }
0x3e1: {  	p0 =	sne.s32 s28, $0x20;
	s1 =	sshrl.u32 s20, $0x3  }
0x3e2: {  	s21 =	simm.s32 $0x17100;
	s22 =	sadd.s32 s5, s29;
	s1 =	sadd.s32 s6, s1  }
0x3e3: {  	[hbm4b:s1+s3] =	stream.linear.scatter [tilespmem:s21], [sflag:$0x4], $0x1000, $0x38;
	[tilespmem:$0x18100] =	vst v63  }
.Ltmp4:
0x3e4: {  	s1 =	sshrl.u32 s22, $0x3;
	(pc) =	sbr.rel @p0 .LBB2_6-.Ltmp4, $4  }
0x3e5: {  	s30 =	simm.s32 $0x5100;
	s23 =	sadd.s32 s4, s1  }
0x3e6: {  	[tilespmem:s30], [sflag:$0x2] =	stream.linear.gather [hbm4b:s23+s3], $0x1000, $0x38;
	[tilespmem:$0x18100] =	vst v63  }
0x3e7: {  	s31 =	simm.s32 $0x7100;
	s1 =	sadd.s32 s26, s1  }
0x3e8: {  	[tilespmem:s31], [sflag:$0x2] =	stream.linear.gather [hbm4b:s1+s3], $0x1000, $0x38;
	[tilespmem:$0x18100] =	vst v63  }
0x3e9: {  	_ =	swait.ge [sflag:s18], $0x1000  }
0x3ea: {  	[sflag:s18] =	ssyncset.done $0x0  }
0x3eb: {  	[sflag:s18] =	ssyncadd.s32 $0xFFFFF000  }
0x3ec: {  	_ =	swait.ge [sflag:s18], $0x1000  }
0x3ed: {  	[sflag:s18] =	ssyncset.done $0x0  }
0x3ee: {  	[sflag:s18] =	ssyncadd.s32 $0xFFFFF000  }
0x3ef: {  	_ =	swait.ge [sflag:s0], $0x1000  }
0x3f0: {  	[sflag:s0] =	ssyncset.done $0x0  }
0x3f1: {  	[sflag:s0] =	ssyncadd.s32 $0xFFFFF000  }
0x3f2: {  	_ =	swait.ge [sflag:s0], $0x1000  }
0x3f3: {  	[sflag:s0] =	ssyncset.done $0x0  }
0x3f4: {  	[sflag:s0] =	ssyncadd.s32 $0xFFFFF000  }
0x3f5: {  	_ =	swait.ge [sflag:s0], $0x1000  }
0x3f6: {  	[sflag:s0] =	ssyncset.done $0x0  }
0x3f7: {  	[sflag:s0] =	ssyncadd.s32 $0xFFFFF000  }
0x3f8: {  	_ =	swait.ge [sflag:s0], $0x1000  }
0x3f9: {  	[sflag:s0] =	ssyncset.done $0x0  }
0x3fa: {  	[sflag:s0] =	ssyncadd.s32 $0xFFFFF000  }
0x3fb: {  	_ =	swait.ge [sflag:s0], $0x1000  }
0x3fc: {  	[sflag:s0] =	ssyncset.done $0x0  }
0x3fd: {  	[sflag:s0] =	ssyncadd.s32 $0xFFFFF000  }
0x3fe: {  	_ =	swait.ge [sflag:s0], $0x1000  }
0x3ff: {  	[sflag:s0] =	ssyncset.done $0x0  }
0x400: {  	[sflag:s0] =	ssyncadd.s32 $0xFFFFF000  }
0x401: {  	_ =	swait.ge [sflag:s0], $0x1000  }
0x402: {  	[sflag:s0] =	ssyncset.done $0x0  }
0x403: {  	[sflag:s0] =	ssyncadd.s32 $0xFFFFF000  }
0x404: {  	_ =	swait.ge [sflag:s0], $0x1000  }
0x405: {  	[sflag:s0] =	ssyncset.done $0x0  }
0x406: {  	s1 =	simm.s32 $0x4120;
	[sflag:s0] =	ssyncadd.s32 $0xFFFFF000  }
0x407: {  	v25 =	vld [tilespmem:s1+$0xFFFFFFE0];
	_ =	sdelay $0x1  }
0x408: {  	v24 =	vld [tilespmem:s1+$0x10]  }
0x409: {  	v23 =	vld [tilespmem:s1+$0x0];
	_ =	sdelay $0x1  }
0x40a: {  	v16 =	vld [tilespmem:s1+$0xFFFFFFF0];
	v8 =	vadd.s32 v0, v25  }
0x40b: {  	s20 =	simm.s32 $0x6120  }
0x40c: {  	v9 =	vld [tilespmem:s20+$0xFFFFFFF0];
	v10 =	vadd.s32 v0, v24  }
0x40d: {  	v13 =	vld [tilespmem:s20+$0xFFFFFFE0];
	v12 =	vadd.s32 v0, v23  }
0x40e: {  	v15 =	vld [tilespmem:s20+$0x10]  }
0x40f: {  	v14 =	vadd.s32 v0, v16;
	v8 =	vld.idx.msk [tilespmem:v8+s3+$0x0], $0xffff  }
0x410: {  	v11 =	vld [tilespmem:s20+$0x0]  }
0x411: {  	v10 =	vld.idx.msk [tilespmem:v10+s3+$0x0], $0xffff  }
0x412: {  	v21 =	vadd.f32 v13, v13;
	v13 =	vadd.s32 v1, v25;
	v12 =	vld.idx.msk [tilespmem:v12+s3+$0x0], $0xffff;
	_ =	sdelay $0x1  }
0x413: {  	v17 =	vadd.f32 v15, v15;
	v15 =	vadd.s32 v1, v24;
	v14 =	vld.idx.msk [tilespmem:v14+s3+$0x0], $0xffff;
	v8 =	vadd.f32 v8, v21  }
0x414: {  	s21 =	simm.s32 $0x8120;
	v18 =	vadd.f32 v11, v11;
	v11 =	vadd.s32 v1, v23  }
0x415: {  	v10 =	vadd.f32 v10, v17;
	[tilespmem:s21+$0xFFFFFFE0] =	vst v8  }
0x416: {  	v19 =	vadd.f32 v9, v9;
	v9 =	vadd.s32 v1, v16;
	v8 =	vadd.f32 v12, v18;
	v12 =	vld.idx.msk [tilespmem:v13+s3+$0x0], $0xffff  }
0x417: {  	[tilespmem:s21+$0x10] =	vst v10  }
0x418: {  	v13 =	vadd.f32 v14, v19;
	[tilespmem:s21+$0x0] =	vst v8;
	v8 =	vld.idx.msk [tilespmem:v15+s3+$0x0], $0xffff  }
0x419: {  	v10 =	vld.idx.msk [tilespmem:v11+s3+$0x0], $0xffff;
	v11 =	vadd.s32 v2, v25  }
0x41a: {  	[tilespmem:s21+$0xFFFFFFF0] =	vst v13  }
0x41b: {  	v13 =	vadd.s32 v2, v24;
	v9 =	vld.idx.msk [tilespmem:v9+s3+$0x0], $0xffff;
	v12 =	vadd.f32 v12, v21  }
0x41c: {  	s22 =	simm.s32 $0x9120  }
0x41d: {  	v14 =	vadd.s32 v2, v23;
	v8 =	vadd.f32 v8, v17;
	[tilespmem:s22+$0xFFFFFFE0] =	vst v12  }
0x41e: {  	v15 =	vadd.s32 v2, v16;
	v11 =	vld.idx.msk [tilespmem:v11+s3+$0x0], $0xffff  }
0x41f: {  	v10 =	vadd.f32 v10, v18;
	[tilespmem:s22+$0x10] =	vst v8  }
0x420: {  	s23 =	simm.s32 $0x6160;
	v9 =	vadd.f32 v9, v19;
	v8 =	vld.idx.msk [tilespmem:v13+s3+$0x0], $0xffff  }
0x421: {  	v22 =	vld [tilespmem:s23+$0x0];
	[tilespmem:s22+$0x0] =	vst v10;
	v13 =	vadd.s32 v3, v25  }
0x422: {  	[tilespmem:s22+$0xFFFFFFF0] =	vst v9;
	v10 =	vld.idx.msk [tilespmem:v14+s3+$0x0], $0xffff  }
0x423: {  	v14 =	vadd.s32 v3, v24;
	v12 =	vld.idx.msk [tilespmem:v15+s3+$0x0], $0xffff;
	v11 =	vadd.f32 v11, v21  }
0x424: {  	s2 =	simm.s32 $0xA120;
	s5 =	simm.s32 $0x4160;
	v30 =	vld [tilespmem:s23+$0x10]  }
0x425: {  	v20 =	vadd.s32 v3, v23;
	v9 =	vld [tilespmem:s5+$0xFFFFFFE0];
	v8 =	vadd.f32 v8, v17;
	[tilespmem:s2+$0xFFFFFFE0] =	vst v11  }
0x426: {  	v26 =	vadd.s32 v3, v16;
	v11 =	vld.idx.msk [tilespmem:v13+s3+$0x0], $0xffff  }
0x427: {  	v10 =	vadd.f32 v10, v18;
	[tilespmem:s2+$0x10] =	vst v8;
	v13 =	vld [tilespmem:s5+$0x0]  }
0x428: {  	v12 =	vadd.f32 v12, v19;
	v8 =	vld.idx.msk [tilespmem:v14+s3+$0x0], $0xffff  }
0x429: {  	[tilespmem:s2+$0x0] =	vst v10;
	v14 =	vld [tilespmem:s5+$0x10]  }
0x42a: {  	v32 =	vadd.s32 v0, v9;
	[tilespmem:s2+$0xFFFFFFF0] =	vst v12;
	v10 =	vld.idx.msk [tilespmem:v20+s3+$0x0], $0xffff  }
0x42b: {  	v20 =	vld.idx.msk [tilespmem:v26+s3+$0x0], $0xffff;
	v26 =	vadd.s32 v4, v25  }
0x42c: {  	v31 =	vld [tilespmem:s23+$0xFFFFFFE0];
	v27 =	vadd.s32 v4, v24  }
0x42d: {  	v28 =	vadd.s32 v4, v23;
	v12 =	vld [tilespmem:s5+$0xFFFFFFF0];
	v11 =	vadd.f32 v11, v21  }
0x42e: {  	s15 =	simm.s32 $0xB120;
	v29 =	vadd.s32 v4, v16;
	v15 =	vld [tilespmem:s23+$0xFFFFFFF0];
	v8 =	vadd.f32 v8, v17  }
0x42f: {  	v32 =	vld.idx.msk [tilespmem:v32+s3+$0x0], $0xffff;
	v33 =	vadd.s32 v0, v13;
	[tilespmem:s15+$0xFFFFFFE0] =	vst v11;
	v10 =	vadd.f32 v10, v18  }
0x430: {  	v11 =	vadd.s32 v0, v14;
	v26 =	vld.idx.msk [tilespmem:v26+s3+$0x0], $0xffff;
	v20 =	vadd.f32 v20, v19;
	[tilespmem:s15+$0x10] =	vst v8  }
0x431: {  	[tilespmem:s15+$0x0] =	vst v10;
	v27 =	vld.idx.msk [tilespmem:v27+s3+$0x0], $0xffff  }
0x432: {  	v34 =	vadd.s32 v0, v12;
	[tilespmem:s15+$0xFFFFFFF0] =	vst v20;
	v28 =	vld.idx.msk [tilespmem:v28+s3+$0x0], $0xffff  }
0x433: {  	v35 =	vadd.s32 v5, v25;
	v29 =	vld.idx.msk [tilespmem:v29+s3+$0x0], $0xffff  }
0x434: {  	v37 =	vadd.s32 v5, v24;
	v8 =	vadd.f32 v15, v15;
	v15 =	vadd.f32 v31, v31;
	v33 =	vld.idx.msk [tilespmem:v33+s3+$0x0], $0xffff  }
0x435: {  	s1 =	simm.s32 $0x61A0;
	v10 =	vadd.f32 v30, v30;
	v30 =	vadd.s32 v5, v23;
	v36 =	vld.idx.msk [tilespmem:v11+s3+$0x0], $0xffff;
	v26 =	vadd.f32 v26, v21  }
0x436: {  	s5 =	simm.s32 $0xC120;
	v20 =	vld [tilespmem:s1+$0xFFFFFFF0];
	v11 =	vadd.f32 v22, v22;
	v22 =	vadd.s32 v5, v16;
	v27 =	vadd.f32 v27, v17  }
0x437: {  	v31 =	vadd.s32 v1, v9;
	v34 =	vld.idx.msk [tilespmem:v34+s3+$0x0], $0xffff;
	[tilespmem:s5+$0xFFFFFFE0] =	vst v26;
	v26 =	vadd.f32 v28, v18  }
0x438: {  	v28 =	vadd.s32 v1, v14;
	v35 =	vld.idx.msk [tilespmem:v35+s3+$0x0], $0xffff;
	v29 =	vadd.f32 v29, v19;
	[tilespmem:s5+$0x10] =	vst v27  }
0x439: {  	v27 =	vadd.f32 v32, v15;
	[tilespmem:s5+$0x0] =	vst v26;
	v26 =	vld.idx.msk [tilespmem:v37+s3+$0x0], $0xffff  }
0x43a: {  	s19 =	simm.s32 $0x8160;
	v50 =	vadd.s32 v1, v13;
	v36 =	vadd.f32 v36, v10;
	[tilespmem:s5+$0xFFFFFFF0] =	vst v29;
	v29 =	vld.idx.msk [tilespmem:v30+s3+$0x0], $0xffff  }
0x43b: {  	v51 =	vadd.s32 v1, v12;
	[tilespmem:s19+$0xFFFFFFE0] =	vst v27;
	v27 =	vadd.f32 v33, v11;
	v30 =	vld.idx.msk [tilespmem:v22+s3+$0x0], $0xffff  }
0x43c: {  	v52 =	vadd.s32 v6, v25;
	v54 =	vadd.s32 v6, v23;
	v31 =	vld.idx.msk [tilespmem:v31+s3+$0x0], $0xffff;
	[tilespmem:s19+$0x10] =	vst v36  }
0x43d: {  	s23 =	simm.s32 $0x41A0;
	v22 =	vadd.f32 v34, v8;
	[tilespmem:s19+$0x0] =	vst v27;
	v27 =	vld.idx.msk [tilespmem:v28+s3+$0x0], $0xffff;
	v28 =	vadd.s32 v6, v24  }
0x43e: {  	v56 =	vadd.s32 v6, v16;
	v60 =	vadd.s32 v7, v16;
	v16 =	vld [tilespmem:s23+$0xFFFFFFE0];
	v53 =	vadd.f32 v35, v21  }
0x43f: {  	s30 =	simm.s32 $0xD120;
	[tilespmem:s19+$0xFFFFFFF0] =	vst v22;
	v32 =	vld.idx.msk [tilespmem:v50+s3+$0x0], $0xffff;
	v26 =	vadd.f32 v26, v17  }
0x440: {  	v38 =	vadd.s32 v2, v9;
	v55 =	vld.idx.msk [tilespmem:v51+s3+$0x0], $0xffff;
	[tilespmem:s30+$0xFFFFFFE0] =	vst v53;
	v29 =	vadd.f32 v29, v18  }
0x441: {  	v57 =	vadd.s32 v2, v14;
	v33 =	vld.idx.msk [tilespmem:v52+s3+$0x0], $0xffff;
	v30 =	vadd.f32 v30, v19;
	[tilespmem:s30+$0x10] =	vst v26  }
0x442: {  	v26 =	vadd.f32 v31, v15;
	v31 =	vadd.s32 v2, v13;
	[tilespmem:s30+$0x0] =	vst v29;
	v28 =	vld.idx.msk [tilespmem:v28+s3+$0x0], $0xffff  }
0x443: {  	s20 =	simm.s32 $0x9160;
	v27 =	vadd.f32 v27, v10;
	[tilespmem:s30+$0xFFFFFFF0] =	vst v30;
	v30 =	vld.idx.msk [tilespmem:v54+s3+$0x0], $0xffff  }
0x444: {  	v29 =	vadd.s32 v2, v12;
	[tilespmem:s20+$0xFFFFFFE0] =	vst v26;
	v26 =	vadd.f32 v32, v11;
	v58 =	vld.idx.msk [tilespmem:v56+s3+$0x0], $0xffff  }
0x445: {  	v25 =	vadd.s32 v7, v25;
	v59 =	vld.idx.msk [tilespmem:v38+s3+$0x0], $0xffff;
	[tilespmem:s20+$0x10] =	vst v27  }
0x446: {  	v24 =	vadd.s32 v7, v24;
	v36 =	vadd.f32 v55, v8;
	[tilespmem:s20+$0x0] =	vst v26;
	v26 =	vld.idx.msk [tilespmem:v57+s3+$0x0], $0xffff  }
0x447: {  	v23 =	vadd.s32 v7, v23;
	v27 =	vld.idx.msk [tilespmem:v31+s3+$0x0], $0xffff;
	v31 =	vadd.f32 v33, v21  }
0x448: {  	s31 =	simm.s32 $0xE120;
	v22 =	vld [tilespmem:s1+$0x0];
	[tilespmem:s20+$0xFFFFFFF0] =	vst v36;
	v28 =	vadd.f32 v28, v17  }
0x449: {  	v61 =	vadd.s32 v3, v9;
	v29 =	vld.idx.msk [tilespmem:v29+s3+$0x0], $0xffff;
	[tilespmem:s31+$0xFFFFFFE0] =	vst v31;
	v30 =	vadd.f32 v30, v18  }
0x44a: {  	v31 =	vadd.s32 v3, v14;
	v25 =	vld.idx.msk [tilespmem:v25+s3+$0x0], $0xffff;
	v32 =	vadd.f32 v58, v19;
	[tilespmem:s31+$0x10] =	vst v28  }
0x44b: {  	v62 =	vadd.s32 v3, v13;
	v28 =	vadd.f32 v59, v15;
	[tilespmem:s31+$0x0] =	vst v30;
	v24 =	vld.idx.msk [tilespmem:v24+s3+$0x0], $0xffff  }
0x44c: {  	s21 =	simm.s32 $0xA160;
	v30 =	vadd.s32 v3, v12;
	v26 =	vadd.f32 v26, v10;
	[tilespmem:s31+$0xFFFFFFF0] =	vst v32;
	v23 =	vld.idx.msk [tilespmem:v23+s3+$0x0], $0xffff  }
0x44d: {  	[tilespmem:s21+$0xFFFFFFE0] =	vst v28;
	v27 =	vadd.f32 v27, v11;
	v32 =	vld.idx.msk [tilespmem:v60+s3+$0x0], $0xffff  }
0x44e: {  	v63 =	vld.idx.msk [tilespmem:v61+s3+$0x0], $0xffff;
	v29 =	vadd.f32 v29, v8;
	[tilespmem:s21+$0x10] =	vst v26  }
0x44f: {  	[tilespmem:s21+$0x0] =	vst v27;
	v28 =	vld.idx.msk [tilespmem:v31+s3+$0x0], $0xffff  }
0x450: {  	[tilespmem:s21+$0xFFFFFFF0] =	vst v29;
	v27 =	vld.idx.msk [tilespmem:v62+s3+$0x0], $0xffff;
	v21 =	vadd.f32 v25, v21  }
0x451: {  	s22 =	simm.s32 $0xF120;
	v26 =	vld.idx.msk [tilespmem:v30+s3+$0x0], $0xffff;
	v24 =	vadd.f32 v24, v17  }
0x452: {  	v29 =	vadd.s32 v4, v9;
	v17 =	vld [tilespmem:s23+$0x10];
	[tilespmem:s22+$0xFFFFFFE0] =	vst v21;
	v23 =	vadd.f32 v23, v18  }
0x453: {  	s28 =	simm.s32 $0xD160;
	v25 =	vadd.s32 v4, v14;
	v18 =	vld [tilespmem:s23+$0x0];
	[tilespmem:s22+$0x10] =	vst v24;
	v32 =	vadd.f32 v32, v19  }
0x454: {  	s17 =	simm.s32 $0xE160;
	s16 =	simm.s32 $0xF160;
	s2 =	simm.s32 $0x80;
	v30 =	vadd.s32 v4, v13;
	v21 =	vadd.s32 v4, v12;
	v19 =	vld [tilespmem:s23+$0xFFFFFFF0];
	v31 =	vadd.f32 v63, v15;
	[tilespmem:s22+$0x0] =	vst v23  }
.LBB2_12:
0x455: {  	s2 =	sadd.s32 $0x40, s2;
	v24 =	vld [tilespmem:s1+$0x10];
	v23 =	vadd.f32 v28, v10;
	[tilespmem:s22+$0xFFFFFFF0] =	vst v32;
	s15 =	sadd.s32 $0x40, s15;
	s5 =	sadd.s32 $0x40, s5  }
0x456: {  	v32 =	vadd.s32 v0, v16;
	v27 =	vadd.f32 v27, v11;
	s22 =	smov.u32 s16;
	p0 =	slt.u32 s2, $0x3C0;
	v28 =	vld [tilespmem:s1+$0xFFFFFFE0];
	[tilespmem:s15+$0xFFFFFFE0] =	vst v31  }
0x457: {  	v26 =	vadd.f32 v26, v8;
	v31 =	vadd.s32 v0, v17;
	v29 =	vld.idx.msk [tilespmem:v29+s3+$0x0], $0xffff;
	[tilespmem:s15+$0x10] =	vst v23  }
0x458: {  	v33 =	vadd.s32 v0, v18;
	[tilespmem:s15+$0x0] =	vst v27;
	v27 =	vld.idx.msk [tilespmem:v25+s3+$0x0], $0xffff  }
0x459: {  	v34 =	vadd.s32 v0, v19;
	v35 =	vadd.s32 v2, v19;
	[tilespmem:s15+$0xFFFFFFF0] =	vst v26;
	v26 =	vld.idx.msk [tilespmem:v30+s3+$0x0], $0xffff  }
0x45a: {  	v30 =	vld.idx.msk [tilespmem:v21+s3+$0x0], $0xffff;
	v21 =	vadd.s32 v4, v19  }
0x45b: {  	v36 =	vadd.s32 v5, v9;
	v32 =	vld.idx.msk [tilespmem:v32+s3+$0x0], $0xffff  }
0x45c: {  	v37 =	vadd.s32 v5, v14;
	v23 =	vadd.f32 v20, v20;
	v31 =	vld.idx.msk [tilespmem:v31+s3+$0x0], $0xffff  }
0x45d: {  	v38 =	vadd.s32 v5, v13;
	v25 =	vadd.f32 v24, v24;
	v29 =	vadd.f32 v29, v15;
	v33 =	vld.idx.msk [tilespmem:v33+s3+$0x0], $0xffff  }
0x45e: {  	s1 =	sadd.s32 $0x40, s1;
	v24 =	vadd.f32 v22, v22;
	v22 =	vadd.s32 v5, v12;
	v27 =	vadd.f32 v27, v10;
	v34 =	vld.idx.msk [tilespmem:v34+s3+$0x0], $0xffff  }
0x45f: {  	v39 =	vadd.f32 v28, v28;
	v28 =	vadd.s32 v1, v16;
	v26 =	vadd.f32 v26, v11;
	v20 =	vld [tilespmem:s1+$0xFFFFFFF0];
	[tilespmem:s5+$0xFFFFFFE0] =	vst v29  }
0x460: {  	v29 =	vadd.s32 v1, v17;
	v30 =	vadd.f32 v30, v8;
	v36 =	vld.idx.msk [tilespmem:v36+s3+$0x0], $0xffff;
	[tilespmem:s5+$0x10] =	vst v27  }
0x461: {  	v27 =	vadd.f32 v32, v39;
	v32 =	vadd.s32 v1, v18;
	[tilespmem:s5+$0x0] =	vst v26;
	v26 =	vld.idx.msk [tilespmem:v37+s3+$0x0], $0xffff  }
0x462: {  	s19 =	sadd.s32 $0x40, s19;
	v37 =	vadd.s32 v1, v19;
	v31 =	vadd.f32 v31, v25;
	[tilespmem:s5+$0xFFFFFFF0] =	vst v30;
	v30 =	vld.idx.msk [tilespmem:v38+s3+$0x0], $0xffff  }
0x463: {  	[tilespmem:s19+$0xFFFFFFE0] =	vst v27;
	v27 =	vadd.f32 v33, v24;
	v33 =	vld.idx.msk [tilespmem:v22+s3+$0x0], $0xffff  }
0x464: {  	v22 =	vadd.f32 v34, v23;
	v28 =	vld.idx.msk [tilespmem:v28+s3+$0x0], $0xffff;
	[tilespmem:s19+$0x10] =	vst v31;
	v31 =	vadd.s32 v6, v9  }
0x465: {  	[tilespmem:s19+$0x0] =	vst v27;
	v27 =	vld.idx.msk [tilespmem:v29+s3+$0x0], $0xffff;
	v29 =	vadd.s32 v6, v14  }
0x466: {  	v34 =	vadd.f32 v36, v15;
	v36 =	vadd.s32 v6, v13;
	[tilespmem:s19+$0xFFFFFFF0] =	vst v22;
	v32 =	vld.idx.msk [tilespmem:v32+s3+$0x0], $0xffff  }
0x467: {  	v38 =	vadd.s32 v6, v12;
	v26 =	vadd.f32 v26, v10;
	v37 =	vld.idx.msk [tilespmem:v37+s3+$0x0], $0xffff  }
0x468: {  	v40 =	vadd.s32 v2, v16;
	v30 =	vadd.f32 v30, v11;
	v22 =	vld [tilespmem:s1+$0x0];
	[tilespmem:s28+$0xFFFFFFE0] =	vst v34  }
0x469: {  	v34 =	vadd.s32 v2, v17;
	v33 =	vadd.f32 v33, v8;
	v31 =	vld.idx.msk [tilespmem:v31+s3+$0x0], $0xffff;
	[tilespmem:s28+$0x10] =	vst v26  }
0x46a: {  	v26 =	vadd.f32 v28, v39;
	v28 =	vadd.s32 v2, v18;
	[tilespmem:s28+$0x0] =	vst v30;
	v29 =	vld.idx.msk [tilespmem:v29+s3+$0x0], $0xffff  }
0x46b: {  	s20 =	sadd.s32 $0x40, s20;
	v27 =	vadd.f32 v27, v25;
	[tilespmem:s28+$0xFFFFFFF0] =	vst v33;
	v30 =	vld.idx.msk [tilespmem:v36+s3+$0x0], $0xffff  }
0x46c: {  	[tilespmem:s20+$0xFFFFFFE0] =	vst v26;
	v26 =	vadd.f32 v32, v24;
	v32 =	vld.idx.msk [tilespmem:v38+s3+$0x0], $0xffff  }
0x46d: {  	v36 =	vadd.f32 v37, v23;
	v33 =	vld.idx.msk [tilespmem:v40+s3+$0x0], $0xffff;
	[tilespmem:s20+$0x10] =	vst v27;
	v27 =	vadd.s32 v7, v9;
	v9 =	vmov v16  }
0x46e: {  	[tilespmem:s20+$0x0] =	vst v26;
	v26 =	vld.idx.msk [tilespmem:v34+s3+$0x0], $0xffff;
	v34 =	vadd.s32 v7, v14;
	v14 =	vmov v17  }
0x46f: {  	[tilespmem:s20+$0xFFFFFFF0] =	vst v36;
	v17 =	vld.idx.msk [tilespmem:v28+s3+$0x0], $0xffff;
	v28 =	vadd.f32 v31, v15;
	v31 =	vadd.s32 v7, v13;
	v13 =	vmov v18  }
0x470: {  	s23 =	sadd.s32 $0x40, s23;
	v29 =	vadd.f32 v29, v10;
	v18 =	vld.idx.msk [tilespmem:v35+s3+$0x0], $0xffff;
	v35 =	vadd.s32 v7, v12;
	v12 =	vmov v19  }
0x471: {  	v19 =	vadd.s32 v3, v9;
	v16 =	vld [tilespmem:s23+$0xFFFFFFE0];
	[tilespmem:s17+$0xFFFFFFE0] =	vst v28;
	v28 =	vadd.f32 v30, v11  }
0x472: {  	v30 =	vadd.s32 v3, v14;
	v36 =	vld.idx.msk [tilespmem:v27+s3+$0x0], $0xffff;
	v27 =	vadd.f32 v32, v8;
	[tilespmem:s17+$0x10] =	vst v29  }
0x473: {  	v29 =	vadd.f32 v33, v39;
	v32 =	vadd.s32 v3, v13;
	[tilespmem:s17+$0x0] =	vst v28;
	v33 =	vld.idx.msk [tilespmem:v34+s3+$0x0], $0xffff  }
0x474: {  	s21 =	sadd.s32 $0x40, s21;
	v34 =	vadd.s32 v3, v12;
	v26 =	vadd.f32 v26, v25;
	[tilespmem:s17+$0xFFFFFFF0] =	vst v27;
	v31 =	vld.idx.msk [tilespmem:v31+s3+$0x0], $0xffff  }
0x475: {  	v17 =	vadd.f32 v17, v24;
	[tilespmem:s21+$0xFFFFFFE0] =	vst v29;
	v35 =	vld.idx.msk [tilespmem:v35+s3+$0x0], $0xffff  }
0x476: {  	v18 =	vadd.f32 v18, v23;
	v37 =	vld.idx.msk [tilespmem:v19+s3+$0x0], $0xffff;
	[tilespmem:s21+$0x10] =	vst v26  }
0x477: {  	[tilespmem:s21+$0x0] =	vst v17;
	v28 =	vld.idx.msk [tilespmem:v30+s3+$0x0], $0xffff  }
.Ltmp5:
0x478: {  	[tilespmem:s21+$0xFFFFFFF0] =	vst v18;
	v27 =	vld.idx.msk [tilespmem:v32+s3+$0x0], $0xffff;
	v18 =	vadd.f32 v36, v15;
	v15 =	vmov v39;
	(pc) =	sbr.rel @p0 .LBB2_12-.Ltmp5, $4  }
0x479: {  	v19 =	vadd.f32 v33, v10;
	v10 =	vmov v25;
	v26 =	vld.idx.msk [tilespmem:v34+s3+$0x0], $0xffff  }
0x47a: {  	v29 =	vadd.s32 v4, v9;
	v33 =	vadd.f32 v31, v11;
	v11 =	vmov v24;
	v17 =	vld [tilespmem:s23+$0x10];
	[tilespmem:s16+$0xFFFFFFE0] =	vst v18  }
0x47b: {  	v25 =	vadd.s32 v4, v14;
	v32 =	vadd.f32 v35, v8;
	v8 =	vmov v23;
	v18 =	vld [tilespmem:s23+$0x0];
	[tilespmem:s16+$0x10] =	vst v19  }
0x47c: {  	s28 =	sadd.s32 $0x40, s28;
	s17 =	sadd.s32 $0x40, s17;
	v30 =	vadd.s32 v4, v13;
	v31 =	vadd.f32 v37, v15;
	s16 =	sadd.s32 $0x40, s16;
	v19 =	vld [tilespmem:s23+$0xFFFFFFF0];
	[tilespmem:s22+$0x0] =	vst v33  }
0x47d: {  	_ = 	snop  }
0x47e: {  	v23 =	vadd.s32 v0, v16  }
0x47f: {  	v24 =	vadd.s32 v0, v17  }
0x480: {  	v33 =	vadd.s32 v0, v18  }
0x481: {  	v34 =	vld [tilespmem:s1+$0xFFFFFFE0];
	v35 =	vadd.s32 v0, v19  }
0x482: {  	v36 =	vld [tilespmem:s1+$0x10]  }
0x483: {  	v37 =	vld.idx.msk [tilespmem:v23+s3+$0x0], $0xffff  }
0x484: {  	v38 =	vld.idx.msk [tilespmem:v24+s3+$0x0], $0xffff  }
0x485: {  	v33 =	vld.idx.msk [tilespmem:v33+s3+$0x0], $0xffff  }
0x486: {  	v55 =	vadd.s32 v1, v16;
	v24 =	vadd.f32 v34, v34;
	v35 =	vld.idx.msk [tilespmem:v35+s3+$0x0], $0xffff  }
0x487: {  	v56 =	vadd.s32 v1, v17;
	v23 =	vadd.f32 v36, v36  }
0x488: {  	v22 =	vadd.f32 v22, v22;
	v39 =	vadd.s32 v1, v18;
	v37 =	vadd.f32 v37, v24  }
0x489: {  	v20 =	vadd.f32 v20, v20;
	s30 =	sadd.s32 $0x40, s19;
	v40 =	vadd.s32 v1, v19;
	v38 =	vadd.f32 v38, v23  }
0x48a: {  	[tilespmem:s30+$0xFFFFFFE0] =	vst v37;
	v33 =	vadd.f32 v33, v22  }
0x48b: {  	v34 =	vld.idx.msk [tilespmem:v55+s3+$0x0], $0xffff;
	v35 =	vadd.f32 v35, v20;
	[tilespmem:s30+$0x10] =	vst v38  }
0x48c: {  	[tilespmem:s30+$0x0] =	vst v33;
	v57 =	vld.idx.msk [tilespmem:v56+s3+$0x0], $0xffff  }
0x48d: {  	[tilespmem:s30+$0xFFFFFFF0] =	vst v35;
	v58 =	vld.idx.msk [tilespmem:v39+s3+$0x0], $0xffff  }
0x48e: {  	v60 =	vadd.s32 v2, v16;
	v59 =	vld.idx.msk [tilespmem:v40+s3+$0x0], $0xffff  }
0x48f: {  	v61 =	vadd.s32 v2, v17  }
0x490: {  	v62 =	vadd.s32 v2, v18;
	v34 =	vadd.f32 v34, v24  }
0x491: {  	s31 =	sadd.s32 $0x40, s20;
	v63 =	vadd.s32 v2, v19;
	v33 =	vadd.f32 v57, v23  }
0x492: {  	[tilespmem:s31+$0xFFFFFFE0] =	vst v34;
	v44 =	vadd.f32 v58, v22  }
0x493: {  	v45 =	vld.idx.msk [tilespmem:v60+s3+$0x0], $0xffff;
	v36 =	vadd.f32 v59, v20;
	[tilespmem:s31+$0x10] =	vst v33  }
0x494: {  	[tilespmem:s31+$0x0] =	vst v44;
	v33 =	vld.idx.msk [tilespmem:v61+s3+$0x0], $0xffff  }
0x495: {  	[tilespmem:s31+$0xFFFFFFF0] =	vst v36;
	v34 =	vld.idx.msk [tilespmem:v62+s3+$0x0], $0xffff  }
0x496: {  	v46 =	vadd.s32 v3, v16;
	v36 =	vld.idx.msk [tilespmem:v63+s3+$0x0], $0xffff  }
0x497: {  	v47 =	vadd.s32 v3, v17  }
0x498: {  	v48 =	vadd.s32 v3, v18;
	v35 =	vadd.f32 v45, v24  }
0x499: {  	[tilespmem:s22+$0xFFFFFFF0] =	vst v32;
	s2 =	sadd.s32 $0x40, s21;
	v49 =	vadd.s32 v3, v19;
	v33 =	vadd.f32 v33, v23  }
0x49a: {  	[tilespmem:s2+$0xFFFFFFE0] =	vst v35;
	v34 =	vadd.f32 v34, v22  }
0x49b: {  	v35 =	vld.idx.msk [tilespmem:v46+s3+$0x0], $0xffff;
	v36 =	vadd.f32 v36, v20;
	[tilespmem:s2+$0x10] =	vst v33  }
0x49c: {  	[tilespmem:s2+$0x0] =	vst v34;
	v33 =	vld.idx.msk [tilespmem:v47+s3+$0x0], $0xffff  }
0x49d: {  	v28 =	vadd.f32 v28, v10;
	s15 =	sadd.s32 $0x40, s15;
	[tilespmem:s2+$0xFFFFFFF0] =	vst v36;
	v34 =	vld.idx.msk [tilespmem:v48+s3+$0x0], $0xffff  }
0x49e: {  	v27 =	vadd.f32 v27, v11;
	v51 =	vadd.s32 v4, v16;
	[tilespmem:s15+$0xFFFFFFE0] =	vst v31;
	v50 =	vld.idx.msk [tilespmem:v49+s3+$0x0], $0xffff  }
0x49f: {  	v26 =	vadd.f32 v26, v8;
	v29 =	vld.idx.msk [tilespmem:v29+s3+$0x0], $0xffff;
	[tilespmem:s15+$0x10] =	vst v28;
	v52 =	vadd.s32 v4, v17  }
0x4a0: {  	[tilespmem:s15+$0x0] =	vst v27;
	v25 =	vld.idx.msk [tilespmem:v25+s3+$0x0], $0xffff;
	v54 =	vadd.s32 v4, v18;
	v53 =	vadd.f32 v35, v24  }
0x4a1: {  	s1 =	sadd.s32 $0x40, s15;
	[tilespmem:s15+$0xFFFFFFF0] =	vst v26;
	v55 =	vld.idx.msk [tilespmem:v30+s3+$0x0], $0xffff;
	v56 =	vadd.s32 v4, v19;
	v33 =	vadd.f32 v33, v23  }
0x4a2: {  	v21 =	vld.idx.msk [tilespmem:v21+s3+$0x0], $0xffff;
	v57 =	vadd.s32 v5, v9;
	[tilespmem:s1+$0xFFFFFFE0] =	vst v53;
	v58 =	vadd.f32 v34, v22  }
0x4a3: {  	v59 =	vadd.s32 v5, v14;
	v32 =	vld.idx.msk [tilespmem:v51+s3+$0x0], $0xffff;
	v31 =	vadd.f32 v50, v20;
	[tilespmem:s1+$0x10] =	vst v33  }
0x4a4: {  	v29 =	vadd.f32 v29, v15;
	v60 =	vadd.s32 v5, v13;
	[tilespmem:s1+$0x0] =	vst v58;
	v61 =	vld.idx.msk [tilespmem:v52+s3+$0x0], $0xffff  }
0x4a5: {  	s19 =	sadd.s32 $0x40, s5;
	v25 =	vadd.f32 v25, v10;
	v62 =	vadd.s32 v5, v12;
	[tilespmem:s1+$0xFFFFFFF0] =	vst v31;
	v63 =	vld.idx.msk [tilespmem:v54+s3+$0x0], $0xffff  }
0x4a6: {  	v41 =	vadd.s32 v5, v16;
	[tilespmem:s19+$0xFFFFFFE0] =	vst v29;
	v26 =	vadd.f32 v55, v11;
	v40 =	vld.idx.msk [tilespmem:v56+s3+$0x0], $0xffff  }
0x4a7: {  	v43 =	vadd.s32 v5, v17;
	v21 =	vadd.f32 v21, v8;
	[tilespmem:s19+$0x10] =	vst v25;
	v42 =	vld.idx.msk [tilespmem:v57+s3+$0x0], $0xffff  }
0x4a8: {  	[tilespmem:s19+$0x0] =	vst v26;
	v45 =	vadd.s32 v5, v18;
	v44 =	vld.idx.msk [tilespmem:v59+s3+$0x0], $0xffff;
	v32 =	vadd.f32 v32, v24  }
0x4a9: {  	[tilespmem:s19+$0xFFFFFFF0] =	vst v21;
	v46 =	vld.idx.msk [tilespmem:v60+s3+$0x0], $0xffff;
	v47 =	vadd.s32 v5, v19;
	s1 =	sadd.s32 $0x40, s19;
	v27 =	vadd.f32 v61, v23  }
0x4aa: {  	v28 =	vld.idx.msk [tilespmem:v62+s3+$0x0], $0xffff;
	v48 =	vadd.s32 v6, v9;
	[tilespmem:s1+$0xFFFFFFE0] =	vst v32;
	v31 =	vadd.f32 v63, v22  }
0x4ab: {  	v49 =	vadd.s32 v6, v14;
	v30 =	vld.idx.msk [tilespmem:v41+s3+$0x0], $0xffff;
	v29 =	vadd.f32 v40, v20;
	[tilespmem:s1+$0x10] =	vst v27  }
0x4ac: {  	v51 =	vadd.s32 v6, v13;
	v50 =	vadd.f32 v42, v15;
	[tilespmem:s1+$0x0] =	vst v31;
	v25 =	vld.idx.msk [tilespmem:v43+s3+$0x0], $0xffff  }
0x4ad: {  	v26 =	vadd.f32 v44, v10;
	v52 =	vadd.s32 v6, v12;
	[tilespmem:s1+$0xFFFFFFF0] =	vst v29;
	v31 =	vld.idx.msk [tilespmem:v45+s3+$0x0], $0xffff  }
0x4ae: {  	v21 =	vadd.f32 v46, v11;
	[tilespmem:s28+$0xFFFFFFE0] =	vst v50;
	v54 =	vadd.s32 v6, v16;
	v53 =	vld.idx.msk [tilespmem:v47+s3+$0x0], $0xffff  }
0x4af: {  	v28 =	vadd.f32 v28, v8;
	[tilespmem:s28+$0x10] =	vst v26;
	v55 =	vld.idx.msk [tilespmem:v48+s3+$0x0], $0xffff;
	v56 =	vadd.s32 v6, v17  }
0x4b0: {  	[tilespmem:s28+$0x0] =	vst v21;
	v57 =	vld.idx.msk [tilespmem:v49+s3+$0x0], $0xffff;
	v58 =	vadd.s32 v6, v18;
	v30 =	vadd.f32 v30, v24  }
0x4b1: {  	s20 =	sadd.s32 $0x40, s28;
	v60 =	vadd.s32 v6, v19;
	[tilespmem:s28+$0xFFFFFFF0] =	vst v28;
	v59 =	vld.idx.msk [tilespmem:v51+s3+$0x0], $0xffff;
	v25 =	vadd.f32 v25, v23  }
0x4b2: {  	v61 =	vadd.s32 v7, v9;
	v29 =	vld.idx.msk [tilespmem:v52+s3+$0x0], $0xffff;
	[tilespmem:s20+$0xFFFFFFE0] =	vst v30;
	v62 =	vadd.f32 v31, v22  }
0x4b3: {  	v63 =	vadd.s32 v7, v14;
	v33 =	vld.idx.msk [tilespmem:v54+s3+$0x0], $0xffff;
	v27 =	vadd.f32 v53, v20;
	[tilespmem:s20+$0x10] =	vst v25  }
0x4b4: {  	v36 =	vadd.s32 v7, v13;
	v34 =	vadd.f32 v55, v15;
	[tilespmem:s20+$0x0] =	vst v62;
	v26 =	vld.idx.msk [tilespmem:v56+s3+$0x0], $0xffff  }
0x4b5: {  	v37 =	vadd.s32 v7, v12;
	v21 =	vadd.f32 v57, v10;
	[tilespmem:s20+$0xFFFFFFF0] =	vst v27;
	v38 =	vld.idx.msk [tilespmem:v58+s3+$0x0], $0xffff  }
0x4b6: {  	v41 =	vadd.s32 v7, v16;
	v39 =	vadd.f32 v59, v11;
	[tilespmem:s17+$0xFFFFFFE0] =	vst v34;
	v40 =	vld.idx.msk [tilespmem:v60+s3+$0x0], $0xffff  }
0x4b7: {  	v42 =	vadd.s32 v7, v17;
	[tilespmem:s17+$0x10] =	vst v21;
	v9 =	vld.idx.msk [tilespmem:v61+s3+$0x0], $0xffff;
	v29 =	vadd.f32 v29, v8  }
0x4b8: {  	v44 =	vadd.s32 v7, v18;
	[tilespmem:s17+$0x0] =	vst v39;
	v14 =	vld.idx.msk [tilespmem:v63+s3+$0x0], $0xffff;
	v43 =	vadd.f32 v33, v24  }
0x4b9: {  	s21 =	sadd.s32 $0x40, s17;
	v45 =	vadd.s32 v7, v19;
	v13 =	vld.idx.msk [tilespmem:v36+s3+$0x0], $0xffff;
	[tilespmem:s17+$0xFFFFFFF0] =	vst v29;
	v46 =	vadd.f32 v26, v23  }
0x4ba: {  	v12 =	vld.idx.msk [tilespmem:v37+s3+$0x0], $0xffff;
	[tilespmem:s21+$0xFFFFFFE0] =	vst v43;
	v47 =	vadd.f32 v38, v22  }
0x4bb: {  	v16 =	vld.idx.msk [tilespmem:v41+s3+$0x0], $0xffff;
	v48 =	vadd.f32 v40, v20;
	[tilespmem:s21+$0x10] =	vst v46  }
0x4bc: {  	v9 =	vadd.f32 v9, v15;
	[tilespmem:s21+$0x0] =	vst v47;
	v49 =	vld.idx.msk [tilespmem:v42+s3+$0x0], $0xffff  }
0x4bd: {  	v50 =	vadd.f32 v14, v10;
	[tilespmem:s21+$0xFFFFFFF0] =	vst v48;
	v51 =	vld.idx.msk [tilespmem:v44+s3+$0x0], $0xffff  }
0x4be: {  	v52 =	vadd.f32 v13, v11;
	[tilespmem:s16+$0xFFFFFFE0] =	vst v9;
	v53 =	vld.idx.msk [tilespmem:v45+s3+$0x0], $0xffff  }
0x4bf: {  	[tilespmem:s16+$0x10] =	vst v50;
	v8 =	vadd.f32 v12, v8  }
0x4c0: {  	[tilespmem:s16+$0x0] =	vst v52;
	v54 =	vadd.f32 v16, v24  }
0x4c1: {  	s22 =	sadd.s32 $0x40, s16;
	[tilespmem:s16+$0xFFFFFFF0] =	vst v8;
	v8 =	vadd.f32 v49, v23  }
0x4c2: {  	[tilespmem:s22+$0xFFFFFFE0] =	vst v54;
	v55 =	vadd.f32 v51, v22  }
0x4c3: {  	v56 =	vadd.f32 v53, v20;
	[tilespmem:s22+$0x10] =	vst v8  }
0x4c4: {  	[tilespmem:s22+$0x0] =	vst v55  }
0x4c5: {  	[tilespmem:s22+$0xFFFFFFF0] =	vst v56  }
0x4c6: {  	v8 =	vld [tilespmem:$0x4500];
	_ =	sdelay $0x4  }
0x4c7: {  	v57 =	vadd.s32 v0, v8;
	_ =	sdelay $0x2  }
0x4c8: {  	v10 =	vld [tilespmem:$0x6500];
	_ =	sdelay $0x1  }
0x4c9: {  	v9 =	vld.idx.msk [tilespmem:v57+s3+$0x0], $0xffff;
	_ =	sdelay $0x2  }
0x4ca: {  	v10 =	vadd.f32 v10, v10;
	v58 =	vadd.s32 v1, v8;
	_ =	sdelay $0x1  }
0x4cb: {  	v9 =	vadd.f32 v9, v10;
	_ =	sdelay $0x1  }
0x4cc: {  	[tilespmem:$0x8500] =	vst v9  }
0x4cd: {  	v9 =	vld.idx.msk [tilespmem:v58+s3+$0x0], $0xffff;
	_ =	sdelay $0x2  }
0x4ce: {  	v59 =	vadd.s32 v2, v8;
	_ =	sdelay $0x1  }
0x4cf: {  	v9 =	vadd.f32 v9, v10;
	_ =	sdelay $0x1  }
0x4d0: {  	[tilespmem:$0x9500] =	vst v9  }
0x4d1: {  	v9 =	vld.idx.msk [tilespmem:v59+s3+$0x0], $0xffff;
	_ =	sdelay $0x2  }
0x4d2: {  	v60 =	vadd.s32 v3, v8;
	_ =	sdelay $0x1  }
0x4d3: {  	v9 =	vadd.f32 v9, v10;
	_ =	sdelay $0x1  }
0x4d4: {  	[tilespmem:$0xA500] =	vst v9  }
0x4d5: {  	v9 =	vld.idx.msk [tilespmem:v60+s3+$0x0], $0xffff;
	_ =	sdelay $0x2  }
0x4d6: {  	v61 =	vadd.s32 v4, v8;
	_ =	sdelay $0x1  }
0x4d7: {  	v9 =	vadd.f32 v9, v10;
	_ =	sdelay $0x1  }
0x4d8: {  	[tilespmem:$0xB500] =	vst v9  }
0x4d9: {  	v9 =	vld.idx.msk [tilespmem:v61+s3+$0x0], $0xffff;
	_ =	sdelay $0x2  }
0x4da: {  	v62 =	vadd.s32 v5, v8;
	_ =	sdelay $0x1  }
0x4db: {  	v9 =	vadd.f32 v9, v10;
	_ =	sdelay $0x1  }
0x4dc: {  	[tilespmem:$0xC500] =	vst v9  }
0x4dd: {  	v9 =	vld.idx.msk [tilespmem:v62+s3+$0x0], $0xffff;
	_ =	sdelay $0x2  }
0x4de: {  	v63 =	vadd.s32 v6, v8;
	_ =	sdelay $0x1  }
0x4df: {  	v9 =	vadd.f32 v9, v10;
	_ =	sdelay $0x1  }
0x4e0: {  	[tilespmem:$0xD500] =	vst v9  }
0x4e1: {  	v9 =	vld.idx.msk [tilespmem:v63+s3+$0x0], $0xffff;
	_ =	sdelay $0x2  }
0x4e2: {  	v8 =	vadd.s32 v7, v8;
	_ =	sdelay $0x1  }
0x4e3: {  	v9 =	vadd.f32 v9, v10;
	_ =	sdelay $0x1  }
0x4e4: {  	[tilespmem:$0xE500] =	vst v9  }
0x4e5: {  	v8 =	vld.idx.msk [tilespmem:v8+s3+$0x0], $0xffff;
	_ =	sdelay $0x4  }
0x4e6: {  	v8 =	vadd.f32 v8, v10  }
0x4e7: {  	s1 =	rddreg [dreg:$0x1e]  }
0x4e8: {  	s2 =	simm.s32 $0x8100;
	s23 =	rddreg [dreg:$0x1f];
	[tilespmem:$0xF500] =	vst v8  }
0x4e9: {  	[hbm4b:s1+s3] =	stream.linear.scatter [tilespmem:s2], [sflag:$0x3], $0x401, $0x38;
	[tilespmem:$0x18100] =	vst v63  }
0x4ea: {  	s28 =	simm.s32 $0x9100;
	s30 =	sld [smem:$0x7F6]  }
0x4eb: {  	[hbm4b:s23+s3] =	stream.linear.scatter [tilespmem:s28], [sflag:$0x3], $0x401, $0x38;
	[tilespmem:$0x18100] =	vst v63  }
0x4ec: {  	s31 =	simm.s32 $0xA100;
	s5 =	sld [smem:$0x7F7]  }
0x4ed: {  	[hbm4b:s30+s3] =	stream.linear.scatter [tilespmem:s31], [sflag:$0x3], $0x401, $0x38;
	[tilespmem:$0x18100] =	vst v63  }
0x4ee: {  	s15 =	simm.s32 $0xB100;
	s16 =	sld [smem:$0x7F8]  }
0x4ef: {  	[hbm4b:s5+s3] =	stream.linear.scatter [tilespmem:s15], [sflag:$0x3], $0x401, $0x38;
	[tilespmem:$0x18100] =	vst v63  }
0x4f0: {  	s17 =	simm.s32 $0xC100;
	s19 =	sld [smem:$0x7F9]  }
0x4f1: {  	[hbm4b:s16+s3] =	stream.linear.scatter [tilespmem:s17], [sflag:$0x3], $0x401, $0x38;
	[tilespmem:$0x18100] =	vst v63  }
0x4f2: {  	s20 =	simm.s32 $0xD100;
	s21 =	sld [smem:$0x7FA]  }
0x4f3: {  	[hbm4b:s19+s3] =	stream.linear.scatter [tilespmem:s20], [sflag:$0x3], $0x401, $0x38;
	[tilespmem:$0x18100] =	vst v63  }
0x4f4: {  	s22 =	simm.s32 $0xE100;
	s23 =	sld [smem:$0x7FB]  }
0x4f5: {  	[hbm4b:s21+s3] =	stream.linear.scatter [tilespmem:s22], [sflag:$0x3], $0x401, $0x38;
	[tilespmem:$0x18100] =	vst v63  }
0x4f6: {  	s28 =	simm.s32 $0xF100  }
0x4f7: {  	[hbm4b:s23+s3] =	stream.linear.scatter [tilespmem:s28], [sflag:$0x3], $0x401, $0x38;
	[tilespmem:$0x18100] =	vst v63  }
0x4f8: {  	_ =	swait.ge [sflag:s25], $0x1000  }
0x4f9: {  	[sflag:s25] =	ssyncset.done $0x0  }
0x4fa: {  	[sflag:s25] =	ssyncadd.s32 $0xFFFFF000  }
0x4fb: {  	_ =	swait.ge [sflag:s25], $0x1000  }
0x4fc: {  	[sflag:s25] =	ssyncset.done $0x0  }
0x4fd: {  	[sflag:s25] =	ssyncadd.s32 $0xFFFFF000  }
0x4fe: {  	_ =	swait.ge [sflag:s25], $0x1000  }
0x4ff: {  	[sflag:s25] =	ssyncset.done $0x0  }
0x500: {  	[sflag:s25] =	ssyncadd.s32 $0xFFFFF000  }
0x501: {  	_ =	swait.ge [sflag:s25], $0x1000  }
0x502: {  	[sflag:s25] =	ssyncset.done $0x0  }
0x503: {  	[sflag:s25] =	ssyncadd.s32 $0xFFFFF000  }
0x504: {  	_ =	swait.ge [sflag:s25], $0x1000  }
0x505: {  	[sflag:s25] =	ssyncset.done $0x0  }
0x506: {  	[sflag:s25] =	ssyncadd.s32 $0xFFFFF000  }
0x507: {  	_ =	swait.ge [sflag:s25], $0x1000  }
0x508: {  	[sflag:s25] =	ssyncset.done $0x0  }
0x509: {  	[sflag:s25] =	ssyncadd.s32 $0xFFFFF000  }
0x50a: {  	_ =	swait.ge [sflag:s25], $0x1000  }
0x50b: {  	[sflag:s25] =	ssyncset.done $0x0  }
0x50c: {  	[sflag:s25] =	ssyncadd.s32 $0xFFFFF000  }
0x50d: {  	_ =	swait.ge [sflag:s25], $0x1000  }
0x50e: {  	[sflag:s25] =	ssyncset.done $0x0  }
0x50f: {  	[sflag:s25] =	ssyncadd.s32 $0xFFFFF000  }
0x510: {  	_ =	swait.ge [sflag:s0], $0x401  }
0x511: {  	[sflag:s0] =	ssyncset.done $0x0  }
0x512: {  	[sflag:s0] =	ssyncadd.s32 $0xFFFFFBFF  }
0x513: {  	_ =	swait.ge [sflag:s0], $0x401  }
0x514: {  	[sflag:s0] =	ssyncset.done $0x0  }
0x515: {  	[sflag:s0] =	ssyncadd.s32 $0xFFFFFBFF  }
0x516: {  	_ =	swait.ge [sflag:s0], $0x401  }
0x517: {  	[sflag:s0] =	ssyncset.done $0x0  }
0x518: {  	[sflag:s0] =	ssyncadd.s32 $0xFFFFFBFF  }
0x519: {  	_ =	swait.ge [sflag:s0], $0x401  }
0x51a: {  	[sflag:s0] =	ssyncset.done $0x0  }
0x51b: {  	[sflag:s0] =	ssyncadd.s32 $0xFFFFFBFF  }
0x51c: {  	_ =	swait.ge [sflag:s0], $0x401  }
0x51d: {  	[sflag:s0] =	ssyncset.done $0x0  }
0x51e: {  	[sflag:s0] =	ssyncadd.s32 $0xFFFFFBFF  }
0x51f: {  	_ =	swait.ge [sflag:s0], $0x401  }
0x520: {  	[sflag:s0] =	ssyncset.done $0x0  }
0x521: {  	[sflag:s0] =	ssyncadd.s32 $0xFFFFFBFF  }
0x522: {  	_ =	swait.ge [sflag:s0], $0x401  }
0x523: {  	[sflag:s0] =	ssyncset.done $0x0  }
0x524: {  	[sflag:s0] =	ssyncadd.s32 $0xFFFFFBFF  }
0x525: {  	_ =	swait.ge [sflag:s0], $0x401  }
0x526: {  	s30 =	sld [smem:$0x7F5];
	_ =	sdelay $0x2  }
0x527: {  	s31 =	rddreg [dreg:$0x15];
	s2 =	sadd.s32 $0x1, s30  }
0x528: {  	p0 =	sne.s32 s2, s31  }
.Ltmp6:
0x529: {  	_ = 	snop;
	(pc) =	sbr.rel @p0 .LBB2_1-.Ltmp6, $3  }
0x52a: {  	_ =	sdelay $0x1  }
0x52b: {  	[sflag:s0] =	ssyncset.done $0x0  }
0x52c: {  	[sflag:s0] =	ssyncadd.s32 $0xFFFFFBFF  }
0x52d: {  	_ =	sfence.sel $0x180000  }
0x52e: {  	[bflag:$0x0] =	sbarrier.arrive $0xFFFF  }
0x52f: {  	_ =	strace $0x90000047  }
0x530: {  	s0 =	stileid.u32;
	[bflag:$0x2] =	sbarrier.arrive $0xFFFF  }
0x531: {  	p0 =	sne.s32 s0, $0x0;
	s0 =	rddreg [dreg:$0x2]  }
0x532: {  	s0 =	sadd.s32 @!p0 $0x100000, s0  }
0x533: {  	[sflag:s0] =	ssyncadd.tile.s32 @!p0 $0x1;
	_ =	shalt  }
.Lfunc_end2:
_tile_overlayer_lowered:
.L_overlay_start_2:
0x534: {  	(tag) =	ssettag $0x2  }
0x535: {  	s0 =	rddreg [dreg:$0x0];
	s2 =	stileid.u32  }
0x536: {  	s1 =	rddreg [dreg:$0x1];
	p0 =	sne.s32 s2, $0x0  }
0x537: {  	s3 =	rddreg [dreg:$0x2];
	[bflag:$0x3] =	sbarrier.arrive $0xFFFF;
	s2 =	simm.s32 @!p0 $0x1C05  }
0x538: {  	[timem:s3], [sflag:s2] =	dma.local @!p0 [hbm:s0], s1  }
0x539: {  	s0 =	simm.s32 @!p0 $0x5  }
0x53a: {  	_ =	swait.ge @!p0 [sflag:s0], s1  }
0x53b: {  	s1 =	ssub.s32 @!p0 $0x0, s1;
	[sflag:s0] =	ssyncset.done @!p0 $0x0  }
0x53c: {  	[sflag:s0] =	ssyncadd.s32 @!p0 s1  }
0x53d: {  	[bflag:$0x3] =	sbarrier.arrive $0xFFFF  }
0x53e: {  	_ =	shalt  }

// kernel: sparse-core-data-format-call.cloned.1.call-start
scs
called_computation_lowered:
.L_overlay_start_0:
0x0: {  	s2 =	sld [smem:$0x3FD9]  }
0x1: {  	s3 =	sld [smem:$0x3FFE];
	_ =	sdelay $0x1  }
0x2: {  	s1 =	srdreg.scid  }
0x3: {  	s0 =	sand.u32 $0x1, s1  }
0x4: {  	s18 =	sshll.u32 s0, $0xA;
	s2 =	sadd.s32 s3, s2  }
0x5: {  	s2 =	sadd.s32 s2, s18  }
0x6: {  	[smem:$0x3FC4] =	sst s2  }
0x7: {  	_ = 	snop  }
0x8: {  	s2 =	sld [smem:$0x3FD0];
	(tm) =	ssettm $0x1  }
0x9: {  	s19 =	sld [smem:$0x3FFB];
	_ =	sdelay $0x3  }
0xa: {  	_ =	strace s19  }
0xb: {  	s3 =	sld [smem:$0x3FFC];
	_ =	sdelay $0x3  }
0xc: {  	_ =	strace s3  }
0xd: {  	s3 =	sld [smem:$0x3FFD];
	_ =	sdelay $0x3  }
0xe: {  	_ =	strace s3  }
0xf: {  	_ =	strace $0x8FFFFFFF  }
0x10: {  	s20 =	sld [smem:$0x3FDB];
	_ =	sdelay $0x1  }
0x11: {  	s4 =	simm.s32 $_scs_section_size  }
0x12: {  	s5 =	simm.s32 $_size__tile_overlayer_lowered;
	s6 =	simm.s32 $_tile_overlayer_lowered  }
0x13: {  	s23 =	simm.s32 $0x1BFF;
	s22 =	sshll.u32 s6, $0x1;
	s3 =	sadd.s32 s4, s20  }
0x14: {  	s7 =	simm.s32 $0x0;
	s21 =	sshll.u32 s5, $0x1;
	s5 =	sadd.s32 s22, s3  }
0x15: {  	[timem:s7], [sflag:s23] =	dma.local [hbm:s5], s21  }
0x16: {  	_ =	swait.ge [sflag:s23], s21  }
0x17: {  	s4 =	ssub.s32 $0x0, s21;
	[sflag:s23] =	ssyncset.done $0x0  }
0x18: {  	[sflag:s23] =	ssyncadd.s32 s4;
	_ =	sdelay $0x1  }
0x19: {  	s24 =	simm.s32 $0x1B8B  }
0x1a: {  	_ =	swait.ge [sflag:s24], $0x1  }
0x1b: {  	[sflag:s24] =	ssyncset.done $0x0  }
0x1c: {  	s26 =	simm.s32 $0x1B8E;
	s25 =	sld [smem:$0x3FFE];
	[sflag:s24] =	ssyncadd.s32 $0xFFFFFFFF  }
0x1d: {  	s27 =	simm.s32 $execute0_lowered;
	[smem:$0x3FD2] =	sst s26  }
0x1e: {  	s5 =	sshll.u32 s27, $0x1;
	_ =	strace $0x80000049;
	[dreg:$0x1] =	wrdreg $0xFFFFFFFF  }
0x1f: {  	s28 =	simm.s32 $_size_execute0_lowered;
	s3 =	sadd.s32 s3, s5;
	[dreg:$0x0] =	wrdreg $0x0  }
0x20: {  	s5 =	sshll.u32 s28, $0x1;
	[dreg:$0x2] =	wrdreg s3  }
0x21: {  	[dreg:$0x3] =	wrdreg s5  }
0x22: {  	[dreg:$0x4] =	wrdreg $0xC0  }
0x23: {  	_ =	task [dreg:s7], $0x5FFFF  }
0x24: {  	[dreg:$0x1] =	wrdreg $0xFFFFFFFF  }
0x25: {  	[dreg:$0x0] =	wrdreg $0x60  }
0x26: {  	[dreg:$0x2] =	wrdreg s25  }
0x27: {  	[dreg:$0x3] =	wrdreg s2  }
0x28: {  	[dreg:$0x4] =	wrdreg $0x9  }
0x29: {  	_ =	task.clear_ibuf [dreg:s7], $0x5FFFF;
	_ =	strace $0x90000049  }
0x2a: {  	s29 =	simm.s32 $0x9;
	_ =	strace $0x8000004B  }
0x2b: {  	_ =	swait.ge [sflag:s29], $0x1  }
0x2c: {  	[sflag:s29] =	ssyncadd.s32 $0xFFFFFFFF  }
0x2d: {  	_ =	strace $0x9000004B  }
0x2e: {  	_ =	sfence  }
0x2f: {  	s30 =	sld [smem:$0x0];
	_ =	sdelay $0x2  }
0x30: {  	s31 =	sshll.u32 s1, $0xD;
	s1 =	sshrl.u32 s1, $0x2  }
0x31: {  	s3 =	sand.u32 $0x4000, s31;
	s1 =	sadd.s32 s1, s30  }
0x32: {  	s0 =	sor.u32 s3, s0;
	s1 =	sshll.u32 s1, $0x11  }
0x33: {  	s0 =	sor.u32 s1, s0  }
0x34: {  	s0 =	sadd.s32 $0x8F2B, s0  }
0x35: {  	[sflag:s0] =	ssyncadd.remote.s32 $0x1  }
0x36: {  	_ =	sfence.sel $0xFFFF  }
0x37: {  	[dreg:$0x0] =	wrdreg $0xFFFFFFFF;
	(pc) =	sbr.abs _section_cstart, $3  }
0x38: {  	[dreg:$0x1] =	wrdreg $0xFFFFFFFF  }
0x39: {  	_ =	task.clear_ibuf [dreg:s7], $0x2FFFF;
	_ =	strace $0x9FFFFFFF  }
0x3a: {  	(tm) =	ssettm $0x7FFFFFFF  }
0x3b: {  	_ =	shalt  }
tec
execute0_lowered:
.L_overlay_start_1:
0x0: {  	(tag) =	ssettag $0x1  }
0x1: {  	s1 =	srdreg.scid;
	s5 =	rddreg [dreg:$0x0]  }
0x2: {  	s0 =	stileid.u32;
	s2 =	rddreg [dreg:$0x1]  }
0x3: {  	s4 =	simm.s32 $0x1;
	s7 =	simm.s32 $0x2;
	s20 =	simm.s32 $0x0  }
0x4: {  	s9 =	simm.s32 $0x1400;
	s10 =	simm.s32 $0x0;
	s22 =	simm.s32 $0x0  }
0x5: {  	s21 =	simm.s32 $0x0;
	s23 =	simm.s32 $0x0;
	s1 =	sshll.u32 s1, $0x4  }
0x6: {  	s11 =	simm.s32 $0x0;
	s12 =	simm.s32 $0x0;
	s1 =	sor.u32 s0, s1  }
0x7: {  	s13 =	simm.s32 $0x0;
	s14 =	simm.s32 $0x0;
	s1 =	sshrl.u32 s1, $0x1  }
0x8: {  	s15 =	simm.s32 $0x0;
	s17 =	simm.s32 $0x0;
	s3 =	sand.u32 $0xC, s1  }
.Ltmp0:
0x9: {  	s19 =	simm.s32 $0x0;
	s6 =	ssub.s32 $0x200, s3;
	(pc) =	sbr.rel .LBB1_1-.Ltmp0, $4  }
0xa: {  	s1 =	rddreg [dreg:$0x2];
	_ =	strace $0x8000004A;
	s6 =	sshrl.u32 s6, $0x4  }
0xb: {  	s5 =	sadd.s32 $0x1400, s5;
	[sflag:s4] =	ssyncpa.u1 $0x0;
	s8 =	smul.u32 $0x5, s6  }
0xc: {  	s16 =	smov.u32 s3;
	[sflag:s7] =	ssyncpa.u1 $0x0;
	s6 =	sand.u32 $0x7, s0  }
0xd: {  	s18 =	smov.u32 s6;
	s7 =	sadd.s32 $0x5, s8;
	s8 =	sadd.s32 $0x6, s8  }
.LBB1_7:
0xe: {  	p0 =	slt.u32 s19, $0x2;
	s24 =	smov.u32 s23  }
0xf: {  	s26 =	smov.u32 s17;
	s27 =	smov.u32 s18;
	s10 =	sadd.s32 $0x4000, s10  }
0x10: {  	p1 =	sgt.s32 @!p0 s23, $0x7;
	s25 =	sshra.s32 @!p0 s23, $0x1F;
	p2 =	sgt.s32 @!p0 s20, $0x200  }
0x11: {  	s28 =	simm.s32 @!p0 $0x2;
	p1 =	por !p1, p0;
	s23 =	sand.u32 @!p0 s25, s23  }
0x12: {  	s25 =	sshra.s32 @!p0 s22, $0x1F;
	s24 =	simm.s32 @p1 $0x7;
	p1 =	sgt.s32 @!p0 s22, $0x1FD  }
0x13: {  	s23 =	ssub.s32 @!p0 s24, s23;
	p1 =	por !p1, p0;
	s24 =	smov.u32 s22  }
0x14: {  	s22 =	sand.u32 @!p0 s25, s22;
	s25 =	sadd.s32 @!p0 $0xFFFFFFF9, s23;
	s24 =	simm.s32 @p1 $0x1FD  }
0x15: {  	p2 =	por !p2, p0;
	p1 =	sgt.s32 @!p0 s25, $0x0;
	s22 =	ssub.s32 @!p0 s24, s22  }
0x16: {  	s23 =	ssub.s32 @!p0 $0x8, s23;
	p1 =	por !p1, p0;
	s24 =	sadd.s32 @!p0 $0xFFFFFE03, s22  }
0x17: {  	s25 =	sshra.s32 @!p0 s20, $0x1F;
	s23 =	simm.s32 @!p1 $0x0;
	p1 =	sgt.s32 @!p0 s24, $0x3  }
0x18: {  	s22 =	ssub.s32 @!p0 $0x201, s22;
	s24 =	ssub.s32 @!p0 $0x0, s21;
	p1 =	por !p1, p0  }
0x19: {  	s21 =	smin.u32 @!p0 s21, s24;
	s24 =	smov.u32 s20;
	s20 =	sand.u32 @!p0 s25, s20  }
0x1a: {  	s25 =	smov.u32 s16;
	s24 =	simm.s32 @p2 $0x200;
	p2 =	sgt.s32 @!p0 s21, $0x1F  }
0x1b: {  	s21 =	ssub.s32 @!p0 $0x20, s21;
	p2 =	por !p2, p0;
	s20 =	ssub.s32 @!p0 s24, s20  }
0x1c: {  	s22 =	simm.s32 @!p1 $0x0;
	s21 =	simm.s32 @!p2 $0x0;
	s24 =	sadd.s32 @!p0 $0xFFFFFE00, s20  }
0x1d: {  	p1 =	sgt.s32 @!p0 s24, $0x7F;
	s21 =	smul.u32 @!p0 s23, s21;
	s24 =	sadd.s32 $0x80, s15  }
0x1e: {  	s20 =	ssub.s32 @!p0 $0x280, s20;
	s23 =	sadd.s32 $0x10, s16;
	p2 =	sgt.s32 s24, $0x200  }
0x1f: {  	p1 =	por !p1, p0;
	s21 =	smul.u32 @!p0 s22, s21;
	s25 =	smov.u32 @p2 s23  }
0x20: {  	s20 =	simm.s32 @!p1 $0x0;
	s22 =	sadd.s32 $0x20, s17;
	p1 =	sgt.s32 s25, $0x200  }
0x21: {  	s24 =	simm.s32 @p2 $0x0;
	s23 =	smov.u32 s14;
	s26 =	smov.u32 @p1 s22  }
0x22: {  	s20 =	smul.u32 @!p0 s20, s21;
	s21 =	sadd.s32 $0x8, s18;
	p2 =	sgt.s32 s26, $0x1F  }
0x23: {  	s14 =	smov.u32 s18;
	s25 =	smov.u32 @p1 s3;
	s27 =	smov.u32 @p2 s21  }
0x24: {  	s22 =	smov.u32 s12;
	s12 =	smov.u32 s16;
	p1 =	sgt.s32 s27, $0x7  }
0x25: {  	s16 =	smov.u32 s25;
	s27 =	smov.u32 @p1 s6;
	p1 =	sne.s32 s19, s8  }
.Ltmp1:
0x26: {  	s20 =	sand.u32 @!p0 $0x3FFFFFFF, s20;
	s26 =	simm.s32 @p2 $0x0;
	(pc) =	sbr.rel @!p1 .LBB1_8-.Ltmp1, $4  }
0x27: {  	s21 =	smov.u32 s13;
	s13 =	smov.u32 s17;
	_ =	swait.ge @!p0 [sflag:s28], s20  }
0x28: {  	s29 =	ssub.s32 @!p0 $0x0, s20;
	s20 =	smov.u32 s11;
	s11 =	smov.u32 s15  }
0x29: {  	s15 =	smov.u32 s24;
	s17 =	smov.u32 s26;
	[sflag:s28] =	ssyncset.done @!p0 $0x0  }
0x2a: {  	s19 =	sadd.s32 $0x1, s19;
	[sflag:s28] =	ssyncadd.s32 @!p0 s29;
	s18 =	smov.u32 s27  }
.LBB1_1:
0x2b: {  	p0 =	sge.u32 s19, s7  }
0x2c: {  	s24 =	sshrl.u32 @!p0 s16, $0x3  }
0x2d: {  	s25 =	sshll.u32 @!p0 s15, $0x3;
	s24 =	smul.u32 @!p0 $0x1400, s24  }
0x2e: {  	s26 =	sshll.u32 @!p0 s16, $0x7;
	s25 =	sand.u32 @!p0 $0xFFFFFC00, s25  }
0x2f: {  	s24 =	sadd.s32 @!p0 s24, s25;
	s25 =	sand.u32 @!p0 $0x380, s26  }
0x30: {  	s26 =	sand.u32 @!p0 $0x7F, s15;
	s24 =	sor.u32 @!p0 s25, s24  }
0x31: {  	s25 =	sor.u32 @!p0 s26, s24;
	s24 =	smulhi.u32 @!p0 $0xCCCCCCCD, s24;
	_ =	sdelay $0x1  }
0x32: {  	s26 =	smulhi.u32 @!p0 $0xCCCCCCCD, s25;
	s24 =	sshrl.u32 @!p0 s24, $0x9  }
0x33: {  	s27 =	smulhi.u32 @!p0 $0x7E07E1, s24  }
0x34: {  	s29 =	smul.u32 @!p0 $0x145000, s18  }
0x35: {  	s26 =	sshrl.u32 @!p0 s26, $0x9;
	s27 =	smul.u32 @!p0 $0x208, s27  }
0x36: {  	s28 =	sxor.u32 @!p0 $0xFFFFFFFF, s19;
	s26 =	smul.u32 @!p0 $0x280, s26  }
0x37: {  	s28 =	sshll.u32 @!p0 s28, $0xE;
	s24 =	ssub.s32 @!p0 s24, s27;
	s27 =	smul.u32 @!p0 $0xA280, s17  }
0x38: {  	s25 =	ssub.s32 @!p0 s25, s26;
	s26 =	sadd.s32 @!p0 s5, s29;
	s24 =	smul.u32 @!p0 $0x50, s24  }
0x39: {  	s28 =	sand.u32 @!p0 $0x4000, s28;
	s26 =	sadd.s32 @!p0 s27, s26;
	s27 =	sand.u32 @!p0 $0x7, s25  }
0x3a: {  	s25 =	sshrl.u32 @!p0 s25, $0x3;
	s24 =	sadd.s32 @!p0 s24, s26;
	s26 =	sshll.u32 @!p0 s27, $0x12  }
0x3b: {  	s24 =	sadd.s32 @!p0 s25, s24;
	s25 =	sor.u32 @!p0 $0x200, s26;
	s26 =	simm.s32 @!p0 $0x51400  }
0x3c: {  	[tilespmem:s28], [sflag:$0x1] =	stream.strided.gather @!p0 [hbm4b:s24+s25], $0x4000, s26, s25, $0x38;
	[tilespmem:$0x10000] =	vst v63  }
0x3d: {  	p0 =	seq.s32 s19, $0x0  }
0x3e: {  	p1 =	sge.u32 @!p0 s19, s8  }
0x3f: {  	p0 =	por p0, p1  }
.Ltmp2:
0x40: {  	_ = 	snop;
	(pc) =	sbr.rel @p0 .LBB1_7-.Ltmp2, $1  }
0x41: {  	_ =	sdelay $0x3  }
0x42: {  	s24 =	sand.u32 $0x4000, s10  }
0x43: {  	_ =	swait.ge [sflag:s4], $0x4000;
	s27 =	sshll.u32 s19, $0xE;
	s25 =	sor.u32 $0x8040, s24  }
0x44: {  	s26 =	sor.u32 $0x40, s24;
	[sflag:s4] =	ssyncset.done $0x0;
	s31 =	sand.u32 $0x4000, s27  }
0x45: {  	s27 =	simm.s32 $0x0;
	[sflag:s4] =	ssyncadd.s32 $0xFFFFC000;
	s24 =	sor.u32 $0x8000, s31  }
.LBB1_3:
0x46: {  	v0 =	vmov s26;
	_ =	sdelay $0x3  }
0x47: {  	s29 =	simm.s32 $0x0  }
0x48: {  	v6 =	vld.idx.msk [tilespmem:v0+s29+$0x30 ss:$0x1], $0xffff  }
0x49: {  	v7 =	vld.idx.msk [tilespmem:v0+s29+$0xFFFFFFC0 ss:$0x1], $0xffff  }
0x4a: {  	v5 =	vld.idx.msk [tilespmem:v0+s29+$0xFFFFFFD0 ss:$0x1], $0xffff  }
0x4b: {  	v4 =	vld.idx.msk [tilespmem:v0+s29+$0xFFFFFFE0 ss:$0x1], $0xffff  }
0x4c: {  	v3 =	vld.idx.msk [tilespmem:v0+s29+$0xFFFFFFF0 ss:$0x1], $0xffff  }
0x4d: {  	v1 =	vld.idx.msk [tilespmem:v0+s29+$0x0 ss:$0x1], $0xffff  }
0x4e: {  	v2 =	vld.idx.msk [tilespmem:v0+s29+$0x10 ss:$0x1], $0xffff;
	[tilespmem:s25+$0x30] =	vst v6  }
0x4f: {  	s28 =	simm.s32 $0x80;
	s30 =	simm.s32 $0x400;
	[tilespmem:s25+$0xFFFFFFC0] =	vst v7;
	v6 =	vld.idx.msk [tilespmem:v0+s29+$0x20 ss:$0x1], $0xffff;
	s29 =	smov.u32 s25  }
.LBB1_4:
0x50: {  	p0 =	sne.s32 s30, $0x600;
	v7 =	vld.idx.msk [tilespmem:v0+s28+$0x30 ss:$0x1], $0xffff;
	[tilespmem:s29+$0xFFFFFFD0] =	vst v5  }
0x51: {  	v8 =	vld.idx.msk [tilespmem:v0+s28+$0xFFFFFFC0 ss:$0x1], $0xffff;
	[tilespmem:s29+$0xFFFFFFE0] =	vst v4  }
0x52: {  	v5 =	vld.idx.msk [tilespmem:v0+s28+$0xFFFFFFD0 ss:$0x1], $0xffff;
	[tilespmem:s29+$0xFFFFFFF0] =	vst v3  }
.Ltmp3:
0x53: {  	v4 =	vld.idx.msk [tilespmem:v0+s28+$0xFFFFFFE0 ss:$0x1], $0xffff;
	[tilespmem:s29+$0x0] =	vst v1;
	(pc) =	sbr.rel @p0 .LBB1_4-.Ltmp3, $4  }
0x54: {  	v3 =	vld.idx.msk [tilespmem:v0+s28+$0xFFFFFFF0 ss:$0x1], $0xffff;
	[tilespmem:s29+$0x10] =	vst v2  }
0x55: {  	v1 =	vld.idx.msk [tilespmem:v0+s28+$0x0 ss:$0x1], $0xffff;
	[tilespmem:s29+$0x20] =	vst v6;
	s29 =	sadd.s32 $0x1000, s29  }
0x56: {  	v2 =	vld.idx.msk [tilespmem:v0+s28+$0x10 ss:$0x1], $0xffff;
	[tilespmem:s29+$0x30] =	vst v7  }
0x57: {  	[tilespmem:s29+$0xFFFFFFC0] =	vst v8;
	v6 =	vld.idx.msk [tilespmem:v0+s28+$0x20 ss:$0x1], $0xffff;
	s28 =	sshra.s32 s30, $0x2;
	s30 =	sadd.s32 $0x200, s30  }
0x58: {  	_ =	sdelay $0x2  }
0x59: {  	[tilespmem:s29+$0xFFFFFFD0] =	vst v5  }
0x5a: {  	v56 =	vld.idx.msk [tilespmem:v0+s28+$0x30 ss:$0x1], $0xffff;
	[tilespmem:s29+$0xFFFFFFE0] =	vst v4  }
0x5b: {  	v57 =	vld.idx.msk [tilespmem:v0+s28+$0xFFFFFFC0 ss:$0x1], $0xffff;
	[tilespmem:s29+$0xFFFFFFF0] =	vst v3  }
0x5c: {  	v58 =	vld.idx.msk [tilespmem:v0+s28+$0xFFFFFFD0 ss:$0x1], $0xffff;
	[tilespmem:s29+$0x0] =	vst v1  }
0x5d: {  	v59 =	vld.idx.msk [tilespmem:v0+s28+$0xFFFFFFE0 ss:$0x1], $0xffff;
	[tilespmem:s29+$0x10] =	vst v2  }
0x5e: {  	v60 =	vld.idx.msk [tilespmem:v0+s28+$0xFFFFFFF0 ss:$0x1], $0xffff;
	s31 =	sadd.s32 $0x1000, s29;
	[tilespmem:s29+$0x20] =	vst v6  }
0x5f: {  	v61 =	vld.idx.msk [tilespmem:v0+s28+$0x0 ss:$0x1], $0xffff;
	[tilespmem:s31+$0x30] =	vst v56  }
0x60: {  	v62 =	vld.idx.msk [tilespmem:v0+s28+$0x10 ss:$0x1], $0xffff;
	s27 =	sadd.s32 $0x1, s27;
	[tilespmem:s31+$0xFFFFFFC0] =	vst v57  }
0x61: {  	v63 =	vld.idx.msk [tilespmem:v0+s28+$0x20 ss:$0x1], $0xffff;
	p0 =	sne.s32 s27, $0x20;
	[tilespmem:s31+$0xFFFFFFD0] =	vst v58  }
.Ltmp4:
0x62: {  	[tilespmem:s31+$0xFFFFFFE0] =	vst v59;
	(pc) =	sbr.rel @p0 .LBB1_3-.Ltmp4, $4  }
0x63: {  	[tilespmem:s31+$0xFFFFFFF0] =	vst v60  }
0x64: {  	[tilespmem:s31+$0x0] =	vst v61  }
0x65: {  	[tilespmem:s31+$0x10] =	vst v62  }
0x66: {  	s25 =	sadd.s32 $0x80, s25;
	s26 =	sadd.s32 $0x200, s26;
	[tilespmem:s31+$0x20] =	vst v63  }
0x67: {  	s25 =	sshrl.u32 s13, $0x3  }
0x68: {  	s26 =	sshll.u32 s11, $0x3;
	s25 =	smul.u32 $0x1400, s25  }
0x69: {  	s27 =	sshll.u32 s13, $0x7;
	p0 =	sgt.s32 s14, $0x7;
	s26 =	sand.u32 $0xFFFFFC00, s26  }
0x6a: {  	s28 =	smov.u32 s14;
	s29 =	sand.u32 $0x380, s27;
	s25 =	sadd.s32 s25, s26  }
0x6b: {  	s30 =	sand.u32 $0x7F, s11;
	s28 =	simm.s32 @!p0 $0x7;
	s25 =	sor.u32 s29, s25  }
0x6c: {  	p0 =	sgt.s32 s12, $0x1FD;
	s29 =	sshra.s32 s14, $0x1F;
	s26 =	sor.u32 s30, s25  }
0x6d: {  	s29 =	sand.u32 s29, s14;
	s30 =	sshra.s32 s12, $0x1F;
	s25 =	smulhi.u32 $0xCCCCCCCD, s25  }
0x6e: {  	s27 =	smulhi.u32 $0xCCCCCCCD, s26;
	s28 =	ssub.s32 s28, s29;
	s29 =	smov.u32 s12  }
0x6f: {  	s30 =	sand.u32 s30, s12;
	s31 =	sadd.s32 $0xFFFFFFF9, s28;
	s29 =	simm.s32 @!p0 $0x1FD  }
0x70: {  	s28 =	ssub.s32 $0x8, s28;
	s25 =	sshrl.u32 s25, $0x9;
	s27 =	sshrl.u32 s27, $0x9  }
0x71: {  	p0 =	sgt.s32 s31, $0x0;
	s29 =	ssub.s32 s29, s30;
	s31 =	ssub.s32 $0x0, s13  }
0x72: {  	s25 =	sand.u32 $0x1F, s25;
	s28 =	simm.s32 @p0 $0x0;
	s30 =	sadd.s32 $0xFFFFFE03, s29  }
0x73: {  	s29 =	ssub.s32 $0x201, s29;
	s31 =	smin.u32 s13, s31;
	p0 =	sgt.s32 s30, $0x3  }
0x74: {  	s30 =	ssub.s32 $0x20, s31;
	s29 =	simm.s32 @p0 $0x0;
	p0 =	sgt.s32 s31, $0x1F  }
0x75: {  	s27 =	smul.u32 $0x280, s27;
	s31 =	smov.u32 s11;
	s30 =	simm.s32 @p0 $0x0  }
0x76: {  	p0 =	sgt.s32 s11, $0x200;
	s28 =	smul.u32 s28, s30;
	s30 =	sshra.s32 s11, $0x1F  }
0x77: {  	s25 =	smul.u32 $0x50, s25;
	s31 =	simm.s32 @!p0 $0x200;
	s30 =	sand.u32 s30, s11  }
0x78: {  	s26 =	ssub.s32 s26, s27;
	s27 =	ssub.s32 s31, s30;
	s28 =	smul.u32 s29, s28  }
0x79: {  	s30 =	smul.u32 $0x140A00, s14;
	s31 =	sadd.s32 $0xFFFFFE00, s27  }
0x7a: {  	s27 =	ssub.s32 $0x280, s27;
	p0 =	sgt.s32 s31, $0x7F;
	s31 =	smul.u32 $0xA00, s12  }
.Ltmp5:
0x7b: {  	s30 =	sadd.s32 s2, s30;
	s27 =	simm.s32 @p0 $0x0;
	(pc) =	sbr.rel .LBB1_7-.Ltmp5, $4  }
0x7c: {  	s27 =	smul.u32 s27, s28;
	s30 =	sadd.s32 s31, s30;
	s31 =	sand.u32 $0x7, s26  }
0x7d: {  	s26 =	sshrl.u32 s26, $0x3;
	s25 =	sadd.s32 s25, s30;
	s30 =	sshll.u32 s31, $0x12  }
0x7e: {  	s27 =	sand.u32 $0x3FFFFFFF, s27;
	s25 =	sadd.s32 s26, s25;
	s31 =	sor.u32 $0x400, s30  }
0x7f: {  	[hbm4b:s25+s31] =	stream.strided.scatter [tilespmem:s24], [sflag:$0x2], s27, s9, s31, $0x38;
	[tilespmem:$0x10000] =	vst v63  }
.LBB1_8:
0x80: {  	_ =	sfence.sel $0x180000  }
0x81: {  	s2 =	simm.s32 $0x1;
	[bflag:$0x0] =	sbarrier.arrive $0xFFFF  }
0x82: {  	s31 =	simm.s32 $0x2;
	[sflag:s2] =	ssyncpa.u1 $0x1  }
0x83: {  	[sflag:s31] =	ssyncpa.u1 $0x1  }
0x84: {  	p0 =	sne.s32 s0, $0x0;
	_ =	strace $0x9000004A  }
0x85: {  	s0 =	sadd.s32 @!p0 $0x100000, s1;
	[bflag:$0x2] =	sbarrier.arrive $0xFFFF  }
0x86: {  	[sflag:s0] =	ssyncadd.tile.s32 @!p0 $0x1;
	_ =	shalt  }
.Lfunc_end1:
_tile_overlayer_lowered:
.L_overlay_start_2:
0x87: {  	(tag) =	ssettag $0x2  }
0x88: {  	s0 =	rddreg [dreg:$0x0];
	s2 =	stileid.u32  }
0x89: {  	s1 =	rddreg [dreg:$0x1];
	p0 =	sne.s32 s2, $0x0  }
0x8a: {  	s3 =	rddreg [dreg:$0x2];
	[bflag:$0x3] =	sbarrier.arrive $0xFFFF;
	s2 =	simm.s32 @!p0 $0x1C01  }
0x8b: {  	[timem:s3], [sflag:s2] =	dma.local @!p0 [hbm:s0], s1  }
0x8c: {  	s0 =	simm.s32 @!p0 $0x1  }
0x8d: {  	_ =	swait.ge @!p0 [sflag:s0], s1  }
0x8e: {  	s1 =	ssub.s32 @!p0 $0x0, s1;
	[sflag:s0] =	ssyncset.done @!p0 $0x0  }
0x8f: {  	[sflag:s0] =	ssyncadd.s32 @!p0 s1  }
0x90: {  	[bflag:$0x3] =	sbarrier.arrive $0xFFFF  }
0x91: {  	_ =	shalt  }

</sc_bundles>
